<compile_context>
chip_gen: v7x
topology: tpu7x:2x2x1
jax: 0.10.2.dev20260603
libtpu: 0.0.44.dev20260713+nightly
codegen_flags: <defaults>
</compile_context>

<pallas_src>
import functools

import jax
import jax.numpy as jnp
import numpy as np
from jax import lax
from jax.experimental import pallas as pl
from jax.experimental.pallas import tpu as pltpu
from jax.experimental.pallas import tpu_sc as plsc

B = 4096
D = 64
VOCAB = 1000000
N_NEGS = 20

_info = plsc.get_sparse_core_info()
NC, NS, L = _info.num_cores, _info.num_subcores, _info.num_lanes
NW = NC * NS
BW = B // NW
NDOT = B * N_NEGS // NW
NDB = D // 8
WC = 2048



def _rotl(x, r):
    return ((x << np.uint32(r)) | (x >> np.uint32(32 - r))).astype(np.uint32)


def _threefry2x32(k1, k2, x0, x1):
    x0 = x0.astype(np.uint32).copy()
    x1 = x1.astype(np.uint32).copy()
    rot = (13, 15, 26, 6, 17, 29, 16, 24)
    ks = [np.uint32(k1), np.uint32(k2),
          np.uint32(np.uint32(k1) ^ np.uint32(k2) ^ np.uint32(0x1BD11BDA))]
    with np.errstate(over='ignore'):
        x0 = (x0 + ks[0]).astype(np.uint32)
        x1 = (x1 + ks[1]).astype(np.uint32)
        for base, ka, kb, inc in ((0, 1, 2, 1), (4, 2, 0, 2), (0, 0, 1, 3),
                                  (4, 1, 2, 4), (0, 2, 0, 5)):
            for i in range(4):
                x0 = (x0 + x1).astype(np.uint32)
                x1 = _rotl(x1, rot[base + i])
                x1 = (x0 ^ x1).astype(np.uint32)
            x0 = (x0 + ks[ka]).astype(np.uint32)
            x1 = (x1 + ks[kb] + np.uint32(inc)).astype(np.uint32)
    return x0, x1


def _np_randint(seed, n, span):
    k1 = np.uint32(np.uint64(seed) >> np.uint64(32))
    k2 = np.uint32(np.uint64(seed) & np.uint64(0xFFFFFFFF))
    s1, s2 = _threefry2x32(k1, k2, np.zeros(2, np.uint32),
                           np.arange(2, dtype=np.uint32))
    cz = np.zeros(n, np.uint32)
    ci = np.arange(n, dtype=np.uint32)
    h1, h2 = _threefry2x32(s1[0], s2[0], cz, ci)
    l1, l2 = _threefry2x32(s1[1], s2[1], cz, ci)
    hi, lo = (h1 ^ h2), (l1 ^ l2)
    span = np.uint32(span)
    with np.errstate(over='ignore'):
        mult = np.uint32(2 ** 16) % span
        mult = np.uint32((mult * mult) % span)
        off = ((hi % span) * mult + (lo % span)).astype(np.uint32) % span
    return off.astype(np.int32)


def _prep_tables():
    vocab_pad = ((VOCAB + 127) // 128) * 128
    v = _np_randint(42, B * N_NEGS, VOCAB)
    bb = (np.arange(B * N_NEGS, dtype=np.int64) // N_NEGS).astype(np.int32)
    order = np.argsort(v, kind='stable')
    sv, sb = v[order], bb[order]

    wins = []
    for w in range(NW):
        seg_v = sv[w * NDOT:(w + 1) * NDOT]
        seg_b = sb[w * NDOT:(w + 1) * NDOT]
        wlist = []
        i = 0
        while i < NDOT:
            lo = (int(seg_v[i]) // 128) * 128
            lo = min(lo, vocab_pad - WC)
            entries = []
            while i < NDOT and int(seg_v[i]) < lo + WC:
                entries.append((int(seg_v[i]) - lo, int(seg_b[i]), 1.0))
                i += 1
            while len(entries) % 16:
                entries.append((0, 0, 0.0))
            wlist.append((lo, entries))
        wins.append(wlist)

    nwmax = max(len(wl) for wl in wins)
    if nwmax % 2:
        nwmax += 1
    ndot_pad = max(sum(len(e) for _, e in wl) for wl in wins)

    vloc = np.zeros((NW, ndot_pad), np.int32)
    bidx = np.zeros((NW, ndot_pad), np.int32)
    wmask = np.zeros((NW, ndot_pad), np.float32)
    lotab = np.zeros((NW, nwmax), np.int32)
    gcum = np.zeros((NW, nwmax + 1), np.int32)
    for w, wl in enumerate(wins):
        pos = 0
        for i, (lo, entries) in enumerate(wl):
            lotab[w, i] = lo
            gcum[w, i] = pos // 16
            for (vl, bi, wt) in entries:
                vloc[w, pos] = vl
                bidx[w, pos] = bi
                wmask[w, pos] = wt
                pos += 1
        for i in range(len(wl), nwmax + 1):
            gcum[w, i] = pos // 16
    loexp = np.repeat(lotab.reshape(-1), 16).astype(np.int32)
    gcexp = np.repeat(gcum.reshape(-1), 16).astype(np.int32)
    return (vloc.reshape(-1), bidx.reshape(-1), wmask.reshape(-1),
            loexp, gcexp, nwmax, ndot_pad)


(_VLOC, _BIDX, _WMASK, _LOEXP, _GCEXP, _NWMAX, _NDOT_PAD) = _prep_tables()
_NGP = _NDOT_PAD // 16


def _logsig(x):
    a = jnp.exp(-jnp.abs(x))
    z = a / (a + 2.0)
    z2 = z * z
    p = 1.0 + z2 * (1.0 / 3 + z2 * (1.0 / 5 + z2 * (1.0 / 7 + z2 * (1.0 / 9))))
    return jnp.minimum(x, 0.0) - 2.0 * z * p


@functools.partial(
    pl.kernel,
    out_type=jax.ShapeDtypeStruct((NW * 16,), jnp.float32),
    mesh=plsc.VectorSubcoreMesh(core_axis_name="c", subcore_axis_name="s"),
    compiler_params=pltpu.CompilerParams(needs_layout_passes=False),
    scratch_types=[
        pltpu.VMEM((_NDOT_PAD,), jnp.int32),
        pltpu.VMEM((_NDOT_PAD,), jnp.int32),
        pltpu.VMEM((_NDOT_PAD,), jnp.float32),
        pltpu.VMEM((_NWMAX * 16,), jnp.int32),
        pltpu.VMEM(((_NWMAX + 1) * 16,), jnp.int32),
        pltpu.VMEM((_NDOT_PAD,), jnp.float32),
        pltpu.VMEM((BW,), jnp.float32),
        pltpu.VMEM((8, WC), jnp.float32),
        pltpu.VMEM((8, WC), jnp.float32),
        pltpu.VMEM((8, B), jnp.float32),
        pltpu.VMEM((8, B), jnp.float32),
        pltpu.VMEM_SHARED((D, B), jnp.float32),
        pltpu.VMEM((8, BW), jnp.float32),
        pltpu.VMEM((16,), jnp.float32),
        pltpu.SemaphoreType.DMA,
        pltpu.SemaphoreType.DMA,
        pltpu.SemaphoreType.DMA,
        pltpu.SemaphoreType.DMA,
    ],
)
def _sgns_sc(vloc_hbm, bidx_hbm, wmask_hbm, loexp_hbm, gcexp_hbm, embt_hbm,
             truet_hbm, outt_hbm, out_hbm,
             vloc_v, bidx_v, wmask_v, lo_v, gc_v, acc2_v, oacc_v,
             eblk0, eblk1, tblk0, tblk1, tshared, oblk, accv,
             esem0, esem1, tsem0, tsem1):
    wid = lax.axis_index("s") * NC + lax.axis_index("c")
    eblks = (eblk0, eblk1)
    esems = (esem0, esem1)
    tblks = (tblk0, tblk1)
    tsems = (tsem0, tsem1)

    pltpu.sync_copy(vloc_hbm.at[pl.ds(wid * _NDOT_PAD, _NDOT_PAD)], vloc_v)
    pltpu.sync_copy(bidx_hbm.at[pl.ds(wid * _NDOT_PAD, _NDOT_PAD)], bidx_v)
    pltpu.sync_copy(wmask_hbm.at[pl.ds(wid * _NDOT_PAD, _NDOT_PAD)], wmask_v)
    pltpu.sync_copy(loexp_hbm.at[pl.ds(wid * _NWMAX * 16, _NWMAX * 16)], lo_v)
    pltpu.sync_copy(
        gcexp_hbm.at[pl.ds(wid * (_NWMAX + 1) * 16, (_NWMAX + 1) * 16)], gc_v)

    def zero_body(i, _):
        acc2_v[pl.ds(i * 16, 16)] = jnp.zeros((16,), jnp.float32)
        return 0

    lax.fori_loop(0, _NGP, zero_body, 0)
    for g8 in range(BW // 16):
        oacc_v[pl.ds(g8 * 16, 16)] = jnp.zeros((16,), jnp.float32)

    def lo_at(wi):
        return pl.multiple_of(jnp.max(lo_v[pl.ds(wi * 16, 16)]), 128)

    def gc_at(i):
        return jnp.max(gc_v[pl.ds(i * 16, 16)])

    def emb_start(f, slot):
        dblk = f // _NWMAX
        wi = f % _NWMAX

        @pl.when(gc_at(wi + 1) > gc_at(wi))
        def _():
            src = embt_hbm.at[pl.ds(dblk * 8, 8), pl.ds(lo_at(wi), WC)]
            pltpu.make_async_copy(src, eblks[slot], esems[slot]).start()

    def emb_wait(wi, slot):
        @pl.when(gc_at(wi + 1) > gc_at(wi))
        def _():
            src = embt_hbm.at[pl.ds(0, 8), pl.ds(0, WC)]
            pltpu.make_async_copy(src, eblks[slot], esems[slot]).wait()

    def tblk_start(dblk, par):
        src = tshared.at[pl.ds(dblk * 8, 8)]
        pltpu.make_async_copy(src, tblks[par], tsems[par]).start()

    def tblk_wait(par):
        src = tshared.at[pl.ds(0, 8)]
        pltpu.make_async_copy(src, tblks[par], tsems[par]).wait()

    @pl.when(lax.axis_index("s") == 0)
    def _():
        pltpu.sync_copy(truet_hbm, tshared)

    plsc.subcore_barrier()

    emb_start(0, 0)
    emb_start(1, 1)
    tblk_start(0, 0)

    rids = [jnp.full((16,), dp, jnp.int32) for dp in range(8)]

    def outer_body(p, _):
        for par in range(2):
            dblk = p * 2 + par
            tblk = tblks[par]
            tblk_wait(par)

            @pl.when(dblk + 1 < NDB)
            def _():
                tblk_start(dblk + 1, 1 - par)

            pltpu.sync_copy(
                outt_hbm.at[pl.ds(dblk * 8, 8), pl.ds(wid * BW, BW)], oblk)
            for g8 in range(BW // 16):
                a = oacc_v[pl.ds(g8 * 16, 16)]
                for dp in range(8):
                    a = a + (tblk[dp, pl.ds(wid * BW + g8 * 16, 16)]
                             * oblk[dp, pl.ds(g8 * 16, 16)])
                oacc_v[pl.ds(g8 * 16, 16)] = a

            def inner_body(q, _, dblk=dblk, tblk=tblk):
                for s2 in range(2):
                    wi = q * 2 + s2
                    emb_wait(wi, s2)
                    eblk = eblks[s2]

                    def g_body(g, _, eblk=eblk, tblk=tblk):
                        off = g * 16
                        vl = vloc_v[pl.ds(off, 16)]
                        bl = bidx_v[pl.ds(off, 16)]
                        a = acc2_v[pl.ds(off, 16)]
                        for dp in range(8):
                            e = plsc.load_gather(eblk, [rids[dp], vl])
                            t = plsc.load_gather(tblk, [rids[dp], bl])
                            a = a + e * t
                        acc2_v[pl.ds(off, 16)] = a
                        return 0

                    lax.fori_loop(gc_at(wi), gc_at(wi + 1), g_body, 0)
                    f_next = dblk * _NWMAX + wi + 2

                    @pl.when(f_next < NDB * _NWMAX)
                    def _():
                        emb_start(f_next, s2)
                return 0

            lax.fori_loop(0, _NWMAX // 2, inner_body, 0)
        return 0

    lax.fori_loop(0, NDB // 2, outer_body, 0)

    def n_body(g, acc):
        dv = acc2_v[pl.ds(g * 16, 16)]
        w = wmask_v[pl.ds(g * 16, 16)]
        return acc + _logsig(-dv) * w

    acc = lax.fori_loop(0, _NGP, n_body, jnp.zeros((16,), jnp.float32))
    for g8 in range(BW // 16):
        acc = acc + _logsig(oacc_v[pl.ds(g8 * 16, 16)])

    accv[...] = acc
    pltpu.sync_copy(accv, out_hbm.at[pl.ds(wid * 16, 16)])


def kernel(true_vecs, out_vecs, emb_table):
    embt = emb_table.T
    truet = true_vecs.reshape(B, D).T
    outt = out_vecs.reshape(B, D).T
    partials = _sgns_sc(jnp.asarray(_VLOC), jnp.asarray(_BIDX),
                        jnp.asarray(_WMASK), jnp.asarray(_LOEXP),
                        jnp.asarray(_GCEXP), embt, truet, outt)
    return -(jnp.sum(partials) / jnp.float32(B))

# --- scband reference (transcript-rebuilt; emitter-appended) ---
"""Pipeline reference for scband-sgns-13340168421458 (READ-ONLY COPY).

The authoritative reference and input builder live on the scoring server;
editing this copy changes nothing except your own understanding.
"""

import jax, jax.numpy as jnp
import numpy as np

B = 4096
C = 1
D = 64
VOCAB = 1000000
N_NEGS = 20

def setup_inputs(seed: int = 0) -> dict:
    key = jax.random.key(seed)
    k1, k2, k3 = jax.random.split(key, 3)
    true_vecs = jax.random.normal(k1, (B, C, D), dtype=jnp.float32)
    out_vecs = jax.random.normal(k2, (B, C, D), dtype=jnp.float32)
    emb_table = jax.random.normal(k3, (VOCAB, D), dtype=jnp.float32) * 0.01
    return {"true_vecs": true_vecs, "out_vecs": out_vecs, "emb_table": emb_table}

def reference(true_vecs, out_vecs, emb_table):
    batch_size = true_vecs.shape[0]
    context_size = true_vecs.shape[1]
    # weights is None -> uniform negative sampling over vocab
    nkey = jax.random.key(42)
    nwords = jax.random.randint(nkey, (batch_size, context_size * N_NEGS), 0, VOCAB)
    # embedding lookup (SparseCore gather) then negate
    nvectors = -jnp.take(emb_table, nwords, axis=0)  # [B, C*n_negs, D]
    # oloss = bmm(out_vecs, true_vecs.transpose(1,2))
    oloss = jnp.einsum('bcd,bed->bce', out_vecs, true_vecs)  # [B, C, C]
    oloss = jnp.log(jax.nn.sigmoid(oloss))
    oloss = oloss.mean(axis=1)  # [B, C]
    # nloss = bmm(nvectors, true_vecs.transpose(1,2))
    nloss = jnp.einsum('bnd,bcd->bnc', nvectors, true_vecs)  # [B, C*n_negs, C]
    nloss = jnp.squeeze(jnp.log(jax.nn.sigmoid(nloss)))  # squeeze (C=1) -> [B, C*n_negs]
    nloss = nloss.reshape(-1, context_size, N_NEGS)
    nloss = nloss.sum(axis=2).mean(axis=1)  # [B]
    # faithful to torch: [B,1] + [B] broadcasts to [B,B], then mean
    return -(oloss + nloss).mean()

if __name__ == "__main__":
    import jax
    _d = setup_inputs()
    print(jax.jit(kernel)(*tuple(_d.values())))

</pallas_src>

<mosaic_0001>
#map = affine_map<(d0, d1) -> (0)>
#map1 = affine_map<(d0, d1) -> (0, 0)>
module attributes {stable_mosaic.version = 14 : i64} {
  func.func @_sgns_sc(%arg0: i32, %arg1: i32, %arg2: memref<87040xi32, #tpu.memory_space<hbm>>, %arg3: memref<87040xi32, #tpu.memory_space<hbm>>, %arg4: memref<87040xf32, #tpu.memory_space<hbm>>, %arg5: memref<8192xi32, #tpu.memory_space<hbm>>, %arg6: memref<8704xi32, #tpu.memory_space<hbm>>, %arg7: memref<64x1000000xf32, #tpu.memory_space<hbm>>, %arg8: memref<64x4096xf32, #tpu.memory_space<hbm>>, %arg9: memref<64x4096xf32, #tpu.memory_space<hbm>>, %arg10: memref<512xf32, #tpu.memory_space<hbm>>, %arg11: memref<2720xi32, #tpu.memory_space<vmem>>, %arg12: memref<2720xi32, #tpu.memory_space<vmem>>, %arg13: memref<2720xf32, #tpu.memory_space<vmem>>, %arg14: memref<256xi32, #tpu.memory_space<vmem>>, %arg15: memref<272xi32, #tpu.memory_space<vmem>>, %arg16: memref<2720xf32, #tpu.memory_space<vmem>>, %arg17: memref<128xf32, #tpu.memory_space<vmem>>, %arg18: memref<8x2048xf32, #tpu.memory_space<vmem>>, %arg19: memref<8x2048xf32, #tpu.memory_space<vmem>>, %arg20: memref<8x4096xf32, #tpu.memory_space<vmem>>, %arg21: memref<8x4096xf32, #tpu.memory_space<vmem>>, %arg22: memref<64x4096xf32, #tpu.memory_space<vmem_shared>>, %arg23: memref<8x128xf32, #tpu.memory_space<vmem>>, %arg24: memref<16xf32, #tpu.memory_space<vmem>>, %arg25: memref<!tpu.dma_semaphore, #tpu.memory_space<semaphore_mem>>, %arg26: memref<!tpu.dma_semaphore, #tpu.memory_space<semaphore_mem>>, %arg27: memref<!tpu.dma_semaphore, #tpu.memory_space<semaphore_mem>>, %arg28: memref<!tpu.dma_semaphore, #tpu.memory_space<semaphore_mem>>) attributes {dimension_semantics = [#tpu.dimension_semantics<core_parallel>, #tpu.dimension_semantics<subcore_parallel>], iteration_bounds = array<i64: 2, 16>, scalar_prefetch = 0 : i64, scratch_operands = 18 : i64, tpu.core_type = #tpu.core_type<sc_vector_subcore>, window_params = [{transform_indices = #map}, {transform_indices = #map}, {transform_indices = #map}, {transform_indices = #map}, {transform_indices = #map}, {transform_indices = #map1}, {transform_indices = #map1}, {transform_indices = #map1}, {transform_indices = #map}]} {
    %mul3A = arith.constant 2 : i32
    %mul3A_0 = arith.muli %arg1, %mul3A : i32
    %add3A = arith.addi %mul3A_0, %arg0 : i32
    %mul3A_1 = arith.constant 2720 : i32
    %mul3A_2 = arith.muli %add3A, %mul3A_1 : i32
    "tpu.region"() ({
      %run_scoped3A = tpu.sem_alloc : memref<!tpu.dma_semaphore, #tpu.memory_space<semaphore_mem>>
      %dma_start3A_444 = tpu.memref_slice %arg2[%mul3A_2] : memref<87040xi32, #tpu.memory_space<hbm>> -> memref<2720xi32, #tpu.memory_space<hbm>>
      %dma_start3A_445 = tpu.memref_slice %arg2[%mul3A_2] : memref<87040xi32, #tpu.memory_space<hbm>> -> memref<2720xi32, #tpu.memory_space<hbm>>
      tpu.enqueue_dma source(%dma_start3A_445 : memref<2720xi32, #tpu.memory_space<hbm>>) target(%arg11 : memref<2720xi32, #tpu.memory_space<vmem>>) target_semaphore(%run_scoped3A : memref<!tpu.dma_semaphore, #tpu.memory_space<semaphore_mem>>)
      %dma_wait3A = tpu.memref_slice %arg2[%mul3A_2] : memref<87040xi32, #tpu.memory_space<hbm>> -> memref<2720xi32, #tpu.memory_space<hbm>>
      %dma_wait3A_446 = tpu.memref_slice %arg2[%mul3A_2] : memref<87040xi32, #tpu.memory_space<hbm>> -> memref<2720xi32, #tpu.memory_space<hbm>>
      tpu.wait_dma2 semaphore(%run_scoped3A : memref<!tpu.dma_semaphore, #tpu.memory_space<semaphore_mem>>) src(%dma_wait3A_446 : memref<2720xi32, #tpu.memory_space<hbm>>) dst(%arg11 : memref<2720xi32, #tpu.memory_space<vmem>>)
      tpu.yield
    }) : () -> ()
    %mul3A_3 = arith.constant 2720 : i32
    %mul3A_4 = arith.muli %add3A, %mul3A_3 : i32
    "tpu.region"() ({
      %run_scoped3A = tpu.sem_alloc : memref<!tpu.dma_semaphore, #tpu.memory_space<semaphore_mem>>
      %dma_start3A_444 = tpu.memref_slice %arg3[%mul3A_4] : memref<87040xi32, #tpu.memory_space<hbm>> -> memref<2720xi32, #tpu.memory_space<hbm>>
      %dma_start3A_445 = tpu.memref_slice %arg3[%mul3A_4] : memref<87040xi32, #tpu.memory_space<hbm>> -> memref<2720xi32, #tpu.memory_space<hbm>>
      tpu.enqueue_dma source(%dma_start3A_445 : memref<2720xi32, #tpu.memory_space<hbm>>) target(%arg12 : memref<2720xi32, #tpu.memory_space<vmem>>) target_semaphore(%run_scoped3A : memref<!tpu.dma_semaphore, #tpu.memory_space<semaphore_mem>>)
      %dma_wait3A = tpu.memref_slice %arg3[%mul3A_4] : memref<87040xi32, #tpu.memory_space<hbm>> -> memref<2720xi32, #tpu.memory_space<hbm>>
      %dma_wait3A_446 = tpu.memref_slice %arg3[%mul3A_4] : memref<87040xi32, #tpu.memory_space<hbm>> -> memref<2720xi32, #tpu.memory_space<hbm>>
      tpu.wait_dma2 semaphore(%run_scoped3A : memref<!tpu.dma_semaphore, #tpu.memory_space<semaphore_mem>>) src(%dma_wait3A_446 : memref<2720xi32, #tpu.memory_space<hbm>>) dst(%arg12 : memref<2720xi32, #tpu.memory_space<vmem>>)
      tpu.yield
    }) : () -> ()
    %mul3A_5 = arith.constant 2720 : i32
    %mul3A_6 = arith.muli %add3A, %mul3A_5 : i32
    "tpu.region"() ({
      %run_scoped3A = tpu.sem_alloc : memref<!tpu.dma_semaphore, #tpu.memory_space<semaphore_mem>>
      %dma_start3A_444 = tpu.memref_slice %arg4[%mul3A_6] : memref<87040xf32, #tpu.memory_space<hbm>> -> memref<2720xf32, #tpu.memory_space<hbm>>
      %dma_start3A_445 = tpu.memref_slice %arg4[%mul3A_6] : memref<87040xf32, #tpu.memory_space<hbm>> -> memref<2720xf32, #tpu.memory_space<hbm>>
      tpu.enqueue_dma source(%dma_start3A_445 : memref<2720xf32, #tpu.memory_space<hbm>>) target(%arg13 : memref<2720xf32, #tpu.memory_space<vmem>>) target_semaphore(%run_scoped3A : memref<!tpu.dma_semaphore, #tpu.memory_space<semaphore_mem>>)
      %dma_wait3A = tpu.memref_slice %arg4[%mul3A_6] : memref<87040xf32, #tpu.memory_space<hbm>> -> memref<2720xf32, #tpu.memory_space<hbm>>
      %dma_wait3A_446 = tpu.memref_slice %arg4[%mul3A_6] : memref<87040xf32, #tpu.memory_space<hbm>> -> memref<2720xf32, #tpu.memory_space<hbm>>
      tpu.wait_dma2 semaphore(%run_scoped3A : memref<!tpu.dma_semaphore, #tpu.memory_space<semaphore_mem>>) src(%dma_wait3A_446 : memref<2720xf32, #tpu.memory_space<hbm>>) dst(%arg13 : memref<2720xf32, #tpu.memory_space<vmem>>)
      tpu.yield
    }) : () -> ()
    %mul3A_7 = arith.constant 16 : i32
    %mul3A_8 = arith.muli %add3A, %mul3A_7 : i32
    %mul3A_9 = arith.constant 16 : i32
    %mul3A_10 = arith.muli %mul3A_8, %mul3A_9 : i32
    "tpu.region"() ({
      %run_scoped3A = tpu.sem_alloc : memref<!tpu.dma_semaphore, #tpu.memory_space<semaphore_mem>>
      %dma_start3A_444 = tpu.memref_slice %arg5[%mul3A_10] : memref<8192xi32, #tpu.memory_space<hbm>> -> memref<256xi32, #tpu.memory_space<hbm>>
      %dma_start3A_445 = tpu.memref_slice %arg5[%mul3A_10] : memref<8192xi32, #tpu.memory_space<hbm>> -> memref<256xi32, #tpu.memory_space<hbm>>
      tpu.enqueue_dma source(%dma_start3A_445 : memref<256xi32, #tpu.memory_space<hbm>>) target(%arg14 : memref<256xi32, #tpu.memory_space<vmem>>) target_semaphore(%run_scoped3A : memref<!tpu.dma_semaphore, #tpu.memory_space<semaphore_mem>>)
      %dma_wait3A = tpu.memref_slice %arg5[%mul3A_10] : memref<8192xi32, #tpu.memory_space<hbm>> -> memref<256xi32, #tpu.memory_space<hbm>>
      %dma_wait3A_446 = tpu.memref_slice %arg5[%mul3A_10] : memref<8192xi32, #tpu.memory_space<hbm>> -> memref<256xi32, #tpu.memory_space<hbm>>
      tpu.wait_dma2 semaphore(%run_scoped3A : memref<!tpu.dma_semaphore, #tpu.memory_space<semaphore_mem>>) src(%dma_wait3A_446 : memref<256xi32, #tpu.memory_space<hbm>>) dst(%arg14 : memref<256xi32, #tpu.memory_space<vmem>>)
      tpu.yield
    }) : () -> ()
    %mul3A_11 = arith.constant 17 : i32
    %mul3A_12 = arith.muli %add3A, %mul3A_11 : i32
    %mul3A_13 = arith.constant 16 : i32
    %mul3A_14 = arith.muli %mul3A_12, %mul3A_13 : i32
    "tpu.region"() ({
      %run_scoped3A = tpu.sem_alloc : memref<!tpu.dma_semaphore, #tpu.memory_space<semaphore_mem>>
      %dma_start3A_444 = tpu.memref_slice %arg6[%mul3A_14] : memref<8704xi32, #tpu.memory_space<hbm>> -> memref<272xi32, #tpu.memory_space<hbm>>
      %dma_start3A_445 = tpu.memref_slice %arg6[%mul3A_14] : memref<8704xi32, #tpu.memory_space<hbm>> -> memref<272xi32, #tpu.memory_space<hbm>>
      tpu.enqueue_dma source(%dma_start3A_445 : memref<272xi32, #tpu.memory_space<hbm>>) target(%arg15 : memref<272xi32, #tpu.memory_space<vmem>>) target_semaphore(%run_scoped3A : memref<!tpu.dma_semaphore, #tpu.memory_space<semaphore_mem>>)
      %dma_wait3A = tpu.memref_slice %arg6[%mul3A_14] : memref<8704xi32, #tpu.memory_space<hbm>> -> memref<272xi32, #tpu.memory_space<hbm>>
      %dma_wait3A_446 = tpu.memref_slice %arg6[%mul3A_14] : memref<8704xi32, #tpu.memory_space<hbm>> -> memref<272xi32, #tpu.memory_space<hbm>>
      tpu.wait_dma2 semaphore(%run_scoped3A : memref<!tpu.dma_semaphore, #tpu.memory_space<semaphore_mem>>) src(%dma_wait3A_446 : memref<272xi32, #tpu.memory_space<hbm>>) dst(%arg15 : memref<272xi32, #tpu.memory_space<vmem>>)
      tpu.yield
    }) : () -> ()
    %scan3A = arith.constant 0 : i32
    %scan3A_15 = arith.constant 0 : i32
    %scan3A_16 = arith.constant 170 : i32
    %scan3A_17 = arith.addi %scan3A_15, %scan3A_16 : i32
    %scan3A_18 = arith.constant 1 : i32
    %scan3A_19 = scf.for %scan3A_444 = %scan3A_15 to %scan3A_17 step %scan3A_18 iter_args(%scan3A_445 = %scan3A) -> (i32)  : i32 {
      %broadcast_in_dim3A_446 = arith.constant 0.000000e+00 : f32
      %broadcast_in_dim3A_447 = vector.broadcast %broadcast_in_dim3A_446 : f32 to vector<16xf32>
      %mul3A_448 = arith.constant 16 : i32
      %mul3A_449 = arith.muli %scan3A_444, %mul3A_448 : i32
      %swap3A_450 = arith.index_cast %mul3A_449 : i32 to index
      %swap3A_451 = tpu.vector_load %arg16[%swap3A_450] {strides = array<i32>} : memref<2720xf32, #tpu.memory_space<vmem>>, vector<16xf32>,
      tpu.vector_store %arg16[%swap3A_450], %broadcast_in_dim3A_447 {strides = array<i32>} : memref<2720xf32, #tpu.memory_space<vmem>>, vector<16xf32>,
      %scan3A_452 = arith.constant 0 : i32
      scf.yield %scan3A_452 : i32
    }
    %scan3A_20 = arith.constant 170 : i32
    %broadcast_in_dim3A = arith.constant 0.000000e+00 : f32
    %broadcast_in_dim3A_21 = vector.broadcast %broadcast_in_dim3A : f32 to vector<16xf32>
    %swap3A = arith.constant 0 : index
    %swap3A_22 = tpu.vector_load %arg17[%swap3A] {strides = array<i32>} : memref<128xf32, #tpu.memory_space<vmem>>, vector<16xf32>,
    tpu.vector_store %arg17[%swap3A], %broadcast_in_dim3A_21 {strides = array<i32>} : memref<128xf32, #tpu.memory_space<vmem>>, vector<16xf32>,
    %broadcast_in_dim3A_23 = arith.constant 0.000000e+00 : f32
    %broadcast_in_dim3A_24 = vector.broadcast %broadcast_in_dim3A_23 : f32 to vector<16xf32>
    %swap3A_25 = arith.constant 16 : index
    %swap3A_26 = tpu.vector_load %arg17[%swap3A_25] {strides = array<i32>} : memref<128xf32, #tpu.memory_space<vmem>>, vector<16xf32>,
    tpu.vector_store %arg17[%swap3A_25], %broadcast_in_dim3A_24 {strides = array<i32>} : memref<128xf32, #tpu.memory_space<vmem>>, vector<16xf32>,
    %broadcast_in_dim3A_27 = arith.constant 0.000000e+00 : f32
    %broadcast_in_dim3A_28 = vector.broadcast %broadcast_in_dim3A_27 : f32 to vector<16xf32>
    %swap3A_29 = arith.constant 32 : index
    %swap3A_30 = tpu.vector_load %arg17[%swap3A_29] {strides = array<i32>} : memref<128xf32, #tpu.memory_space<vmem>>, vector<16xf32>,
    tpu.vector_store %arg17[%swap3A_29], %broadcast_in_dim3A_28 {strides = array<i32>} : memref<128xf32, #tpu.memory_space<vmem>>, vector<16xf32>,
    %broadcast_in_dim3A_31 = arith.constant 0.000000e+00 : f32
    %broadcast_in_dim3A_32 = vector.broadcast %broadcast_in_dim3A_31 : f32 to vector<16xf32>
    %swap3A_33 = arith.constant 48 : index
    %swap3A_34 = tpu.vector_load %arg17[%swap3A_33] {strides = array<i32>} : memref<128xf32, #tpu.memory_space<vmem>>, vector<16xf32>,
    tpu.vector_store %arg17[%swap3A_33], %broadcast_in_dim3A_32 {strides = array<i32>} : memref<128xf32, #tpu.memory_space<vmem>>, vector<16xf32>,
    %broadcast_in_dim3A_35 = arith.constant 0.000000e+00 : f32
    %broadcast_in_dim3A_36 = vector.broadcast %broadcast_in_dim3A_35 : f32 to vector<16xf32>
    %swap3A_37 = arith.constant 64 : index
    %swap3A_38 = tpu.vector_load %arg17[%swap3A_37] {strides = array<i32>} : memref<128xf32, #tpu.memory_space<vmem>>, vector<16xf32>,
    tpu.vector_store %arg17[%swap3A_37], %broadcast_in_dim3A_36 {strides = array<i32>} : memref<128xf32, #tpu.memory_space<vmem>>, vector<16xf32>,
    %broadcast_in_dim3A_39 = arith.constant 0.000000e+00 : f32
    %broadcast_in_dim3A_40 = vector.broadcast %broadcast_in_dim3A_39 : f32 to vector<16xf32>
    %swap3A_41 = arith.constant 80 : index
    %swap3A_42 = tpu.vector_load %arg17[%swap3A_41] {strides = array<i32>} : memref<128xf32, #tpu.memory_space<vmem>>, vector<16xf32>,
    tpu.vector_store %arg17[%swap3A_41], %broadcast_in_dim3A_40 {strides = array<i32>} : memref<128xf32, #tpu.memory_space<vmem>>, vector<16xf32>,
    %broadcast_in_dim3A_43 = arith.constant 0.000000e+00 : f32
    %broadcast_in_dim3A_44 = vector.broadcast %broadcast_in_dim3A_43 : f32 to vector<16xf32>
    %swap3A_45 = arith.constant 96 : index
    %swap3A_46 = tpu.vector_load %arg17[%swap3A_45] {strides = array<i32>} : memref<128xf32, #tpu.memory_space<vmem>>, vector<16xf32>,
    tpu.vector_store %arg17[%swap3A_45], %broadcast_in_dim3A_44 {strides = array<i32>} : memref<128xf32, #tpu.memory_space<vmem>>, vector<16xf32>,
    %broadcast_in_dim3A_47 = arith.constant 0.000000e+00 : f32
    %broadcast_in_dim3A_48 = vector.broadcast %broadcast_in_dim3A_47 : f32 to vector<16xf32>
    %swap3A_49 = arith.constant 112 : index
    %swap3A_50 = tpu.vector_load %arg17[%swap3A_49] {strides = array<i32>} : memref<128xf32, #tpu.memory_space<vmem>>, vector<16xf32>,
    tpu.vector_store %arg17[%swap3A_49], %broadcast_in_dim3A_48 {strides = array<i32>} : memref<128xf32, #tpu.memory_space<vmem>>, vector<16xf32>,
    %eq3A = arith.constant 0 : i32
    %eq3A_51 = arith.cmpi eq, %arg1, %eq3A : i32
    %convert_element_type3A = arith.extui %eq3A_51 : i1 to i32
    %cond3A = arith.constant 0 : i32
    %cond3A_52 = arith.cmpi ne, %convert_element_type3A, %cond3A : i32
    scf.if %cond3A_52 {
      "tpu.region"() ({
        %run_scoped3A = tpu.sem_alloc : memref<!tpu.dma_semaphore, #tpu.memory_space<semaphore_mem>>
        tpu.enqueue_dma source(%arg8 : memref<64x4096xf32, #tpu.memory_space<hbm>>) target(%arg22 : memref<64x4096xf32, #tpu.memory_space<vmem_shared>>) target_semaphore(%run_scoped3A : memref<!tpu.dma_semaphore, #tpu.memory_space<semaphore_mem>>)
        tpu.wait_dma2 semaphore(%run_scoped3A : memref<!tpu.dma_semaphore, #tpu.memory_space<semaphore_mem>>) src(%arg8 : memref<64x4096xf32, #tpu.memory_space<hbm>>) dst(%arg22 : memref<64x4096xf32, #tpu.memory_space<vmem_shared>>)
        tpu.yield
      }) : () -> ()
    } else {
    }
    %barrier3A = arith.constant 0 : index
    tpu.barrier barrier_id(%barrier3A)
    %get3A = arith.constant 16 : index
    %get3A_53 = tpu.vector_load %arg15[%get3A] {strides = array<i32>} : memref<272xi32, #tpu.memory_space<vmem>>, vector<16xi32>,
    %reduce_max3A = arith.constant true
    %reduce_max3A_54 = vector.broadcast %reduce_max3A : i1 to vector<16xi1>
    %reduce_max3A_55 = arith.constant -2147483648 : i32
    %reduce_max3A_56 = vector.broadcast %reduce_max3A_55 : i32 to vector<16xi32>
    %reduce_max3A_57 = arith.xori %get3A_53, %reduce_max3A_56 : vector<16xi32>
    %reduce_max3A_58 = tpu.scan <max>, %reduce_max3A_57 masked %reduce_max3A_54 : vector<16xi32>, vector<16xi1> -> vector<16xi32>
    %reduce_max3A_59 = arith.xori %reduce_max3A_58, %reduce_max3A_56 : vector<16xi32>
    %reduce_max3A_60 = vector.extract %reduce_max3A_59[15] : i32 from vector<16xi32>
    %get3A_61 = arith.constant 0 : index
    %get3A_62 = tpu.vector_load %arg15[%get3A_61] {strides = array<i32>} : memref<272xi32, #tpu.memory_space<vmem>>, vector<16xi32>,
    %reduce_max3A_63 = arith.constant true
    %reduce_max3A_64 = vector.broadcast %reduce_max3A_63 : i1 to vector<16xi1>
    %reduce_max3A_65 = arith.constant -2147483648 : i32
    %reduce_max3A_66 = vector.broadcast %reduce_max3A_65 : i32 to vector<16xi32>
    %reduce_max3A_67 = arith.xori %get3A_62, %reduce_max3A_66 : vector<16xi32>
    %reduce_max3A_68 = tpu.scan <max>, %reduce_max3A_67 masked %reduce_max3A_64 : vector<16xi32>, vector<16xi1> -> vector<16xi32>
    %reduce_max3A_69 = arith.xori %reduce_max3A_68, %reduce_max3A_66 : vector<16xi32>
    %reduce_max3A_70 = vector.extract %reduce_max3A_69[15] : i32 from vector<16xi32>
    %gt3A = arith.cmpi sgt, %reduce_max3A_60, %reduce_max3A_70 : i32
    %convert_element_type3A_71 = arith.extui %gt3A : i1 to i32
    %cond3A_72 = arith.constant 0 : i32
    %cond3A_73 = arith.cmpi ne, %convert_element_type3A_71, %cond3A_72 : i32
    scf.if %cond3A_73 {
      %get3A_444 = arith.constant 0 : index
      %get3A_445 = tpu.vector_load %arg14[%get3A_444] {strides = array<i32>} : memref<256xi32, #tpu.memory_space<vmem>>, vector<16xi32>,
      %reduce_max3A_446 = arith.constant true
      %reduce_max3A_447 = vector.broadcast %reduce_max3A_446 : i1 to vector<16xi1>
      %reduce_max3A_448 = arith.constant -2147483648 : i32
      %reduce_max3A_449 = vector.broadcast %reduce_max3A_448 : i32 to vector<16xi32>
      %reduce_max3A_450 = arith.xori %get3A_445, %reduce_max3A_449 : vector<16xi32>
      %reduce_max3A_451 = tpu.scan <max>, %reduce_max3A_450 masked %reduce_max3A_447 : vector<16xi32>, vector<16xi1> -> vector<16xi32>
      %reduce_max3A_452 = arith.xori %reduce_max3A_451, %reduce_max3A_449 : vector<16xi32>
      %reduce_max3A_453 = vector.extract %reduce_max3A_452[15] : i32 from vector<16xi32>
      %multiple_of3A = tpu.assume_multiple %reduce_max3A_453, 128 : i32
      %dma_start3A_454 = arith.constant 0 : i32
      %dma_start3A_455 = tpu.memref_slice %arg7[%dma_start3A_454, %multiple_of3A] : memref<64x1000000xf32, #tpu.memory_space<hbm>> -> memref<8x2048xf32, #tpu.memory_space<hbm>>
      %dma_start3A_456 = arith.constant 0 : i32
      %dma_start3A_457 = tpu.memref_slice %arg7[%dma_start3A_456, %multiple_of3A] : memref<64x1000000xf32, #tpu.memory_space<hbm>> -> memref<8x2048xf32, #tpu.memory_space<hbm>>
      tpu.enqueue_dma source(%dma_start3A_457 : memref<8x2048xf32, #tpu.memory_space<hbm>>) target(%arg18 : memref<8x2048xf32, #tpu.memory_space<vmem>>) target_semaphore(%arg25 : memref<!tpu.dma_semaphore, #tpu.memory_space<semaphore_mem>>)
    } else {
    }
    %get3A_74 = arith.constant 32 : index
    %get3A_75 = tpu.vector_load %arg15[%get3A_74] {strides = array<i32>} : memref<272xi32, #tpu.memory_space<vmem>>, vector<16xi32>,
    %reduce_max3A_76 = arith.constant true
    %reduce_max3A_77 = vector.broadcast %reduce_max3A_76 : i1 to vector<16xi1>
    %reduce_max3A_78 = arith.constant -2147483648 : i32
    %reduce_max3A_79 = vector.broadcast %reduce_max3A_78 : i32 to vector<16xi32>
    %reduce_max3A_80 = arith.xori %get3A_75, %reduce_max3A_79 : vector<16xi32>
    %reduce_max3A_81 = tpu.scan <max>, %reduce_max3A_80 masked %reduce_max3A_77 : vector<16xi32>, vector<16xi1> -> vector<16xi32>
    %reduce_max3A_82 = arith.xori %reduce_max3A_81, %reduce_max3A_79 : vector<16xi32>
    %reduce_max3A_83 = vector.extract %reduce_max3A_82[15] : i32 from vector<16xi32>
    %get3A_84 = arith.constant 16 : index
    %get3A_85 = tpu.vector_load %arg15[%get3A_84] {strides = array<i32>} : memref<272xi32, #tpu.memory_space<vmem>>, vector<16xi32>,
    %reduce_max3A_86 = arith.constant true
    %reduce_max3A_87 = vector.broadcast %reduce_max3A_86 : i1 to vector<16xi1>
    %reduce_max3A_88 = arith.constant -2147483648 : i32
    %reduce_max3A_89 = vector.broadcast %reduce_max3A_88 : i32 to vector<16xi32>
    %reduce_max3A_90 = arith.xori %get3A_85, %reduce_max3A_89 : vector<16xi32>
    %reduce_max3A_91 = tpu.scan <max>, %reduce_max3A_90 masked %reduce_max3A_87 : vector<16xi32>, vector<16xi1> -> vector<16xi32>
    %reduce_max3A_92 = arith.xori %reduce_max3A_91, %reduce_max3A_89 : vector<16xi32>
    %reduce_max3A_93 = vector.extract %reduce_max3A_92[15] : i32 from vector<16xi32>
    %gt3A_94 = arith.cmpi sgt, %reduce_max3A_83, %reduce_max3A_93 : i32
    %convert_element_type3A_95 = arith.extui %gt3A_94 : i1 to i32
    %cond3A_96 = arith.constant 0 : i32
    %cond3A_97 = arith.cmpi ne, %convert_element_type3A_95, %cond3A_96 : i32
    scf.if %cond3A_97 {
      %get3A_444 = arith.constant 16 : index
      %get3A_445 = tpu.vector_load %arg14[%get3A_444] {strides = array<i32>} : memref<256xi32, #tpu.memory_space<vmem>>, vector<16xi32>,
      %reduce_max3A_446 = arith.constant true
      %reduce_max3A_447 = vector.broadcast %reduce_max3A_446 : i1 to vector<16xi1>
      %reduce_max3A_448 = arith.constant -2147483648 : i32
      %reduce_max3A_449 = vector.broadcast %reduce_max3A_448 : i32 to vector<16xi32>
      %reduce_max3A_450 = arith.xori %get3A_445, %reduce_max3A_449 : vector<16xi32>
      %reduce_max3A_451 = tpu.scan <max>, %reduce_max3A_450 masked %reduce_max3A_447 : vector<16xi32>, vector<16xi1> -> vector<16xi32>
      %reduce_max3A_452 = arith.xori %reduce_max3A_451, %reduce_max3A_449 : vector<16xi32>
      %reduce_max3A_453 = vector.extract %reduce_max3A_452[15] : i32 from vector<16xi32>
      %multiple_of3A = tpu.assume_multiple %reduce_max3A_453, 128 : i32
      %dma_start3A_454 = arith.constant 0 : i32
      %dma_start3A_455 = tpu.memref_slice %arg7[%dma_start3A_454, %multiple_of3A] : memref<64x1000000xf32, #tpu.memory_space<hbm>> -> memref<8x2048xf32, #tpu.memory_space<hbm>>
      %dma_start3A_456 = arith.constant 0 : i32
      %dma_start3A_457 = tpu.memref_slice %arg7[%dma_start3A_456, %multiple_of3A] : memref<64x1000000xf32, #tpu.memory_space<hbm>> -> memref<8x2048xf32, #tpu.memory_space<hbm>>
      tpu.enqueue_dma source(%dma_start3A_457 : memref<8x2048xf32, #tpu.memory_space<hbm>>) target(%arg19 : memref<8x2048xf32, #tpu.memory_space<vmem>>) target_semaphore(%arg26 : memref<!tpu.dma_semaphore, #tpu.memory_space<semaphore_mem>>)
    } else {
    }
    %dma_start3A = arith.constant 0 : i32
    %dma_start3A_98 = arith.constant 0 : i32
    %dma_start3A_99 = tpu.memref_slice %arg22[%dma_start3A, %dma_start3A_98] : memref<64x4096xf32, #tpu.memory_space<vmem_shared>> -> memref<8x4096xf32, #tpu.memory_space<vmem_shared>>
    %dma_start3A_100 = arith.constant 0 : i32
    %dma_start3A_101 = arith.constant 0 : i32
    %dma_start3A_102 = tpu.memref_slice %arg22[%dma_start3A_100, %dma_start3A_101] : memref<64x4096xf32, #tpu.memory_space<vmem_shared>> -> memref<8x4096xf32, #tpu.memory_space<vmem_shared>>
    tpu.enqueue_dma source(%dma_start3A_102 : memref<8x4096xf32, #tpu.memory_space<vmem_shared>>) target(%arg20 : memref<8x4096xf32, #tpu.memory_space<vmem>>) target_semaphore(%arg27 : memref<!tpu.dma_semaphore, #tpu.memory_space<semaphore_mem>>)
    %broadcast_in_dim3A_103 = arith.constant 0 : i32
    %broadcast_in_dim3A_104 = vector.broadcast %broadcast_in_dim3A_103 : i32 to vector<16xi32>
    %broadcast_in_dim3A_105 = arith.constant 1 : i32
    %broadcast_in_dim3A_106 = vector.broadcast %broadcast_in_dim3A_105 : i32 to vector<16xi32>
    %broadcast_in_dim3A_107 = arith.constant 2 : i32
    %broadcast_in_dim3A_108 = vector.broadcast %broadcast_in_dim3A_107 : i32 to vector<16xi32>
    %broadcast_in_dim3A_109 = arith.constant 3 : i32
    %broadcast_in_dim3A_110 = vector.broadcast %broadcast_in_dim3A_109 : i32 to vector<16xi32>
    %broadcast_in_dim3A_111 = arith.constant 4 : i32
    %broadcast_in_dim3A_112 = vector.broadcast %broadcast_in_dim3A_111 : i32 to vector<16xi32>
    %broadcast_in_dim3A_113 = arith.constant 5 : i32
    %broadcast_in_dim3A_114 = vector.broadcast %broadcast_in_dim3A_113 : i32 to vector<16xi32>
    %broadcast_in_dim3A_115 = arith.constant 6 : i32
    %broadcast_in_dim3A_116 = vector.broadcast %broadcast_in_dim3A_115 : i32 to vector<16xi32>
    %broadcast_in_dim3A_117 = arith.constant 7 : i32
    %broadcast_in_dim3A_118 = vector.broadcast %broadcast_in_dim3A_117 : i32 to vector<16xi32>
    %scan3A_119 = arith.constant 0 : i32
    %scan3A_120 = arith.constant 0 : i32
    %scan3A_121 = arith.constant 4 : i32
    %scan3A_122 = arith.addi %scan3A_120, %scan3A_121 : i32
    %scan3A_123 = arith.constant 1 : i32
    %scan3A_124 = scf.for %scan3A_444 = %scan3A_120 to %scan3A_122 step %scan3A_123 iter_args(%scan3A_445 = %scan3A_119) -> (i32)  : i32 {
      %mul3A_446 = arith.constant 2 : i32
      %mul3A_447 = arith.muli %scan3A_444, %mul3A_446 : i32
      %add3A_448 = arith.constant 0 : i32
      %add3A_449 = arith.addi %mul3A_447, %add3A_448 : i32
      %dma_wait3A = arith.constant 0 : i32
      %dma_wait3A_450 = arith.constant 0 : i32
      %dma_wait3A_451 = tpu.memref_slice %arg22[%dma_wait3A, %dma_wait3A_450] : memref<64x4096xf32, #tpu.memory_space<vmem_shared>> -> memref<8x4096xf32, #tpu.memory_space<vmem_shared>>
      %dma_wait3A_452 = arith.constant 0 : i32
      %dma_wait3A_453 = arith.constant 0 : i32
      %dma_wait3A_454 = tpu.memref_slice %arg22[%dma_wait3A_452, %dma_wait3A_453] : memref<64x4096xf32, #tpu.memory_space<vmem_shared>> -> memref<8x4096xf32, #tpu.memory_space<vmem_shared>>
      tpu.wait_dma2 semaphore(%arg27 : memref<!tpu.dma_semaphore, #tpu.memory_space<semaphore_mem>>) src(%dma_wait3A_454 : memref<8x4096xf32, #tpu.memory_space<vmem_shared>>) dst(%arg20 : memref<8x4096xf32, #tpu.memory_space<vmem>>)
      %add3A_455 = arith.constant 1 : i32
      %add3A_456 = arith.addi %add3A_449, %add3A_455 : i32
      %lt3A = arith.constant 8 : i32
      %lt3A_457 = arith.cmpi slt, %add3A_456, %lt3A : i32
      %convert_element_type3A_458 = arith.extui %lt3A_457 : i1 to i32
      %cond3A_459 = arith.constant 0 : i32
      %cond3A_460 = arith.cmpi ne, %convert_element_type3A_458, %cond3A_459 : i32
      scf.if %cond3A_460 {
        %add3A_2357 = arith.constant 1 : i32
        %add3A_2358 = arith.addi %add3A_449, %add3A_2357 : i32
        %mul3A_2359 = arith.constant 8 : i32
        %mul3A_2360 = arith.muli %add3A_2358, %mul3A_2359 : i32
        %dma_start3A_2361 = arith.constant 0 : i32
        %dma_start3A_2362 = tpu.memref_slice %arg22[%mul3A_2360, %dma_start3A_2361] : memref<64x4096xf32, #tpu.memory_space<vmem_shared>> -> memref<8x4096xf32, #tpu.memory_space<vmem_shared>>
        %dma_start3A_2363 = arith.constant 0 : i32
        %dma_start3A_2364 = tpu.memref_slice %arg22[%mul3A_2360, %dma_start3A_2363] : memref<64x4096xf32, #tpu.memory_space<vmem_shared>> -> memref<8x4096xf32, #tpu.memory_space<vmem_shared>>
        tpu.enqueue_dma source(%dma_start3A_2364 : memref<8x4096xf32, #tpu.memory_space<vmem_shared>>) target(%arg21 : memref<8x4096xf32, #tpu.memory_space<vmem>>) target_semaphore(%arg28 : memref<!tpu.dma_semaphore, #tpu.memory_space<semaphore_mem>>)
      } else {
      }
      %mul3A_461 = arith.constant 8 : i32
      %mul3A_462 = arith.muli %add3A_449, %mul3A_461 : i32
      %mul3A_463 = arith.constant 128 : i32
      %mul3A_464 = arith.muli %add3A, %mul3A_463 : i32
      "tpu.region"() ({
        %run_scoped3A = tpu.sem_alloc : memref<!tpu.dma_semaphore, #tpu.memory_space<semaphore_mem>>
        %dma_start3A_2357 = tpu.memref_slice %arg9[%mul3A_462, %mul3A_464] : memref<64x4096xf32, #tpu.memory_space<hbm>> -> memref<8x128xf32, #tpu.memory_space<hbm>>
        %dma_start3A_2358 = tpu.memref_slice %arg9[%mul3A_462, %mul3A_464] : memref<64x4096xf32, #tpu.memory_space<hbm>> -> memref<8x128xf32, #tpu.memory_space<hbm>>
        tpu.enqueue_dma source(%dma_start3A_2358 : memref<8x128xf32, #tpu.memory_space<hbm>>) target(%arg23 : memref<8x128xf32, #tpu.memory_space<vmem>>) target_semaphore(%run_scoped3A : memref<!tpu.dma_semaphore, #tpu.memory_space<semaphore_mem>>)
        %dma_wait3A_2359 = tpu.memref_slice %arg9[%mul3A_462, %mul3A_464] : memref<64x4096xf32, #tpu.memory_space<hbm>> -> memref<8x128xf32, #tpu.memory_space<hbm>>
        %dma_wait3A_2360 = tpu.memref_slice %arg9[%mul3A_462, %mul3A_464] : memref<64x4096xf32, #tpu.memory_space<hbm>> -> memref<8x128xf32, #tpu.memory_space<hbm>>
        tpu.wait_dma2 semaphore(%run_scoped3A : memref<!tpu.dma_semaphore, #tpu.memory_space<semaphore_mem>>) src(%dma_wait3A_2360 : memref<8x128xf32, #tpu.memory_space<hbm>>) dst(%arg23 : memref<8x128xf32, #tpu.memory_space<vmem>>)
        tpu.yield
      }) : () -> ()
      %get3A_465 = arith.constant 0 : index
      %get3A_466 = tpu.vector_load %arg17[%get3A_465] {strides = array<i32>} : memref<128xf32, #tpu.memory_space<vmem>>, vector<16xf32>,
      %mul3A_467 = arith.constant 128 : i32
      %mul3A_468 = arith.muli %add3A, %mul3A_467 : i32
      %add3A_469 = arith.constant 0 : i32
      %add3A_470 = arith.addi %mul3A_468, %add3A_469 : i32
      %get3A_471 = arith.constant 0 : i32
      %get3A_472 = arith.index_cast %get3A_471 : i32 to index
      %get3A_473 = arith.index_cast %add3A_470 : i32 to index
      %get3A_474 = tpu.vector_load %arg20[%get3A_472, %get3A_473] {strides = array<i32>} : memref<8x4096xf32, #tpu.memory_space<vmem>>, vector<16xf32>,
      %get3A_475 = arith.constant 0 : i32
      %get3A_476 = arith.index_cast %get3A_475 : i32 to index
      %get3A_477 = arith.constant 0 : index
      %get3A_478 = tpu.vector_load %arg23[%get3A_476, %get3A_477] {strides = array<i32>} : memref<8x128xf32, #tpu.memory_space<vmem>>, vector<16xf32>,
      %mul3A_479 = arith.mulf %get3A_474, %get3A_478 : vector<16xf32>
      %add3A_480 = arith.addf %get3A_466, %mul3A_479 : vector<16xf32>
      %mul3A_481 = arith.constant 128 : i32
      %mul3A_482 = arith.muli %add3A, %mul3A_481 : i32
      %add3A_483 = arith.constant 0 : i32
      %add3A_484 = arith.addi %mul3A_482, %add3A_483 : i32
      %get3A_485 = arith.constant 1 : i32
      %get3A_486 = arith.index_cast %get3A_485 : i32 to index
      %get3A_487 = arith.index_cast %add3A_484 : i32 to index
      %get3A_488 = tpu.vector_load %arg20[%get3A_486, %get3A_487] {strides = array<i32>} : memref<8x4096xf32, #tpu.memory_space<vmem>>, vector<16xf32>,
      %get3A_489 = arith.constant 1 : i32
      %get3A_490 = arith.index_cast %get3A_489 : i32 to index
      %get3A_491 = arith.constant 0 : index
      %get3A_492 = tpu.vector_load %arg23[%get3A_490, %get3A_491] {strides = array<i32>} : memref<8x128xf32, #tpu.memory_space<vmem>>, vector<16xf32>,
      %mul3A_493 = arith.mulf %get3A_488, %get3A_492 : vector<16xf32>
      %add3A_494 = arith.addf %add3A_480, %mul3A_493 : vector<16xf32>
      %mul3A_495 = arith.constant 128 : i32
      %mul3A_496 = arith.muli %add3A, %mul3A_495 : i32
      %add3A_497 = arith.constant 0 : i32
      %add3A_498 = arith.addi %mul3A_496, %add3A_497 : i32
      %get3A_499 = arith.constant 2 : i32
      %get3A_500 = arith.index_cast %get3A_499 : i32 to index
      %get3A_501 = arith.index_cast %add3A_498 : i32 to index
      %get3A_502 = tpu.vector_load %arg20[%get3A_500, %get3A_501] {strides = array<i32>} : memref<8x4096xf32, #tpu.memory_space<vmem>>, vector<16xf32>,
      %get3A_503 = arith.constant 2 : i32
      %get3A_504 = arith.index_cast %get3A_503 : i32 to index
      %get3A_505 = arith.constant 0 : index
      %get3A_506 = tpu.vector_load %arg23[%get3A_504, %get3A_505] {strides = array<i32>} : memref<8x128xf32, #tpu.memory_space<vmem>>, vector<16xf32>,
      %mul3A_507 = arith.mulf %get3A_502, %get3A_506 : vector<16xf32>
      %add3A_508 = arith.addf %add3A_494, %mul3A_507 : vector<16xf32>
      %mul3A_509 = arith.constant 128 : i32
      %mul3A_510 = arith.muli %add3A, %mul3A_509 : i32
      %add3A_511 = arith.constant 0 : i32
      %add3A_512 = arith.addi %mul3A_510, %add3A_511 : i32
      %get3A_513 = arith.constant 3 : i32
      %get3A_514 = arith.index_cast %get3A_513 : i32 to index
      %get3A_515 = arith.index_cast %add3A_512 : i32 to index
      %get3A_516 = tpu.vector_load %arg20[%get3A_514, %get3A_515] {strides = array<i32>} : memref<8x4096xf32, #tpu.memory_space<vmem>>, vector<16xf32>,
      %get3A_517 = arith.constant 3 : i32
      %get3A_518 = arith.index_cast %get3A_517 : i32 to index
      %get3A_519 = arith.constant 0 : index
      %get3A_520 = tpu.vector_load %arg23[%get3A_518, %get3A_519] {strides = array<i32>} : memref<8x128xf32, #tpu.memory_space<vmem>>, vector<16xf32>,
      %mul3A_521 = arith.mulf %get3A_516, %get3A_520 : vector<16xf32>
      %add3A_522 = arith.addf %add3A_508, %mul3A_521 : vector<16xf32>
      %mul3A_523 = arith.constant 128 : i32
      %mul3A_524 = arith.muli %add3A, %mul3A_523 : i32
      %add3A_525 = arith.constant 0 : i32
      %add3A_526 = arith.addi %mul3A_524, %add3A_525 : i32
      %get3A_527 = arith.constant 4 : i32
      %get3A_528 = arith.index_cast %get3A_527 : i32 to index
      %get3A_529 = arith.index_cast %add3A_526 : i32 to index
      %get3A_530 = tpu.vector_load %arg20[%get3A_528, %get3A_529] {strides = array<i32>} : memref<8x4096xf32, #tpu.memory_space<vmem>>, vector<16xf32>,
      %get3A_531 = arith.constant 4 : i32
      %get3A_532 = arith.index_cast %get3A_531 : i32 to index
      %get3A_533 = arith.constant 0 : index
      %get3A_534 = tpu.vector_load %arg23[%get3A_532, %get3A_533] {strides = array<i32>} : memref<8x128xf32, #tpu.memory_space<vmem>>, vector<16xf32>,
      %mul3A_535 = arith.mulf %get3A_530, %get3A_534 : vector<16xf32>
      %add3A_536 = arith.addf %add3A_522, %mul3A_535 : vector<16xf32>
      %mul3A_537 = arith.constant 128 : i32
      %mul3A_538 = arith.muli %add3A, %mul3A_537 : i32
      %add3A_539 = arith.constant 0 : i32
      %add3A_540 = arith.addi %mul3A_538, %add3A_539 : i32
      %get3A_541 = arith.constant 5 : i32
      %get3A_542 = arith.index_cast %get3A_541 : i32 to index
      %get3A_543 = arith.index_cast %add3A_540 : i32 to index
      %get3A_544 = tpu.vector_load %arg20[%get3A_542, %get3A_543] {strides = array<i32>} : memref<8x4096xf32, #tpu.memory_space<vmem>>, vector<16xf32>,
      %get3A_545 = arith.constant 5 : i32
      %get3A_546 = arith.index_cast %get3A_545 : i32 to index
      %get3A_547 = arith.constant 0 : index
      %get3A_548 = tpu.vector_load %arg23[%get3A_546, %get3A_547] {strides = array<i32>} : memref<8x128xf32, #tpu.memory_space<vmem>>, vector<16xf32>,
      %mul3A_549 = arith.mulf %get3A_544, %get3A_548 : vector<16xf32>
      %add3A_550 = arith.addf %add3A_536, %mul3A_549 : vector<16xf32>
      %mul3A_551 = arith.constant 128 : i32
      %mul3A_552 = arith.muli %add3A, %mul3A_551 : i32
      %add3A_553 = arith.constant 0 : i32
      %add3A_554 = arith.addi %mul3A_552, %add3A_553 : i32
      %get3A_555 = arith.constant 6 : i32
      %get3A_556 = arith.index_cast %get3A_555 : i32 to index
      %get3A_557 = arith.index_cast %add3A_554 : i32 to index
      %get3A_558 = tpu.vector_load %arg20[%get3A_556, %get3A_557] {strides = array<i32>} : memref<8x4096xf32, #tpu.memory_space<vmem>>, vector<16xf32>,
      %get3A_559 = arith.constant 6 : i32
      %get3A_560 = arith.index_cast %get3A_559 : i32 to index
      %get3A_561 = arith.constant 0 : index
      %get3A_562 = tpu.vector_load %arg23[%get3A_560, %get3A_561] {strides = array<i32>} : memref<8x128xf32, #tpu.memory_space<vmem>>, vector<16xf32>,
      %mul3A_563 = arith.mulf %get3A_558, %get3A_562 : vector<16xf32>
      %add3A_564 = arith.addf %add3A_550, %mul3A_563 : vector<16xf32>
      %mul3A_565 = arith.constant 128 : i32
      %mul3A_566 = arith.muli %add3A, %mul3A_565 : i32
      %add3A_567 = arith.constant 0 : i32
      %add3A_568 = arith.addi %mul3A_566, %add3A_567 : i32
      %get3A_569 = arith.constant 7 : i32
      %get3A_570 = arith.index_cast %get3A_569 : i32 to index
      %get3A_571 = arith.index_cast %add3A_568 : i32 to index
      %get3A_572 = tpu.vector_load %arg20[%get3A_570, %get3A_571] {strides = array<i32>} : memref<8x4096xf32, #tpu.memory_space<vmem>>, vector<16xf32>,
      %get3A_573 = arith.constant 7 : i32
      %get3A_574 = arith.index_cast %get3A_573 : i32 to index
      %get3A_575 = arith.constant 0 : index
      %get3A_576 = tpu.vector_load %arg23[%get3A_574, %get3A_575] {strides = array<i32>} : memref<8x128xf32, #tpu.memory_space<vmem>>, vector<16xf32>,
      %mul3A_577 = arith.mulf %get3A_572, %get3A_576 : vector<16xf32>
      %add3A_578 = arith.addf %add3A_564, %mul3A_577 : vector<16xf32>
      %swap3A_579 = arith.constant 0 : index
      %swap3A_580 = tpu.vector_load %arg17[%swap3A_579] {strides = array<i32>} : memref<128xf32, #tpu.memory_space<vmem>>, vector<16xf32>,
      tpu.vector_store %arg17[%swap3A_579], %add3A_578 {strides = array<i32>} : memref<128xf32, #tpu.memory_space<vmem>>, vector<16xf32>,
      %get3A_581 = arith.constant 16 : index
      %get3A_582 = tpu.vector_load %arg17[%get3A_581] {strides = array<i32>} : memref<128xf32, #tpu.memory_space<vmem>>, vector<16xf32>,
      %mul3A_583 = arith.constant 128 : i32
      %mul3A_584 = arith.muli %add3A, %mul3A_583 : i32
      %add3A_585 = arith.constant 16 : i32
      %add3A_586 = arith.addi %mul3A_584, %add3A_585 : i32
      %get3A_587 = arith.constant 0 : i32
      %get3A_588 = arith.index_cast %get3A_587 : i32 to index
      %get3A_589 = arith.index_cast %add3A_586 : i32 to index
      %get3A_590 = tpu.vector_load %arg20[%get3A_588, %get3A_589] {strides = array<i32>} : memref<8x4096xf32, #tpu.memory_space<vmem>>, vector<16xf32>,
      %get3A_591 = arith.constant 0 : i32
      %get3A_592 = arith.index_cast %get3A_591 : i32 to index
      %get3A_593 = arith.constant 16 : index
      %get3A_594 = tpu.vector_load %arg23[%get3A_592, %get3A_593] {strides = array<i32>} : memref<8x128xf32, #tpu.memory_space<vmem>>, vector<16xf32>,
      %mul3A_595 = arith.mulf %get3A_590, %get3A_594 : vector<16xf32>
      %add3A_596 = arith.addf %get3A_582, %mul3A_595 : vector<16xf32>
      %mul3A_597 = arith.constant 128 : i32
      %mul3A_598 = arith.muli %add3A, %mul3A_597 : i32
      %add3A_599 = arith.constant 16 : i32
      %add3A_600 = arith.addi %mul3A_598, %add3A_599 : i32
      %get3A_601 = arith.constant 1 : i32
      %get3A_602 = arith.index_cast %get3A_601 : i32 to index
      %get3A_603 = arith.index_cast %add3A_600 : i32 to index
      %get3A_604 = tpu.vector_load %arg20[%get3A_602, %get3A_603] {strides = array<i32>} : memref<8x4096xf32, #tpu.memory_space<vmem>>, vector<16xf32>,
      %get3A_605 = arith.constant 1 : i32
      %get3A_606 = arith.index_cast %get3A_605 : i32 to index
      %get3A_607 = arith.constant 16 : index
      %get3A_608 = tpu.vector_load %arg23[%get3A_606, %get3A_607] {strides = array<i32>} : memref<8x128xf32, #tpu.memory_space<vmem>>, vector<16xf32>,
      %mul3A_609 = arith.mulf %get3A_604, %get3A_608 : vector<16xf32>
      %add3A_610 = arith.addf %add3A_596, %mul3A_609 : vector<16xf32>
      %mul3A_611 = arith.constant 128 : i32
      %mul3A_612 = arith.muli %add3A, %mul3A_611 : i32
      %add3A_613 = arith.constant 16 : i32
      %add3A_614 = arith.addi %mul3A_612, %add3A_613 : i32
      %get3A_615 = arith.constant 2 : i32
      %get3A_616 = arith.index_cast %get3A_615 : i32 to index
      %get3A_617 = arith.index_cast %add3A_614 : i32 to index
      %get3A_618 = tpu.vector_load %arg20[%get3A_616, %get3A_617] {strides = array<i32>} : memref<8x4096xf32, #tpu.memory_space<vmem>>, vector<16xf32>,
      %get3A_619 = arith.constant 2 : i32
      %get3A_620 = arith.index_cast %get3A_619 : i32 to index
      %get3A_621 = arith.constant 16 : index
      %get3A_622 = tpu.vector_load %arg23[%get3A_620, %get3A_621] {strides = array<i32>} : memref<8x128xf32, #tpu.memory_space<vmem>>, vector<16xf32>,
      %mul3A_623 = arith.mulf %get3A_618, %get3A_622 : vector<16xf32>
      %add3A_624 = arith.addf %add3A_610, %mul3A_623 : vector<16xf32>
      %mul3A_625 = arith.constant 128 : i32
      %mul3A_626 = arith.muli %add3A, %mul3A_625 : i32
      %add3A_627 = arith.constant 16 : i32
      %add3A_628 = arith.addi %mul3A_626, %add3A_627 : i32
      %get3A_629 = arith.constant 3 : i32
      %get3A_630 = arith.index_cast %get3A_629 : i32 to index
      %get3A_631 = arith.index_cast %add3A_628 : i32 to index
      %get3A_632 = tpu.vector_load %arg20[%get3A_630, %get3A_631] {strides = array<i32>} : memref<8x4096xf32, #tpu.memory_space<vmem>>, vector<16xf32>,
      %get3A_633 = arith.constant 3 : i32
      %get3A_634 = arith.index_cast %get3A_633 : i32 to index
      %get3A_635 = arith.constant 16 : index
      %get3A_636 = tpu.vector_load %arg23[%get3A_634, %get3A_635] {strides = array<i32>} : memref<8x128xf32, #tpu.memory_space<vmem>>, vector<16xf32>,
      %mul3A_637 = arith.mulf %get3A_632, %get3A_636 : vector<16xf32>
      %add3A_638 = arith.addf %add3A_624, %mul3A_637 : vector<16xf32>
      %mul3A_639 = arith.constant 128 : i32
      %mul3A_640 = arith.muli %add3A, %mul3A_639 : i32
      %add3A_641 = arith.constant 16 : i32
      %add3A_642 = arith.addi %mul3A_640, %add3A_641 : i32
      %get3A_643 = arith.constant 4 : i32
      %get3A_644 = arith.index_cast %get3A_643 : i32 to index
      %get3A_645 = arith.index_cast %add3A_642 : i32 to index
      %get3A_646 = tpu.vector_load %arg20[%get3A_644, %get3A_645] {strides = array<i32>} : memref<8x4096xf32, #tpu.memory_space<vmem>>, vector<16xf32>,
      %get3A_647 = arith.constant 4 : i32
      %get3A_648 = arith.index_cast %get3A_647 : i32 to index
      %get3A_649 = arith.constant 16 : index
      %get3A_650 = tpu.vector_load %arg23[%get3A_648, %get3A_649] {strides = array<i32>} : memref<8x128xf32, #tpu.memory_space<vmem>>, vector<16xf32>,
      %mul3A_651 = arith.mulf %get3A_646, %get3A_650 : vector<16xf32>
      %add3A_652 = arith.addf %add3A_638, %mul3A_651 : vector<16xf32>
      %mul3A_653 = arith.constant 128 : i32
      %mul3A_654 = arith.muli %add3A, %mul3A_653 : i32
      %add3A_655 = arith.constant 16 : i32
      %add3A_656 = arith.addi %mul3A_654, %add3A_655 : i32
      %get3A_657 = arith.constant 5 : i32
      %get3A_658 = arith.index_cast %get3A_657 : i32 to index
      %get3A_659 = arith.index_cast %add3A_656 : i32 to index
      %get3A_660 = tpu.vector_load %arg20[%get3A_658, %get3A_659] {strides = array<i32>} : memref<8x4096xf32, #tpu.memory_space<vmem>>, vector<16xf32>,
      %get3A_661 = arith.constant 5 : i32
      %get3A_662 = arith.index_cast %get3A_661 : i32 to index
      %get3A_663 = arith.constant 16 : index
      %get3A_664 = tpu.vector_load %arg23[%get3A_662, %get3A_663] {strides = array<i32>} : memref<8x128xf32, #tpu.memory_space<vmem>>, vector<16xf32>,
      %mul3A_665 = arith.mulf %get3A_660, %get3A_664 : vector<16xf32>
      %add3A_666 = arith.addf %add3A_652, %mul3A_665 : vector<16xf32>
      %mul3A_667 = arith.constant 128 : i32
      %mul3A_668 = arith.muli %add3A, %mul3A_667 : i32
      %add3A_669 = arith.constant 16 : i32
      %add3A_670 = arith.addi %mul3A_668, %add3A_669 : i32
      %get3A_671 = arith.constant 6 : i32
      %get3A_672 = arith.index_cast %get3A_671 : i32 to index
      %get3A_673 = arith.index_cast %add3A_670 : i32 to index
      %get3A_674 = tpu.vector_load %arg20[%get3A_672, %get3A_673] {strides = array<i32>} : memref<8x4096xf32, #tpu.memory_space<vmem>>, vector<16xf32>,
      %get3A_675 = arith.constant 6 : i32
      %get3A_676 = arith.index_cast %get3A_675 : i32 to index
      %get3A_677 = arith.constant 16 : index
      %get3A_678 = tpu.vector_load %arg23[%get3A_676, %get3A_677] {strides = array<i32>} : memref<8x128xf32, #tpu.memory_space<vmem>>, vector<16xf32>,
      %mul3A_679 = arith.mulf %get3A_674, %get3A_678 : vector<16xf32>
      %add3A_680 = arith.addf %add3A_666, %mul3A_679 : vector<16xf32>
      %mul3A_681 = arith.constant 128 : i32
      %mul3A_682 = arith.muli %add3A, %mul3A_681 : i32
      %add3A_683 = arith.constant 16 : i32
      %add3A_684 = arith.addi %mul3A_682, %add3A_683 : i32
      %get3A_685 = arith.constant 7 : i32
      %get3A_686 = arith.index_cast %get3A_685 : i32 to index
      %get3A_687 = arith.index_cast %add3A_684 : i32 to index
      %get3A_688 = tpu.vector_load %arg20[%get3A_686, %get3A_687] {strides = array<i32>} : memref<8x4096xf32, #tpu.memory_space<vmem>>, vector<16xf32>,
      %get3A_689 = arith.constant 7 : i32
      %get3A_690 = arith.index_cast %get3A_689 : i32 to index
      %get3A_691 = arith.constant 16 : index
      %get3A_692 = tpu.vector_load %arg23[%get3A_690, %get3A_691] {strides = array<i32>} : memref<8x128xf32, #tpu.memory_space<vmem>>, vector<16xf32>,
      %mul3A_693 = arith.mulf %get3A_688, %get3A_692 : vector<16xf32>
      %add3A_694 = arith.addf %add3A_680, %mul3A_693 : vector<16xf32>
      %swap3A_695 = arith.constant 16 : index
      %swap3A_696 = tpu.vector_load %arg17[%swap3A_695] {strides = array<i32>} : memref<128xf32, #tpu.memory_space<vmem>>, vector<16xf32>,
      tpu.vector_store %arg17[%swap3A_695], %add3A_694 {strides = array<i32>} : memref<128xf32, #tpu.memory_space<vmem>>, vector<16xf32>,
      %get3A_697 = arith.constant 32 : index
      %get3A_698 = tpu.vector_load %arg17[%get3A_697] {strides = array<i32>} : memref<128xf32, #tpu.memory_space<vmem>>, vector<16xf32>,
      %mul3A_699 = arith.constant 128 : i32
      %mul3A_700 = arith.muli %add3A, %mul3A_699 : i32
      %add3A_701 = arith.constant 32 : i32
      %add3A_702 = arith.addi %mul3A_700, %add3A_701 : i32
      %get3A_703 = arith.constant 0 : i32
      %get3A_704 = arith.index_cast %get3A_703 : i32 to index
      %get3A_705 = arith.index_cast %add3A_702 : i32 to index
      %get3A_706 = tpu.vector_load %arg20[%get3A_704, %get3A_705] {strides = array<i32>} : memref<8x4096xf32, #tpu.memory_space<vmem>>, vector<16xf32>,
      %get3A_707 = arith.constant 0 : i32
      %get3A_708 = arith.index_cast %get3A_707 : i32 to index
      %get3A_709 = arith.constant 32 : index
      %get3A_710 = tpu.vector_load %arg23[%get3A_708, %get3A_709] {strides = array<i32>} : memref<8x128xf32, #tpu.memory_space<vmem>>, vector<16xf32>,
      %mul3A_711 = arith.mulf %get3A_706, %get3A_710 : vector<16xf32>
      %add3A_712 = arith.addf %get3A_698, %mul3A_711 : vector<16xf32>
      %mul3A_713 = arith.constant 128 : i32
      %mul3A_714 = arith.muli %add3A, %mul3A_713 : i32
      %add3A_715 = arith.constant 32 : i32
      %add3A_716 = arith.addi %mul3A_714, %add3A_715 : i32
      %get3A_717 = arith.constant 1 : i32
      %get3A_718 = arith.index_cast %get3A_717 : i32 to index
      %get3A_719 = arith.index_cast %add3A_716 : i32 to index
      %get3A_720 = tpu.vector_load %arg20[%get3A_718, %get3A_719] {strides = array<i32>} : memref<8x4096xf32, #tpu.memory_space<vmem>>, vector<16xf32>,
      %get3A_721 = arith.constant 1 : i32
      %get3A_722 = arith.index_cast %get3A_721 : i32 to index
      %get3A_723 = arith.constant 32 : index
      %get3A_724 = tpu.vector_load %arg23[%get3A_722, %get3A_723] {strides = array<i32>} : memref<8x128xf32, #tpu.memory_space<vmem>>, vector<16xf32>,
      %mul3A_725 = arith.mulf %get3A_720, %get3A_724 : vector<16xf32>
      %add3A_726 = arith.addf %add3A_712, %mul3A_725 : vector<16xf32>
      %mul3A_727 = arith.constant 128 : i32
      %mul3A_728 = arith.muli %add3A, %mul3A_727 : i32
      %add3A_729 = arith.constant 32 : i32
      %add3A_730 = arith.addi %mul3A_728, %add3A_729 : i32
      %get3A_731 = arith.constant 2 : i32
      %get3A_732 = arith.index_cast %get3A_731 : i32 to index
      %get3A_733 = arith.index_cast %add3A_730 : i32 to index
      %get3A_734 = tpu.vector_load %arg20[%get3A_732, %get3A_733] {strides = array<i32>} : memref<8x4096xf32, #tpu.memory_space<vmem>>, vector<16xf32>,
      %get3A_735 = arith.constant 2 : i32
      %get3A_736 = arith.index_cast %get3A_735 : i32 to index
      %get3A_737 = arith.constant 32 : index
      %get3A_738 = tpu.vector_load %arg23[%get3A_736, %get3A_737] {strides = array<i32>} : memref<8x128xf32, #tpu.memory_space<vmem>>, vector<16xf32>,
      %mul3A_739 = arith.mulf %get3A_734, %get3A_738 : vector<16xf32>
      %add3A_740 = arith.addf %add3A_726, %mul3A_739 : vector<16xf32>
      %mul3A_741 = arith.constant 128 : i32
      %mul3A_742 = arith.muli %add3A, %mul3A_741 : i32
      %add3A_743 = arith.constant 32 : i32
      %add3A_744 = arith.addi %mul3A_742, %add3A_743 : i32
      %get3A_745 = arith.constant 3 : i32
      %get3A_746 = arith.index_cast %get3A_745 : i32 to index
      %get3A_747 = arith.index_cast %add3A_744 : i32 to index
      %get3A_748 = tpu.vector_load %arg20[%get3A_746, %get3A_747] {strides = array<i32>} : memref<8x4096xf32, #tpu.memory_space<vmem>>, vector<16xf32>,
      %get3A_749 = arith.constant 3 : i32
      %get3A_750 = arith.index_cast %get3A_749 : i32 to index
      %get3A_751 = arith.constant 32 : index
      %get3A_752 = tpu.vector_load %arg23[%get3A_750, %get3A_751] {strides = array<i32>} : memref<8x128xf32, #tpu.memory_space<vmem>>, vector<16xf32>,
      %mul3A_753 = arith.mulf %get3A_748, %get3A_752 : vector<16xf32>
      %add3A_754 = arith.addf %add3A_740, %mul3A_753 : vector<16xf32>
      %mul3A_755 = arith.constant 128 : i32
      %mul3A_756 = arith.muli %add3A, %mul3A_755 : i32
      %add3A_757 = arith.constant 32 : i32
      %add3A_758 = arith.addi %mul3A_756, %add3A_757 : i32
      %get3A_759 = arith.constant 4 : i32
      %get3A_760 = arith.index_cast %get3A_759 : i32 to index
      %get3A_761 = arith.index_cast %add3A_758 : i32 to index
      %get3A_762 = tpu.vector_load %arg20[%get3A_760, %get3A_761] {strides = array<i32>} : memref<8x4096xf32, #tpu.memory_space<vmem>>, vector<16xf32>,
      %get3A_763 = arith.constant 4 : i32
      %get3A_764 = arith.index_cast %get3A_763 : i32 to index
      %get3A_765 = arith.constant 32 : index
      %get3A_766 = tpu.vector_load %arg23[%get3A_764, %get3A_765] {strides = array<i32>} : memref<8x128xf32, #tpu.memory_space<vmem>>, vector<16xf32>,
      %mul3A_767 = arith.mulf %get3A_762, %get3A_766 : vector<16xf32>
      %add3A_768 = arith.addf %add3A_754, %mul3A_767 : vector<16xf32>
      %mul3A_769 = arith.constant 128 : i32
      %mul3A_770 = arith.muli %add3A, %mul3A_769 : i32
      %add3A_771 = arith.constant 32 : i32
      %add3A_772 = arith.addi %mul3A_770, %add3A_771 : i32
      %get3A_773 = arith.constant 5 : i32
      %get3A_774 = arith.index_cast %get3A_773 : i32 to index
      %get3A_775 = arith.index_cast %add3A_772 : i32 to index
      %get3A_776 = tpu.vector_load %arg20[%get3A_774, %get3A_775] {strides = array<i32>} : memref<8x4096xf32, #tpu.memory_space<vmem>>, vector<16xf32>,
      %get3A_777 = arith.constant 5 : i32
      %get3A_778 = arith.index_cast %get3A_777 : i32 to index
      %get3A_779 = arith.constant 32 : index
      %get3A_780 = tpu.vector_load %arg23[%get3A_778, %get3A_779] {strides = array<i32>} : memref<8x128xf32, #tpu.memory_space<vmem>>, vector<16xf32>,
      %mul3A_781 = arith.mulf %get3A_776, %get3A_780 : vector<16xf32>
      %add3A_782 = arith.addf %add3A_768, %mul3A_781 : vector<16xf32>
      %mul3A_783 = arith.constant 128 : i32
      %mul3A_784 = arith.muli %add3A, %mul3A_783 : i32
      %add3A_785 = arith.constant 32 : i32
      %add3A_786 = arith.addi %mul3A_784, %add3A_785 : i32
      %get3A_787 = arith.constant 6 : i32
      %get3A_788 = arith.index_cast %get3A_787 : i32 to index
      %get3A_789 = arith.index_cast %add3A_786 : i32 to index
      %get3A_790 = tpu.vector_load %arg20[%get3A_788, %get3A_789] {strides = array<i32>} : memref<8x4096xf32, #tpu.memory_space<vmem>>, vector<16xf32>,
      %get3A_791 = arith.constant 6 : i32
      %get3A_792 = arith.index_cast %get3A_791 : i32 to index
      %get3A_793 = arith.constant 32 : index
      %get3A_794 = tpu.vector_load %arg23[%get3A_792, %get3A_793] {strides = array<i32>} : memref<8x128xf32, #tpu.memory_space<vmem>>, vector<16xf32>,
      %mul3A_795 = arith.mulf %get3A_790, %get3A_794 : vector<16xf32>
      %add3A_796 = arith.addf %add3A_782, %mul3A_795 : vector<16xf32>
      %mul3A_797 = arith.constant 128 : i32
      %mul3A_798 = arith.muli %add3A, %mul3A_797 : i32
      %add3A_799 = arith.constant 32 : i32
      %add3A_800 = arith.addi %mul3A_798, %add3A_799 : i32
      %get3A_801 = arith.constant 7 : i32
      %get3A_802 = arith.index_cast %get3A_801 : i32 to index
      %get3A_803 = arith.index_cast %add3A_800 : i32 to index
      %get3A_804 = tpu.vector_load %arg20[%get3A_802, %get3A_803] {strides = array<i32>} : memref<8x4096xf32, #tpu.memory_space<vmem>>, vector<16xf32>,
      %get3A_805 = arith.constant 7 : i32
      %get3A_806 = arith.index_cast %get3A_805 : i32 to index
      %get3A_807 = arith.constant 32 : index
      %get3A_808 = tpu.vector_load %arg23[%get3A_806, %get3A_807] {strides = array<i32>} : memref<8x128xf32, #tpu.memory_space<vmem>>, vector<16xf32>,
      %mul3A_809 = arith.mulf %get3A_804, %get3A_808 : vector<16xf32>
      %add3A_810 = arith.addf %add3A_796, %mul3A_809 : vector<16xf32>
      %swap3A_811 = arith.constant 32 : index
      %swap3A_812 = tpu.vector_load %arg17[%swap3A_811] {strides = array<i32>} : memref<128xf32, #tpu.memory_space<vmem>>, vector<16xf32>,
      tpu.vector_store %arg17[%swap3A_811], %add3A_810 {strides = array<i32>} : memref<128xf32, #tpu.memory_space<vmem>>, vector<16xf32>,
      %get3A_813 = arith.constant 48 : index
      %get3A_814 = tpu.vector_load %arg17[%get3A_813] {strides = array<i32>} : memref<128xf32, #tpu.memory_space<vmem>>, vector<16xf32>,
      %mul3A_815 = arith.constant 128 : i32
      %mul3A_816 = arith.muli %add3A, %mul3A_815 : i32
      %add3A_817 = arith.constant 48 : i32
      %add3A_818 = arith.addi %mul3A_816, %add3A_817 : i32
      %get3A_819 = arith.constant 0 : i32
      %get3A_820 = arith.index_cast %get3A_819 : i32 to index
      %get3A_821 = arith.index_cast %add3A_818 : i32 to index
      %get3A_822 = tpu.vector_load %arg20[%get3A_820, %get3A_821] {strides = array<i32>} : memref<8x4096xf32, #tpu.memory_space<vmem>>, vector<16xf32>,
      %get3A_823 = arith.constant 0 : i32
      %get3A_824 = arith.index_cast %get3A_823 : i32 to index
      %get3A_825 = arith.constant 48 : index
      %get3A_826 = tpu.vector_load %arg23[%get3A_824, %get3A_825] {strides = array<i32>} : memref<8x128xf32, #tpu.memory_space<vmem>>, vector<16xf32>,
      %mul3A_827 = arith.mulf %get3A_822, %get3A_826 : vector<16xf32>
      %add3A_828 = arith.addf %get3A_814, %mul3A_827 : vector<16xf32>
      %mul3A_829 = arith.constant 128 : i32
      %mul3A_830 = arith.muli %add3A, %mul3A_829 : i32
      %add3A_831 = arith.constant 48 : i32
      %add3A_832 = arith.addi %mul3A_830, %add3A_831 : i32
      %get3A_833 = arith.constant 1 : i32
      %get3A_834 = arith.index_cast %get3A_833 : i32 to index
      %get3A_835 = arith.index_cast %add3A_832 : i32 to index
      %get3A_836 = tpu.vector_load %arg20[%get3A_834, %get3A_835] {strides = array<i32>} : memref<8x4096xf32, #tpu.memory_space<vmem>>, vector<16xf32>,
      %get3A_837 = arith.constant 1 : i32
      %get3A_838 = arith.index_cast %get3A_837 : i32 to index
      %get3A_839 = arith.constant 48 : index
      %get3A_840 = tpu.vector_load %arg23[%get3A_838, %get3A_839] {strides = array<i32>} : memref<8x128xf32, #tpu.memory_space<vmem>>, vector<16xf32>,
      %mul3A_841 = arith.mulf %get3A_836, %get3A_840 : vector<16xf32>
      %add3A_842 = arith.addf %add3A_828, %mul3A_841 : vector<16xf32>
      %mul3A_843 = arith.constant 128 : i32
      %mul3A_844 = arith.muli %add3A, %mul3A_843 : i32
      %add3A_845 = arith.constant 48 : i32
      %add3A_846 = arith.addi %mul3A_844, %add3A_845 : i32
      %get3A_847 = arith.constant 2 : i32
      %get3A_848 = arith.index_cast %get3A_847 : i32 to index
      %get3A_849 = arith.index_cast %add3A_846 : i32 to index
      %get3A_850 = tpu.vector_load %arg20[%get3A_848, %get3A_849] {strides = array<i32>} : memref<8x4096xf32, #tpu.memory_space<vmem>>, vector<16xf32>,
      %get3A_851 = arith.constant 2 : i32
      %get3A_852 = arith.index_cast %get3A_851 : i32 to index
      %get3A_853 = arith.constant 48 : index
      %get3A_854 = tpu.vector_load %arg23[%get3A_852, %get3A_853] {strides = array<i32>} : memref<8x128xf32, #tpu.memory_space<vmem>>, vector<16xf32>,
      %mul3A_855 = arith.mulf %get3A_850, %get3A_854 : vector<16xf32>
      %add3A_856 = arith.addf %add3A_842, %mul3A_855 : vector<16xf32>
      %mul3A_857 = arith.constant 128 : i32
      %mul3A_858 = arith.muli %add3A, %mul3A_857 : i32
      %add3A_859 = arith.constant 48 : i32
      %add3A_860 = arith.addi %mul3A_858, %add3A_859 : i32
      %get3A_861 = arith.constant 3 : i32
      %get3A_862 = arith.index_cast %get3A_861 : i32 to index
      %get3A_863 = arith.index_cast %add3A_860 : i32 to index
      %get3A_864 = tpu.vector_load %arg20[%get3A_862, %get3A_863] {strides = array<i32>} : memref<8x4096xf32, #tpu.memory_space<vmem>>, vector<16xf32>,
      %get3A_865 = arith.constant 3 : i32
      %get3A_866 = arith.index_cast %get3A_865 : i32 to index
      %get3A_867 = arith.constant 48 : index
      %get3A_868 = tpu.vector_load %arg23[%get3A_866, %get3A_867] {strides = array<i32>} : memref<8x128xf32, #tpu.memory_space<vmem>>, vector<16xf32>,
      %mul3A_869 = arith.mulf %get3A_864, %get3A_868 : vector<16xf32>
      %add3A_870 = arith.addf %add3A_856, %mul3A_869 : vector<16xf32>
      %mul3A_871 = arith.constant 128 : i32
      %mul3A_872 = arith.muli %add3A, %mul3A_871 : i32
      %add3A_873 = arith.constant 48 : i32
      %add3A_874 = arith.addi %mul3A_872, %add3A_873 : i32
      %get3A_875 = arith.constant 4 : i32
      %get3A_876 = arith.index_cast %get3A_875 : i32 to index
      %get3A_877 = arith.index_cast %add3A_874 : i32 to index
      %get3A_878 = tpu.vector_load %arg20[%get3A_876, %get3A_877] {strides = array<i32>} : memref<8x4096xf32, #tpu.memory_space<vmem>>, vector<16xf32>,
      %get3A_879 = arith.constant 4 : i32
      %get3A_880 = arith.index_cast %get3A_879 : i32 to index
      %get3A_881 = arith.constant 48 : index
      %get3A_882 = tpu.vector_load %arg23[%get3A_880, %get3A_881] {strides = array<i32>} : memref<8x128xf32, #tpu.memory_space<vmem>>, vector<16xf32>,
      %mul3A_883 = arith.mulf %get3A_878, %get3A_882 : vector<16xf32>
      %add3A_884 = arith.addf %add3A_870, %mul3A_883 : vector<16xf32>
      %mul3A_885 = arith.constant 128 : i32
      %mul3A_886 = arith.muli %add3A, %mul3A_885 : i32
      %add3A_887 = arith.constant 48 : i32
      %add3A_888 = arith.addi %mul3A_886, %add3A_887 : i32
      %get3A_889 = arith.constant 5 : i32
      %get3A_890 = arith.index_cast %get3A_889 : i32 to index
      %get3A_891 = arith.index_cast %add3A_888 : i32 to index
      %get3A_892 = tpu.vector_load %arg20[%get3A_890, %get3A_891] {strides = array<i32>} : memref<8x4096xf32, #tpu.memory_space<vmem>>, vector<16xf32>,
      %get3A_893 = arith.constant 5 : i32
      %get3A_894 = arith.index_cast %get3A_893 : i32 to index
      %get3A_895 = arith.constant 48 : index
      %get3A_896 = tpu.vector_load %arg23[%get3A_894, %get3A_895] {strides = array<i32>} : memref<8x128xf32, #tpu.memory_space<vmem>>, vector<16xf32>,
      %mul3A_897 = arith.mulf %get3A_892, %get3A_896 : vector<16xf32>
      %add3A_898 = arith.addf %add3A_884, %mul3A_897 : vector<16xf32>
      %mul3A_899 = arith.constant 128 : i32
      %mul3A_900 = arith.muli %add3A, %mul3A_899 : i32
      %add3A_901 = arith.constant 48 : i32
      %add3A_902 = arith.addi %mul3A_900, %add3A_901 : i32
      %get3A_903 = arith.constant 6 : i32
      %get3A_904 = arith.index_cast %get3A_903 : i32 to index
      %get3A_905 = arith.index_cast %add3A_902 : i32 to index
      %get3A_906 = tpu.vector_load %arg20[%get3A_904, %get3A_905] {strides = array<i32>} : memref<8x4096xf32, #tpu.memory_space<vmem>>, vector<16xf32>,
      %get3A_907 = arith.constant 6 : i32
      %get3A_908 = arith.index_cast %get3A_907 : i32 to index
      %get3A_909 = arith.constant 48 : index
      %get3A_910 = tpu.vector_load %arg23[%get3A_908, %get3A_909] {strides = array<i32>} : memref<8x128xf32, #tpu.memory_space<vmem>>, vector<16xf32>,
      %mul3A_911 = arith.mulf %get3A_906, %get3A_910 : vector<16xf32>
      %add3A_912 = arith.addf %add3A_898, %mul3A_911 : vector<16xf32>
      %mul3A_913 = arith.constant 128 : i32
      %mul3A_914 = arith.muli %add3A, %mul3A_913 : i32
      %add3A_915 = arith.constant 48 : i32
      %add3A_916 = arith.addi %mul3A_914, %add3A_915 : i32
      %get3A_917 = arith.constant 7 : i32
      %get3A_918 = arith.index_cast %get3A_917 : i32 to index
      %get3A_919 = arith.index_cast %add3A_916 : i32 to index
      %get3A_920 = tpu.vector_load %arg20[%get3A_918, %get3A_919] {strides = array<i32>} : memref<8x4096xf32, #tpu.memory_space<vmem>>, vector<16xf32>,
      %get3A_921 = arith.constant 7 : i32
      %get3A_922 = arith.index_cast %get3A_921 : i32 to index
      %get3A_923 = arith.constant 48 : index
      %get3A_924 = tpu.vector_load %arg23[%get3A_922, %get3A_923] {strides = array<i32>} : memref<8x128xf32, #tpu.memory_space<vmem>>, vector<16xf32>,
      %mul3A_925 = arith.mulf %get3A_920, %get3A_924 : vector<16xf32>
      %add3A_926 = arith.addf %add3A_912, %mul3A_925 : vector<16xf32>
      %swap3A_927 = arith.constant 48 : index
      %swap3A_928 = tpu.vector_load %arg17[%swap3A_927] {strides = array<i32>} : memref<128xf32, #tpu.memory_space<vmem>>, vector<16xf32>,
      tpu.vector_store %arg17[%swap3A_927], %add3A_926 {strides = array<i32>} : memref<128xf32, #tpu.memory_space<vmem>>, vector<16xf32>,
      %get3A_929 = arith.constant 64 : index
      %get3A_930 = tpu.vector_load %arg17[%get3A_929] {strides = array<i32>} : memref<128xf32, #tpu.memory_space<vmem>>, vector<16xf32>,
      %mul3A_931 = arith.constant 128 : i32
      %mul3A_932 = arith.muli %add3A, %mul3A_931 : i32
      %add3A_933 = arith.constant 64 : i32
      %add3A_934 = arith.addi %mul3A_932, %add3A_933 : i32
      %get3A_935 = arith.constant 0 : i32
      %get3A_936 = arith.index_cast %get3A_935 : i32 to index
      %get3A_937 = arith.index_cast %add3A_934 : i32 to index
      %get3A_938 = tpu.vector_load %arg20[%get3A_936, %get3A_937] {strides = array<i32>} : memref<8x4096xf32, #tpu.memory_space<vmem>>, vector<16xf32>,
      %get3A_939 = arith.constant 0 : i32
      %get3A_940 = arith.index_cast %get3A_939 : i32 to index
      %get3A_941 = arith.constant 64 : index
      %get3A_942 = tpu.vector_load %arg23[%get3A_940, %get3A_941] {strides = array<i32>} : memref<8x128xf32, #tpu.memory_space<vmem>>, vector<16xf32>,
      %mul3A_943 = arith.mulf %get3A_938, %get3A_942 : vector<16xf32>
      %add3A_944 = arith.addf %get3A_930, %mul3A_943 : vector<16xf32>
      %mul3A_945 = arith.constant 128 : i32
      %mul3A_946 = arith.muli %add3A, %mul3A_945 : i32
      %add3A_947 = arith.constant 64 : i32
      %add3A_948 = arith.addi %mul3A_946, %add3A_947 : i32
      %get3A_949 = arith.constant 1 : i32
      %get3A_950 = arith.index_cast %get3A_949 : i32 to index
      %get3A_951 = arith.index_cast %add3A_948 : i32 to index
      %get3A_952 = tpu.vector_load %arg20[%get3A_950, %get3A_951] {strides = array<i32>} : memref<8x4096xf32, #tpu.memory_space<vmem>>, vector<16xf32>,
      %get3A_953 = arith.constant 1 : i32
      %get3A_954 = arith.index_cast %get3A_953 : i32 to index
      %get3A_955 = arith.constant 64 : index
      %get3A_956 = tpu.vector_load %arg23[%get3A_954, %get3A_955] {strides = array<i32>} : memref<8x128xf32, #tpu.memory_space<vmem>>, vector<16xf32>,
      %mul3A_957 = arith.mulf %get3A_952, %get3A_956 : vector<16xf32>
      %add3A_958 = arith.addf %add3A_944, %mul3A_957 : vector<16xf32>
      %mul3A_959 = arith.constant 128 : i32
      %mul3A_960 = arith.muli %add3A, %mul3A_959 : i32
      %add3A_961 = arith.constant 64 : i32
      %add3A_962 = arith.addi %mul3A_960, %add3A_961 : i32
      %get3A_963 = arith.constant 2 : i32
      %get3A_964 = arith.index_cast %get3A_963 : i32 to index
      %get3A_965 = arith.index_cast %add3A_962 : i32 to index
      %get3A_966 = tpu.vector_load %arg20[%get3A_964, %get3A_965] {strides = array<i32>} : memref<8x4096xf32, #tpu.memory_space<vmem>>, vector<16xf32>,
      %get3A_967 = arith.constant 2 : i32
      %get3A_968 = arith.index_cast %get3A_967 : i32 to index
      %get3A_969 = arith.constant 64 : index
      %get3A_970 = tpu.vector_load %arg23[%get3A_968, %get3A_969] {strides = array<i32>} : memref<8x128xf32, #tpu.memory_space<vmem>>, vector<16xf32>,
      %mul3A_971 = arith.mulf %get3A_966, %get3A_970 : vector<16xf32>
      %add3A_972 = arith.addf %add3A_958, %mul3A_971 : vector<16xf32>
      %mul3A_973 = arith.constant 128 : i32
      %mul3A_974 = arith.muli %add3A, %mul3A_973 : i32
      %add3A_975 = arith.constant 64 : i32
      %add3A_976 = arith.addi %mul3A_974, %add3A_975 : i32
      %get3A_977 = arith.constant 3 : i32
      %get3A_978 = arith.index_cast %get3A_977 : i32 to index
      %get3A_979 = arith.index_cast %add3A_976 : i32 to index
      %get3A_980 = tpu.vector_load %arg20[%get3A_978, %get3A_979] {strides = array<i32>} : memref<8x4096xf32, #tpu.memory_space<vmem>>, vector<16xf32>,
      %get3A_981 = arith.constant 3 : i32
      %get3A_982 = arith.index_cast %get3A_981 : i32 to index
      %get3A_983 = arith.constant 64 : index
      %get3A_984 = tpu.vector_load %arg23[%get3A_982, %get3A_983] {strides = array<i32>} : memref<8x128xf32, #tpu.memory_space<vmem>>, vector<16xf32>,
      %mul3A_985 = arith.mulf %get3A_980, %get3A_984 : vector<16xf32>
      %add3A_986 = arith.addf %add3A_972, %mul3A_985 : vector<16xf32>
      %mul3A_987 = arith.constant 128 : i32
      %mul3A_988 = arith.muli %add3A, %mul3A_987 : i32
      %add3A_989 = arith.constant 64 : i32
      %add3A_990 = arith.addi %mul3A_988, %add3A_989 : i32
      %get3A_991 = arith.constant 4 : i32
      %get3A_992 = arith.index_cast %get3A_991 : i32 to index
      %get3A_993 = arith.index_cast %add3A_990 : i32 to index
      %get3A_994 = tpu.vector_load %arg20[%get3A_992, %get3A_993] {strides = array<i32>} : memref<8x4096xf32, #tpu.memory_space<vmem>>, vector<16xf32>,
      %get3A_995 = arith.constant 4 : i32
      %get3A_996 = arith.index_cast %get3A_995 : i32 to index
      %get3A_997 = arith.constant 64 : index
      %get3A_998 = tpu.vector_load %arg23[%get3A_996, %get3A_997] {strides = array<i32>} : memref<8x128xf32, #tpu.memory_space<vmem>>, vector<16xf32>,
      %mul3A_999 = arith.mulf %get3A_994, %get3A_998 : vector<16xf32>
      %add3A_1000 = arith.addf %add3A_986, %mul3A_999 : vector<16xf32>
      %mul3A_1001 = arith.constant 128 : i32
      %mul3A_1002 = arith.muli %add3A, %mul3A_1001 : i32
      %add3A_1003 = arith.constant 64 : i32
      %add3A_1004 = arith.addi %mul3A_1002, %add3A_1003 : i32
      %get3A_1005 = arith.constant 5 : i32
      %get3A_1006 = arith.index_cast %get3A_1005 : i32 to index
      %get3A_1007 = arith.index_cast %add3A_1004 : i32 to index
      %get3A_1008 = tpu.vector_load %arg20[%get3A_1006, %get3A_1007] {strides = array<i32>} : memref<8x4096xf32, #tpu.memory_space<vmem>>, vector<16xf32>,
      %get3A_1009 = arith.constant 5 : i32
      %get3A_1010 = arith.index_cast %get3A_1009 : i32 to index
      %get3A_1011 = arith.constant 64 : index
      %get3A_1012 = tpu.vector_load %arg23[%get3A_1010, %get3A_1011] {strides = array<i32>} : memref<8x128xf32, #tpu.memory_space<vmem>>, vector<16xf32>,
      %mul3A_1013 = arith.mulf %get3A_1008, %get3A_1012 : vector<16xf32>
      %add3A_1014 = arith.addf %add3A_1000, %mul3A_1013 : vector<16xf32>
      %mul3A_1015 = arith.constant 128 : i32
      %mul3A_1016 = arith.muli %add3A, %mul3A_1015 : i32
      %add3A_1017 = arith.constant 64 : i32
      %add3A_1018 = arith.addi %mul3A_1016, %add3A_1017 : i32
      %get3A_1019 = arith.constant 6 : i32
      %get3A_1020 = arith.index_cast %get3A_1019 : i32 to index
      %get3A_1021 = arith.index_cast %add3A_1018 : i32 to index
      %get3A_1022 = tpu.vector_load %arg20[%get3A_1020, %get3A_1021] {strides = array<i32>} : memref<8x4096xf32, #tpu.memory_space<vmem>>, vector<16xf32>,
      %get3A_1023 = arith.constant 6 : i32
      %get3A_1024 = arith.index_cast %get3A_1023 : i32 to index
      %get3A_1025 = arith.constant 64 : index
      %get3A_1026 = tpu.vector_load %arg23[%get3A_1024, %get3A_1025] {strides = array<i32>} : memref<8x128xf32, #tpu.memory_space<vmem>>, vector<16xf32>,
      %mul3A_1027 = arith.mulf %get3A_1022, %get3A_1026 : vector<16xf32>
      %add3A_1028 = arith.addf %add3A_1014, %mul3A_1027 : vector<16xf32>
      %mul3A_1029 = arith.constant 128 : i32
      %mul3A_1030 = arith.muli %add3A, %mul3A_1029 : i32
      %add3A_1031 = arith.constant 64 : i32
      %add3A_1032 = arith.addi %mul3A_1030, %add3A_1031 : i32
      %get3A_1033 = arith.constant 7 : i32
      %get3A_1034 = arith.index_cast %get3A_1033 : i32 to index
      %get3A_1035 = arith.index_cast %add3A_1032 : i32 to index
      %get3A_1036 = tpu.vector_load %arg20[%get3A_1034, %get3A_1035] {strides = array<i32>} : memref<8x4096xf32, #tpu.memory_space<vmem>>, vector<16xf32>,
      %get3A_1037 = arith.constant 7 : i32
      %get3A_1038 = arith.index_cast %get3A_1037 : i32 to index
      %get3A_1039 = arith.constant 64 : index
      %get3A_1040 = tpu.vector_load %arg23[%get3A_1038, %get3A_1039] {strides = array<i32>} : memref<8x128xf32, #tpu.memory_space<vmem>>, vector<16xf32>,
      %mul3A_1041 = arith.mulf %get3A_1036, %get3A_1040 : vector<16xf32>
      %add3A_1042 = arith.addf %add3A_1028, %mul3A_1041 : vector<16xf32>
      %swap3A_1043 = arith.constant 64 : index
      %swap3A_1044 = tpu.vector_load %arg17[%swap3A_1043] {strides = array<i32>} : memref<128xf32, #tpu.memory_space<vmem>>, vector<16xf32>,
      tpu.vector_store %arg17[%swap3A_1043], %add3A_1042 {strides = array<i32>} : memref<128xf32, #tpu.memory_space<vmem>>, vector<16xf32>,
      %get3A_1045 = arith.constant 80 : index
      %get3A_1046 = tpu.vector_load %arg17[%get3A_1045] {strides = array<i32>} : memref<128xf32, #tpu.memory_space<vmem>>, vector<16xf32>,
      %mul3A_1047 = arith.constant 128 : i32
      %mul3A_1048 = arith.muli %add3A, %mul3A_1047 : i32
      %add3A_1049 = arith.constant 80 : i32
      %add3A_1050 = arith.addi %mul3A_1048, %add3A_1049 : i32
      %get3A_1051 = arith.constant 0 : i32
      %get3A_1052 = arith.index_cast %get3A_1051 : i32 to index
      %get3A_1053 = arith.index_cast %add3A_1050 : i32 to index
      %get3A_1054 = tpu.vector_load %arg20[%get3A_1052, %get3A_1053] {strides = array<i32>} : memref<8x4096xf32, #tpu.memory_space<vmem>>, vector<16xf32>,
      %get3A_1055 = arith.constant 0 : i32
      %get3A_1056 = arith.index_cast %get3A_1055 : i32 to index
      %get3A_1057 = arith.constant 80 : index
      %get3A_1058 = tpu.vector_load %arg23[%get3A_1056, %get3A_1057] {strides = array<i32>} : memref<8x128xf32, #tpu.memory_space<vmem>>, vector<16xf32>,
      %mul3A_1059 = arith.mulf %get3A_1054, %get3A_1058 : vector<16xf32>
      %add3A_1060 = arith.addf %get3A_1046, %mul3A_1059 : vector<16xf32>
      %mul3A_1061 = arith.constant 128 : i32
      %mul3A_1062 = arith.muli %add3A, %mul3A_1061 : i32
      %add3A_1063 = arith.constant 80 : i32
      %add3A_1064 = arith.addi %mul3A_1062, %add3A_1063 : i32
      %get3A_1065 = arith.constant 1 : i32
      %get3A_1066 = arith.index_cast %get3A_1065 : i32 to index
      %get3A_1067 = arith.index_cast %add3A_1064 : i32 to index
      %get3A_1068 = tpu.vector_load %arg20[%get3A_1066, %get3A_1067] {strides = array<i32>} : memref<8x4096xf32, #tpu.memory_space<vmem>>, vector<16xf32>,
      %get3A_1069 = arith.constant 1 : i32
      %get3A_1070 = arith.index_cast %get3A_1069 : i32 to index
      %get3A_1071 = arith.constant 80 : index
      %get3A_1072 = tpu.vector_load %arg23[%get3A_1070, %get3A_1071] {strides = array<i32>} : memref<8x128xf32, #tpu.memory_space<vmem>>, vector<16xf32>,
      %mul3A_1073 = arith.mulf %get3A_1068, %get3A_1072 : vector<16xf32>
      %add3A_1074 = arith.addf %add3A_1060, %mul3A_1073 : vector<16xf32>
      %mul3A_1075 = arith.constant 128 : i32
      %mul3A_1076 = arith.muli %add3A, %mul3A_1075 : i32
      %add3A_1077 = arith.constant 80 : i32
      %add3A_1078 = arith.addi %mul3A_1076, %add3A_1077 : i32
      %get3A_1079 = arith.constant 2 : i32
      %get3A_1080 = arith.index_cast %get3A_1079 : i32 to index
      %get3A_1081 = arith.index_cast %add3A_1078 : i32 to index
      %get3A_1082 = tpu.vector_load %arg20[%get3A_1080, %get3A_1081] {strides = array<i32>} : memref<8x4096xf32, #tpu.memory_space<vmem>>, vector<16xf32>,
      %get3A_1083 = arith.constant 2 : i32
      %get3A_1084 = arith.index_cast %get3A_1083 : i32 to index
      %get3A_1085 = arith.constant 80 : index
      %get3A_1086 = tpu.vector_load %arg23[%get3A_1084, %get3A_1085] {strides = array<i32>} : memref<8x128xf32, #tpu.memory_space<vmem>>, vector<16xf32>,
      %mul3A_1087 = arith.mulf %get3A_1082, %get3A_1086 : vector<16xf32>
      %add3A_1088 = arith.addf %add3A_1074, %mul3A_1087 : vector<16xf32>
      %mul3A_1089 = arith.constant 128 : i32
      %mul3A_1090 = arith.muli %add3A, %mul3A_1089 : i32
      %add3A_1091 = arith.constant 80 : i32
      %add3A_1092 = arith.addi %mul3A_1090, %add3A_1091 : i32
      %get3A_1093 = arith.constant 3 : i32
      %get3A_1094 = arith.index_cast %get3A_1093 : i32 to index
      %get3A_1095 = arith.index_cast %add3A_1092 : i32 to index
      %get3A_1096 = tpu.vector_load %arg20[%get3A_1094, %get3A_1095] {strides = array<i32>} : memref<8x4096xf32, #tpu.memory_space<vmem>>, vector<16xf32>,
      %get3A_1097 = arith.constant 3 : i32
      %get3A_1098 = arith.index_cast %get3A_1097 : i32 to index
      %get3A_1099 = arith.constant 80 : index
      %get3A_1100 = tpu.vector_load %arg23[%get3A_1098, %get3A_1099] {strides = array<i32>} : memref<8x128xf32, #tpu.memory_space<vmem>>, vector<16xf32>,
      %mul3A_1101 = arith.mulf %get3A_1096, %get3A_1100 : vector<16xf32>
      %add3A_1102 = arith.addf %add3A_1088, %mul3A_1101 : vector<16xf32>
      %mul3A_1103 = arith.constant 128 : i32
      %mul3A_1104 = arith.muli %add3A, %mul3A_1103 : i32
      %add3A_1105 = arith.constant 80 : i32
      %add3A_1106 = arith.addi %mul3A_1104, %add3A_1105 : i32
      %get3A_1107 = arith.constant 4 : i32
      %get3A_1108 = arith.index_cast %get3A_1107 : i32 to index
      %get3A_1109 = arith.index_cast %add3A_1106 : i32 to index
      %get3A_1110 = tpu.vector_load %arg20[%get3A_1108, %get3A_1109] {strides = array<i32>} : memref<8x4096xf32, #tpu.memory_space<vmem>>, vector<16xf32>,
      %get3A_1111 = arith.constant 4 : i32
      %get3A_1112 = arith.index_cast %get3A_1111 : i32 to index
      %get3A_1113 = arith.constant 80 : index
      %get3A_1114 = tpu.vector_load %arg23[%get3A_1112, %get3A_1113] {strides = array<i32>} : memref<8x128xf32, #tpu.memory_space<vmem>>, vector<16xf32>,
      %mul3A_1115 = arith.mulf %get3A_1110, %get3A_1114 : vector<16xf32>
      %add3A_1116 = arith.addf %add3A_1102, %mul3A_1115 : vector<16xf32>
      %mul3A_1117 = arith.constant 128 : i32
      %mul3A_1118 = arith.muli %add3A, %mul3A_1117 : i32
      %add3A_1119 = arith.constant 80 : i32
      %add3A_1120 = arith.addi %mul3A_1118, %add3A_1119 : i32
      %get3A_1121 = arith.constant 5 : i32
      %get3A_1122 = arith.index_cast %get3A_1121 : i32 to index
      %get3A_1123 = arith.index_cast %add3A_1120 : i32 to index
      %get3A_1124 = tpu.vector_load %arg20[%get3A_1122, %get3A_1123] {strides = array<i32>} : memref<8x4096xf32, #tpu.memory_space<vmem>>, vector<16xf32>,
      %get3A_1125 = arith.constant 5 : i32
      %get3A_1126 = arith.index_cast %get3A_1125 : i32 to index
      %get3A_1127 = arith.constant 80 : index
      %get3A_1128 = tpu.vector_load %arg23[%get3A_1126, %get3A_1127] {strides = array<i32>} : memref<8x128xf32, #tpu.memory_space<vmem>>, vector<16xf32>,
      %mul3A_1129 = arith.mulf %get3A_1124, %get3A_1128 : vector<16xf32>
      %add3A_1130 = arith.addf %add3A_1116, %mul3A_1129 : vector<16xf32>
      %mul3A_1131 = arith.constant 128 : i32
      %mul3A_1132 = arith.muli %add3A, %mul3A_1131 : i32
      %add3A_1133 = arith.constant 80 : i32
      %add3A_1134 = arith.addi %mul3A_1132, %add3A_1133 : i32
      %get3A_1135 = arith.constant 6 : i32
      %get3A_1136 = arith.index_cast %get3A_1135 : i32 to index
      %get3A_1137 = arith.index_cast %add3A_1134 : i32 to index
      %get3A_1138 = tpu.vector_load %arg20[%get3A_1136, %get3A_1137] {strides = array<i32>} : memref<8x4096xf32, #tpu.memory_space<vmem>>, vector<16xf32>,
      %get3A_1139 = arith.constant 6 : i32
      %get3A_1140 = arith.index_cast %get3A_1139 : i32 to index
      %get3A_1141 = arith.constant 80 : index
      %get3A_1142 = tpu.vector_load %arg23[%get3A_1140, %get3A_1141] {strides = array<i32>} : memref<8x128xf32, #tpu.memory_space<vmem>>, vector<16xf32>,
      %mul3A_1143 = arith.mulf %get3A_1138, %get3A_1142 : vector<16xf32>
      %add3A_1144 = arith.addf %add3A_1130, %mul3A_1143 : vector<16xf32>
      %mul3A_1145 = arith.constant 128 : i32
      %mul3A_1146 = arith.muli %add3A, %mul3A_1145 : i32
      %add3A_1147 = arith.constant 80 : i32
      %add3A_1148 = arith.addi %mul3A_1146, %add3A_1147 : i32
      %get3A_1149 = arith.constant 7 : i32
      %get3A_1150 = arith.index_cast %get3A_1149 : i32 to index
      %get3A_1151 = arith.index_cast %add3A_1148 : i32 to index
      %get3A_1152 = tpu.vector_load %arg20[%get3A_1150, %get3A_1151] {strides = array<i32>} : memref<8x4096xf32, #tpu.memory_space<vmem>>, vector<16xf32>,
      %get3A_1153 = arith.constant 7 : i32
      %get3A_1154 = arith.index_cast %get3A_1153 : i32 to index
      %get3A_1155 = arith.constant 80 : index
      %get3A_1156 = tpu.vector_load %arg23[%get3A_1154, %get3A_1155] {strides = array<i32>} : memref<8x128xf32, #tpu.memory_space<vmem>>, vector<16xf32>,
      %mul3A_1157 = arith.mulf %get3A_1152, %get3A_1156 : vector<16xf32>
      %add3A_1158 = arith.addf %add3A_1144, %mul3A_1157 : vector<16xf32>
      %swap3A_1159 = arith.constant 80 : index
      %swap3A_1160 = tpu.vector_load %arg17[%swap3A_1159] {strides = array<i32>} : memref<128xf32, #tpu.memory_space<vmem>>, vector<16xf32>,
      tpu.vector_store %arg17[%swap3A_1159], %add3A_1158 {strides = array<i32>} : memref<128xf32, #tpu.memory_space<vmem>>, vector<16xf32>,
      %get3A_1161 = arith.constant 96 : index
      %get3A_1162 = tpu.vector_load %arg17[%get3A_1161] {strides = array<i32>} : memref<128xf32, #tpu.memory_space<vmem>>, vector<16xf32>,
      %mul3A_1163 = arith.constant 128 : i32
      %mul3A_1164 = arith.muli %add3A, %mul3A_1163 : i32
      %add3A_1165 = arith.constant 96 : i32
      %add3A_1166 = arith.addi %mul3A_1164, %add3A_1165 : i32
      %get3A_1167 = arith.constant 0 : i32
      %get3A_1168 = arith.index_cast %get3A_1167 : i32 to index
      %get3A_1169 = arith.index_cast %add3A_1166 : i32 to index
      %get3A_1170 = tpu.vector_load %arg20[%get3A_1168, %get3A_1169] {strides = array<i32>} : memref<8x4096xf32, #tpu.memory_space<vmem>>, vector<16xf32>,
      %get3A_1171 = arith.constant 0 : i32
      %get3A_1172 = arith.index_cast %get3A_1171 : i32 to index
      %get3A_1173 = arith.constant 96 : index
      %get3A_1174 = tpu.vector_load %arg23[%get3A_1172, %get3A_1173] {strides = array<i32>} : memref<8x128xf32, #tpu.memory_space<vmem>>, vector<16xf32>,
      %mul3A_1175 = arith.mulf %get3A_1170, %get3A_1174 : vector<16xf32>
      %add3A_1176 = arith.addf %get3A_1162, %mul3A_1175 : vector<16xf32>
      %mul3A_1177 = arith.constant 128 : i32
      %mul3A_1178 = arith.muli %add3A, %mul3A_1177 : i32
      %add3A_1179 = arith.constant 96 : i32
      %add3A_1180 = arith.addi %mul3A_1178, %add3A_1179 : i32
      %get3A_1181 = arith.constant 1 : i32
      %get3A_1182 = arith.index_cast %get3A_1181 : i32 to index
      %get3A_1183 = arith.index_cast %add3A_1180 : i32 to index
      %get3A_1184 = tpu.vector_load %arg20[%get3A_1182, %get3A_1183] {strides = array<i32>} : memref<8x4096xf32, #tpu.memory_space<vmem>>, vector<16xf32>,
      %get3A_1185 = arith.constant 1 : i32
      %get3A_1186 = arith.index_cast %get3A_1185 : i32 to index
      %get3A_1187 = arith.constant 96 : index
      %get3A_1188 = tpu.vector_load %arg23[%get3A_1186, %get3A_1187] {strides = array<i32>} : memref<8x128xf32, #tpu.memory_space<vmem>>, vector<16xf32>,
      %mul3A_1189 = arith.mulf %get3A_1184, %get3A_1188 : vector<16xf32>
      %add3A_1190 = arith.addf %add3A_1176, %mul3A_1189 : vector<16xf32>
      %mul3A_1191 = arith.constant 128 : i32
      %mul3A_1192 = arith.muli %add3A, %mul3A_1191 : i32
      %add3A_1193 = arith.constant 96 : i32
      %add3A_1194 = arith.addi %mul3A_1192, %add3A_1193 : i32
      %get3A_1195 = arith.constant 2 : i32
      %get3A_1196 = arith.index_cast %get3A_1195 : i32 to index
      %get3A_1197 = arith.index_cast %add3A_1194 : i32 to index
      %get3A_1198 = tpu.vector_load %arg20[%get3A_1196, %get3A_1197] {strides = array<i32>} : memref<8x4096xf32, #tpu.memory_space<vmem>>, vector<16xf32>,
      %get3A_1199 = arith.constant 2 : i32
      %get3A_1200 = arith.index_cast %get3A_1199 : i32 to index
      %get3A_1201 = arith.constant 96 : index
      %get3A_1202 = tpu.vector_load %arg23[%get3A_1200, %get3A_1201] {strides = array<i32>} : memref<8x128xf32, #tpu.memory_space<vmem>>, vector<16xf32>,
      %mul3A_1203 = arith.mulf %get3A_1198, %get3A_1202 : vector<16xf32>
      %add3A_1204 = arith.addf %add3A_1190, %mul3A_1203 : vector<16xf32>
      %mul3A_1205 = arith.constant 128 : i32
      %mul3A_1206 = arith.muli %add3A, %mul3A_1205 : i32
      %add3A_1207 = arith.constant 96 : i32
      %add3A_1208 = arith.addi %mul3A_1206, %add3A_1207 : i32
      %get3A_1209 = arith.constant 3 : i32
      %get3A_1210 = arith.index_cast %get3A_1209 : i32 to index
      %get3A_1211 = arith.index_cast %add3A_1208 : i32 to index
      %get3A_1212 = tpu.vector_load %arg20[%get3A_1210, %get3A_1211] {strides = array<i32>} : memref<8x4096xf32, #tpu.memory_space<vmem>>, vector<16xf32>,
      %get3A_1213 = arith.constant 3 : i32
      %get3A_1214 = arith.index_cast %get3A_1213 : i32 to index
      %get3A_1215 = arith.constant 96 : index
      %get3A_1216 = tpu.vector_load %arg23[%get3A_1214, %get3A_1215] {strides = array<i32>} : memref<8x128xf32, #tpu.memory_space<vmem>>, vector<16xf32>,
      %mul3A_1217 = arith.mulf %get3A_1212, %get3A_1216 : vector<16xf32>
      %add3A_1218 = arith.addf %add3A_1204, %mul3A_1217 : vector<16xf32>
      %mul3A_1219 = arith.constant 128 : i32
      %mul3A_1220 = arith.muli %add3A, %mul3A_1219 : i32
      %add3A_1221 = arith.constant 96 : i32
      %add3A_1222 = arith.addi %mul3A_1220, %add3A_1221 : i32
      %get3A_1223 = arith.constant 4 : i32
      %get3A_1224 = arith.index_cast %get3A_1223 : i32 to index
      %get3A_1225 = arith.index_cast %add3A_1222 : i32 to index
      %get3A_1226 = tpu.vector_load %arg20[%get3A_1224, %get3A_1225] {strides = array<i32>} : memref<8x4096xf32, #tpu.memory_space<vmem>>, vector<16xf32>,
      %get3A_1227 = arith.constant 4 : i32
      %get3A_1228 = arith.index_cast %get3A_1227 : i32 to index
      %get3A_1229 = arith.constant 96 : index
      %get3A_1230 = tpu.vector_load %arg23[%get3A_1228, %get3A_1229] {strides = array<i32>} : memref<8x128xf32, #tpu.memory_space<vmem>>, vector<16xf32>,
      %mul3A_1231 = arith.mulf %get3A_1226, %get3A_1230 : vector<16xf32>
      %add3A_1232 = arith.addf %add3A_1218, %mul3A_1231 : vector<16xf32>
      %mul3A_1233 = arith.constant 128 : i32
      %mul3A_1234 = arith.muli %add3A, %mul3A_1233 : i32
      %add3A_1235 = arith.constant 96 : i32
      %add3A_1236 = arith.addi %mul3A_1234, %add3A_1235 : i32
      %get3A_1237 = arith.constant 5 : i32
      %get3A_1238 = arith.index_cast %get3A_1237 : i32 to index
      %get3A_1239 = arith.index_cast %add3A_1236 : i32 to index
      %get3A_1240 = tpu.vector_load %arg20[%get3A_1238, %get3A_1239] {strides = array<i32>} : memref<8x4096xf32, #tpu.memory_space<vmem>>, vector<16xf32>,
      %get3A_1241 = arith.constant 5 : i32
      %get3A_1242 = arith.index_cast %get3A_1241 : i32 to index
      %get3A_1243 = arith.constant 96 : index
      %get3A_1244 = tpu.vector_load %arg23[%get3A_1242, %get3A_1243] {strides = array<i32>} : memref<8x128xf32, #tpu.memory_space<vmem>>, vector<16xf32>,
      %mul3A_1245 = arith.mulf %get3A_1240, %get3A_1244 : vector<16xf32>
      %add3A_1246 = arith.addf %add3A_1232, %mul3A_1245 : vector<16xf32>
      %mul3A_1247 = arith.constant 128 : i32
      %mul3A_1248 = arith.muli %add3A, %mul3A_1247 : i32
      %add3A_1249 = arith.constant 96 : i32
      %add3A_1250 = arith.addi %mul3A_1248, %add3A_1249 : i32
      %get3A_1251 = arith.constant 6 : i32
      %get3A_1252 = arith.index_cast %get3A_1251 : i32 to index
      %get3A_1253 = arith.index_cast %add3A_1250 : i32 to index
      %get3A_1254 = tpu.vector_load %arg20[%get3A_1252, %get3A_1253] {strides = array<i32>} : memref<8x4096xf32, #tpu.memory_space<vmem>>, vector<16xf32>,
      %get3A_1255 = arith.constant 6 : i32
      %get3A_1256 = arith.index_cast %get3A_1255 : i32 to index
      %get3A_1257 = arith.constant 96 : index
      %get3A_1258 = tpu.vector_load %arg23[%get3A_1256, %get3A_1257] {strides = array<i32>} : memref<8x128xf32, #tpu.memory_space<vmem>>, vector<16xf32>,
      %mul3A_1259 = arith.mulf %get3A_1254, %get3A_1258 : vector<16xf32>
      %add3A_1260 = arith.addf %add3A_1246, %mul3A_1259 : vector<16xf32>
      %mul3A_1261 = arith.constant 128 : i32
      %mul3A_1262 = arith.muli %add3A, %mul3A_1261 : i32
      %add3A_1263 = arith.constant 96 : i32
      %add3A_1264 = arith.addi %mul3A_1262, %add3A_1263 : i32
      %get3A_1265 = arith.constant 7 : i32
      %get3A_1266 = arith.index_cast %get3A_1265 : i32 to index
      %get3A_1267 = arith.index_cast %add3A_1264 : i32 to index
      %get3A_1268 = tpu.vector_load %arg20[%get3A_1266, %get3A_1267] {strides = array<i32>} : memref<8x4096xf32, #tpu.memory_space<vmem>>, vector<16xf32>,
      %get3A_1269 = arith.constant 7 : i32
      %get3A_1270 = arith.index_cast %get3A_1269 : i32 to index
      %get3A_1271 = arith.constant 96 : index
      %get3A_1272 = tpu.vector_load %arg23[%get3A_1270, %get3A_1271] {strides = array<i32>} : memref<8x128xf32, #tpu.memory_space<vmem>>, vector<16xf32>,
      %mul3A_1273 = arith.mulf %get3A_1268, %get3A_1272 : vector<16xf32>
      %add3A_1274 = arith.addf %add3A_1260, %mul3A_1273 : vector<16xf32>
      %swap3A_1275 = arith.constant 96 : index
      %swap3A_1276 = tpu.vector_load %arg17[%swap3A_1275] {strides = array<i32>} : memref<128xf32, #tpu.memory_space<vmem>>, vector<16xf32>,
      tpu.vector_store %arg17[%swap3A_1275], %add3A_1274 {strides = array<i32>} : memref<128xf32, #tpu.memory_space<vmem>>, vector<16xf32>,
      %get3A_1277 = arith.constant 112 : index
      %get3A_1278 = tpu.vector_load %arg17[%get3A_1277] {strides = array<i32>} : memref<128xf32, #tpu.memory_space<vmem>>, vector<16xf32>,
      %mul3A_1279 = arith.constant 128 : i32
      %mul3A_1280 = arith.muli %add3A, %mul3A_1279 : i32
      %add3A_1281 = arith.constant 112 : i32
      %add3A_1282 = arith.addi %mul3A_1280, %add3A_1281 : i32
      %get3A_1283 = arith.constant 0 : i32
      %get3A_1284 = arith.index_cast %get3A_1283 : i32 to index
      %get3A_1285 = arith.index_cast %add3A_1282 : i32 to index
      %get3A_1286 = tpu.vector_load %arg20[%get3A_1284, %get3A_1285] {strides = array<i32>} : memref<8x4096xf32, #tpu.memory_space<vmem>>, vector<16xf32>,
      %get3A_1287 = arith.constant 0 : i32
      %get3A_1288 = arith.index_cast %get3A_1287 : i32 to index
      %get3A_1289 = arith.constant 112 : index
      %get3A_1290 = tpu.vector_load %arg23[%get3A_1288, %get3A_1289] {strides = array<i32>} : memref<8x128xf32, #tpu.memory_space<vmem>>, vector<16xf32>,
      %mul3A_1291 = arith.mulf %get3A_1286, %get3A_1290 : vector<16xf32>
      %add3A_1292 = arith.addf %get3A_1278, %mul3A_1291 : vector<16xf32>
      %mul3A_1293 = arith.constant 128 : i32
      %mul3A_1294 = arith.muli %add3A, %mul3A_1293 : i32
      %add3A_1295 = arith.constant 112 : i32
      %add3A_1296 = arith.addi %mul3A_1294, %add3A_1295 : i32
      %get3A_1297 = arith.constant 1 : i32
      %get3A_1298 = arith.index_cast %get3A_1297 : i32 to index
      %get3A_1299 = arith.index_cast %add3A_1296 : i32 to index
      %get3A_1300 = tpu.vector_load %arg20[%get3A_1298, %get3A_1299] {strides = array<i32>} : memref<8x4096xf32, #tpu.memory_space<vmem>>, vector<16xf32>,
      %get3A_1301 = arith.constant 1 : i32
      %get3A_1302 = arith.index_cast %get3A_1301 : i32 to index
      %get3A_1303 = arith.constant 112 : index
      %get3A_1304 = tpu.vector_load %arg23[%get3A_1302, %get3A_1303] {strides = array<i32>} : memref<8x128xf32, #tpu.memory_space<vmem>>, vector<16xf32>,
      %mul3A_1305 = arith.mulf %get3A_1300, %get3A_1304 : vector<16xf32>
      %add3A_1306 = arith.addf %add3A_1292, %mul3A_1305 : vector<16xf32>
      %mul3A_1307 = arith.constant 128 : i32
      %mul3A_1308 = arith.muli %add3A, %mul3A_1307 : i32
      %add3A_1309 = arith.constant 112 : i32
      %add3A_1310 = arith.addi %mul3A_1308, %add3A_1309 : i32
      %get3A_1311 = arith.constant 2 : i32
      %get3A_1312 = arith.index_cast %get3A_1311 : i32 to index
      %get3A_1313 = arith.index_cast %add3A_1310 : i32 to index
      %get3A_1314 = tpu.vector_load %arg20[%get3A_1312, %get3A_1313] {strides = array<i32>} : memref<8x4096xf32, #tpu.memory_space<vmem>>, vector<16xf32>,
      %get3A_1315 = arith.constant 2 : i32
      %get3A_1316 = arith.index_cast %get3A_1315 : i32 to index
      %get3A_1317 = arith.constant 112 : index
      %get3A_1318 = tpu.vector_load %arg23[%get3A_1316, %get3A_1317] {strides = array<i32>} : memref<8x128xf32, #tpu.memory_space<vmem>>, vector<16xf32>,
      %mul3A_1319 = arith.mulf %get3A_1314, %get3A_1318 : vector<16xf32>
      %add3A_1320 = arith.addf %add3A_1306, %mul3A_1319 : vector<16xf32>
      %mul3A_1321 = arith.constant 128 : i32
      %mul3A_1322 = arith.muli %add3A, %mul3A_1321 : i32
      %add3A_1323 = arith.constant 112 : i32
      %add3A_1324 = arith.addi %mul3A_1322, %add3A_1323 : i32
      %get3A_1325 = arith.constant 3 : i32
      %get3A_1326 = arith.index_cast %get3A_1325 : i32 to index
      %get3A_1327 = arith.index_cast %add3A_1324 : i32 to index
      %get3A_1328 = tpu.vector_load %arg20[%get3A_1326, %get3A_1327] {strides = array<i32>} : memref<8x4096xf32, #tpu.memory_space<vmem>>, vector<16xf32>,
      %get3A_1329 = arith.constant 3 : i32
      %get3A_1330 = arith.index_cast %get3A_1329 : i32 to index
      %get3A_1331 = arith.constant 112 : index
      %get3A_1332 = tpu.vector_load %arg23[%get3A_1330, %get3A_1331] {strides = array<i32>} : memref<8x128xf32, #tpu.memory_space<vmem>>, vector<16xf32>,
      %mul3A_1333 = arith.mulf %get3A_1328, %get3A_1332 : vector<16xf32>
      %add3A_1334 = arith.addf %add3A_1320, %mul3A_1333 : vector<16xf32>
      %mul3A_1335 = arith.constant 128 : i32
      %mul3A_1336 = arith.muli %add3A, %mul3A_1335 : i32
      %add3A_1337 = arith.constant 112 : i32
      %add3A_1338 = arith.addi %mul3A_1336, %add3A_1337 : i32
      %get3A_1339 = arith.constant 4 : i32
      %get3A_1340 = arith.index_cast %get3A_1339 : i32 to index
      %get3A_1341 = arith.index_cast %add3A_1338 : i32 to index
      %get3A_1342 = tpu.vector_load %arg20[%get3A_1340, %get3A_1341] {strides = array<i32>} : memref<8x4096xf32, #tpu.memory_space<vmem>>, vector<16xf32>,
      %get3A_1343 = arith.constant 4 : i32
      %get3A_1344 = arith.index_cast %get3A_1343 : i32 to index
      %get3A_1345 = arith.constant 112 : index
      %get3A_1346 = tpu.vector_load %arg23[%get3A_1344, %get3A_1345] {strides = array<i32>} : memref<8x128xf32, #tpu.memory_space<vmem>>, vector<16xf32>,
      %mul3A_1347 = arith.mulf %get3A_1342, %get3A_1346 : vector<16xf32>
      %add3A_1348 = arith.addf %add3A_1334, %mul3A_1347 : vector<16xf32>
      %mul3A_1349 = arith.constant 128 : i32
      %mul3A_1350 = arith.muli %add3A, %mul3A_1349 : i32
      %add3A_1351 = arith.constant 112 : i32
      %add3A_1352 = arith.addi %mul3A_1350, %add3A_1351 : i32
      %get3A_1353 = arith.constant 5 : i32
      %get3A_1354 = arith.index_cast %get3A_1353 : i32 to index
      %get3A_1355 = arith.index_cast %add3A_1352 : i32 to index
      %get3A_1356 = tpu.vector_load %arg20[%get3A_1354, %get3A_1355] {strides = array<i32>} : memref<8x4096xf32, #tpu.memory_space<vmem>>, vector<16xf32>,
      %get3A_1357 = arith.constant 5 : i32
      %get3A_1358 = arith.index_cast %get3A_1357 : i32 to index
      %get3A_1359 = arith.constant 112 : index
      %get3A_1360 = tpu.vector_load %arg23[%get3A_1358, %get3A_1359] {strides = array<i32>} : memref<8x128xf32, #tpu.memory_space<vmem>>, vector<16xf32>,
      %mul3A_1361 = arith.mulf %get3A_1356, %get3A_1360 : vector<16xf32>
      %add3A_1362 = arith.addf %add3A_1348, %mul3A_1361 : vector<16xf32>
      %mul3A_1363 = arith.constant 128 : i32
      %mul3A_1364 = arith.muli %add3A, %mul3A_1363 : i32
      %add3A_1365 = arith.constant 112 : i32
      %add3A_1366 = arith.addi %mul3A_1364, %add3A_1365 : i32
      %get3A_1367 = arith.constant 6 : i32
      %get3A_1368 = arith.index_cast %get3A_1367 : i32 to index
      %get3A_1369 = arith.index_cast %add3A_1366 : i32 to index
      %get3A_1370 = tpu.vector_load %arg20[%get3A_1368, %get3A_1369] {strides = array<i32>} : memref<8x4096xf32, #tpu.memory_space<vmem>>, vector<16xf32>,
      %get3A_1371 = arith.constant 6 : i32
      %get3A_1372 = arith.index_cast %get3A_1371 : i32 to index
      %get3A_1373 = arith.constant 112 : index
      %get3A_1374 = tpu.vector_load %arg23[%get3A_1372, %get3A_1373] {strides = array<i32>} : memref<8x128xf32, #tpu.memory_space<vmem>>, vector<16xf32>,
      %mul3A_1375 = arith.mulf %get3A_1370, %get3A_1374 : vector<16xf32>
      %add3A_1376 = arith.addf %add3A_1362, %mul3A_1375 : vector<16xf32>
      %mul3A_1377 = arith.constant 128 : i32
      %mul3A_1378 = arith.muli %add3A, %mul3A_1377 : i32
      %add3A_1379 = arith.constant 112 : i32
      %add3A_1380 = arith.addi %mul3A_1378, %add3A_1379 : i32
      %get3A_1381 = arith.constant 7 : i32
      %get3A_1382 = arith.index_cast %get3A_1381 : i32 to index
      %get3A_1383 = arith.index_cast %add3A_1380 : i32 to index
      %get3A_1384 = tpu.vector_load %arg20[%get3A_1382, %get3A_1383] {strides = array<i32>} : memref<8x4096xf32, #tpu.memory_space<vmem>>, vector<16xf32>,
      %get3A_1385 = arith.constant 7 : i32
      %get3A_1386 = arith.index_cast %get3A_1385 : i32 to index
      %get3A_1387 = arith.constant 112 : index
      %get3A_1388 = tpu.vector_load %arg23[%get3A_1386, %get3A_1387] {strides = array<i32>} : memref<8x128xf32, #tpu.memory_space<vmem>>, vector<16xf32>,
      %mul3A_1389 = arith.mulf %get3A_1384, %get3A_1388 : vector<16xf32>
      %add3A_1390 = arith.addf %add3A_1376, %mul3A_1389 : vector<16xf32>
      %swap3A_1391 = arith.constant 112 : index
      %swap3A_1392 = tpu.vector_load %arg17[%swap3A_1391] {strides = array<i32>} : memref<128xf32, #tpu.memory_space<vmem>>, vector<16xf32>,
      tpu.vector_store %arg17[%swap3A_1391], %add3A_1390 {strides = array<i32>} : memref<128xf32, #tpu.memory_space<vmem>>, vector<16xf32>,
      %scan3A_1393 = arith.constant 0 : i32
      %scan3A_1394 = arith.constant 0 : i32
      %scan3A_1395 = arith.constant 8 : i32
      %scan3A_1396 = arith.addi %scan3A_1394, %scan3A_1395 : i32
      %scan3A_1397 = arith.constant 1 : i32
      %scan3A_1398 = scf.for %scan3A_2357 = %scan3A_1394 to %scan3A_1396 step %scan3A_1397 iter_args(%scan3A_2358 = %scan3A_1393) -> (i32)  : i32 {
        %mul3A_2359 = arith.constant 2 : i32
        %mul3A_2360 = arith.muli %scan3A_2357, %mul3A_2359 : i32
        %add3A_2361 = arith.constant 0 : i32
        %add3A_2362 = arith.addi %mul3A_2360, %add3A_2361 : i32
        %add3A_2363 = arith.constant 1 : i32
        %add3A_2364 = arith.addi %add3A_2362, %add3A_2363 : i32
        %mul3A_2365 = arith.constant 16 : i32
        %mul3A_2366 = arith.muli %add3A_2364, %mul3A_2365 : i32
        %get3A_2367 = arith.index_cast %mul3A_2366 : i32 to index
        %get3A_2368 = tpu.vector_load %arg15[%get3A_2367] {strides = array<i32>} : memref<272xi32, #tpu.memory_space<vmem>>, vector<16xi32>,
        %reduce_max3A_2369 = arith.constant true
        %reduce_max3A_2370 = vector.broadcast %reduce_max3A_2369 : i1 to vector<16xi1>
        %reduce_max3A_2371 = arith.constant -2147483648 : i32
        %reduce_max3A_2372 = vector.broadcast %reduce_max3A_2371 : i32 to vector<16xi32>
        %reduce_max3A_2373 = arith.xori %get3A_2368, %reduce_max3A_2372 : vector<16xi32>
        %reduce_max3A_2374 = tpu.scan <max>, %reduce_max3A_2373 masked %reduce_max3A_2370 : vector<16xi32>, vector<16xi1> -> vector<16xi32>
        %reduce_max3A_2375 = arith.xori %reduce_max3A_2374, %reduce_max3A_2372 : vector<16xi32>
        %reduce_max3A_2376 = vector.extract %reduce_max3A_2375[15] : i32 from vector<16xi32>
        %mul3A_2377 = arith.constant 16 : i32
        %mul3A_2378 = arith.muli %add3A_2362, %mul3A_2377 : i32
        %get3A_2379 = arith.index_cast %mul3A_2378 : i32 to index
        %get3A_2380 = tpu.vector_load %arg15[%get3A_2379] {strides = array<i32>} : memref<272xi32, #tpu.memory_space<vmem>>, vector<16xi32>,
        %reduce_max3A_2381 = arith.constant true
        %reduce_max3A_2382 = vector.broadcast %reduce_max3A_2381 : i1 to vector<16xi1>
        %reduce_max3A_2383 = arith.constant -2147483648 : i32
        %reduce_max3A_2384 = vector.broadcast %reduce_max3A_2383 : i32 to vector<16xi32>
        %reduce_max3A_2385 = arith.xori %get3A_2380, %reduce_max3A_2384 : vector<16xi32>
        %reduce_max3A_2386 = tpu.scan <max>, %reduce_max3A_2385 masked %reduce_max3A_2382 : vector<16xi32>, vector<16xi1> -> vector<16xi32>
        %reduce_max3A_2387 = arith.xori %reduce_max3A_2386, %reduce_max3A_2384 : vector<16xi32>
        %reduce_max3A_2388 = vector.extract %reduce_max3A_2387[15] : i32 from vector<16xi32>
        %gt3A_2389 = arith.cmpi sgt, %reduce_max3A_2376, %reduce_max3A_2388 : i32
        %convert_element_type3A_2390 = arith.extui %gt3A_2389 : i1 to i32
        %cond3A_2391 = arith.constant 0 : i32
        %cond3A_2392 = arith.cmpi ne, %convert_element_type3A_2390, %cond3A_2391 : i32
        scf.if %cond3A_2392 {
          %dma_wait3A_2521 = arith.constant 0 : i32
          %dma_wait3A_2522 = arith.constant 0 : i32
          %dma_wait3A_2523 = tpu.memref_slice %arg7[%dma_wait3A_2521, %dma_wait3A_2522] : memref<64x1000000xf32, #tpu.memory_space<hbm>> -> memref<8x2048xf32, #tpu.memory_space<hbm>>
          %dma_wait3A_2524 = arith.constant 0 : i32
          %dma_wait3A_2525 = arith.constant 0 : i32
          %dma_wait3A_2526 = tpu.memref_slice %arg7[%dma_wait3A_2524, %dma_wait3A_2525] : memref<64x1000000xf32, #tpu.memory_space<hbm>> -> memref<8x2048xf32, #tpu.memory_space<hbm>>
          tpu.wait_dma2 semaphore(%arg25 : memref<!tpu.dma_semaphore, #tpu.memory_space<semaphore_mem>>) src(%dma_wait3A_2526 : memref<8x2048xf32, #tpu.memory_space<hbm>>) dst(%arg18 : memref<8x2048xf32, #tpu.memory_space<vmem>>)
        } else {
        }
        %mul3A_2393 = arith.constant 16 : i32
        %mul3A_2394 = arith.muli %add3A_2362, %mul3A_2393 : i32
        %get3A_2395 = arith.index_cast %mul3A_2394 : i32 to index
        %get3A_2396 = tpu.vector_load %arg15[%get3A_2395] {strides = array<i32>} : memref<272xi32, #tpu.memory_space<vmem>>, vector<16xi32>,
        %reduce_max3A_2397 = arith.constant true
        %reduce_max3A_2398 = vector.broadcast %reduce_max3A_2397 : i1 to vector<16xi1>
        %reduce_max3A_2399 = arith.constant -2147483648 : i32
        %reduce_max3A_2400 = vector.broadcast %reduce_max3A_2399 : i32 to vector<16xi32>
        %reduce_max3A_2401 = arith.xori %get3A_2396, %reduce_max3A_2400 : vector<16xi32>
        %reduce_max3A_2402 = tpu.scan <max>, %reduce_max3A_2401 masked %reduce_max3A_2398 : vector<16xi32>, vector<16xi1> -> vector<16xi32>
        %reduce_max3A_2403 = arith.xori %reduce_max3A_2402, %reduce_max3A_2400 : vector<16xi32>
        %reduce_max3A_2404 = vector.extract %reduce_max3A_2403[15] : i32 from vector<16xi32>
        %add3A_2405 = arith.constant 1 : i32
        %add3A_2406 = arith.addi %add3A_2362, %add3A_2405 : i32
        %mul3A_2407 = arith.constant 16 : i32
        %mul3A_2408 = arith.muli %add3A_2406, %mul3A_2407 : i32
        %get3A_2409 = arith.index_cast %mul3A_2408 : i32 to index
        %get3A_2410 = tpu.vector_load %arg15[%get3A_2409] {strides = array<i32>} : memref<272xi32, #tpu.memory_space<vmem>>, vector<16xi32>,
        %reduce_max3A_2411 = arith.constant true
        %reduce_max3A_2412 = vector.broadcast %reduce_max3A_2411 : i1 to vector<16xi1>
        %reduce_max3A_2413 = arith.constant -2147483648 : i32
        %reduce_max3A_2414 = vector.broadcast %reduce_max3A_2413 : i32 to vector<16xi32>
        %reduce_max3A_2415 = arith.xori %get3A_2410, %reduce_max3A_2414 : vector<16xi32>
        %reduce_max3A_2416 = tpu.scan <max>, %reduce_max3A_2415 masked %reduce_max3A_2412 : vector<16xi32>, vector<16xi1> -> vector<16xi32>
        %reduce_max3A_2417 = arith.xori %reduce_max3A_2416, %reduce_max3A_2414 : vector<16xi32>
        %reduce_max3A_2418 = vector.extract %reduce_max3A_2417[15] : i32 from vector<16xi32>
        %while3A = arith.constant 0 : i32
        %while3A_2419 = arith.subi %reduce_max3A_2418, %reduce_max3A_2404 : i32
        %while3A_2420 = arith.addi %reduce_max3A_2404, %while3A_2419 : i32
        %while3A_2421 = arith.constant 1 : i32
        %while3A_2422 = arith.divsi %while3A_2419, %while3A_2421 : i32
        %while3A_2423 = arith.muli %while3A_2422, %while3A_2421 : i32
        %while3A_2424 = arith.addi %reduce_max3A_2404, %while3A_2423 : i32
        %while3A_2425 = arith.constant 1 : i32
        %while3A_2426 = scf.for %while3A_2521 = %reduce_max3A_2404 to %while3A_2424 step %while3A_2425 iter_args(%while3A_2522 = %while3A) -> (i32)  : i32 {
          %mul3A_2523 = arith.constant 16 : i32
          %mul3A_2524 = arith.muli %while3A_2521, %mul3A_2523 : i32
          %get3A_2525 = arith.index_cast %mul3A_2524 : i32 to index
          %get3A_2526 = tpu.vector_load %arg11[%get3A_2525] {strides = array<i32>} : memref<2720xi32, #tpu.memory_space<vmem>>, vector<16xi32>,
          %get3A_2527 = arith.index_cast %mul3A_2524 : i32 to index
          %get3A_2528 = tpu.vector_load %arg12[%get3A_2527] {strides = array<i32>} : memref<2720xi32, #tpu.memory_space<vmem>>, vector<16xi32>,
          %get3A_2529 = arith.index_cast %mul3A_2524 : i32 to index
          %get3A_2530 = tpu.vector_load %arg16[%get3A_2529] {strides = array<i32>} : memref<2720xf32, #tpu.memory_space<vmem>>, vector<16xf32>,
          %gather3A = tpu.vector_load_idx %arg18[%broadcast_in_dim3A_104, %get3A_2526] : memref<8x2048xf32, #tpu.memory_space<vmem>>[vector<16xi32>, vector<16xi32>], vector<16xf32>,
          %gather3A_2531 = tpu.vector_load_idx %arg20[%broadcast_in_dim3A_104, %get3A_2528] : memref<8x4096xf32, #tpu.memory_space<vmem>>[vector<16xi32>, vector<16xi32>], vector<16xf32>,
          %mul3A_2532 = arith.mulf %gather3A, %gather3A_2531 : vector<16xf32>
          %add3A_2533 = arith.addf %get3A_2530, %mul3A_2532 : vector<16xf32>
          %gather3A_2534 = tpu.vector_load_idx %arg18[%broadcast_in_dim3A_106, %get3A_2526] : memref<8x2048xf32, #tpu.memory_space<vmem>>[vector<16xi32>, vector<16xi32>], vector<16xf32>,
          %gather3A_2535 = tpu.vector_load_idx %arg20[%broadcast_in_dim3A_106, %get3A_2528] : memref<8x4096xf32, #tpu.memory_space<vmem>>[vector<16xi32>, vector<16xi32>], vector<16xf32>,
          %mul3A_2536 = arith.mulf %gather3A_2534, %gather3A_2535 : vector<16xf32>
          %add3A_2537 = arith.addf %add3A_2533, %mul3A_2536 : vector<16xf32>
          %gather3A_2538 = tpu.vector_load_idx %arg18[%broadcast_in_dim3A_108, %get3A_2526] : memref<8x2048xf32, #tpu.memory_space<vmem>>[vector<16xi32>, vector<16xi32>], vector<16xf32>,
          %gather3A_2539 = tpu.vector_load_idx %arg20[%broadcast_in_dim3A_108, %get3A_2528] : memref<8x4096xf32, #tpu.memory_space<vmem>>[vector<16xi32>, vector<16xi32>], vector<16xf32>,
          %mul3A_2540 = arith.mulf %gather3A_2538, %gather3A_2539 : vector<16xf32>
          %add3A_2541 = arith.addf %add3A_2537, %mul3A_2540 : vector<16xf32>
          %gather3A_2542 = tpu.vector_load_idx %arg18[%broadcast_in_dim3A_110, %get3A_2526] : memref<8x2048xf32, #tpu.memory_space<vmem>>[vector<16xi32>, vector<16xi32>], vector<16xf32>,
          %gather3A_2543 = tpu.vector_load_idx %arg20[%broadcast_in_dim3A_110, %get3A_2528] : memref<8x4096xf32, #tpu.memory_space<vmem>>[vector<16xi32>, vector<16xi32>], vector<16xf32>,
          %mul3A_2544 = arith.mulf %gather3A_2542, %gather3A_2543 : vector<16xf32>
          %add3A_2545 = arith.addf %add3A_2541, %mul3A_2544 : vector<16xf32>
          %gather3A_2546 = tpu.vector_load_idx %arg18[%broadcast_in_dim3A_112, %get3A_2526] : memref<8x2048xf32, #tpu.memory_space<vmem>>[vector<16xi32>, vector<16xi32>], vector<16xf32>,
          %gather3A_2547 = tpu.vector_load_idx %arg20[%broadcast_in_dim3A_112, %get3A_2528] : memref<8x4096xf32, #tpu.memory_space<vmem>>[vector<16xi32>, vector<16xi32>], vector<16xf32>,
          %mul3A_2548 = arith.mulf %gather3A_2546, %gather3A_2547 : vector<16xf32>
          %add3A_2549 = arith.addf %add3A_2545, %mul3A_2548 : vector<16xf32>
          %gather3A_2550 = tpu.vector_load_idx %arg18[%broadcast_in_dim3A_114, %get3A_2526] : memref<8x2048xf32, #tpu.memory_space<vmem>>[vector<16xi32>, vector<16xi32>], vector<16xf32>,
          %gather3A_2551 = tpu.vector_load_idx %arg20[%broadcast_in_dim3A_114, %get3A_2528] : memref<8x4096xf32, #tpu.memory_space<vmem>>[vector<16xi32>, vector<16xi32>], vector<16xf32>,
          %mul3A_2552 = arith.mulf %gather3A_2550, %gather3A_2551 : vector<16xf32>
          %add3A_2553 = arith.addf %add3A_2549, %mul3A_2552 : vector<16xf32>
          %gather3A_2554 = tpu.vector_load_idx %arg18[%broadcast_in_dim3A_116, %get3A_2526] : memref<8x2048xf32, #tpu.memory_space<vmem>>[vector<16xi32>, vector<16xi32>], vector<16xf32>,
          %gather3A_2555 = tpu.vector_load_idx %arg20[%broadcast_in_dim3A_116, %get3A_2528] : memref<8x4096xf32, #tpu.memory_space<vmem>>[vector<16xi32>, vector<16xi32>], vector<16xf32>,
          %mul3A_2556 = arith.mulf %gather3A_2554, %gather3A_2555 : vector<16xf32>
          %add3A_2557 = arith.addf %add3A_2553, %mul3A_2556 : vector<16xf32>
          %gather3A_2558 = tpu.vector_load_idx %arg18[%broadcast_in_dim3A_118, %get3A_2526] : memref<8x2048xf32, #tpu.memory_space<vmem>>[vector<16xi32>, vector<16xi32>], vector<16xf32>,
          %gather3A_2559 = tpu.vector_load_idx %arg20[%broadcast_in_dim3A_118, %get3A_2528] : memref<8x4096xf32, #tpu.memory_space<vmem>>[vector<16xi32>, vector<16xi32>], vector<16xf32>,
          %mul3A_2560 = arith.mulf %gather3A_2558, %gather3A_2559 : vector<16xf32>
          %add3A_2561 = arith.addf %add3A_2557, %mul3A_2560 : vector<16xf32>
          %swap3A_2562 = arith.index_cast %mul3A_2524 : i32 to index
          %swap3A_2563 = tpu.vector_load %arg16[%swap3A_2562] {strides = array<i32>} : memref<2720xf32, #tpu.memory_space<vmem>>, vector<16xf32>,
          tpu.vector_store %arg16[%swap3A_2562], %add3A_2561 {strides = array<i32>} : memref<2720xf32, #tpu.memory_space<vmem>>, vector<16xf32>,
          %while3A_2564 = arith.constant 0 : i32
          scf.yield %while3A_2564 : i32
        }
        %while3A_2427 = arith.constant 1 : i32
        %while3A_2428 = scf.for %while3A_2521 = %while3A_2424 to %while3A_2420 step %while3A_2427 iter_args(%while3A_2522 = %while3A_2426) -> (i32)  : i32 {
          %mul3A_2523 = arith.constant 16 : i32
          %mul3A_2524 = arith.muli %while3A_2521, %mul3A_2523 : i32
          %get3A_2525 = arith.index_cast %mul3A_2524 : i32 to index
          %get3A_2526 = tpu.vector_load %arg11[%get3A_2525] {strides = array<i32>} : memref<2720xi32, #tpu.memory_space<vmem>>, vector<16xi32>,
          %get3A_2527 = arith.index_cast %mul3A_2524 : i32 to index
          %get3A_2528 = tpu.vector_load %arg12[%get3A_2527] {strides = array<i32>} : memref<2720xi32, #tpu.memory_space<vmem>>, vector<16xi32>,
          %get3A_2529 = arith.index_cast %mul3A_2524 : i32 to index
          %get3A_2530 = tpu.vector_load %arg16[%get3A_2529] {strides = array<i32>} : memref<2720xf32, #tpu.memory_space<vmem>>, vector<16xf32>,
          %gather3A = tpu.vector_load_idx %arg18[%broadcast_in_dim3A_104, %get3A_2526] : memref<8x2048xf32, #tpu.memory_space<vmem>>[vector<16xi32>, vector<16xi32>], vector<16xf32>,
          %gather3A_2531 = tpu.vector_load_idx %arg20[%broadcast_in_dim3A_104, %get3A_2528] : memref<8x4096xf32, #tpu.memory_space<vmem>>[vector<16xi32>, vector<16xi32>], vector<16xf32>,
          %mul3A_2532 = arith.mulf %gather3A, %gather3A_2531 : vector<16xf32>
          %add3A_2533 = arith.addf %get3A_2530, %mul3A_2532 : vector<16xf32>
          %gather3A_2534 = tpu.vector_load_idx %arg18[%broadcast_in_dim3A_106, %get3A_2526] : memref<8x2048xf32, #tpu.memory_space<vmem>>[vector<16xi32>, vector<16xi32>], vector<16xf32>,
          %gather3A_2535 = tpu.vector_load_idx %arg20[%broadcast_in_dim3A_106, %get3A_2528] : memref<8x4096xf32, #tpu.memory_space<vmem>>[vector<16xi32>, vector<16xi32>], vector<16xf32>,
          %mul3A_2536 = arith.mulf %gather3A_2534, %gather3A_2535 : vector<16xf32>
          %add3A_2537 = arith.addf %add3A_2533, %mul3A_2536 : vector<16xf32>
          %gather3A_2538 = tpu.vector_load_idx %arg18[%broadcast_in_dim3A_108, %get3A_2526] : memref<8x2048xf32, #tpu.memory_space<vmem>>[vector<16xi32>, vector<16xi32>], vector<16xf32>,
          %gather3A_2539 = tpu.vector_load_idx %arg20[%broadcast_in_dim3A_108, %get3A_2528] : memref<8x4096xf32, #tpu.memory_space<vmem>>[vector<16xi32>, vector<16xi32>], vector<16xf32>,
          %mul3A_2540 = arith.mulf %gather3A_2538, %gather3A_2539 : vector<16xf32>
          %add3A_2541 = arith.addf %add3A_2537, %mul3A_2540 : vector<16xf32>
          %gather3A_2542 = tpu.vector_load_idx %arg18[%broadcast_in_dim3A_110, %get3A_2526] : memref<8x2048xf32, #tpu.memory_space<vmem>>[vector<16xi32>, vector<16xi32>], vector<16xf32>,
          %gather3A_2543 = tpu.vector_load_idx %arg20[%broadcast_in_dim3A_110, %get3A_2528] : memref<8x4096xf32, #tpu.memory_space<vmem>>[vector<16xi32>, vector<16xi32>], vector<16xf32>,
          %mul3A_2544 = arith.mulf %gather3A_2542, %gather3A_2543 : vector<16xf32>
          %add3A_2545 = arith.addf %add3A_2541, %mul3A_2544 : vector<16xf32>
          %gather3A_2546 = tpu.vector_load_idx %arg18[%broadcast_in_dim3A_112, %get3A_2526] : memref<8x2048xf32, #tpu.memory_space<vmem>>[vector<16xi32>, vector<16xi32>], vector<16xf32>,
          %gather3A_2547 = tpu.vector_load_idx %arg20[%broadcast_in_dim3A_112, %get3A_2528] : memref<8x4096xf32, #tpu.memory_space<vmem>>[vector<16xi32>, vector<16xi32>], vector<16xf32>,
          %mul3A_2548 = arith.mulf %gather3A_2546, %gather3A_2547 : vector<16xf32>
          %add3A_2549 = arith.addf %add3A_2545, %mul3A_2548 : vector<16xf32>
          %gather3A_2550 = tpu.vector_load_idx %arg18[%broadcast_in_dim3A_114, %get3A_2526] : memref<8x2048xf32, #tpu.memory_space<vmem>>[vector<16xi32>, vector<16xi32>], vector<16xf32>,
          %gather3A_2551 = tpu.vector_load_idx %arg20[%broadcast_in_dim3A_114, %get3A_2528] : memref<8x4096xf32, #tpu.memory_space<vmem>>[vector<16xi32>, vector<16xi32>], vector<16xf32>,
          %mul3A_2552 = arith.mulf %gather3A_2550, %gather3A_2551 : vector<16xf32>
          %add3A_2553 = arith.addf %add3A_2549, %mul3A_2552 : vector<16xf32>
          %gather3A_2554 = tpu.vector_load_idx %arg18[%broadcast_in_dim3A_116, %get3A_2526] : memref<8x2048xf32, #tpu.memory_space<vmem>>[vector<16xi32>, vector<16xi32>], vector<16xf32>,
          %gather3A_2555 = tpu.vector_load_idx %arg20[%broadcast_in_dim3A_116, %get3A_2528] : memref<8x4096xf32, #tpu.memory_space<vmem>>[vector<16xi32>, vector<16xi32>], vector<16xf32>,
          %mul3A_2556 = arith.mulf %gather3A_2554, %gather3A_2555 : vector<16xf32>
          %add3A_2557 = arith.addf %add3A_2553, %mul3A_2556 : vector<16xf32>
          %gather3A_2558 = tpu.vector_load_idx %arg18[%broadcast_in_dim3A_118, %get3A_2526] : memref<8x2048xf32, #tpu.memory_space<vmem>>[vector<16xi32>, vector<16xi32>], vector<16xf32>,
          %gather3A_2559 = tpu.vector_load_idx %arg20[%broadcast_in_dim3A_118, %get3A_2528] : memref<8x4096xf32, #tpu.memory_space<vmem>>[vector<16xi32>, vector<16xi32>], vector<16xf32>,
          %mul3A_2560 = arith.mulf %gather3A_2558, %gather3A_2559 : vector<16xf32>
          %add3A_2561 = arith.addf %add3A_2557, %mul3A_2560 : vector<16xf32>
          %swap3A_2562 = arith.index_cast %mul3A_2524 : i32 to index
          %swap3A_2563 = tpu.vector_load %arg16[%swap3A_2562] {strides = array<i32>} : memref<2720xf32, #tpu.memory_space<vmem>>, vector<16xf32>,
          tpu.vector_store %arg16[%swap3A_2562], %add3A_2561 {strides = array<i32>} : memref<2720xf32, #tpu.memory_space<vmem>>, vector<16xf32>,
          %while3A_2564 = arith.constant 0 : i32
          scf.yield %while3A_2564 : i32
        }
        %mul3A_2429 = arith.constant 16 : i32
        %mul3A_2430 = arith.muli %add3A_449, %mul3A_2429 : i32
        %add3A_2431 = arith.addi %mul3A_2430, %add3A_2362 : i32
        %add3A_2432 = arith.constant 2 : i32
        %add3A_2433 = arith.addi %add3A_2431, %add3A_2432 : i32
        %lt3A_2434 = arith.constant 128 : i32
        %lt3A_2435 = arith.cmpi slt, %add3A_2433, %lt3A_2434 : i32
        %convert_element_type3A_2436 = arith.extui %lt3A_2435 : i1 to i32
        %cond3A_2437 = arith.constant 0 : i32
        %cond3A_2438 = arith.cmpi ne, %convert_element_type3A_2436, %cond3A_2437 : i32
        scf.if %cond3A_2438 {
          %jit3A = arith.constant 16 : i32
          %div3A_2521 = arith.divsi %add3A_2433, %jit3A : i32
          %sign3A = arith.constant 0 : i32
          %sign3A_2522 = arith.cmpi sgt, %add3A_2433, %sign3A : i32
          %sign3A_2523 = arith.extui %sign3A_2522 : i1 to i32
          %sign3A_2524 = arith.constant 0 : i32
          %sign3A_2525 = arith.cmpi slt, %add3A_2433, %sign3A_2524 : i32
          %sign3A_2526 = arith.extui %sign3A_2525 : i1 to i32
          %sign3A_2527 = arith.subi %sign3A_2523, %sign3A_2526 : i32
          %sign3A_2528 = arith.constant 0 : i32
          %sign3A_2529 = arith.cmpi sgt, %jit3A, %sign3A_2528 : i32
          %sign3A_2530 = arith.extui %sign3A_2529 : i1 to i32
          %sign3A_2531 = arith.constant 0 : i32
          %sign3A_2532 = arith.cmpi slt, %jit3A, %sign3A_2531 : i32
          %sign3A_2533 = arith.extui %sign3A_2532 : i1 to i32
          %sign3A_2534 = arith.subi %sign3A_2530, %sign3A_2533 : i32
          %ne3A = arith.cmpi ne, %sign3A_2527, %sign3A_2534 : i32
          %rem3A = arith.remsi %add3A_2433, %jit3A : i32
          %ne3A_2535 = arith.constant 0 : i32
          %ne3A_2536 = arith.cmpi ne, %rem3A, %ne3A_2535 : i32
          %and3A = arith.andi %ne3A, %ne3A_2536 : i1
          %sub3A_2537 = arith.constant 1 : i32
          %sub3A_2538 = arith.subi %div3A_2521, %sub3A_2537 : i32
          %select_n3A = arith.select %and3A, %sub3A_2538, %div3A_2521 : i32
          %jit3A_2539 = arith.constant 16 : i32
          %eq3A_2540 = arith.constant 0 : i32
          %eq3A_2541 = arith.cmpi eq, %jit3A_2539, %eq3A_2540 : i32
          %jit3A_2542 = arith.constant 1 : i32
          %select_n3A_2543 = arith.select %eq3A_2541, %jit3A_2542, %jit3A_2539 : i32
          %rem3A_2544 = arith.remsi %add3A_2433, %select_n3A_2543 : i32
          %ne3A_2545 = arith.constant 0 : i32
          %ne3A_2546 = arith.cmpi ne, %rem3A_2544, %ne3A_2545 : i32
          %lt3A_2547 = arith.constant 0 : i32
          %lt3A_2548 = arith.cmpi slt, %rem3A_2544, %lt3A_2547 : i32
          %lt3A_2549 = arith.constant 0 : i32
          %lt3A_2550 = arith.cmpi slt, %select_n3A_2543, %lt3A_2549 : i32
          %ne3A_2551 = arith.xori %lt3A_2548, %lt3A_2550 : i1
          %and3A_2552 = arith.andi %ne3A_2551, %ne3A_2546 : i1
          %add3A_2553 = arith.addi %rem3A_2544, %select_n3A_2543 : i32
          %select_n3A_2554 = arith.select %and3A_2552, %add3A_2553, %rem3A_2544 : i32
          %add3A_2555 = arith.constant 1 : i32
          %add3A_2556 = arith.addi %select_n3A_2554, %add3A_2555 : i32
          %mul3A_2557 = arith.constant 16 : i32
          %mul3A_2558 = arith.muli %add3A_2556, %mul3A_2557 : i32
          %get3A_2559 = arith.index_cast %mul3A_2558 : i32 to index
          %get3A_2560 = tpu.vector_load %arg15[%get3A_2559] {strides = array<i32>} : memref<272xi32, #tpu.memory_space<vmem>>, vector<16xi32>,
          %reduce_max3A_2561 = arith.constant true
          %reduce_max3A_2562 = vector.broadcast %reduce_max3A_2561 : i1 to vector<16xi1>
          %reduce_max3A_2563 = arith.constant -2147483648 : i32
          %reduce_max3A_2564 = vector.broadcast %reduce_max3A_2563 : i32 to vector<16xi32>
          %reduce_max3A_2565 = arith.xori %get3A_2560, %reduce_max3A_2564 : vector<16xi32>
          %reduce_max3A_2566 = tpu.scan <max>, %reduce_max3A_2565 masked %reduce_max3A_2562 : vector<16xi32>, vector<16xi1> -> vector<16xi32>
          %reduce_max3A_2567 = arith.xori %reduce_max3A_2566, %reduce_max3A_2564 : vector<16xi32>
          %reduce_max3A_2568 = vector.extract %reduce_max3A_2567[15] : i32 from vector<16xi32>
          %mul3A_2569 = arith.constant 16 : i32
          %mul3A_2570 = arith.muli %select_n3A_2554, %mul3A_2569 : i32
          %get3A_2571 = arith.index_cast %mul3A_2570 : i32 to index
          %get3A_2572 = tpu.vector_load %arg15[%get3A_2571] {strides = array<i32>} : memref<272xi32, #tpu.memory_space<vmem>>, vector<16xi32>,
          %reduce_max3A_2573 = arith.constant true
          %reduce_max3A_2574 = vector.broadcast %reduce_max3A_2573 : i1 to vector<16xi1>
          %reduce_max3A_2575 = arith.constant -2147483648 : i32
          %reduce_max3A_2576 = vector.broadcast %reduce_max3A_2575 : i32 to vector<16xi32>
          %reduce_max3A_2577 = arith.xori %get3A_2572, %reduce_max3A_2576 : vector<16xi32>
          %reduce_max3A_2578 = tpu.scan <max>, %reduce_max3A_2577 masked %reduce_max3A_2574 : vector<16xi32>, vector<16xi1> -> vector<16xi32>
          %reduce_max3A_2579 = arith.xori %reduce_max3A_2578, %reduce_max3A_2576 : vector<16xi32>
          %reduce_max3A_2580 = vector.extract %reduce_max3A_2579[15] : i32 from vector<16xi32>
          %gt3A_2581 = arith.cmpi sgt, %reduce_max3A_2568, %reduce_max3A_2580 : i32
          %convert_element_type3A_2582 = arith.extui %gt3A_2581 : i1 to i32
          %cond3A_2583 = arith.constant 0 : i32
          %cond3A_2584 = arith.cmpi ne, %convert_element_type3A_2582, %cond3A_2583 : i32
          scf.if %cond3A_2584 {
            %mul3A_2585 = arith.constant 8 : i32
            %mul3A_2586 = arith.muli %select_n3A, %mul3A_2585 : i32
            %mul3A_2587 = arith.constant 16 : i32
            %mul3A_2588 = arith.muli %select_n3A_2554, %mul3A_2587 : i32
            %get3A_2589 = arith.index_cast %mul3A_2588 : i32 to index
            %get3A_2590 = tpu.vector_load %arg14[%get3A_2589] {strides = array<i32>} : memref<256xi32, #tpu.memory_space<vmem>>, vector<16xi32>,
            %reduce_max3A_2591 = arith.constant true
            %reduce_max3A_2592 = vector.broadcast %reduce_max3A_2591 : i1 to vector<16xi1>
            %reduce_max3A_2593 = arith.constant -2147483648 : i32
            %reduce_max3A_2594 = vector.broadcast %reduce_max3A_2593 : i32 to vector<16xi32>
            %reduce_max3A_2595 = arith.xori %get3A_2590, %reduce_max3A_2594 : vector<16xi32>
            %reduce_max3A_2596 = tpu.scan <max>, %reduce_max3A_2595 masked %reduce_max3A_2592 : vector<16xi32>, vector<16xi1> -> vector<16xi32>
            %reduce_max3A_2597 = arith.xori %reduce_max3A_2596, %reduce_max3A_2594 : vector<16xi32>
            %reduce_max3A_2598 = vector.extract %reduce_max3A_2597[15] : i32 from vector<16xi32>
            %multiple_of3A = tpu.assume_multiple %reduce_max3A_2598, 128 : i32
            %dma_start3A_2599 = tpu.memref_slice %arg7[%mul3A_2586, %multiple_of3A] : memref<64x1000000xf32, #tpu.memory_space<hbm>> -> memref<8x2048xf32, #tpu.memory_space<hbm>>
            %dma_start3A_2600 = tpu.memref_slice %arg7[%mul3A_2586, %multiple_of3A] : memref<64x1000000xf32, #tpu.memory_space<hbm>> -> memref<8x2048xf32, #tpu.memory_space<hbm>>
            tpu.enqueue_dma source(%dma_start3A_2600 : memref<8x2048xf32, #tpu.memory_space<hbm>>) target(%arg18 : memref<8x2048xf32, #tpu.memory_space<vmem>>) target_semaphore(%arg25 : memref<!tpu.dma_semaphore, #tpu.memory_space<semaphore_mem>>)
          } else {
          }
        } else {
        }
        %mul3A_2439 = arith.constant 2 : i32
        %mul3A_2440 = arith.muli %scan3A_2357, %mul3A_2439 : i32
        %add3A_2441 = arith.constant 1 : i32
        %add3A_2442 = arith.addi %mul3A_2440, %add3A_2441 : i32
        %add3A_2443 = arith.constant 1 : i32
        %add3A_2444 = arith.addi %add3A_2442, %add3A_2443 : i32
        %mul3A_2445 = arith.constant 16 : i32
        %mul3A_2446 = arith.muli %add3A_2444, %mul3A_2445 : i32
        %get3A_2447 = arith.index_cast %mul3A_2446 : i32 to index
        %get3A_2448 = tpu.vector_load %arg15[%get3A_2447] {strides = array<i32>} : memref<272xi32, #tpu.memory_space<vmem>>, vector<16xi32>,
        %reduce_max3A_2449 = arith.constant true
        %reduce_max3A_2450 = vector.broadcast %reduce_max3A_2449 : i1 to vector<16xi1>
        %reduce_max3A_2451 = arith.constant -2147483648 : i32
        %reduce_max3A_2452 = vector.broadcast %reduce_max3A_2451 : i32 to vector<16xi32>
        %reduce_max3A_2453 = arith.xori %get3A_2448, %reduce_max3A_2452 : vector<16xi32>
        %reduce_max3A_2454 = tpu.scan <max>, %reduce_max3A_2453 masked %reduce_max3A_2450 : vector<16xi32>, vector<16xi1> -> vector<16xi32>
        %reduce_max3A_2455 = arith.xori %reduce_max3A_2454, %reduce_max3A_2452 : vector<16xi32>
        %reduce_max3A_2456 = vector.extract %reduce_max3A_2455[15] : i32 from vector<16xi32>
        %mul3A_2457 = arith.constant 16 : i32
        %mul3A_2458 = arith.muli %add3A_2442, %mul3A_2457 : i32
        %get3A_2459 = arith.index_cast %mul3A_2458 : i32 to index
        %get3A_2460 = tpu.vector_load %arg15[%get3A_2459] {strides = array<i32>} : memref<272xi32, #tpu.memory_space<vmem>>, vector<16xi32>,
        %reduce_max3A_2461 = arith.constant true
        %reduce_max3A_2462 = vector.broadcast %reduce_max3A_2461 : i1 to vector<16xi1>
        %reduce_max3A_2463 = arith.constant -2147483648 : i32
        %reduce_max3A_2464 = vector.broadcast %reduce_max3A_2463 : i32 to vector<16xi32>
        %reduce_max3A_2465 = arith.xori %get3A_2460, %reduce_max3A_2464 : vector<16xi32>
        %reduce_max3A_2466 = tpu.scan <max>, %reduce_max3A_2465 masked %reduce_max3A_2462 : vector<16xi32>, vector<16xi1> -> vector<16xi32>
        %reduce_max3A_2467 = arith.xori %reduce_max3A_2466, %reduce_max3A_2464 : vector<16xi32>
        %reduce_max3A_2468 = vector.extract %reduce_max3A_2467[15] : i32 from vector<16xi32>
        %gt3A_2469 = arith.cmpi sgt, %reduce_max3A_2456, %reduce_max3A_2468 : i32
        %convert_element_type3A_2470 = arith.extui %gt3A_2469 : i1 to i32
        %cond3A_2471 = arith.constant 0 : i32
        %cond3A_2472 = arith.cmpi ne, %convert_element_type3A_2470, %cond3A_2471 : i32
        scf.if %cond3A_2472 {
          %dma_wait3A_2521 = arith.constant 0 : i32
          %dma_wait3A_2522 = arith.constant 0 : i32
          %dma_wait3A_2523 = tpu.memref_slice %arg7[%dma_wait3A_2521, %dma_wait3A_2522] : memref<64x1000000xf32, #tpu.memory_space<hbm>> -> memref<8x2048xf32, #tpu.memory_space<hbm>>
          %dma_wait3A_2524 = arith.constant 0 : i32
          %dma_wait3A_2525 = arith.constant 0 : i32
          %dma_wait3A_2526 = tpu.memref_slice %arg7[%dma_wait3A_2524, %dma_wait3A_2525] : memref<64x1000000xf32, #tpu.memory_space<hbm>> -> memref<8x2048xf32, #tpu.memory_space<hbm>>
          tpu.wait_dma2 semaphore(%arg26 : memref<!tpu.dma_semaphore, #tpu.memory_space<semaphore_mem>>) src(%dma_wait3A_2526 : memref<8x2048xf32, #tpu.memory_space<hbm>>) dst(%arg19 : memref<8x2048xf32, #tpu.memory_space<vmem>>)
        } else {
        }
        %mul3A_2473 = arith.constant 16 : i32
        %mul3A_2474 = arith.muli %add3A_2442, %mul3A_2473 : i32
        %get3A_2475 = arith.index_cast %mul3A_2474 : i32 to index
        %get3A_2476 = tpu.vector_load %arg15[%get3A_2475] {strides = array<i32>} : memref<272xi32, #tpu.memory_space<vmem>>, vector<16xi32>,
        %reduce_max3A_2477 = arith.constant true
        %reduce_max3A_2478 = vector.broadcast %reduce_max3A_2477 : i1 to vector<16xi1>
        %reduce_max3A_2479 = arith.constant -2147483648 : i32
        %reduce_max3A_2480 = vector.broadcast %reduce_max3A_2479 : i32 to vector<16xi32>
        %reduce_max3A_2481 = arith.xori %get3A_2476, %reduce_max3A_2480 : vector<16xi32>
        %reduce_max3A_2482 = tpu.scan <max>, %reduce_max3A_2481 masked %reduce_max3A_2478 : vector<16xi32>, vector<16xi1> -> vector<16xi32>
        %reduce_max3A_2483 = arith.xori %reduce_max3A_2482, %reduce_max3A_2480 : vector<16xi32>
        %reduce_max3A_2484 = vector.extract %reduce_max3A_2483[15] : i32 from vector<16xi32>
        %add3A_2485 = arith.constant 1 : i32
        %add3A_2486 = arith.addi %add3A_2442, %add3A_2485 : i32
        %mul3A_2487 = arith.constant 16 : i32
        %mul3A_2488 = arith.muli %add3A_2486, %mul3A_2487 : i32
        %get3A_2489 = arith.index_cast %mul3A_2488 : i32 to index
        %get3A_2490 = tpu.vector_load %arg15[%get3A_2489] {strides = array<i32>} : memref<272xi32, #tpu.memory_space<vmem>>, vector<16xi32>,
        %reduce_max3A_2491 = arith.constant true
        %reduce_max3A_2492 = vector.broadcast %reduce_max3A_2491 : i1 to vector<16xi1>
        %reduce_max3A_2493 = arith.constant -2147483648 : i32
        %reduce_max3A_2494 = vector.broadcast %reduce_max3A_2493 : i32 to vector<16xi32>
        %reduce_max3A_2495 = arith.xori %get3A_2490, %reduce_max3A_2494 : vector<16xi32>
        %reduce_max3A_2496 = tpu.scan <max>, %reduce_max3A_2495 masked %reduce_max3A_2492 : vector<16xi32>, vector<16xi1> -> vector<16xi32>
        %reduce_max3A_2497 = arith.xori %reduce_max3A_2496, %reduce_max3A_2494 : vector<16xi32>
        %reduce_max3A_2498 = vector.extract %reduce_max3A_2497[15] : i32 from vector<16xi32>
        %while3A_2499 = arith.constant 0 : i32
        %while3A_2500 = arith.subi %reduce_max3A_2498, %reduce_max3A_2484 : i32
        %while3A_2501 = arith.addi %reduce_max3A_2484, %while3A_2500 : i32
        %while3A_2502 = arith.constant 1 : i32
        %while3A_2503 = arith.divsi %while3A_2500, %while3A_2502 : i32
        %while3A_2504 = arith.muli %while3A_2503, %while3A_2502 : i32
        %while3A_2505 = arith.addi %reduce_max3A_2484, %while3A_2504 : i32
        %while3A_2506 = arith.constant 1 : i32
        %while3A_2507 = scf.for %while3A_2521 = %reduce_max3A_2484 to %while3A_2505 step %while3A_2506 iter_args(%while3A_2522 = %while3A_2499) -> (i32)  : i32 {
          %mul3A_2523 = arith.constant 16 : i32
          %mul3A_2524 = arith.muli %while3A_2521, %mul3A_2523 : i32
          %get3A_2525 = arith.index_cast %mul3A_2524 : i32 to index
          %get3A_2526 = tpu.vector_load %arg11[%get3A_2525] {strides = array<i32>} : memref<2720xi32, #tpu.memory_space<vmem>>, vector<16xi32>,
          %get3A_2527 = arith.index_cast %mul3A_2524 : i32 to index
          %get3A_2528 = tpu.vector_load %arg12[%get3A_2527] {strides = array<i32>} : memref<2720xi32, #tpu.memory_space<vmem>>, vector<16xi32>,
          %get3A_2529 = arith.index_cast %mul3A_2524 : i32 to index
          %get3A_2530 = tpu.vector_load %arg16[%get3A_2529] {strides = array<i32>} : memref<2720xf32, #tpu.memory_space<vmem>>, vector<16xf32>,
          %gather3A = tpu.vector_load_idx %arg19[%broadcast_in_dim3A_104, %get3A_2526] : memref<8x2048xf32, #tpu.memory_space<vmem>>[vector<16xi32>, vector<16xi32>], vector<16xf32>,
          %gather3A_2531 = tpu.vector_load_idx %arg20[%broadcast_in_dim3A_104, %get3A_2528] : memref<8x4096xf32, #tpu.memory_space<vmem>>[vector<16xi32>, vector<16xi32>], vector<16xf32>,
          %mul3A_2532 = arith.mulf %gather3A, %gather3A_2531 : vector<16xf32>
          %add3A_2533 = arith.addf %get3A_2530, %mul3A_2532 : vector<16xf32>
          %gather3A_2534 = tpu.vector_load_idx %arg19[%broadcast_in_dim3A_106, %get3A_2526] : memref<8x2048xf32, #tpu.memory_space<vmem>>[vector<16xi32>, vector<16xi32>], vector<16xf32>,
          %gather3A_2535 = tpu.vector_load_idx %arg20[%broadcast_in_dim3A_106, %get3A_2528] : memref<8x4096xf32, #tpu.memory_space<vmem>>[vector<16xi32>, vector<16xi32>], vector<16xf32>,
          %mul3A_2536 = arith.mulf %gather3A_2534, %gather3A_2535 : vector<16xf32>
          %add3A_2537 = arith.addf %add3A_2533, %mul3A_2536 : vector<16xf32>
          %gather3A_2538 = tpu.vector_load_idx %arg19[%broadcast_in_dim3A_108, %get3A_2526] : memref<8x2048xf32, #tpu.memory_space<vmem>>[vector<16xi32>, vector<16xi32>], vector<16xf32>,
          %gather3A_2539 = tpu.vector_load_idx %arg20[%broadcast_in_dim3A_108, %get3A_2528] : memref<8x4096xf32, #tpu.memory_space<vmem>>[vector<16xi32>, vector<16xi32>], vector<16xf32>,
          %mul3A_2540 = arith.mulf %gather3A_2538, %gather3A_2539 : vector<16xf32>
          %add3A_2541 = arith.addf %add3A_2537, %mul3A_2540 : vector<16xf32>
          %gather3A_2542 = tpu.vector_load_idx %arg19[%broadcast_in_dim3A_110, %get3A_2526] : memref<8x2048xf32, #tpu.memory_space<vmem>>[vector<16xi32>, vector<16xi32>], vector<16xf32>,
          %gather3A_2543 = tpu.vector_load_idx %arg20[%broadcast_in_dim3A_110, %get3A_2528] : memref<8x4096xf32, #tpu.memory_space<vmem>>[vector<16xi32>, vector<16xi32>], vector<16xf32>,
          %mul3A_2544 = arith.mulf %gather3A_2542, %gather3A_2543 : vector<16xf32>
          %add3A_2545 = arith.addf %add3A_2541, %mul3A_2544 : vector<16xf32>
          %gather3A_2546 = tpu.vector_load_idx %arg19[%broadcast_in_dim3A_112, %get3A_2526] : memref<8x2048xf32, #tpu.memory_space<vmem>>[vector<16xi32>, vector<16xi32>], vector<16xf32>,
          %gather3A_2547 = tpu.vector_load_idx %arg20[%broadcast_in_dim3A_112, %get3A_2528] : memref<8x4096xf32, #tpu.memory_space<vmem>>[vector<16xi32>, vector<16xi32>], vector<16xf32>,
          %mul3A_2548 = arith.mulf %gather3A_2546, %gather3A_2547 : vector<16xf32>
          %add3A_2549 = arith.addf %add3A_2545, %mul3A_2548 : vector<16xf32>
          %gather3A_2550 = tpu.vector_load_idx %arg19[%broadcast_in_dim3A_114, %get3A_2526] : memref<8x2048xf32, #tpu.memory_space<vmem>>[vector<16xi32>, vector<16xi32>], vector<16xf32>,
          %gather3A_2551 = tpu.vector_load_idx %arg20[%broadcast_in_dim3A_114, %get3A_2528] : memref<8x4096xf32, #tpu.memory_space<vmem>>[vector<16xi32>, vector<16xi32>], vector<16xf32>,
          %mul3A_2552 = arith.mulf %gather3A_2550, %gather3A_2551 : vector<16xf32>
          %add3A_2553 = arith.addf %add3A_2549, %mul3A_2552 : vector<16xf32>
          %gather3A_2554 = tpu.vector_load_idx %arg19[%broadcast_in_dim3A_116, %get3A_2526] : memref<8x2048xf32, #tpu.memory_space<vmem>>[vector<16xi32>, vector<16xi32>], vector<16xf32>,
          %gather3A_2555 = tpu.vector_load_idx %arg20[%broadcast_in_dim3A_116, %get3A_2528] : memref<8x4096xf32, #tpu.memory_space<vmem>>[vector<16xi32>, vector<16xi32>], vector<16xf32>,
          %mul3A_2556 = arith.mulf %gather3A_2554, %gather3A_2555 : vector<16xf32>
          %add3A_2557 = arith.addf %add3A_2553, %mul3A_2556 : vector<16xf32>
          %gather3A_2558 = tpu.vector_load_idx %arg19[%broadcast_in_dim3A_118, %get3A_2526] : memref<8x2048xf32, #tpu.memory_space<vmem>>[vector<16xi32>, vector<16xi32>], vector<16xf32>,
          %gather3A_2559 = tpu.vector_load_idx %arg20[%broadcast_in_dim3A_118, %get3A_2528] : memref<8x4096xf32, #tpu.memory_space<vmem>>[vector<16xi32>, vector<16xi32>], vector<16xf32>,
          %mul3A_2560 = arith.mulf %gather3A_2558, %gather3A_2559 : vector<16xf32>
          %add3A_2561 = arith.addf %add3A_2557, %mul3A_2560 : vector<16xf32>
          %swap3A_2562 = arith.index_cast %mul3A_2524 : i32 to index
          %swap3A_2563 = tpu.vector_load %arg16[%swap3A_2562] {strides = array<i32>} : memref<2720xf32, #tpu.memory_space<vmem>>, vector<16xf32>,
          tpu.vector_store %arg16[%swap3A_2562], %add3A_2561 {strides = array<i32>} : memref<2720xf32, #tpu.memory_space<vmem>>, vector<16xf32>,
          %while3A_2564 = arith.constant 0 : i32
          scf.yield %while3A_2564 : i32
        }
        %while3A_2508 = arith.constant 1 : i32
        %while3A_2509 = scf.for %while3A_2521 = %while3A_2505 to %while3A_2501 step %while3A_2508 iter_args(%while3A_2522 = %while3A_2507) -> (i32)  : i32 {
          %mul3A_2523 = arith.constant 16 : i32
          %mul3A_2524 = arith.muli %while3A_2521, %mul3A_2523 : i32
          %get3A_2525 = arith.index_cast %mul3A_2524 : i32 to index
          %get3A_2526 = tpu.vector_load %arg11[%get3A_2525] {strides = array<i32>} : memref<2720xi32, #tpu.memory_space<vmem>>, vector<16xi32>,
          %get3A_2527 = arith.index_cast %mul3A_2524 : i32 to index
          %get3A_2528 = tpu.vector_load %arg12[%get3A_2527] {strides = array<i32>} : memref<2720xi32, #tpu.memory_space<vmem>>, vector<16xi32>,
          %get3A_2529 = arith.index_cast %mul3A_2524 : i32 to index
          %get3A_2530 = tpu.vector_load %arg16[%get3A_2529] {strides = array<i32>} : memref<2720xf32, #tpu.memory_space<vmem>>, vector<16xf32>,
          %gather3A = tpu.vector_load_idx %arg19[%broadcast_in_dim3A_104, %get3A_2526] : memref<8x2048xf32, #tpu.memory_space<vmem>>[vector<16xi32>, vector<16xi32>], vector<16xf32>,
          %gather3A_2531 = tpu.vector_load_idx %arg20[%broadcast_in_dim3A_104, %get3A_2528] : memref<8x4096xf32, #tpu.memory_space<vmem>>[vector<16xi32>, vector<16xi32>], vector<16xf32>,
          %mul3A_2532 = arith.mulf %gather3A, %gather3A_2531 : vector<16xf32>
          %add3A_2533 = arith.addf %get3A_2530, %mul3A_2532 : vector<16xf32>
          %gather3A_2534 = tpu.vector_load_idx %arg19[%broadcast_in_dim3A_106, %get3A_2526] : memref<8x2048xf32, #tpu.memory_space<vmem>>[vector<16xi32>, vector<16xi32>], vector<16xf32>,
          %gather3A_2535 = tpu.vector_load_idx %arg20[%broadcast_in_dim3A_106, %get3A_2528] : memref<8x4096xf32, #tpu.memory_space<vmem>>[vector<16xi32>, vector<16xi32>], vector<16xf32>,
          %mul3A_2536 = arith.mulf %gather3A_2534, %gather3A_2535 : vector<16xf32>
          %add3A_2537 = arith.addf %add3A_2533, %mul3A_2536 : vector<16xf32>
          %gather3A_2538 = tpu.vector_load_idx %arg19[%broadcast_in_dim3A_108, %get3A_2526] : memref<8x2048xf32, #tpu.memory_space<vmem>>[vector<16xi32>, vector<16xi32>], vector<16xf32>,
          %gather3A_2539 = tpu.vector_load_idx %arg20[%broadcast_in_dim3A_108, %get3A_2528] : memref<8x4096xf32, #tpu.memory_space<vmem>>[vector<16xi32>, vector<16xi32>], vector<16xf32>,
          %mul3A_2540 = arith.mulf %gather3A_2538, %gather3A_2539 : vector<16xf32>
          %add3A_2541 = arith.addf %add3A_2537, %mul3A_2540 : vector<16xf32>
          %gather3A_2542 = tpu.vector_load_idx %arg19[%broadcast_in_dim3A_110, %get3A_2526] : memref<8x2048xf32, #tpu.memory_space<vmem>>[vector<16xi32>, vector<16xi32>], vector<16xf32>,
          %gather3A_2543 = tpu.vector_load_idx %arg20[%broadcast_in_dim3A_110, %get3A_2528] : memref<8x4096xf32, #tpu.memory_space<vmem>>[vector<16xi32>, vector<16xi32>], vector<16xf32>,
          %mul3A_2544 = arith.mulf %gather3A_2542, %gather3A_2543 : vector<16xf32>
          %add3A_2545 = arith.addf %add3A_2541, %mul3A_2544 : vector<16xf32>
          %gather3A_2546 = tpu.vector_load_idx %arg19[%broadcast_in_dim3A_112, %get3A_2526] : memref<8x2048xf32, #tpu.memory_space<vmem>>[vector<16xi32>, vector<16xi32>], vector<16xf32>,
          %gather3A_2547 = tpu.vector_load_idx %arg20[%broadcast_in_dim3A_112, %get3A_2528] : memref<8x4096xf32, #tpu.memory_space<vmem>>[vector<16xi32>, vector<16xi32>], vector<16xf32>,
          %mul3A_2548 = arith.mulf %gather3A_2546, %gather3A_2547 : vector<16xf32>
          %add3A_2549 = arith.addf %add3A_2545, %mul3A_2548 : vector<16xf32>
          %gather3A_2550 = tpu.vector_load_idx %arg19[%broadcast_in_dim3A_114, %get3A_2526] : memref<8x2048xf32, #tpu.memory_space<vmem>>[vector<16xi32>, vector<16xi32>], vector<16xf32>,
          %gather3A_2551 = tpu.vector_load_idx %arg20[%broadcast_in_dim3A_114, %get3A_2528] : memref<8x4096xf32, #tpu.memory_space<vmem>>[vector<16xi32>, vector<16xi32>], vector<16xf32>,
          %mul3A_2552 = arith.mulf %gather3A_2550, %gather3A_2551 : vector<16xf32>
          %add3A_2553 = arith.addf %add3A_2549, %mul3A_2552 : vector<16xf32>
          %gather3A_2554 = tpu.vector_load_idx %arg19[%broadcast_in_dim3A_116, %get3A_2526] : memref<8x2048xf32, #tpu.memory_space<vmem>>[vector<16xi32>, vector<16xi32>], vector<16xf32>,
          %gather3A_2555 = tpu.vector_load_idx %arg20[%broadcast_in_dim3A_116, %get3A_2528] : memref<8x4096xf32, #tpu.memory_space<vmem>>[vector<16xi32>, vector<16xi32>], vector<16xf32>,
          %mul3A_2556 = arith.mulf %gather3A_2554, %gather3A_2555 : vector<16xf32>
          %add3A_2557 = arith.addf %add3A_2553, %mul3A_2556 : vector<16xf32>
          %gather3A_2558 = tpu.vector_load_idx %arg19[%broadcast_in_dim3A_118, %get3A_2526] : memref<8x2048xf32, #tpu.memory_space<vmem>>[vector<16xi32>, vector<16xi32>], vector<16xf32>,
          %gather3A_2559 = tpu.vector_load_idx %arg20[%broadcast_in_dim3A_118, %get3A_2528] : memref<8x4096xf32, #tpu.memory_space<vmem>>[vector<16xi32>, vector<16xi32>], vector<16xf32>,
          %mul3A_2560 = arith.mulf %gather3A_2558, %gather3A_2559 : vector<16xf32>
          %add3A_2561 = arith.addf %add3A_2557, %mul3A_2560 : vector<16xf32>
          %swap3A_2562 = arith.index_cast %mul3A_2524 : i32 to index
          %swap3A_2563 = tpu.vector_load %arg16[%swap3A_2562] {strides = array<i32>} : memref<2720xf32, #tpu.memory_space<vmem>>, vector<16xf32>,
          tpu.vector_store %arg16[%swap3A_2562], %add3A_2561 {strides = array<i32>} : memref<2720xf32, #tpu.memory_space<vmem>>, vector<16xf32>,
          %while3A_2564 = arith.constant 0 : i32
          scf.yield %while3A_2564 : i32
        }
        %mul3A_2510 = arith.constant 16 : i32
        %mul3A_2511 = arith.muli %add3A_449, %mul3A_2510 : i32
        %add3A_2512 = arith.addi %mul3A_2511, %add3A_2442 : i32
        %add3A_2513 = arith.constant 2 : i32
        %add3A_2514 = arith.addi %add3A_2512, %add3A_2513 : i32
        %lt3A_2515 = arith.constant 128 : i32
        %lt3A_2516 = arith.cmpi slt, %add3A_2514, %lt3A_2515 : i32
        %convert_element_type3A_2517 = arith.extui %lt3A_2516 : i1 to i32
        %cond3A_2518 = arith.constant 0 : i32
        %cond3A_2519 = arith.cmpi ne, %convert_element_type3A_2517, %cond3A_2518 : i32
        scf.if %cond3A_2519 {
          %jit3A = arith.constant 16 : i32
          %div3A_2521 = arith.divsi %add3A_2514, %jit3A : i32
          %sign3A = arith.constant 0 : i32
          %sign3A_2522 = arith.cmpi sgt, %add3A_2514, %sign3A : i32
          %sign3A_2523 = arith.extui %sign3A_2522 : i1 to i32
          %sign3A_2524 = arith.constant 0 : i32
          %sign3A_2525 = arith.cmpi slt, %add3A_2514, %sign3A_2524 : i32
          %sign3A_2526 = arith.extui %sign3A_2525 : i1 to i32
          %sign3A_2527 = arith.subi %sign3A_2523, %sign3A_2526 : i32
          %sign3A_2528 = arith.constant 0 : i32
          %sign3A_2529 = arith.cmpi sgt, %jit3A, %sign3A_2528 : i32
          %sign3A_2530 = arith.extui %sign3A_2529 : i1 to i32
          %sign3A_2531 = arith.constant 0 : i32
          %sign3A_2532 = arith.cmpi slt, %jit3A, %sign3A_2531 : i32
          %sign3A_2533 = arith.extui %sign3A_2532 : i1 to i32
          %sign3A_2534 = arith.subi %sign3A_2530, %sign3A_2533 : i32
          %ne3A = arith.cmpi ne, %sign3A_2527, %sign3A_2534 : i32
          %rem3A = arith.remsi %add3A_2514, %jit3A : i32
          %ne3A_2535 = arith.constant 0 : i32
          %ne3A_2536 = arith.cmpi ne, %rem3A, %ne3A_2535 : i32
          %and3A = arith.andi %ne3A, %ne3A_2536 : i1
          %sub3A_2537 = arith.constant 1 : i32
          %sub3A_2538 = arith.subi %div3A_2521, %sub3A_2537 : i32
          %select_n3A = arith.select %and3A, %sub3A_2538, %div3A_2521 : i32
          %jit3A_2539 = arith.constant 16 : i32
          %eq3A_2540 = arith.constant 0 : i32
          %eq3A_2541 = arith.cmpi eq, %jit3A_2539, %eq3A_2540 : i32
          %jit3A_2542 = arith.constant 1 : i32
          %select_n3A_2543 = arith.select %eq3A_2541, %jit3A_2542, %jit3A_2539 : i32
          %rem3A_2544 = arith.remsi %add3A_2514, %select_n3A_2543 : i32
          %ne3A_2545 = arith.constant 0 : i32
          %ne3A_2546 = arith.cmpi ne, %rem3A_2544, %ne3A_2545 : i32
          %lt3A_2547 = arith.constant 0 : i32
          %lt3A_2548 = arith.cmpi slt, %rem3A_2544, %lt3A_2547 : i32
          %lt3A_2549 = arith.constant 0 : i32
          %lt3A_2550 = arith.cmpi slt, %select_n3A_2543, %lt3A_2549 : i32
          %ne3A_2551 = arith.xori %lt3A_2548, %lt3A_2550 : i1
          %and3A_2552 = arith.andi %ne3A_2551, %ne3A_2546 : i1
          %add3A_2553 = arith.addi %rem3A_2544, %select_n3A_2543 : i32
          %select_n3A_2554 = arith.select %and3A_2552, %add3A_2553, %rem3A_2544 : i32
          %add3A_2555 = arith.constant 1 : i32
          %add3A_2556 = arith.addi %select_n3A_2554, %add3A_2555 : i32
          %mul3A_2557 = arith.constant 16 : i32
          %mul3A_2558 = arith.muli %add3A_2556, %mul3A_2557 : i32
          %get3A_2559 = arith.index_cast %mul3A_2558 : i32 to index
          %get3A_2560 = tpu.vector_load %arg15[%get3A_2559] {strides = array<i32>} : memref<272xi32, #tpu.memory_space<vmem>>, vector<16xi32>,
          %reduce_max3A_2561 = arith.constant true
          %reduce_max3A_2562 = vector.broadcast %reduce_max3A_2561 : i1 to vector<16xi1>
          %reduce_max3A_2563 = arith.constant -2147483648 : i32
          %reduce_max3A_2564 = vector.broadcast %reduce_max3A_2563 : i32 to vector<16xi32>
          %reduce_max3A_2565 = arith.xori %get3A_2560, %reduce_max3A_2564 : vector<16xi32>
          %reduce_max3A_2566 = tpu.scan <max>, %reduce_max3A_2565 masked %reduce_max3A_2562 : vector<16xi32>, vector<16xi1> -> vector<16xi32>
          %reduce_max3A_2567 = arith.xori %reduce_max3A_2566, %reduce_max3A_2564 : vector<16xi32>
          %reduce_max3A_2568 = vector.extract %reduce_max3A_2567[15] : i32 from vector<16xi32>
          %mul3A_2569 = arith.constant 16 : i32
          %mul3A_2570 = arith.muli %select_n3A_2554, %mul3A_2569 : i32
          %get3A_2571 = arith.index_cast %mul3A_2570 : i32 to index
          %get3A_2572 = tpu.vector_load %arg15[%get3A_2571] {strides = array<i32>} : memref<272xi32, #tpu.memory_space<vmem>>, vector<16xi32>,
          %reduce_max3A_2573 = arith.constant true
          %reduce_max3A_2574 = vector.broadcast %reduce_max3A_2573 : i1 to vector<16xi1>
          %reduce_max3A_2575 = arith.constant -2147483648 : i32
          %reduce_max3A_2576 = vector.broadcast %reduce_max3A_2575 : i32 to vector<16xi32>
          %reduce_max3A_2577 = arith.xori %get3A_2572, %reduce_max3A_2576 : vector<16xi32>
          %reduce_max3A_2578 = tpu.scan <max>, %reduce_max3A_2577 masked %reduce_max3A_2574 : vector<16xi32>, vector<16xi1> -> vector<16xi32>
          %reduce_max3A_2579 = arith.xori %reduce_max3A_2578, %reduce_max3A_2576 : vector<16xi32>
          %reduce_max3A_2580 = vector.extract %reduce_max3A_2579[15] : i32 from vector<16xi32>
          %gt3A_2581 = arith.cmpi sgt, %reduce_max3A_2568, %reduce_max3A_2580 : i32
          %convert_element_type3A_2582 = arith.extui %gt3A_2581 : i1 to i32
          %cond3A_2583 = arith.constant 0 : i32
          %cond3A_2584 = arith.cmpi ne, %convert_element_type3A_2582, %cond3A_2583 : i32
          scf.if %cond3A_2584 {
            %mul3A_2585 = arith.constant 8 : i32
            %mul3A_2586 = arith.muli %select_n3A, %mul3A_2585 : i32
            %mul3A_2587 = arith.constant 16 : i32
            %mul3A_2588 = arith.muli %select_n3A_2554, %mul3A_2587 : i32
            %get3A_2589 = arith.index_cast %mul3A_2588 : i32 to index
            %get3A_2590 = tpu.vector_load %arg14[%get3A_2589] {strides = array<i32>} : memref<256xi32, #tpu.memory_space<vmem>>, vector<16xi32>,
            %reduce_max3A_2591 = arith.constant true
            %reduce_max3A_2592 = vector.broadcast %reduce_max3A_2591 : i1 to vector<16xi1>
            %reduce_max3A_2593 = arith.constant -2147483648 : i32
            %reduce_max3A_2594 = vector.broadcast %reduce_max3A_2593 : i32 to vector<16xi32>
            %reduce_max3A_2595 = arith.xori %get3A_2590, %reduce_max3A_2594 : vector<16xi32>
            %reduce_max3A_2596 = tpu.scan <max>, %reduce_max3A_2595 masked %reduce_max3A_2592 : vector<16xi32>, vector<16xi1> -> vector<16xi32>
            %reduce_max3A_2597 = arith.xori %reduce_max3A_2596, %reduce_max3A_2594 : vector<16xi32>
            %reduce_max3A_2598 = vector.extract %reduce_max3A_2597[15] : i32 from vector<16xi32>
            %multiple_of3A = tpu.assume_multiple %reduce_max3A_2598, 128 : i32
            %dma_start3A_2599 = tpu.memref_slice %arg7[%mul3A_2586, %multiple_of3A] : memref<64x1000000xf32, #tpu.memory_space<hbm>> -> memref<8x2048xf32, #tpu.memory_space<hbm>>
            %dma_start3A_2600 = tpu.memref_slice %arg7[%mul3A_2586, %multiple_of3A] : memref<64x1000000xf32, #tpu.memory_space<hbm>> -> memref<8x2048xf32, #tpu.memory_space<hbm>>
            tpu.enqueue_dma source(%dma_start3A_2600 : memref<8x2048xf32, #tpu.memory_space<hbm>>) target(%arg19 : memref<8x2048xf32, #tpu.memory_space<vmem>>) target_semaphore(%arg26 : memref<!tpu.dma_semaphore, #tpu.memory_space<semaphore_mem>>)
          } else {
          }
        } else {
        }
        %scan3A_2520 = arith.constant 0 : i32
        scf.yield %scan3A_2520 : i32
      }
      %scan3A_1399 = arith.constant 8 : i32
      %mul3A_1400 = arith.constant 2 : i32
      %mul3A_1401 = arith.muli %scan3A_444, %mul3A_1400 : i32
      %add3A_1402 = arith.constant 1 : i32
      %add3A_1403 = arith.addi %mul3A_1401, %add3A_1402 : i32
      %dma_wait3A_1404 = arith.constant 0 : i32
      %dma_wait3A_1405 = arith.constant 0 : i32
      %dma_wait3A_1406 = tpu.memref_slice %arg22[%dma_wait3A_1404, %dma_wait3A_1405] : memref<64x4096xf32, #tpu.memory_space<vmem_shared>> -> memref<8x4096xf32, #tpu.memory_space<vmem_shared>>
      %dma_wait3A_1407 = arith.constant 0 : i32
      %dma_wait3A_1408 = arith.constant 0 : i32
      %dma_wait3A_1409 = tpu.memref_slice %arg22[%dma_wait3A_1407, %dma_wait3A_1408] : memref<64x4096xf32, #tpu.memory_space<vmem_shared>> -> memref<8x4096xf32, #tpu.memory_space<vmem_shared>>
      tpu.wait_dma2 semaphore(%arg28 : memref<!tpu.dma_semaphore, #tpu.memory_space<semaphore_mem>>) src(%dma_wait3A_1409 : memref<8x4096xf32, #tpu.memory_space<vmem_shared>>) dst(%arg21 : memref<8x4096xf32, #tpu.memory_space<vmem>>)
      %add3A_1410 = arith.constant 1 : i32
      %add3A_1411 = arith.addi %add3A_1403, %add3A_1410 : i32
      %lt3A_1412 = arith.constant 8 : i32
      %lt3A_1413 = arith.cmpi slt, %add3A_1411, %lt3A_1412 : i32
      %convert_element_type3A_1414 = arith.extui %lt3A_1413 : i1 to i32
      %cond3A_1415 = arith.constant 0 : i32
      %cond3A_1416 = arith.cmpi ne, %convert_element_type3A_1414, %cond3A_1415 : i32
      scf.if %cond3A_1416 {
        %add3A_2357 = arith.constant 1 : i32
        %add3A_2358 = arith.addi %add3A_1403, %add3A_2357 : i32
        %mul3A_2359 = arith.constant 8 : i32
        %mul3A_2360 = arith.muli %add3A_2358, %mul3A_2359 : i32
        %dma_start3A_2361 = arith.constant 0 : i32
        %dma_start3A_2362 = tpu.memref_slice %arg22[%mul3A_2360, %dma_start3A_2361] : memref<64x4096xf32, #tpu.memory_space<vmem_shared>> -> memref<8x4096xf32, #tpu.memory_space<vmem_shared>>
        %dma_start3A_2363 = arith.constant 0 : i32
        %dma_start3A_2364 = tpu.memref_slice %arg22[%mul3A_2360, %dma_start3A_2363] : memref<64x4096xf32, #tpu.memory_space<vmem_shared>> -> memref<8x4096xf32, #tpu.memory_space<vmem_shared>>
        tpu.enqueue_dma source(%dma_start3A_2364 : memref<8x4096xf32, #tpu.memory_space<vmem_shared>>) target(%arg20 : memref<8x4096xf32, #tpu.memory_space<vmem>>) target_semaphore(%arg27 : memref<!tpu.dma_semaphore, #tpu.memory_space<semaphore_mem>>)
      } else {
      }
      %mul3A_1417 = arith.constant 8 : i32
      %mul3A_1418 = arith.muli %add3A_1403, %mul3A_1417 : i32
      %mul3A_1419 = arith.constant 128 : i32
      %mul3A_1420 = arith.muli %add3A, %mul3A_1419 : i32
      "tpu.region"() ({
        %run_scoped3A = tpu.sem_alloc : memref<!tpu.dma_semaphore, #tpu.memory_space<semaphore_mem>>
        %dma_start3A_2357 = tpu.memref_slice %arg9[%mul3A_1418, %mul3A_1420] : memref<64x4096xf32, #tpu.memory_space<hbm>> -> memref<8x128xf32, #tpu.memory_space<hbm>>
        %dma_start3A_2358 = tpu.memref_slice %arg9[%mul3A_1418, %mul3A_1420] : memref<64x4096xf32, #tpu.memory_space<hbm>> -> memref<8x128xf32, #tpu.memory_space<hbm>>
        tpu.enqueue_dma source(%dma_start3A_2358 : memref<8x128xf32, #tpu.memory_space<hbm>>) target(%arg23 : memref<8x128xf32, #tpu.memory_space<vmem>>) target_semaphore(%run_scoped3A : memref<!tpu.dma_semaphore, #tpu.memory_space<semaphore_mem>>)
        %dma_wait3A_2359 = tpu.memref_slice %arg9[%mul3A_1418, %mul3A_1420] : memref<64x4096xf32, #tpu.memory_space<hbm>> -> memref<8x128xf32, #tpu.memory_space<hbm>>
        %dma_wait3A_2360 = tpu.memref_slice %arg9[%mul3A_1418, %mul3A_1420] : memref<64x4096xf32, #tpu.memory_space<hbm>> -> memref<8x128xf32, #tpu.memory_space<hbm>>
        tpu.wait_dma2 semaphore(%run_scoped3A : memref<!tpu.dma_semaphore, #tpu.memory_space<semaphore_mem>>) src(%dma_wait3A_2360 : memref<8x128xf32, #tpu.memory_space<hbm>>) dst(%arg23 : memref<8x128xf32, #tpu.memory_space<vmem>>)
        tpu.yield
      }) : () -> ()
      %get3A_1421 = arith.constant 0 : index
      %get3A_1422 = tpu.vector_load %arg17[%get3A_1421] {strides = array<i32>} : memref<128xf32, #tpu.memory_space<vmem>>, vector<16xf32>,
      %mul3A_1423 = arith.constant 128 : i32
      %mul3A_1424 = arith.muli %add3A, %mul3A_1423 : i32
      %add3A_1425 = arith.constant 0 : i32
      %add3A_1426 = arith.addi %mul3A_1424, %add3A_1425 : i32
      %get3A_1427 = arith.constant 0 : i32
      %get3A_1428 = arith.index_cast %get3A_1427 : i32 to index
      %get3A_1429 = arith.index_cast %add3A_1426 : i32 to index
      %get3A_1430 = tpu.vector_load %arg21[%get3A_1428, %get3A_1429] {strides = array<i32>} : memref<8x4096xf32, #tpu.memory_space<vmem>>, vector<16xf32>,
      %get3A_1431 = arith.constant 0 : i32
      %get3A_1432 = arith.index_cast %get3A_1431 : i32 to index
      %get3A_1433 = arith.constant 0 : index
      %get3A_1434 = tpu.vector_load %arg23[%get3A_1432, %get3A_1433] {strides = array<i32>} : memref<8x128xf32, #tpu.memory_space<vmem>>, vector<16xf32>,
      %mul3A_1435 = arith.mulf %get3A_1430, %get3A_1434 : vector<16xf32>
      %add3A_1436 = arith.addf %get3A_1422, %mul3A_1435 : vector<16xf32>
      %mul3A_1437 = arith.constant 128 : i32
      %mul3A_1438 = arith.muli %add3A, %mul3A_1437 : i32
      %add3A_1439 = arith.constant 0 : i32
      %add3A_1440 = arith.addi %mul3A_1438, %add3A_1439 : i32
      %get3A_1441 = arith.constant 1 : i32
      %get3A_1442 = arith.index_cast %get3A_1441 : i32 to index
      %get3A_1443 = arith.index_cast %add3A_1440 : i32 to index
      %get3A_1444 = tpu.vector_load %arg21[%get3A_1442, %get3A_1443] {strides = array<i32>} : memref<8x4096xf32, #tpu.memory_space<vmem>>, vector<16xf32>,
      %get3A_1445 = arith.constant 1 : i32
      %get3A_1446 = arith.index_cast %get3A_1445 : i32 to index
      %get3A_1447 = arith.constant 0 : index
      %get3A_1448 = tpu.vector_load %arg23[%get3A_1446, %get3A_1447] {strides = array<i32>} : memref<8x128xf32, #tpu.memory_space<vmem>>, vector<16xf32>,
      %mul3A_1449 = arith.mulf %get3A_1444, %get3A_1448 : vector<16xf32>
      %add3A_1450 = arith.addf %add3A_1436, %mul3A_1449 : vector<16xf32>
      %mul3A_1451 = arith.constant 128 : i32
      %mul3A_1452 = arith.muli %add3A, %mul3A_1451 : i32
      %add3A_1453 = arith.constant 0 : i32
      %add3A_1454 = arith.addi %mul3A_1452, %add3A_1453 : i32
      %get3A_1455 = arith.constant 2 : i32
      %get3A_1456 = arith.index_cast %get3A_1455 : i32 to index
      %get3A_1457 = arith.index_cast %add3A_1454 : i32 to index
      %get3A_1458 = tpu.vector_load %arg21[%get3A_1456, %get3A_1457] {strides = array<i32>} : memref<8x4096xf32, #tpu.memory_space<vmem>>, vector<16xf32>,
      %get3A_1459 = arith.constant 2 : i32
      %get3A_1460 = arith.index_cast %get3A_1459 : i32 to index
      %get3A_1461 = arith.constant 0 : index
      %get3A_1462 = tpu.vector_load %arg23[%get3A_1460, %get3A_1461] {strides = array<i32>} : memref<8x128xf32, #tpu.memory_space<vmem>>, vector<16xf32>,
      %mul3A_1463 = arith.mulf %get3A_1458, %get3A_1462 : vector<16xf32>
      %add3A_1464 = arith.addf %add3A_1450, %mul3A_1463 : vector<16xf32>
      %mul3A_1465 = arith.constant 128 : i32
      %mul3A_1466 = arith.muli %add3A, %mul3A_1465 : i32
      %add3A_1467 = arith.constant 0 : i32
      %add3A_1468 = arith.addi %mul3A_1466, %add3A_1467 : i32
      %get3A_1469 = arith.constant 3 : i32
      %get3A_1470 = arith.index_cast %get3A_1469 : i32 to index
      %get3A_1471 = arith.index_cast %add3A_1468 : i32 to index
      %get3A_1472 = tpu.vector_load %arg21[%get3A_1470, %get3A_1471] {strides = array<i32>} : memref<8x4096xf32, #tpu.memory_space<vmem>>, vector<16xf32>,
      %get3A_1473 = arith.constant 3 : i32
      %get3A_1474 = arith.index_cast %get3A_1473 : i32 to index
      %get3A_1475 = arith.constant 0 : index
      %get3A_1476 = tpu.vector_load %arg23[%get3A_1474, %get3A_1475] {strides = array<i32>} : memref<8x128xf32, #tpu.memory_space<vmem>>, vector<16xf32>,
      %mul3A_1477 = arith.mulf %get3A_1472, %get3A_1476 : vector<16xf32>
      %add3A_1478 = arith.addf %add3A_1464, %mul3A_1477 : vector<16xf32>
      %mul3A_1479 = arith.constant 128 : i32
      %mul3A_1480 = arith.muli %add3A, %mul3A_1479 : i32
      %add3A_1481 = arith.constant 0 : i32
      %add3A_1482 = arith.addi %mul3A_1480, %add3A_1481 : i32
      %get3A_1483 = arith.constant 4 : i32
      %get3A_1484 = arith.index_cast %get3A_1483 : i32 to index
      %get3A_1485 = arith.index_cast %add3A_1482 : i32 to index
      %get3A_1486 = tpu.vector_load %arg21[%get3A_1484, %get3A_1485] {strides = array<i32>} : memref<8x4096xf32, #tpu.memory_space<vmem>>, vector<16xf32>,
      %get3A_1487 = arith.constant 4 : i32
      %get3A_1488 = arith.index_cast %get3A_1487 : i32 to index
      %get3A_1489 = arith.constant 0 : index
      %get3A_1490 = tpu.vector_load %arg23[%get3A_1488, %get3A_1489] {strides = array<i32>} : memref<8x128xf32, #tpu.memory_space<vmem>>, vector<16xf32>,
      %mul3A_1491 = arith.mulf %get3A_1486, %get3A_1490 : vector<16xf32>
      %add3A_1492 = arith.addf %add3A_1478, %mul3A_1491 : vector<16xf32>
      %mul3A_1493 = arith.constant 128 : i32
      %mul3A_1494 = arith.muli %add3A, %mul3A_1493 : i32
      %add3A_1495 = arith.constant 0 : i32
      %add3A_1496 = arith.addi %mul3A_1494, %add3A_1495 : i32
      %get3A_1497 = arith.constant 5 : i32
      %get3A_1498 = arith.index_cast %get3A_1497 : i32 to index
      %get3A_1499 = arith.index_cast %add3A_1496 : i32 to index
      %get3A_1500 = tpu.vector_load %arg21[%get3A_1498, %get3A_1499] {strides = array<i32>} : memref<8x4096xf32, #tpu.memory_space<vmem>>, vector<16xf32>,
      %get3A_1501 = arith.constant 5 : i32
      %get3A_1502 = arith.index_cast %get3A_1501 : i32 to index
      %get3A_1503 = arith.constant 0 : index
      %get3A_1504 = tpu.vector_load %arg23[%get3A_1502, %get3A_1503] {strides = array<i32>} : memref<8x128xf32, #tpu.memory_space<vmem>>, vector<16xf32>,
      %mul3A_1505 = arith.mulf %get3A_1500, %get3A_1504 : vector<16xf32>
      %add3A_1506 = arith.addf %add3A_1492, %mul3A_1505 : vector<16xf32>
      %mul3A_1507 = arith.constant 128 : i32
      %mul3A_1508 = arith.muli %add3A, %mul3A_1507 : i32
      %add3A_1509 = arith.constant 0 : i32
      %add3A_1510 = arith.addi %mul3A_1508, %add3A_1509 : i32
      %get3A_1511 = arith.constant 6 : i32
      %get3A_1512 = arith.index_cast %get3A_1511 : i32 to index
      %get3A_1513 = arith.index_cast %add3A_1510 : i32 to index
      %get3A_1514 = tpu.vector_load %arg21[%get3A_1512, %get3A_1513] {strides = array<i32>} : memref<8x4096xf32, #tpu.memory_space<vmem>>, vector<16xf32>,
      %get3A_1515 = arith.constant 6 : i32
      %get3A_1516 = arith.index_cast %get3A_1515 : i32 to index
      %get3A_1517 = arith.constant 0 : index
      %get3A_1518 = tpu.vector_load %arg23[%get3A_1516, %get3A_1517] {strides = array<i32>} : memref<8x128xf32, #tpu.memory_space<vmem>>, vector<16xf32>,
      %mul3A_1519 = arith.mulf %get3A_1514, %get3A_1518 : vector<16xf32>
      %add3A_1520 = arith.addf %add3A_1506, %mul3A_1519 : vector<16xf32>
      %mul3A_1521 = arith.constant 128 : i32
      %mul3A_1522 = arith.muli %add3A, %mul3A_1521 : i32
      %add3A_1523 = arith.constant 0 : i32
      %add3A_1524 = arith.addi %mul3A_1522, %add3A_1523 : i32
      %get3A_1525 = arith.constant 7 : i32
      %get3A_1526 = arith.index_cast %get3A_1525 : i32 to index
      %get3A_1527 = arith.index_cast %add3A_1524 : i32 to index
      %get3A_1528 = tpu.vector_load %arg21[%get3A_1526, %get3A_1527] {strides = array<i32>} : memref<8x4096xf32, #tpu.memory_space<vmem>>, vector<16xf32>,
      %get3A_1529 = arith.constant 7 : i32
      %get3A_1530 = arith.index_cast %get3A_1529 : i32 to index
      %get3A_1531 = arith.constant 0 : index
      %get3A_1532 = tpu.vector_load %arg23[%get3A_1530, %get3A_1531] {strides = array<i32>} : memref<8x128xf32, #tpu.memory_space<vmem>>, vector<16xf32>,
      %mul3A_1533 = arith.mulf %get3A_1528, %get3A_1532 : vector<16xf32>
      %add3A_1534 = arith.addf %add3A_1520, %mul3A_1533 : vector<16xf32>
      %swap3A_1535 = arith.constant 0 : index
      %swap3A_1536 = tpu.vector_load %arg17[%swap3A_1535] {strides = array<i32>} : memref<128xf32, #tpu.memory_space<vmem>>, vector<16xf32>,
      tpu.vector_store %arg17[%swap3A_1535], %add3A_1534 {strides = array<i32>} : memref<128xf32, #tpu.memory_space<vmem>>, vector<16xf32>,
      %get3A_1537 = arith.constant 16 : index
      %get3A_1538 = tpu.vector_load %arg17[%get3A_1537] {strides = array<i32>} : memref<128xf32, #tpu.memory_space<vmem>>, vector<16xf32>,
      %mul3A_1539 = arith.constant 128 : i32
      %mul3A_1540 = arith.muli %add3A, %mul3A_1539 : i32
      %add3A_1541 = arith.constant 16 : i32
      %add3A_1542 = arith.addi %mul3A_1540, %add3A_1541 : i32
      %get3A_1543 = arith.constant 0 : i32
      %get3A_1544 = arith.index_cast %get3A_1543 : i32 to index
      %get3A_1545 = arith.index_cast %add3A_1542 : i32 to index
      %get3A_1546 = tpu.vector_load %arg21[%get3A_1544, %get3A_1545] {strides = array<i32>} : memref<8x4096xf32, #tpu.memory_space<vmem>>, vector<16xf32>,
      %get3A_1547 = arith.constant 0 : i32
      %get3A_1548 = arith.index_cast %get3A_1547 : i32 to index
      %get3A_1549 = arith.constant 16 : index
      %get3A_1550 = tpu.vector_load %arg23[%get3A_1548, %get3A_1549] {strides = array<i32>} : memref<8x128xf32, #tpu.memory_space<vmem>>, vector<16xf32>,
      %mul3A_1551 = arith.mulf %get3A_1546, %get3A_1550 : vector<16xf32>
      %add3A_1552 = arith.addf %get3A_1538, %mul3A_1551 : vector<16xf32>
      %mul3A_1553 = arith.constant 128 : i32
      %mul3A_1554 = arith.muli %add3A, %mul3A_1553 : i32
      %add3A_1555 = arith.constant 16 : i32
      %add3A_1556 = arith.addi %mul3A_1554, %add3A_1555 : i32
      %get3A_1557 = arith.constant 1 : i32
      %get3A_1558 = arith.index_cast %get3A_1557 : i32 to index
      %get3A_1559 = arith.index_cast %add3A_1556 : i32 to index
      %get3A_1560 = tpu.vector_load %arg21[%get3A_1558, %get3A_1559] {strides = array<i32>} : memref<8x4096xf32, #tpu.memory_space<vmem>>, vector<16xf32>,
      %get3A_1561 = arith.constant 1 : i32
      %get3A_1562 = arith.index_cast %get3A_1561 : i32 to index
      %get3A_1563 = arith.constant 16 : index
      %get3A_1564 = tpu.vector_load %arg23[%get3A_1562, %get3A_1563] {strides = array<i32>} : memref<8x128xf32, #tpu.memory_space<vmem>>, vector<16xf32>,
      %mul3A_1565 = arith.mulf %get3A_1560, %get3A_1564 : vector<16xf32>
      %add3A_1566 = arith.addf %add3A_1552, %mul3A_1565 : vector<16xf32>
      %mul3A_1567 = arith.constant 128 : i32
      %mul3A_1568 = arith.muli %add3A, %mul3A_1567 : i32
      %add3A_1569 = arith.constant 16 : i32
      %add3A_1570 = arith.addi %mul3A_1568, %add3A_1569 : i32
      %get3A_1571 = arith.constant 2 : i32
      %get3A_1572 = arith.index_cast %get3A_1571 : i32 to index
      %get3A_1573 = arith.index_cast %add3A_1570 : i32 to index
      %get3A_1574 = tpu.vector_load %arg21[%get3A_1572, %get3A_1573] {strides = array<i32>} : memref<8x4096xf32, #tpu.memory_space<vmem>>, vector<16xf32>,
      %get3A_1575 = arith.constant 2 : i32
      %get3A_1576 = arith.index_cast %get3A_1575 : i32 to index
      %get3A_1577 = arith.constant 16 : index
      %get3A_1578 = tpu.vector_load %arg23[%get3A_1576, %get3A_1577] {strides = array<i32>} : memref<8x128xf32, #tpu.memory_space<vmem>>, vector<16xf32>,
      %mul3A_1579 = arith.mulf %get3A_1574, %get3A_1578 : vector<16xf32>
      %add3A_1580 = arith.addf %add3A_1566, %mul3A_1579 : vector<16xf32>
      %mul3A_1581 = arith.constant 128 : i32
      %mul3A_1582 = arith.muli %add3A, %mul3A_1581 : i32
      %add3A_1583 = arith.constant 16 : i32
      %add3A_1584 = arith.addi %mul3A_1582, %add3A_1583 : i32
      %get3A_1585 = arith.constant 3 : i32
      %get3A_1586 = arith.index_cast %get3A_1585 : i32 to index
      %get3A_1587 = arith.index_cast %add3A_1584 : i32 to index
      %get3A_1588 = tpu.vector_load %arg21[%get3A_1586, %get3A_1587] {strides = array<i32>} : memref<8x4096xf32, #tpu.memory_space<vmem>>, vector<16xf32>,
      %get3A_1589 = arith.constant 3 : i32
      %get3A_1590 = arith.index_cast %get3A_1589 : i32 to index
      %get3A_1591 = arith.constant 16 : index
      %get3A_1592 = tpu.vector_load %arg23[%get3A_1590, %get3A_1591] {strides = array<i32>} : memref<8x128xf32, #tpu.memory_space<vmem>>, vector<16xf32>,
      %mul3A_1593 = arith.mulf %get3A_1588, %get3A_1592 : vector<16xf32>
      %add3A_1594 = arith.addf %add3A_1580, %mul3A_1593 : vector<16xf32>
      %mul3A_1595 = arith.constant 128 : i32
      %mul3A_1596 = arith.muli %add3A, %mul3A_1595 : i32
      %add3A_1597 = arith.constant 16 : i32
      %add3A_1598 = arith.addi %mul3A_1596, %add3A_1597 : i32
      %get3A_1599 = arith.constant 4 : i32
      %get3A_1600 = arith.index_cast %get3A_1599 : i32 to index
      %get3A_1601 = arith.index_cast %add3A_1598 : i32 to index
      %get3A_1602 = tpu.vector_load %arg21[%get3A_1600, %get3A_1601] {strides = array<i32>} : memref<8x4096xf32, #tpu.memory_space<vmem>>, vector<16xf32>,
      %get3A_1603 = arith.constant 4 : i32
      %get3A_1604 = arith.index_cast %get3A_1603 : i32 to index
      %get3A_1605 = arith.constant 16 : index
      %get3A_1606 = tpu.vector_load %arg23[%get3A_1604, %get3A_1605] {strides = array<i32>} : memref<8x128xf32, #tpu.memory_space<vmem>>, vector<16xf32>,
      %mul3A_1607 = arith.mulf %get3A_1602, %get3A_1606 : vector<16xf32>
      %add3A_1608 = arith.addf %add3A_1594, %mul3A_1607 : vector<16xf32>
      %mul3A_1609 = arith.constant 128 : i32
      %mul3A_1610 = arith.muli %add3A, %mul3A_1609 : i32
      %add3A_1611 = arith.constant 16 : i32
      %add3A_1612 = arith.addi %mul3A_1610, %add3A_1611 : i32
      %get3A_1613 = arith.constant 5 : i32
      %get3A_1614 = arith.index_cast %get3A_1613 : i32 to index
      %get3A_1615 = arith.index_cast %add3A_1612 : i32 to index
      %get3A_1616 = tpu.vector_load %arg21[%get3A_1614, %get3A_1615] {strides = array<i32>} : memref<8x4096xf32, #tpu.memory_space<vmem>>, vector<16xf32>,
      %get3A_1617 = arith.constant 5 : i32
      %get3A_1618 = arith.index_cast %get3A_1617 : i32 to index
      %get3A_1619 = arith.constant 16 : index
      %get3A_1620 = tpu.vector_load %arg23[%get3A_1618, %get3A_1619] {strides = array<i32>} : memref<8x128xf32, #tpu.memory_space<vmem>>, vector<16xf32>,
      %mul3A_1621 = arith.mulf %get3A_1616, %get3A_1620 : vector<16xf32>
      %add3A_1622 = arith.addf %add3A_1608, %mul3A_1621 : vector<16xf32>
      %mul3A_1623 = arith.constant 128 : i32
      %mul3A_1624 = arith.muli %add3A, %mul3A_1623 : i32
      %add3A_1625 = arith.constant 16 : i32
      %add3A_1626 = arith.addi %mul3A_1624, %add3A_1625 : i32
      %get3A_1627 = arith.constant 6 : i32
      %get3A_1628 = arith.index_cast %get3A_1627 : i32 to index
      %get3A_1629 = arith.index_cast %add3A_1626 : i32 to index
      %get3A_1630 = tpu.vector_load %arg21[%get3A_1628, %get3A_1629] {strides = array<i32>} : memref<8x4096xf32, #tpu.memory_space<vmem>>, vector<16xf32>,
      %get3A_1631 = arith.constant 6 : i32
      %get3A_1632 = arith.index_cast %get3A_1631 : i32 to index
      %get3A_1633 = arith.constant 16 : index
      %get3A_1634 = tpu.vector_load %arg23[%get3A_1632, %get3A_1633] {strides = array<i32>} : memref<8x128xf32, #tpu.memory_space<vmem>>, vector<16xf32>,
      %mul3A_1635 = arith.mulf %get3A_1630, %get3A_1634 : vector<16xf32>
      %add3A_1636 = arith.addf %add3A_1622, %mul3A_1635 : vector<16xf32>
      %mul3A_1637 = arith.constant 128 : i32
      %mul3A_1638 = arith.muli %add3A, %mul3A_1637 : i32
      %add3A_1639 = arith.constant 16 : i32
      %add3A_1640 = arith.addi %mul3A_1638, %add3A_1639 : i32
      %get3A_1641 = arith.constant 7 : i32
      %get3A_1642 = arith.index_cast %get3A_1641 : i32 to index
      %get3A_1643 = arith.index_cast %add3A_1640 : i32 to index
      %get3A_1644 = tpu.vector_load %arg21[%get3A_1642, %get3A_1643] {strides = array<i32>} : memref<8x4096xf32, #tpu.memory_space<vmem>>, vector<16xf32>,
      %get3A_1645 = arith.constant 7 : i32
      %get3A_1646 = arith.index_cast %get3A_1645 : i32 to index
      %get3A_1647 = arith.constant 16 : index
      %get3A_1648 = tpu.vector_load %arg23[%get3A_1646, %get3A_1647] {strides = array<i32>} : memref<8x128xf32, #tpu.memory_space<vmem>>, vector<16xf32>,
      %mul3A_1649 = arith.mulf %get3A_1644, %get3A_1648 : vector<16xf32>
      %add3A_1650 = arith.addf %add3A_1636, %mul3A_1649 : vector<16xf32>
      %swap3A_1651 = arith.constant 16 : index
      %swap3A_1652 = tpu.vector_load %arg17[%swap3A_1651] {strides = array<i32>} : memref<128xf32, #tpu.memory_space<vmem>>, vector<16xf32>,
      tpu.vector_store %arg17[%swap3A_1651], %add3A_1650 {strides = array<i32>} : memref<128xf32, #tpu.memory_space<vmem>>, vector<16xf32>,
      %get3A_1653 = arith.constant 32 : index
      %get3A_1654 = tpu.vector_load %arg17[%get3A_1653] {strides = array<i32>} : memref<128xf32, #tpu.memory_space<vmem>>, vector<16xf32>,
      %mul3A_1655 = arith.constant 128 : i32
      %mul3A_1656 = arith.muli %add3A, %mul3A_1655 : i32
      %add3A_1657 = arith.constant 32 : i32
      %add3A_1658 = arith.addi %mul3A_1656, %add3A_1657 : i32
      %get3A_1659 = arith.constant 0 : i32
      %get3A_1660 = arith.index_cast %get3A_1659 : i32 to index
      %get3A_1661 = arith.index_cast %add3A_1658 : i32 to index
      %get3A_1662 = tpu.vector_load %arg21[%get3A_1660, %get3A_1661] {strides = array<i32>} : memref<8x4096xf32, #tpu.memory_space<vmem>>, vector<16xf32>,
      %get3A_1663 = arith.constant 0 : i32
      %get3A_1664 = arith.index_cast %get3A_1663 : i32 to index
      %get3A_1665 = arith.constant 32 : index
      %get3A_1666 = tpu.vector_load %arg23[%get3A_1664, %get3A_1665] {strides = array<i32>} : memref<8x128xf32, #tpu.memory_space<vmem>>, vector<16xf32>,
      %mul3A_1667 = arith.mulf %get3A_1662, %get3A_1666 : vector<16xf32>
      %add3A_1668 = arith.addf %get3A_1654, %mul3A_1667 : vector<16xf32>
      %mul3A_1669 = arith.constant 128 : i32
      %mul3A_1670 = arith.muli %add3A, %mul3A_1669 : i32
      %add3A_1671 = arith.constant 32 : i32
      %add3A_1672 = arith.addi %mul3A_1670, %add3A_1671 : i32
      %get3A_1673 = arith.constant 1 : i32
      %get3A_1674 = arith.index_cast %get3A_1673 : i32 to index
      %get3A_1675 = arith.index_cast %add3A_1672 : i32 to index
      %get3A_1676 = tpu.vector_load %arg21[%get3A_1674, %get3A_1675] {strides = array<i32>} : memref<8x4096xf32, #tpu.memory_space<vmem>>, vector<16xf32>,
      %get3A_1677 = arith.constant 1 : i32
      %get3A_1678 = arith.index_cast %get3A_1677 : i32 to index
      %get3A_1679 = arith.constant 32 : index
      %get3A_1680 = tpu.vector_load %arg23[%get3A_1678, %get3A_1679] {strides = array<i32>} : memref<8x128xf32, #tpu.memory_space<vmem>>, vector<16xf32>,
      %mul3A_1681 = arith.mulf %get3A_1676, %get3A_1680 : vector<16xf32>
      %add3A_1682 = arith.addf %add3A_1668, %mul3A_1681 : vector<16xf32>
      %mul3A_1683 = arith.constant 128 : i32
      %mul3A_1684 = arith.muli %add3A, %mul3A_1683 : i32
      %add3A_1685 = arith.constant 32 : i32
      %add3A_1686 = arith.addi %mul3A_1684, %add3A_1685 : i32
      %get3A_1687 = arith.constant 2 : i32
      %get3A_1688 = arith.index_cast %get3A_1687 : i32 to index
      %get3A_1689 = arith.index_cast %add3A_1686 : i32 to index
      %get3A_1690 = tpu.vector_load %arg21[%get3A_1688, %get3A_1689] {strides = array<i32>} : memref<8x4096xf32, #tpu.memory_space<vmem>>, vector<16xf32>,
      %get3A_1691 = arith.constant 2 : i32
      %get3A_1692 = arith.index_cast %get3A_1691 : i32 to index
      %get3A_1693 = arith.constant 32 : index
      %get3A_1694 = tpu.vector_load %arg23[%get3A_1692, %get3A_1693] {strides = array<i32>} : memref<8x128xf32, #tpu.memory_space<vmem>>, vector<16xf32>,
      %mul3A_1695 = arith.mulf %get3A_1690, %get3A_1694 : vector<16xf32>
      %add3A_1696 = arith.addf %add3A_1682, %mul3A_1695 : vector<16xf32>
      %mul3A_1697 = arith.constant 128 : i32
      %mul3A_1698 = arith.muli %add3A, %mul3A_1697 : i32
      %add3A_1699 = arith.constant 32 : i32
      %add3A_1700 = arith.addi %mul3A_1698, %add3A_1699 : i32
      %get3A_1701 = arith.constant 3 : i32
      %get3A_1702 = arith.index_cast %get3A_1701 : i32 to index
      %get3A_1703 = arith.index_cast %add3A_1700 : i32 to index
      %get3A_1704 = tpu.vector_load %arg21[%get3A_1702, %get3A_1703] {strides = array<i32>} : memref<8x4096xf32, #tpu.memory_space<vmem>>, vector<16xf32>,
      %get3A_1705 = arith.constant 3 : i32
      %get3A_1706 = arith.index_cast %get3A_1705 : i32 to index
      %get3A_1707 = arith.constant 32 : index
      %get3A_1708 = tpu.vector_load %arg23[%get3A_1706, %get3A_1707] {strides = array<i32>} : memref<8x128xf32, #tpu.memory_space<vmem>>, vector<16xf32>,
      %mul3A_1709 = arith.mulf %get3A_1704, %get3A_1708 : vector<16xf32>
      %add3A_1710 = arith.addf %add3A_1696, %mul3A_1709 : vector<16xf32>
      %mul3A_1711 = arith.constant 128 : i32
      %mul3A_1712 = arith.muli %add3A, %mul3A_1711 : i32
      %add3A_1713 = arith.constant 32 : i32
      %add3A_1714 = arith.addi %mul3A_1712, %add3A_1713 : i32
      %get3A_1715 = arith.constant 4 : i32
      %get3A_1716 = arith.index_cast %get3A_1715 : i32 to index
      %get3A_1717 = arith.index_cast %add3A_1714 : i32 to index
      %get3A_1718 = tpu.vector_load %arg21[%get3A_1716, %get3A_1717] {strides = array<i32>} : memref<8x4096xf32, #tpu.memory_space<vmem>>, vector<16xf32>,
      %get3A_1719 = arith.constant 4 : i32
      %get3A_1720 = arith.index_cast %get3A_1719 : i32 to index
      %get3A_1721 = arith.constant 32 : index
      %get3A_1722 = tpu.vector_load %arg23[%get3A_1720, %get3A_1721] {strides = array<i32>} : memref<8x128xf32, #tpu.memory_space<vmem>>, vector<16xf32>,
      %mul3A_1723 = arith.mulf %get3A_1718, %get3A_1722 : vector<16xf32>
      %add3A_1724 = arith.addf %add3A_1710, %mul3A_1723 : vector<16xf32>
      %mul3A_1725 = arith.constant 128 : i32
      %mul3A_1726 = arith.muli %add3A, %mul3A_1725 : i32
      %add3A_1727 = arith.constant 32 : i32
      %add3A_1728 = arith.addi %mul3A_1726, %add3A_1727 : i32
      %get3A_1729 = arith.constant 5 : i32
      %get3A_1730 = arith.index_cast %get3A_1729 : i32 to index
      %get3A_1731 = arith.index_cast %add3A_1728 : i32 to index
      %get3A_1732 = tpu.vector_load %arg21[%get3A_1730, %get3A_1731] {strides = array<i32>} : memref<8x4096xf32, #tpu.memory_space<vmem>>, vector<16xf32>,
      %get3A_1733 = arith.constant 5 : i32
      %get3A_1734 = arith.index_cast %get3A_1733 : i32 to index
      %get3A_1735 = arith.constant 32 : index
      %get3A_1736 = tpu.vector_load %arg23[%get3A_1734, %get3A_1735] {strides = array<i32>} : memref<8x128xf32, #tpu.memory_space<vmem>>, vector<16xf32>,
      %mul3A_1737 = arith.mulf %get3A_1732, %get3A_1736 : vector<16xf32>
      %add3A_1738 = arith.addf %add3A_1724, %mul3A_1737 : vector<16xf32>
      %mul3A_1739 = arith.constant 128 : i32
      %mul3A_1740 = arith.muli %add3A, %mul3A_1739 : i32
      %add3A_1741 = arith.constant 32 : i32
      %add3A_1742 = arith.addi %mul3A_1740, %add3A_1741 : i32
      %get3A_1743 = arith.constant 6 : i32
      %get3A_1744 = arith.index_cast %get3A_1743 : i32 to index
      %get3A_1745 = arith.index_cast %add3A_1742 : i32 to index
      %get3A_1746 = tpu.vector_load %arg21[%get3A_1744, %get3A_1745] {strides = array<i32>} : memref<8x4096xf32, #tpu.memory_space<vmem>>, vector<16xf32>,
      %get3A_1747 = arith.constant 6 : i32
      %get3A_1748 = arith.index_cast %get3A_1747 : i32 to index
      %get3A_1749 = arith.constant 32 : index
      %get3A_1750 = tpu.vector_load %arg23[%get3A_1748, %get3A_1749] {strides = array<i32>} : memref<8x128xf32, #tpu.memory_space<vmem>>, vector<16xf32>,
      %mul3A_1751 = arith.mulf %get3A_1746, %get3A_1750 : vector<16xf32>
      %add3A_1752 = arith.addf %add3A_1738, %mul3A_1751 : vector<16xf32>
      %mul3A_1753 = arith.constant 128 : i32
      %mul3A_1754 = arith.muli %add3A, %mul3A_1753 : i32
      %add3A_1755 = arith.constant 32 : i32
      %add3A_1756 = arith.addi %mul3A_1754, %add3A_1755 : i32
      %get3A_1757 = arith.constant 7 : i32
      %get3A_1758 = arith.index_cast %get3A_1757 : i32 to index
      %get3A_1759 = arith.index_cast %add3A_1756 : i32 to index
      %get3A_1760 = tpu.vector_load %arg21[%get3A_1758, %get3A_1759] {strides = array<i32>} : memref<8x4096xf32, #tpu.memory_space<vmem>>, vector<16xf32>,
      %get3A_1761 = arith.constant 7 : i32
      %get3A_1762 = arith.index_cast %get3A_1761 : i32 to index
      %get3A_1763 = arith.constant 32 : index
      %get3A_1764 = tpu.vector_load %arg23[%get3A_1762, %get3A_1763] {strides = array<i32>} : memref<8x128xf32, #tpu.memory_space<vmem>>, vector<16xf32>,
      %mul3A_1765 = arith.mulf %get3A_1760, %get3A_1764 : vector<16xf32>
      %add3A_1766 = arith.addf %add3A_1752, %mul3A_1765 : vector<16xf32>
      %swap3A_1767 = arith.constant 32 : index
      %swap3A_1768 = tpu.vector_load %arg17[%swap3A_1767] {strides = array<i32>} : memref<128xf32, #tpu.memory_space<vmem>>, vector<16xf32>,
      tpu.vector_store %arg17[%swap3A_1767], %add3A_1766 {strides = array<i32>} : memref<128xf32, #tpu.memory_space<vmem>>, vector<16xf32>,
      %get3A_1769 = arith.constant 48 : index
      %get3A_1770 = tpu.vector_load %arg17[%get3A_1769] {strides = array<i32>} : memref<128xf32, #tpu.memory_space<vmem>>, vector<16xf32>,
      %mul3A_1771 = arith.constant 128 : i32
      %mul3A_1772 = arith.muli %add3A, %mul3A_1771 : i32
      %add3A_1773 = arith.constant 48 : i32
      %add3A_1774 = arith.addi %mul3A_1772, %add3A_1773 : i32
      %get3A_1775 = arith.constant 0 : i32
      %get3A_1776 = arith.index_cast %get3A_1775 : i32 to index
      %get3A_1777 = arith.index_cast %add3A_1774 : i32 to index
      %get3A_1778 = tpu.vector_load %arg21[%get3A_1776, %get3A_1777] {strides = array<i32>} : memref<8x4096xf32, #tpu.memory_space<vmem>>, vector<16xf32>,
      %get3A_1779 = arith.constant 0 : i32
      %get3A_1780 = arith.index_cast %get3A_1779 : i32 to index
      %get3A_1781 = arith.constant 48 : index
      %get3A_1782 = tpu.vector_load %arg23[%get3A_1780, %get3A_1781] {strides = array<i32>} : memref<8x128xf32, #tpu.memory_space<vmem>>, vector<16xf32>,
      %mul3A_1783 = arith.mulf %get3A_1778, %get3A_1782 : vector<16xf32>
      %add3A_1784 = arith.addf %get3A_1770, %mul3A_1783 : vector<16xf32>
      %mul3A_1785 = arith.constant 128 : i32
      %mul3A_1786 = arith.muli %add3A, %mul3A_1785 : i32
      %add3A_1787 = arith.constant 48 : i32
      %add3A_1788 = arith.addi %mul3A_1786, %add3A_1787 : i32
      %get3A_1789 = arith.constant 1 : i32
      %get3A_1790 = arith.index_cast %get3A_1789 : i32 to index
      %get3A_1791 = arith.index_cast %add3A_1788 : i32 to index
      %get3A_1792 = tpu.vector_load %arg21[%get3A_1790, %get3A_1791] {strides = array<i32>} : memref<8x4096xf32, #tpu.memory_space<vmem>>, vector<16xf32>,
      %get3A_1793 = arith.constant 1 : i32
      %get3A_1794 = arith.index_cast %get3A_1793 : i32 to index
      %get3A_1795 = arith.constant 48 : index
      %get3A_1796 = tpu.vector_load %arg23[%get3A_1794, %get3A_1795] {strides = array<i32>} : memref<8x128xf32, #tpu.memory_space<vmem>>, vector<16xf32>,
      %mul3A_1797 = arith.mulf %get3A_1792, %get3A_1796 : vector<16xf32>
      %add3A_1798 = arith.addf %add3A_1784, %mul3A_1797 : vector<16xf32>
      %mul3A_1799 = arith.constant 128 : i32
      %mul3A_1800 = arith.muli %add3A, %mul3A_1799 : i32
      %add3A_1801 = arith.constant 48 : i32
      %add3A_1802 = arith.addi %mul3A_1800, %add3A_1801 : i32
      %get3A_1803 = arith.constant 2 : i32
      %get3A_1804 = arith.index_cast %get3A_1803 : i32 to index
      %get3A_1805 = arith.index_cast %add3A_1802 : i32 to index
      %get3A_1806 = tpu.vector_load %arg21[%get3A_1804, %get3A_1805] {strides = array<i32>} : memref<8x4096xf32, #tpu.memory_space<vmem>>, vector<16xf32>,
      %get3A_1807 = arith.constant 2 : i32
      %get3A_1808 = arith.index_cast %get3A_1807 : i32 to index
      %get3A_1809 = arith.constant 48 : index
      %get3A_1810 = tpu.vector_load %arg23[%get3A_1808, %get3A_1809] {strides = array<i32>} : memref<8x128xf32, #tpu.memory_space<vmem>>, vector<16xf32>,
      %mul3A_1811 = arith.mulf %get3A_1806, %get3A_1810 : vector<16xf32>
      %add3A_1812 = arith.addf %add3A_1798, %mul3A_1811 : vector<16xf32>
      %mul3A_1813 = arith.constant 128 : i32
      %mul3A_1814 = arith.muli %add3A, %mul3A_1813 : i32
      %add3A_1815 = arith.constant 48 : i32
      %add3A_1816 = arith.addi %mul3A_1814, %add3A_1815 : i32
      %get3A_1817 = arith.constant 3 : i32
      %get3A_1818 = arith.index_cast %get3A_1817 : i32 to index
      %get3A_1819 = arith.index_cast %add3A_1816 : i32 to index
      %get3A_1820 = tpu.vector_load %arg21[%get3A_1818, %get3A_1819] {strides = array<i32>} : memref<8x4096xf32, #tpu.memory_space<vmem>>, vector<16xf32>,
      %get3A_1821 = arith.constant 3 : i32
      %get3A_1822 = arith.index_cast %get3A_1821 : i32 to index
      %get3A_1823 = arith.constant 48 : index
      %get3A_1824 = tpu.vector_load %arg23[%get3A_1822, %get3A_1823] {strides = array<i32>} : memref<8x128xf32, #tpu.memory_space<vmem>>, vector<16xf32>,
      %mul3A_1825 = arith.mulf %get3A_1820, %get3A_1824 : vector<16xf32>
      %add3A_1826 = arith.addf %add3A_1812, %mul3A_1825 : vector<16xf32>
      %mul3A_1827 = arith.constant 128 : i32
      %mul3A_1828 = arith.muli %add3A, %mul3A_1827 : i32
      %add3A_1829 = arith.constant 48 : i32
      %add3A_1830 = arith.addi %mul3A_1828, %add3A_1829 : i32
      %get3A_1831 = arith.constant 4 : i32
      %get3A_1832 = arith.index_cast %get3A_1831 : i32 to index
      %get3A_1833 = arith.index_cast %add3A_1830 : i32 to index
      %get3A_1834 = tpu.vector_load %arg21[%get3A_1832, %get3A_1833] {strides = array<i32>} : memref<8x4096xf32, #tpu.memory_space<vmem>>, vector<16xf32>,
      %get3A_1835 = arith.constant 4 : i32
      %get3A_1836 = arith.index_cast %get3A_1835 : i32 to index
      %get3A_1837 = arith.constant 48 : index
      %get3A_1838 = tpu.vector_load %arg23[%get3A_1836, %get3A_1837] {strides = array<i32>} : memref<8x128xf32, #tpu.memory_space<vmem>>, vector<16xf32>,
      %mul3A_1839 = arith.mulf %get3A_1834, %get3A_1838 : vector<16xf32>
      %add3A_1840 = arith.addf %add3A_1826, %mul3A_1839 : vector<16xf32>
      %mul3A_1841 = arith.constant 128 : i32
      %mul3A_1842 = arith.muli %add3A, %mul3A_1841 : i32
      %add3A_1843 = arith.constant 48 : i32
      %add3A_1844 = arith.addi %mul3A_1842, %add3A_1843 : i32
      %get3A_1845 = arith.constant 5 : i32
      %get3A_1846 = arith.index_cast %get3A_1845 : i32 to index
      %get3A_1847 = arith.index_cast %add3A_1844 : i32 to index
      %get3A_1848 = tpu.vector_load %arg21[%get3A_1846, %get3A_1847] {strides = array<i32>} : memref<8x4096xf32, #tpu.memory_space<vmem>>, vector<16xf32>,
      %get3A_1849 = arith.constant 5 : i32
      %get3A_1850 = arith.index_cast %get3A_1849 : i32 to index
      %get3A_1851 = arith.constant 48 : index
      %get3A_1852 = tpu.vector_load %arg23[%get3A_1850, %get3A_1851] {strides = array<i32>} : memref<8x128xf32, #tpu.memory_space<vmem>>, vector<16xf32>,
      %mul3A_1853 = arith.mulf %get3A_1848, %get3A_1852 : vector<16xf32>
      %add3A_1854 = arith.addf %add3A_1840, %mul3A_1853 : vector<16xf32>
      %mul3A_1855 = arith.constant 128 : i32
      %mul3A_1856 = arith.muli %add3A, %mul3A_1855 : i32
      %add3A_1857 = arith.constant 48 : i32
      %add3A_1858 = arith.addi %mul3A_1856, %add3A_1857 : i32
      %get3A_1859 = arith.constant 6 : i32
      %get3A_1860 = arith.index_cast %get3A_1859 : i32 to index
      %get3A_1861 = arith.index_cast %add3A_1858 : i32 to index
      %get3A_1862 = tpu.vector_load %arg21[%get3A_1860, %get3A_1861] {strides = array<i32>} : memref<8x4096xf32, #tpu.memory_space<vmem>>, vector<16xf32>,
      %get3A_1863 = arith.constant 6 : i32
      %get3A_1864 = arith.index_cast %get3A_1863 : i32 to index
      %get3A_1865 = arith.constant 48 : index
      %get3A_1866 = tpu.vector_load %arg23[%get3A_1864, %get3A_1865] {strides = array<i32>} : memref<8x128xf32, #tpu.memory_space<vmem>>, vector<16xf32>,
      %mul3A_1867 = arith.mulf %get3A_1862, %get3A_1866 : vector<16xf32>
      %add3A_1868 = arith.addf %add3A_1854, %mul3A_1867 : vector<16xf32>
      %mul3A_1869 = arith.constant 128 : i32
      %mul3A_1870 = arith.muli %add3A, %mul3A_1869 : i32
      %add3A_1871 = arith.constant 48 : i32
      %add3A_1872 = arith.addi %mul3A_1870, %add3A_1871 : i32
      %get3A_1873 = arith.constant 7 : i32
      %get3A_1874 = arith.index_cast %get3A_1873 : i32 to index
      %get3A_1875 = arith.index_cast %add3A_1872 : i32 to index
      %get3A_1876 = tpu.vector_load %arg21[%get3A_1874, %get3A_1875] {strides = array<i32>} : memref<8x4096xf32, #tpu.memory_space<vmem>>, vector<16xf32>,
      %get3A_1877 = arith.constant 7 : i32
      %get3A_1878 = arith.index_cast %get3A_1877 : i32 to index
      %get3A_1879 = arith.constant 48 : index
      %get3A_1880 = tpu.vector_load %arg23[%get3A_1878, %get3A_1879] {strides = array<i32>} : memref<8x128xf32, #tpu.memory_space<vmem>>, vector<16xf32>,
      %mul3A_1881 = arith.mulf %get3A_1876, %get3A_1880 : vector<16xf32>
      %add3A_1882 = arith.addf %add3A_1868, %mul3A_1881 : vector<16xf32>
      %swap3A_1883 = arith.constant 48 : index
      %swap3A_1884 = tpu.vector_load %arg17[%swap3A_1883] {strides = array<i32>} : memref<128xf32, #tpu.memory_space<vmem>>, vector<16xf32>,
      tpu.vector_store %arg17[%swap3A_1883], %add3A_1882 {strides = array<i32>} : memref<128xf32, #tpu.memory_space<vmem>>, vector<16xf32>,
      %get3A_1885 = arith.constant 64 : index
      %get3A_1886 = tpu.vector_load %arg17[%get3A_1885] {strides = array<i32>} : memref<128xf32, #tpu.memory_space<vmem>>, vector<16xf32>,
      %mul3A_1887 = arith.constant 128 : i32
      %mul3A_1888 = arith.muli %add3A, %mul3A_1887 : i32
      %add3A_1889 = arith.constant 64 : i32
      %add3A_1890 = arith.addi %mul3A_1888, %add3A_1889 : i32
      %get3A_1891 = arith.constant 0 : i32
      %get3A_1892 = arith.index_cast %get3A_1891 : i32 to index
      %get3A_1893 = arith.index_cast %add3A_1890 : i32 to index
      %get3A_1894 = tpu.vector_load %arg21[%get3A_1892, %get3A_1893] {strides = array<i32>} : memref<8x4096xf32, #tpu.memory_space<vmem>>, vector<16xf32>,
      %get3A_1895 = arith.constant 0 : i32
      %get3A_1896 = arith.index_cast %get3A_1895 : i32 to index
      %get3A_1897 = arith.constant 64 : index
      %get3A_1898 = tpu.vector_load %arg23[%get3A_1896, %get3A_1897] {strides = array<i32>} : memref<8x128xf32, #tpu.memory_space<vmem>>, vector<16xf32>,
      %mul3A_1899 = arith.mulf %get3A_1894, %get3A_1898 : vector<16xf32>
      %add3A_1900 = arith.addf %get3A_1886, %mul3A_1899 : vector<16xf32>
      %mul3A_1901 = arith.constant 128 : i32
      %mul3A_1902 = arith.muli %add3A, %mul3A_1901 : i32
      %add3A_1903 = arith.constant 64 : i32
      %add3A_1904 = arith.addi %mul3A_1902, %add3A_1903 : i32
      %get3A_1905 = arith.constant 1 : i32
      %get3A_1906 = arith.index_cast %get3A_1905 : i32 to index
      %get3A_1907 = arith.index_cast %add3A_1904 : i32 to index
      %get3A_1908 = tpu.vector_load %arg21[%get3A_1906, %get3A_1907] {strides = array<i32>} : memref<8x4096xf32, #tpu.memory_space<vmem>>, vector<16xf32>,
      %get3A_1909 = arith.constant 1 : i32
      %get3A_1910 = arith.index_cast %get3A_1909 : i32 to index
      %get3A_1911 = arith.constant 64 : index
      %get3A_1912 = tpu.vector_load %arg23[%get3A_1910, %get3A_1911] {strides = array<i32>} : memref<8x128xf32, #tpu.memory_space<vmem>>, vector<16xf32>,
      %mul3A_1913 = arith.mulf %get3A_1908, %get3A_1912 : vector<16xf32>
      %add3A_1914 = arith.addf %add3A_1900, %mul3A_1913 : vector<16xf32>
      %mul3A_1915 = arith.constant 128 : i32
      %mul3A_1916 = arith.muli %add3A, %mul3A_1915 : i32
      %add3A_1917 = arith.constant 64 : i32
      %add3A_1918 = arith.addi %mul3A_1916, %add3A_1917 : i32
      %get3A_1919 = arith.constant 2 : i32
      %get3A_1920 = arith.index_cast %get3A_1919 : i32 to index
      %get3A_1921 = arith.index_cast %add3A_1918 : i32 to index
      %get3A_1922 = tpu.vector_load %arg21[%get3A_1920, %get3A_1921] {strides = array<i32>} : memref<8x4096xf32, #tpu.memory_space<vmem>>, vector<16xf32>,
      %get3A_1923 = arith.constant 2 : i32
      %get3A_1924 = arith.index_cast %get3A_1923 : i32 to index
      %get3A_1925 = arith.constant 64 : index
      %get3A_1926 = tpu.vector_load %arg23[%get3A_1924, %get3A_1925] {strides = array<i32>} : memref<8x128xf32, #tpu.memory_space<vmem>>, vector<16xf32>,
      %mul3A_1927 = arith.mulf %get3A_1922, %get3A_1926 : vector<16xf32>
      %add3A_1928 = arith.addf %add3A_1914, %mul3A_1927 : vector<16xf32>
      %mul3A_1929 = arith.constant 128 : i32
      %mul3A_1930 = arith.muli %add3A, %mul3A_1929 : i32
      %add3A_1931 = arith.constant 64 : i32
      %add3A_1932 = arith.addi %mul3A_1930, %add3A_1931 : i32
      %get3A_1933 = arith.constant 3 : i32
      %get3A_1934 = arith.index_cast %get3A_1933 : i32 to index
      %get3A_1935 = arith.index_cast %add3A_1932 : i32 to index
      %get3A_1936 = tpu.vector_load %arg21[%get3A_1934, %get3A_1935] {strides = array<i32>} : memref<8x4096xf32, #tpu.memory_space<vmem>>, vector<16xf32>,
      %get3A_1937 = arith.constant 3 : i32
      %get3A_1938 = arith.index_cast %get3A_1937 : i32 to index
      %get3A_1939 = arith.constant 64 : index
      %get3A_1940 = tpu.vector_load %arg23[%get3A_1938, %get3A_1939] {strides = array<i32>} : memref<8x128xf32, #tpu.memory_space<vmem>>, vector<16xf32>,
      %mul3A_1941 = arith.mulf %get3A_1936, %get3A_1940 : vector<16xf32>
      %add3A_1942 = arith.addf %add3A_1928, %mul3A_1941 : vector<16xf32>
      %mul3A_1943 = arith.constant 128 : i32
      %mul3A_1944 = arith.muli %add3A, %mul3A_1943 : i32
      %add3A_1945 = arith.constant 64 : i32
      %add3A_1946 = arith.addi %mul3A_1944, %add3A_1945 : i32
      %get3A_1947 = arith.constant 4 : i32
      %get3A_1948 = arith.index_cast %get3A_1947 : i32 to index
      %get3A_1949 = arith.index_cast %add3A_1946 : i32 to index
      %get3A_1950 = tpu.vector_load %arg21[%get3A_1948, %get3A_1949] {strides = array<i32>} : memref<8x4096xf32, #tpu.memory_space<vmem>>, vector<16xf32>,
      %get3A_1951 = arith.constant 4 : i32
      %get3A_1952 = arith.index_cast %get3A_1951 : i32 to index
      %get3A_1953 = arith.constant 64 : index
      %get3A_1954 = tpu.vector_load %arg23[%get3A_1952, %get3A_1953] {strides = array<i32>} : memref<8x128xf32, #tpu.memory_space<vmem>>, vector<16xf32>,
      %mul3A_1955 = arith.mulf %get3A_1950, %get3A_1954 : vector<16xf32>
      %add3A_1956 = arith.addf %add3A_1942, %mul3A_1955 : vector<16xf32>
      %mul3A_1957 = arith.constant 128 : i32
      %mul3A_1958 = arith.muli %add3A, %mul3A_1957 : i32
      %add3A_1959 = arith.constant 64 : i32
      %add3A_1960 = arith.addi %mul3A_1958, %add3A_1959 : i32
      %get3A_1961 = arith.constant 5 : i32
      %get3A_1962 = arith.index_cast %get3A_1961 : i32 to index
      %get3A_1963 = arith.index_cast %add3A_1960 : i32 to index
      %get3A_1964 = tpu.vector_load %arg21[%get3A_1962, %get3A_1963] {strides = array<i32>} : memref<8x4096xf32, #tpu.memory_space<vmem>>, vector<16xf32>,
      %get3A_1965 = arith.constant 5 : i32
      %get3A_1966 = arith.index_cast %get3A_1965 : i32 to index
      %get3A_1967 = arith.constant 64 : index
      %get3A_1968 = tpu.vector_load %arg23[%get3A_1966, %get3A_1967] {strides = array<i32>} : memref<8x128xf32, #tpu.memory_space<vmem>>, vector<16xf32>,
      %mul3A_1969 = arith.mulf %get3A_1964, %get3A_1968 : vector<16xf32>
      %add3A_1970 = arith.addf %add3A_1956, %mul3A_1969 : vector<16xf32>
      %mul3A_1971 = arith.constant 128 : i32
      %mul3A_1972 = arith.muli %add3A, %mul3A_1971 : i32
      %add3A_1973 = arith.constant 64 : i32
      %add3A_1974 = arith.addi %mul3A_1972, %add3A_1973 : i32
      %get3A_1975 = arith.constant 6 : i32
      %get3A_1976 = arith.index_cast %get3A_1975 : i32 to index
      %get3A_1977 = arith.index_cast %add3A_1974 : i32 to index
      %get3A_1978 = tpu.vector_load %arg21[%get3A_1976, %get3A_1977] {strides = array<i32>} : memref<8x4096xf32, #tpu.memory_space<vmem>>, vector<16xf32>,
      %get3A_1979 = arith.constant 6 : i32
      %get3A_1980 = arith.index_cast %get3A_1979 : i32 to index
      %get3A_1981 = arith.constant 64 : index
      %get3A_1982 = tpu.vector_load %arg23[%get3A_1980, %get3A_1981] {strides = array<i32>} : memref<8x128xf32, #tpu.memory_space<vmem>>, vector<16xf32>,
      %mul3A_1983 = arith.mulf %get3A_1978, %get3A_1982 : vector<16xf32>
      %add3A_1984 = arith.addf %add3A_1970, %mul3A_1983 : vector<16xf32>
      %mul3A_1985 = arith.constant 128 : i32
      %mul3A_1986 = arith.muli %add3A, %mul3A_1985 : i32
      %add3A_1987 = arith.constant 64 : i32
      %add3A_1988 = arith.addi %mul3A_1986, %add3A_1987 : i32
      %get3A_1989 = arith.constant 7 : i32
      %get3A_1990 = arith.index_cast %get3A_1989 : i32 to index
      %get3A_1991 = arith.index_cast %add3A_1988 : i32 to index
      %get3A_1992 = tpu.vector_load %arg21[%get3A_1990, %get3A_1991] {strides = array<i32>} : memref<8x4096xf32, #tpu.memory_space<vmem>>, vector<16xf32>,
      %get3A_1993 = arith.constant 7 : i32
      %get3A_1994 = arith.index_cast %get3A_1993 : i32 to index
      %get3A_1995 = arith.constant 64 : index
      %get3A_1996 = tpu.vector_load %arg23[%get3A_1994, %get3A_1995] {strides = array<i32>} : memref<8x128xf32, #tpu.memory_space<vmem>>, vector<16xf32>,
      %mul3A_1997 = arith.mulf %get3A_1992, %get3A_1996 : vector<16xf32>
      %add3A_1998 = arith.addf %add3A_1984, %mul3A_1997 : vector<16xf32>
      %swap3A_1999 = arith.constant 64 : index
      %swap3A_2000 = tpu.vector_load %arg17[%swap3A_1999] {strides = array<i32>} : memref<128xf32, #tpu.memory_space<vmem>>, vector<16xf32>,
      tpu.vector_store %arg17[%swap3A_1999], %add3A_1998 {strides = array<i32>} : memref<128xf32, #tpu.memory_space<vmem>>, vector<16xf32>,
      %get3A_2001 = arith.constant 80 : index
      %get3A_2002 = tpu.vector_load %arg17[%get3A_2001] {strides = array<i32>} : memref<128xf32, #tpu.memory_space<vmem>>, vector<16xf32>,
      %mul3A_2003 = arith.constant 128 : i32
      %mul3A_2004 = arith.muli %add3A, %mul3A_2003 : i32
      %add3A_2005 = arith.constant 80 : i32
      %add3A_2006 = arith.addi %mul3A_2004, %add3A_2005 : i32
      %get3A_2007 = arith.constant 0 : i32
      %get3A_2008 = arith.index_cast %get3A_2007 : i32 to index
      %get3A_2009 = arith.index_cast %add3A_2006 : i32 to index
      %get3A_2010 = tpu.vector_load %arg21[%get3A_2008, %get3A_2009] {strides = array<i32>} : memref<8x4096xf32, #tpu.memory_space<vmem>>, vector<16xf32>,
      %get3A_2011 = arith.constant 0 : i32
      %get3A_2012 = arith.index_cast %get3A_2011 : i32 to index
      %get3A_2013 = arith.constant 80 : index
      %get3A_2014 = tpu.vector_load %arg23[%get3A_2012, %get3A_2013] {strides = array<i32>} : memref<8x128xf32, #tpu.memory_space<vmem>>, vector<16xf32>,
      %mul3A_2015 = arith.mulf %get3A_2010, %get3A_2014 : vector<16xf32>
      %add3A_2016 = arith.addf %get3A_2002, %mul3A_2015 : vector<16xf32>
      %mul3A_2017 = arith.constant 128 : i32
      %mul3A_2018 = arith.muli %add3A, %mul3A_2017 : i32
      %add3A_2019 = arith.constant 80 : i32
      %add3A_2020 = arith.addi %mul3A_2018, %add3A_2019 : i32
      %get3A_2021 = arith.constant 1 : i32
      %get3A_2022 = arith.index_cast %get3A_2021 : i32 to index
      %get3A_2023 = arith.index_cast %add3A_2020 : i32 to index
      %get3A_2024 = tpu.vector_load %arg21[%get3A_2022, %get3A_2023] {strides = array<i32>} : memref<8x4096xf32, #tpu.memory_space<vmem>>, vector<16xf32>,
      %get3A_2025 = arith.constant 1 : i32
      %get3A_2026 = arith.index_cast %get3A_2025 : i32 to index
      %get3A_2027 = arith.constant 80 : index
      %get3A_2028 = tpu.vector_load %arg23[%get3A_2026, %get3A_2027] {strides = array<i32>} : memref<8x128xf32, #tpu.memory_space<vmem>>, vector<16xf32>,
      %mul3A_2029 = arith.mulf %get3A_2024, %get3A_2028 : vector<16xf32>
      %add3A_2030 = arith.addf %add3A_2016, %mul3A_2029 : vector<16xf32>
      %mul3A_2031 = arith.constant 128 : i32
      %mul3A_2032 = arith.muli %add3A, %mul3A_2031 : i32
      %add3A_2033 = arith.constant 80 : i32
      %add3A_2034 = arith.addi %mul3A_2032, %add3A_2033 : i32
      %get3A_2035 = arith.constant 2 : i32
      %get3A_2036 = arith.index_cast %get3A_2035 : i32 to index
      %get3A_2037 = arith.index_cast %add3A_2034 : i32 to index
      %get3A_2038 = tpu.vector_load %arg21[%get3A_2036, %get3A_2037] {strides = array<i32>} : memref<8x4096xf32, #tpu.memory_space<vmem>>, vector<16xf32>,
      %get3A_2039 = arith.constant 2 : i32
      %get3A_2040 = arith.index_cast %get3A_2039 : i32 to index
      %get3A_2041 = arith.constant 80 : index
      %get3A_2042 = tpu.vector_load %arg23[%get3A_2040, %get3A_2041] {strides = array<i32>} : memref<8x128xf32, #tpu.memory_space<vmem>>, vector<16xf32>,
      %mul3A_2043 = arith.mulf %get3A_2038, %get3A_2042 : vector<16xf32>
      %add3A_2044 = arith.addf %add3A_2030, %mul3A_2043 : vector<16xf32>
      %mul3A_2045 = arith.constant 128 : i32
      %mul3A_2046 = arith.muli %add3A, %mul3A_2045 : i32
      %add3A_2047 = arith.constant 80 : i32
      %add3A_2048 = arith.addi %mul3A_2046, %add3A_2047 : i32
      %get3A_2049 = arith.constant 3 : i32
      %get3A_2050 = arith.index_cast %get3A_2049 : i32 to index
      %get3A_2051 = arith.index_cast %add3A_2048 : i32 to index
      %get3A_2052 = tpu.vector_load %arg21[%get3A_2050, %get3A_2051] {strides = array<i32>} : memref<8x4096xf32, #tpu.memory_space<vmem>>, vector<16xf32>,
      %get3A_2053 = arith.constant 3 : i32
      %get3A_2054 = arith.index_cast %get3A_2053 : i32 to index
      %get3A_2055 = arith.constant 80 : index
      %get3A_2056 = tpu.vector_load %arg23[%get3A_2054, %get3A_2055] {strides = array<i32>} : memref<8x128xf32, #tpu.memory_space<vmem>>, vector<16xf32>,
      %mul3A_2057 = arith.mulf %get3A_2052, %get3A_2056 : vector<16xf32>
      %add3A_2058 = arith.addf %add3A_2044, %mul3A_2057 : vector<16xf32>
      %mul3A_2059 = arith.constant 128 : i32
      %mul3A_2060 = arith.muli %add3A, %mul3A_2059 : i32
      %add3A_2061 = arith.constant 80 : i32
      %add3A_2062 = arith.addi %mul3A_2060, %add3A_2061 : i32
      %get3A_2063 = arith.constant 4 : i32
      %get3A_2064 = arith.index_cast %get3A_2063 : i32 to index
      %get3A_2065 = arith.index_cast %add3A_2062 : i32 to index
      %get3A_2066 = tpu.vector_load %arg21[%get3A_2064, %get3A_2065] {strides = array<i32>} : memref<8x4096xf32, #tpu.memory_space<vmem>>, vector<16xf32>,
      %get3A_2067 = arith.constant 4 : i32
      %get3A_2068 = arith.index_cast %get3A_2067 : i32 to index
      %get3A_2069 = arith.constant 80 : index
      %get3A_2070 = tpu.vector_load %arg23[%get3A_2068, %get3A_2069] {strides = array<i32>} : memref<8x128xf32, #tpu.memory_space<vmem>>, vector<16xf32>,
      %mul3A_2071 = arith.mulf %get3A_2066, %get3A_2070 : vector<16xf32>
      %add3A_2072 = arith.addf %add3A_2058, %mul3A_2071 : vector<16xf32>
      %mul3A_2073 = arith.constant 128 : i32
      %mul3A_2074 = arith.muli %add3A, %mul3A_2073 : i32
      %add3A_2075 = arith.constant 80 : i32
      %add3A_2076 = arith.addi %mul3A_2074, %add3A_2075 : i32
      %get3A_2077 = arith.constant 5 : i32
      %get3A_2078 = arith.index_cast %get3A_2077 : i32 to index
      %get3A_2079 = arith.index_cast %add3A_2076 : i32 to index
      %get3A_2080 = tpu.vector_load %arg21[%get3A_2078, %get3A_2079] {strides = array<i32>} : memref<8x4096xf32, #tpu.memory_space<vmem>>, vector<16xf32>,
      %get3A_2081 = arith.constant 5 : i32
      %get3A_2082 = arith.index_cast %get3A_2081 : i32 to index
      %get3A_2083 = arith.constant 80 : index
      %get3A_2084 = tpu.vector_load %arg23[%get3A_2082, %get3A_2083] {strides = array<i32>} : memref<8x128xf32, #tpu.memory_space<vmem>>, vector<16xf32>,
      %mul3A_2085 = arith.mulf %get3A_2080, %get3A_2084 : vector<16xf32>
      %add3A_2086 = arith.addf %add3A_2072, %mul3A_2085 : vector<16xf32>
      %mul3A_2087 = arith.constant 128 : i32
      %mul3A_2088 = arith.muli %add3A, %mul3A_2087 : i32
      %add3A_2089 = arith.constant 80 : i32
      %add3A_2090 = arith.addi %mul3A_2088, %add3A_2089 : i32
      %get3A_2091 = arith.constant 6 : i32
      %get3A_2092 = arith.index_cast %get3A_2091 : i32 to index
      %get3A_2093 = arith.index_cast %add3A_2090 : i32 to index
      %get3A_2094 = tpu.vector_load %arg21[%get3A_2092, %get3A_2093] {strides = array<i32>} : memref<8x4096xf32, #tpu.memory_space<vmem>>, vector<16xf32>,
      %get3A_2095 = arith.constant 6 : i32
      %get3A_2096 = arith.index_cast %get3A_2095 : i32 to index
      %get3A_2097 = arith.constant 80 : index
      %get3A_2098 = tpu.vector_load %arg23[%get3A_2096, %get3A_2097] {strides = array<i32>} : memref<8x128xf32, #tpu.memory_space<vmem>>, vector<16xf32>,
      %mul3A_2099 = arith.mulf %get3A_2094, %get3A_2098 : vector<16xf32>
      %add3A_2100 = arith.addf %add3A_2086, %mul3A_2099 : vector<16xf32>
      %mul3A_2101 = arith.constant 128 : i32
      %mul3A_2102 = arith.muli %add3A, %mul3A_2101 : i32
      %add3A_2103 = arith.constant 80 : i32
      %add3A_2104 = arith.addi %mul3A_2102, %add3A_2103 : i32
      %get3A_2105 = arith.constant 7 : i32
      %get3A_2106 = arith.index_cast %get3A_2105 : i32 to index
      %get3A_2107 = arith.index_cast %add3A_2104 : i32 to index
      %get3A_2108 = tpu.vector_load %arg21[%get3A_2106, %get3A_2107] {strides = array<i32>} : memref<8x4096xf32, #tpu.memory_space<vmem>>, vector<16xf32>,
      %get3A_2109 = arith.constant 7 : i32
      %get3A_2110 = arith.index_cast %get3A_2109 : i32 to index
      %get3A_2111 = arith.constant 80 : index
      %get3A_2112 = tpu.vector_load %arg23[%get3A_2110, %get3A_2111] {strides = array<i32>} : memref<8x128xf32, #tpu.memory_space<vmem>>, vector<16xf32>,
      %mul3A_2113 = arith.mulf %get3A_2108, %get3A_2112 : vector<16xf32>
      %add3A_2114 = arith.addf %add3A_2100, %mul3A_2113 : vector<16xf32>
      %swap3A_2115 = arith.constant 80 : index
      %swap3A_2116 = tpu.vector_load %arg17[%swap3A_2115] {strides = array<i32>} : memref<128xf32, #tpu.memory_space<vmem>>, vector<16xf32>,
      tpu.vector_store %arg17[%swap3A_2115], %add3A_2114 {strides = array<i32>} : memref<128xf32, #tpu.memory_space<vmem>>, vector<16xf32>,
      %get3A_2117 = arith.constant 96 : index
      %get3A_2118 = tpu.vector_load %arg17[%get3A_2117] {strides = array<i32>} : memref<128xf32, #tpu.memory_space<vmem>>, vector<16xf32>,
      %mul3A_2119 = arith.constant 128 : i32
      %mul3A_2120 = arith.muli %add3A, %mul3A_2119 : i32
      %add3A_2121 = arith.constant 96 : i32
      %add3A_2122 = arith.addi %mul3A_2120, %add3A_2121 : i32
      %get3A_2123 = arith.constant 0 : i32
      %get3A_2124 = arith.index_cast %get3A_2123 : i32 to index
      %get3A_2125 = arith.index_cast %add3A_2122 : i32 to index
      %get3A_2126 = tpu.vector_load %arg21[%get3A_2124, %get3A_2125] {strides = array<i32>} : memref<8x4096xf32, #tpu.memory_space<vmem>>, vector<16xf32>,
      %get3A_2127 = arith.constant 0 : i32
      %get3A_2128 = arith.index_cast %get3A_2127 : i32 to index
      %get3A_2129 = arith.constant 96 : index
      %get3A_2130 = tpu.vector_load %arg23[%get3A_2128, %get3A_2129] {strides = array<i32>} : memref<8x128xf32, #tpu.memory_space<vmem>>, vector<16xf32>,
      %mul3A_2131 = arith.mulf %get3A_2126, %get3A_2130 : vector<16xf32>
      %add3A_2132 = arith.addf %get3A_2118, %mul3A_2131 : vector<16xf32>
      %mul3A_2133 = arith.constant 128 : i32
      %mul3A_2134 = arith.muli %add3A, %mul3A_2133 : i32
      %add3A_2135 = arith.constant 96 : i32
      %add3A_2136 = arith.addi %mul3A_2134, %add3A_2135 : i32
      %get3A_2137 = arith.constant 1 : i32
      %get3A_2138 = arith.index_cast %get3A_2137 : i32 to index
      %get3A_2139 = arith.index_cast %add3A_2136 : i32 to index
      %get3A_2140 = tpu.vector_load %arg21[%get3A_2138, %get3A_2139] {strides = array<i32>} : memref<8x4096xf32, #tpu.memory_space<vmem>>, vector<16xf32>,
      %get3A_2141 = arith.constant 1 : i32
      %get3A_2142 = arith.index_cast %get3A_2141 : i32 to index
      %get3A_2143 = arith.constant 96 : index
      %get3A_2144 = tpu.vector_load %arg23[%get3A_2142, %get3A_2143] {strides = array<i32>} : memref<8x128xf32, #tpu.memory_space<vmem>>, vector<16xf32>,
      %mul3A_2145 = arith.mulf %get3A_2140, %get3A_2144 : vector<16xf32>
      %add3A_2146 = arith.addf %add3A_2132, %mul3A_2145 : vector<16xf32>
      %mul3A_2147 = arith.constant 128 : i32
      %mul3A_2148 = arith.muli %add3A, %mul3A_2147 : i32
      %add3A_2149 = arith.constant 96 : i32
      %add3A_2150 = arith.addi %mul3A_2148, %add3A_2149 : i32
      %get3A_2151 = arith.constant 2 : i32
      %get3A_2152 = arith.index_cast %get3A_2151 : i32 to index
      %get3A_2153 = arith.index_cast %add3A_2150 : i32 to index
      %get3A_2154 = tpu.vector_load %arg21[%get3A_2152, %get3A_2153] {strides = array<i32>} : memref<8x4096xf32, #tpu.memory_space<vmem>>, vector<16xf32>,
      %get3A_2155 = arith.constant 2 : i32
      %get3A_2156 = arith.index_cast %get3A_2155 : i32 to index
      %get3A_2157 = arith.constant 96 : index
      %get3A_2158 = tpu.vector_load %arg23[%get3A_2156, %get3A_2157] {strides = array<i32>} : memref<8x128xf32, #tpu.memory_space<vmem>>, vector<16xf32>,
      %mul3A_2159 = arith.mulf %get3A_2154, %get3A_2158 : vector<16xf32>
      %add3A_2160 = arith.addf %add3A_2146, %mul3A_2159 : vector<16xf32>
      %mul3A_2161 = arith.constant 128 : i32
      %mul3A_2162 = arith.muli %add3A, %mul3A_2161 : i32
      %add3A_2163 = arith.constant 96 : i32
      %add3A_2164 = arith.addi %mul3A_2162, %add3A_2163 : i32
      %get3A_2165 = arith.constant 3 : i32
      %get3A_2166 = arith.index_cast %get3A_2165 : i32 to index
      %get3A_2167 = arith.index_cast %add3A_2164 : i32 to index
      %get3A_2168 = tpu.vector_load %arg21[%get3A_2166, %get3A_2167] {strides = array<i32>} : memref<8x4096xf32, #tpu.memory_space<vmem>>, vector<16xf32>,
      %get3A_2169 = arith.constant 3 : i32
      %get3A_2170 = arith.index_cast %get3A_2169 : i32 to index
      %get3A_2171 = arith.constant 96 : index
      %get3A_2172 = tpu.vector_load %arg23[%get3A_2170, %get3A_2171] {strides = array<i32>} : memref<8x128xf32, #tpu.memory_space<vmem>>, vector<16xf32>,
      %mul3A_2173 = arith.mulf %get3A_2168, %get3A_2172 : vector<16xf32>
      %add3A_2174 = arith.addf %add3A_2160, %mul3A_2173 : vector<16xf32>
      %mul3A_2175 = arith.constant 128 : i32
      %mul3A_2176 = arith.muli %add3A, %mul3A_2175 : i32
      %add3A_2177 = arith.constant 96 : i32
      %add3A_2178 = arith.addi %mul3A_2176, %add3A_2177 : i32
      %get3A_2179 = arith.constant 4 : i32
      %get3A_2180 = arith.index_cast %get3A_2179 : i32 to index
      %get3A_2181 = arith.index_cast %add3A_2178 : i32 to index
      %get3A_2182 = tpu.vector_load %arg21[%get3A_2180, %get3A_2181] {strides = array<i32>} : memref<8x4096xf32, #tpu.memory_space<vmem>>, vector<16xf32>,
      %get3A_2183 = arith.constant 4 : i32
      %get3A_2184 = arith.index_cast %get3A_2183 : i32 to index
      %get3A_2185 = arith.constant 96 : index
      %get3A_2186 = tpu.vector_load %arg23[%get3A_2184, %get3A_2185] {strides = array<i32>} : memref<8x128xf32, #tpu.memory_space<vmem>>, vector<16xf32>,
      %mul3A_2187 = arith.mulf %get3A_2182, %get3A_2186 : vector<16xf32>
      %add3A_2188 = arith.addf %add3A_2174, %mul3A_2187 : vector<16xf32>
      %mul3A_2189 = arith.constant 128 : i32
      %mul3A_2190 = arith.muli %add3A, %mul3A_2189 : i32
      %add3A_2191 = arith.constant 96 : i32
      %add3A_2192 = arith.addi %mul3A_2190, %add3A_2191 : i32
      %get3A_2193 = arith.constant 5 : i32
      %get3A_2194 = arith.index_cast %get3A_2193 : i32 to index
      %get3A_2195 = arith.index_cast %add3A_2192 : i32 to index
      %get3A_2196 = tpu.vector_load %arg21[%get3A_2194, %get3A_2195] {strides = array<i32>} : memref<8x4096xf32, #tpu.memory_space<vmem>>, vector<16xf32>,
      %get3A_2197 = arith.constant 5 : i32
      %get3A_2198 = arith.index_cast %get3A_2197 : i32 to index
      %get3A_2199 = arith.constant 96 : index
      %get3A_2200 = tpu.vector_load %arg23[%get3A_2198, %get3A_2199] {strides = array<i32>} : memref<8x128xf32, #tpu.memory_space<vmem>>, vector<16xf32>,
      %mul3A_2201 = arith.mulf %get3A_2196, %get3A_2200 : vector<16xf32>
      %add3A_2202 = arith.addf %add3A_2188, %mul3A_2201 : vector<16xf32>
      %mul3A_2203 = arith.constant 128 : i32
      %mul3A_2204 = arith.muli %add3A, %mul3A_2203 : i32
      %add3A_2205 = arith.constant 96 : i32
      %add3A_2206 = arith.addi %mul3A_2204, %add3A_2205 : i32
      %get3A_2207 = arith.constant 6 : i32
      %get3A_2208 = arith.index_cast %get3A_2207 : i32 to index
      %get3A_2209 = arith.index_cast %add3A_2206 : i32 to index
      %get3A_2210 = tpu.vector_load %arg21[%get3A_2208, %get3A_2209] {strides = array<i32>} : memref<8x4096xf32, #tpu.memory_space<vmem>>, vector<16xf32>,
      %get3A_2211 = arith.constant 6 : i32
      %get3A_2212 = arith.index_cast %get3A_2211 : i32 to index
      %get3A_2213 = arith.constant 96 : index
      %get3A_2214 = tpu.vector_load %arg23[%get3A_2212, %get3A_2213] {strides = array<i32>} : memref<8x128xf32, #tpu.memory_space<vmem>>, vector<16xf32>,
      %mul3A_2215 = arith.mulf %get3A_2210, %get3A_2214 : vector<16xf32>
      %add3A_2216 = arith.addf %add3A_2202, %mul3A_2215 : vector<16xf32>
      %mul3A_2217 = arith.constant 128 : i32
      %mul3A_2218 = arith.muli %add3A, %mul3A_2217 : i32
      %add3A_2219 = arith.constant 96 : i32
      %add3A_2220 = arith.addi %mul3A_2218, %add3A_2219 : i32
      %get3A_2221 = arith.constant 7 : i32
      %get3A_2222 = arith.index_cast %get3A_2221 : i32 to index
      %get3A_2223 = arith.index_cast %add3A_2220 : i32 to index
      %get3A_2224 = tpu.vector_load %arg21[%get3A_2222, %get3A_2223] {strides = array<i32>} : memref<8x4096xf32, #tpu.memory_space<vmem>>, vector<16xf32>,
      %get3A_2225 = arith.constant 7 : i32
      %get3A_2226 = arith.index_cast %get3A_2225 : i32 to index
      %get3A_2227 = arith.constant 96 : index
      %get3A_2228 = tpu.vector_load %arg23[%get3A_2226, %get3A_2227] {strides = array<i32>} : memref<8x128xf32, #tpu.memory_space<vmem>>, vector<16xf32>,
      %mul3A_2229 = arith.mulf %get3A_2224, %get3A_2228 : vector<16xf32>
      %add3A_2230 = arith.addf %add3A_2216, %mul3A_2229 : vector<16xf32>
      %swap3A_2231 = arith.constant 96 : index
      %swap3A_2232 = tpu.vector_load %arg17[%swap3A_2231] {strides = array<i32>} : memref<128xf32, #tpu.memory_space<vmem>>, vector<16xf32>,
      tpu.vector_store %arg17[%swap3A_2231], %add3A_2230 {strides = array<i32>} : memref<128xf32, #tpu.memory_space<vmem>>, vector<16xf32>,
      %get3A_2233 = arith.constant 112 : index
      %get3A_2234 = tpu.vector_load %arg17[%get3A_2233] {strides = array<i32>} : memref<128xf32, #tpu.memory_space<vmem>>, vector<16xf32>,
      %mul3A_2235 = arith.constant 128 : i32
      %mul3A_2236 = arith.muli %add3A, %mul3A_2235 : i32
      %add3A_2237 = arith.constant 112 : i32
      %add3A_2238 = arith.addi %mul3A_2236, %add3A_2237 : i32
      %get3A_2239 = arith.constant 0 : i32
      %get3A_2240 = arith.index_cast %get3A_2239 : i32 to index
      %get3A_2241 = arith.index_cast %add3A_2238 : i32 to index
      %get3A_2242 = tpu.vector_load %arg21[%get3A_2240, %get3A_2241] {strides = array<i32>} : memref<8x4096xf32, #tpu.memory_space<vmem>>, vector<16xf32>,
      %get3A_2243 = arith.constant 0 : i32
      %get3A_2244 = arith.index_cast %get3A_2243 : i32 to index
      %get3A_2245 = arith.constant 112 : index
      %get3A_2246 = tpu.vector_load %arg23[%get3A_2244, %get3A_2245] {strides = array<i32>} : memref<8x128xf32, #tpu.memory_space<vmem>>, vector<16xf32>,
      %mul3A_2247 = arith.mulf %get3A_2242, %get3A_2246 : vector<16xf32>
      %add3A_2248 = arith.addf %get3A_2234, %mul3A_2247 : vector<16xf32>
      %mul3A_2249 = arith.constant 128 : i32
      %mul3A_2250 = arith.muli %add3A, %mul3A_2249 : i32
      %add3A_2251 = arith.constant 112 : i32
      %add3A_2252 = arith.addi %mul3A_2250, %add3A_2251 : i32
      %get3A_2253 = arith.constant 1 : i32
      %get3A_2254 = arith.index_cast %get3A_2253 : i32 to index
      %get3A_2255 = arith.index_cast %add3A_2252 : i32 to index
      %get3A_2256 = tpu.vector_load %arg21[%get3A_2254, %get3A_2255] {strides = array<i32>} : memref<8x4096xf32, #tpu.memory_space<vmem>>, vector<16xf32>,
      %get3A_2257 = arith.constant 1 : i32
      %get3A_2258 = arith.index_cast %get3A_2257 : i32 to index
      %get3A_2259 = arith.constant 112 : index
      %get3A_2260 = tpu.vector_load %arg23[%get3A_2258, %get3A_2259] {strides = array<i32>} : memref<8x128xf32, #tpu.memory_space<vmem>>, vector<16xf32>,
      %mul3A_2261 = arith.mulf %get3A_2256, %get3A_2260 : vector<16xf32>
      %add3A_2262 = arith.addf %add3A_2248, %mul3A_2261 : vector<16xf32>
      %mul3A_2263 = arith.constant 128 : i32
      %mul3A_2264 = arith.muli %add3A, %mul3A_2263 : i32
      %add3A_2265 = arith.constant 112 : i32
      %add3A_2266 = arith.addi %mul3A_2264, %add3A_2265 : i32
      %get3A_2267 = arith.constant 2 : i32
      %get3A_2268 = arith.index_cast %get3A_2267 : i32 to index
      %get3A_2269 = arith.index_cast %add3A_2266 : i32 to index
      %get3A_2270 = tpu.vector_load %arg21[%get3A_2268, %get3A_2269] {strides = array<i32>} : memref<8x4096xf32, #tpu.memory_space<vmem>>, vector<16xf32>,
      %get3A_2271 = arith.constant 2 : i32
      %get3A_2272 = arith.index_cast %get3A_2271 : i32 to index
      %get3A_2273 = arith.constant 112 : index
      %get3A_2274 = tpu.vector_load %arg23[%get3A_2272, %get3A_2273] {strides = array<i32>} : memref<8x128xf32, #tpu.memory_space<vmem>>, vector<16xf32>,
      %mul3A_2275 = arith.mulf %get3A_2270, %get3A_2274 : vector<16xf32>
      %add3A_2276 = arith.addf %add3A_2262, %mul3A_2275 : vector<16xf32>
      %mul3A_2277 = arith.constant 128 : i32
      %mul3A_2278 = arith.muli %add3A, %mul3A_2277 : i32
      %add3A_2279 = arith.constant 112 : i32
      %add3A_2280 = arith.addi %mul3A_2278, %add3A_2279 : i32
      %get3A_2281 = arith.constant 3 : i32
      %get3A_2282 = arith.index_cast %get3A_2281 : i32 to index
      %get3A_2283 = arith.index_cast %add3A_2280 : i32 to index
      %get3A_2284 = tpu.vector_load %arg21[%get3A_2282, %get3A_2283] {strides = array<i32>} : memref<8x4096xf32, #tpu.memory_space<vmem>>, vector<16xf32>,
      %get3A_2285 = arith.constant 3 : i32
      %get3A_2286 = arith.index_cast %get3A_2285 : i32 to index
      %get3A_2287 = arith.constant 112 : index
      %get3A_2288 = tpu.vector_load %arg23[%get3A_2286, %get3A_2287] {strides = array<i32>} : memref<8x128xf32, #tpu.memory_space<vmem>>, vector<16xf32>,
      %mul3A_2289 = arith.mulf %get3A_2284, %get3A_2288 : vector<16xf32>
      %add3A_2290 = arith.addf %add3A_2276, %mul3A_2289 : vector<16xf32>
      %mul3A_2291 = arith.constant 128 : i32
      %mul3A_2292 = arith.muli %add3A, %mul3A_2291 : i32
      %add3A_2293 = arith.constant 112 : i32
      %add3A_2294 = arith.addi %mul3A_2292, %add3A_2293 : i32
      %get3A_2295 = arith.constant 4 : i32
      %get3A_2296 = arith.index_cast %get3A_2295 : i32 to index
      %get3A_2297 = arith.index_cast %add3A_2294 : i32 to index
      %get3A_2298 = tpu.vector_load %arg21[%get3A_2296, %get3A_2297] {strides = array<i32>} : memref<8x4096xf32, #tpu.memory_space<vmem>>, vector<16xf32>,
      %get3A_2299 = arith.constant 4 : i32
      %get3A_2300 = arith.index_cast %get3A_2299 : i32 to index
      %get3A_2301 = arith.constant 112 : index
      %get3A_2302 = tpu.vector_load %arg23[%get3A_2300, %get3A_2301] {strides = array<i32>} : memref<8x128xf32, #tpu.memory_space<vmem>>, vector<16xf32>,
      %mul3A_2303 = arith.mulf %get3A_2298, %get3A_2302 : vector<16xf32>
      %add3A_2304 = arith.addf %add3A_2290, %mul3A_2303 : vector<16xf32>
      %mul3A_2305 = arith.constant 128 : i32
      %mul3A_2306 = arith.muli %add3A, %mul3A_2305 : i32
      %add3A_2307 = arith.constant 112 : i32
      %add3A_2308 = arith.addi %mul3A_2306, %add3A_2307 : i32
      %get3A_2309 = arith.constant 5 : i32
      %get3A_2310 = arith.index_cast %get3A_2309 : i32 to index
      %get3A_2311 = arith.index_cast %add3A_2308 : i32 to index
      %get3A_2312 = tpu.vector_load %arg21[%get3A_2310, %get3A_2311] {strides = array<i32>} : memref<8x4096xf32, #tpu.memory_space<vmem>>, vector<16xf32>,
      %get3A_2313 = arith.constant 5 : i32
      %get3A_2314 = arith.index_cast %get3A_2313 : i32 to index
      %get3A_2315 = arith.constant 112 : index
      %get3A_2316 = tpu.vector_load %arg23[%get3A_2314, %get3A_2315] {strides = array<i32>} : memref<8x128xf32, #tpu.memory_space<vmem>>, vector<16xf32>,
      %mul3A_2317 = arith.mulf %get3A_2312, %get3A_2316 : vector<16xf32>
      %add3A_2318 = arith.addf %add3A_2304, %mul3A_2317 : vector<16xf32>
      %mul3A_2319 = arith.constant 128 : i32
      %mul3A_2320 = arith.muli %add3A, %mul3A_2319 : i32
      %add3A_2321 = arith.constant 112 : i32
      %add3A_2322 = arith.addi %mul3A_2320, %add3A_2321 : i32
      %get3A_2323 = arith.constant 6 : i32
      %get3A_2324 = arith.index_cast %get3A_2323 : i32 to index
      %get3A_2325 = arith.index_cast %add3A_2322 : i32 to index
      %get3A_2326 = tpu.vector_load %arg21[%get3A_2324, %get3A_2325] {strides = array<i32>} : memref<8x4096xf32, #tpu.memory_space<vmem>>, vector<16xf32>,
      %get3A_2327 = arith.constant 6 : i32
      %get3A_2328 = arith.index_cast %get3A_2327 : i32 to index
      %get3A_2329 = arith.constant 112 : index
      %get3A_2330 = tpu.vector_load %arg23[%get3A_2328, %get3A_2329] {strides = array<i32>} : memref<8x128xf32, #tpu.memory_space<vmem>>, vector<16xf32>,
      %mul3A_2331 = arith.mulf %get3A_2326, %get3A_2330 : vector<16xf32>
      %add3A_2332 = arith.addf %add3A_2318, %mul3A_2331 : vector<16xf32>
      %mul3A_2333 = arith.constant 128 : i32
      %mul3A_2334 = arith.muli %add3A, %mul3A_2333 : i32
      %add3A_2335 = arith.constant 112 : i32
      %add3A_2336 = arith.addi %mul3A_2334, %add3A_2335 : i32
      %get3A_2337 = arith.constant 7 : i32
      %get3A_2338 = arith.index_cast %get3A_2337 : i32 to index
      %get3A_2339 = arith.index_cast %add3A_2336 : i32 to index
      %get3A_2340 = tpu.vector_load %arg21[%get3A_2338, %get3A_2339] {strides = array<i32>} : memref<8x4096xf32, #tpu.memory_space<vmem>>, vector<16xf32>,
      %get3A_2341 = arith.constant 7 : i32
      %get3A_2342 = arith.index_cast %get3A_2341 : i32 to index
      %get3A_2343 = arith.constant 112 : index
      %get3A_2344 = tpu.vector_load %arg23[%get3A_2342, %get3A_2343] {strides = array<i32>} : memref<8x128xf32, #tpu.memory_space<vmem>>, vector<16xf32>,
      %mul3A_2345 = arith.mulf %get3A_2340, %get3A_2344 : vector<16xf32>
      %add3A_2346 = arith.addf %add3A_2332, %mul3A_2345 : vector<16xf32>
      %swap3A_2347 = arith.constant 112 : index
      %swap3A_2348 = tpu.vector_load %arg17[%swap3A_2347] {strides = array<i32>} : memref<128xf32, #tpu.memory_space<vmem>>, vector<16xf32>,
      tpu.vector_store %arg17[%swap3A_2347], %add3A_2346 {strides = array<i32>} : memref<128xf32, #tpu.memory_space<vmem>>, vector<16xf32>,
      %scan3A_2349 = arith.constant 0 : i32
      %scan3A_2350 = arith.constant 0 : i32
      %scan3A_2351 = arith.constant 8 : i32
      %scan3A_2352 = arith.addi %scan3A_2350, %scan3A_2351 : i32
      %scan3A_2353 = arith.constant 1 : i32
      %scan3A_2354 = scf.for %scan3A_2357 = %scan3A_2350 to %scan3A_2352 step %scan3A_2353 iter_args(%scan3A_2358 = %scan3A_2349) -> (i32)  : i32 {
        %mul3A_2359 = arith.constant 2 : i32
        %mul3A_2360 = arith.muli %scan3A_2357, %mul3A_2359 : i32
        %add3A_2361 = arith.constant 0 : i32
        %add3A_2362 = arith.addi %mul3A_2360, %add3A_2361 : i32
        %add3A_2363 = arith.constant 1 : i32
        %add3A_2364 = arith.addi %add3A_2362, %add3A_2363 : i32
        %mul3A_2365 = arith.constant 16 : i32
        %mul3A_2366 = arith.muli %add3A_2364, %mul3A_2365 : i32
        %get3A_2367 = arith.index_cast %mul3A_2366 : i32 to index
        %get3A_2368 = tpu.vector_load %arg15[%get3A_2367] {strides = array<i32>} : memref<272xi32, #tpu.memory_space<vmem>>, vector<16xi32>,
        %reduce_max3A_2369 = arith.constant true
        %reduce_max3A_2370 = vector.broadcast %reduce_max3A_2369 : i1 to vector<16xi1>
        %reduce_max3A_2371 = arith.constant -2147483648 : i32
        %reduce_max3A_2372 = vector.broadcast %reduce_max3A_2371 : i32 to vector<16xi32>
        %reduce_max3A_2373 = arith.xori %get3A_2368, %reduce_max3A_2372 : vector<16xi32>
        %reduce_max3A_2374 = tpu.scan <max>, %reduce_max3A_2373 masked %reduce_max3A_2370 : vector<16xi32>, vector<16xi1> -> vector<16xi32>
        %reduce_max3A_2375 = arith.xori %reduce_max3A_2374, %reduce_max3A_2372 : vector<16xi32>
        %reduce_max3A_2376 = vector.extract %reduce_max3A_2375[15] : i32 from vector<16xi32>
        %mul3A_2377 = arith.constant 16 : i32
        %mul3A_2378 = arith.muli %add3A_2362, %mul3A_2377 : i32
        %get3A_2379 = arith.index_cast %mul3A_2378 : i32 to index
        %get3A_2380 = tpu.vector_load %arg15[%get3A_2379] {strides = array<i32>} : memref<272xi32, #tpu.memory_space<vmem>>, vector<16xi32>,
        %reduce_max3A_2381 = arith.constant true
        %reduce_max3A_2382 = vector.broadcast %reduce_max3A_2381 : i1 to vector<16xi1>
        %reduce_max3A_2383 = arith.constant -2147483648 : i32
        %reduce_max3A_2384 = vector.broadcast %reduce_max3A_2383 : i32 to vector<16xi32>
        %reduce_max3A_2385 = arith.xori %get3A_2380, %reduce_max3A_2384 : vector<16xi32>
        %reduce_max3A_2386 = tpu.scan <max>, %reduce_max3A_2385 masked %reduce_max3A_2382 : vector<16xi32>, vector<16xi1> -> vector<16xi32>
        %reduce_max3A_2387 = arith.xori %reduce_max3A_2386, %reduce_max3A_2384 : vector<16xi32>
        %reduce_max3A_2388 = vector.extract %reduce_max3A_2387[15] : i32 from vector<16xi32>
        %gt3A_2389 = arith.cmpi sgt, %reduce_max3A_2376, %reduce_max3A_2388 : i32
        %convert_element_type3A_2390 = arith.extui %gt3A_2389 : i1 to i32
        %cond3A_2391 = arith.constant 0 : i32
        %cond3A_2392 = arith.cmpi ne, %convert_element_type3A_2390, %cond3A_2391 : i32
        scf.if %cond3A_2392 {
          %dma_wait3A_2521 = arith.constant 0 : i32
          %dma_wait3A_2522 = arith.constant 0 : i32
          %dma_wait3A_2523 = tpu.memref_slice %arg7[%dma_wait3A_2521, %dma_wait3A_2522] : memref<64x1000000xf32, #tpu.memory_space<hbm>> -> memref<8x2048xf32, #tpu.memory_space<hbm>>
          %dma_wait3A_2524 = arith.constant 0 : i32
          %dma_wait3A_2525 = arith.constant 0 : i32
          %dma_wait3A_2526 = tpu.memref_slice %arg7[%dma_wait3A_2524, %dma_wait3A_2525] : memref<64x1000000xf32, #tpu.memory_space<hbm>> -> memref<8x2048xf32, #tpu.memory_space<hbm>>
          tpu.wait_dma2 semaphore(%arg25 : memref<!tpu.dma_semaphore, #tpu.memory_space<semaphore_mem>>) src(%dma_wait3A_2526 : memref<8x2048xf32, #tpu.memory_space<hbm>>) dst(%arg18 : memref<8x2048xf32, #tpu.memory_space<vmem>>)
        } else {
        }
        %mul3A_2393 = arith.constant 16 : i32
        %mul3A_2394 = arith.muli %add3A_2362, %mul3A_2393 : i32
        %get3A_2395 = arith.index_cast %mul3A_2394 : i32 to index
        %get3A_2396 = tpu.vector_load %arg15[%get3A_2395] {strides = array<i32>} : memref<272xi32, #tpu.memory_space<vmem>>, vector<16xi32>,
        %reduce_max3A_2397 = arith.constant true
        %reduce_max3A_2398 = vector.broadcast %reduce_max3A_2397 : i1 to vector<16xi1>
        %reduce_max3A_2399 = arith.constant -2147483648 : i32
        %reduce_max3A_2400 = vector.broadcast %reduce_max3A_2399 : i32 to vector<16xi32>
        %reduce_max3A_2401 = arith.xori %get3A_2396, %reduce_max3A_2400 : vector<16xi32>
        %reduce_max3A_2402 = tpu.scan <max>, %reduce_max3A_2401 masked %reduce_max3A_2398 : vector<16xi32>, vector<16xi1> -> vector<16xi32>
        %reduce_max3A_2403 = arith.xori %reduce_max3A_2402, %reduce_max3A_2400 : vector<16xi32>
        %reduce_max3A_2404 = vector.extract %reduce_max3A_2403[15] : i32 from vector<16xi32>
        %add3A_2405 = arith.constant 1 : i32
        %add3A_2406 = arith.addi %add3A_2362, %add3A_2405 : i32
        %mul3A_2407 = arith.constant 16 : i32
        %mul3A_2408 = arith.muli %add3A_2406, %mul3A_2407 : i32
        %get3A_2409 = arith.index_cast %mul3A_2408 : i32 to index
        %get3A_2410 = tpu.vector_load %arg15[%get3A_2409] {strides = array<i32>} : memref<272xi32, #tpu.memory_space<vmem>>, vector<16xi32>,
        %reduce_max3A_2411 = arith.constant true
        %reduce_max3A_2412 = vector.broadcast %reduce_max3A_2411 : i1 to vector<16xi1>
        %reduce_max3A_2413 = arith.constant -2147483648 : i32
        %reduce_max3A_2414 = vector.broadcast %reduce_max3A_2413 : i32 to vector<16xi32>
        %reduce_max3A_2415 = arith.xori %get3A_2410, %reduce_max3A_2414 : vector<16xi32>
        %reduce_max3A_2416 = tpu.scan <max>, %reduce_max3A_2415 masked %reduce_max3A_2412 : vector<16xi32>, vector<16xi1> -> vector<16xi32>
        %reduce_max3A_2417 = arith.xori %reduce_max3A_2416, %reduce_max3A_2414 : vector<16xi32>
        %reduce_max3A_2418 = vector.extract %reduce_max3A_2417[15] : i32 from vector<16xi32>
        %while3A = arith.constant 0 : i32
        %while3A_2419 = arith.subi %reduce_max3A_2418, %reduce_max3A_2404 : i32
        %while3A_2420 = arith.addi %reduce_max3A_2404, %while3A_2419 : i32
        %while3A_2421 = arith.constant 1 : i32
        %while3A_2422 = arith.divsi %while3A_2419, %while3A_2421 : i32
        %while3A_2423 = arith.muli %while3A_2422, %while3A_2421 : i32
        %while3A_2424 = arith.addi %reduce_max3A_2404, %while3A_2423 : i32
        %while3A_2425 = arith.constant 1 : i32
        %while3A_2426 = scf.for %while3A_2521 = %reduce_max3A_2404 to %while3A_2424 step %while3A_2425 iter_args(%while3A_2522 = %while3A) -> (i32)  : i32 {
          %mul3A_2523 = arith.constant 16 : i32
          %mul3A_2524 = arith.muli %while3A_2521, %mul3A_2523 : i32
          %get3A_2525 = arith.index_cast %mul3A_2524 : i32 to index
          %get3A_2526 = tpu.vector_load %arg11[%get3A_2525] {strides = array<i32>} : memref<2720xi32, #tpu.memory_space<vmem>>, vector<16xi32>,
          %get3A_2527 = arith.index_cast %mul3A_2524 : i32 to index
          %get3A_2528 = tpu.vector_load %arg12[%get3A_2527] {strides = array<i32>} : memref<2720xi32, #tpu.memory_space<vmem>>, vector<16xi32>,
          %get3A_2529 = arith.index_cast %mul3A_2524 : i32 to index
          %get3A_2530 = tpu.vector_load %arg16[%get3A_2529] {strides = array<i32>} : memref<2720xf32, #tpu.memory_space<vmem>>, vector<16xf32>,
          %gather3A = tpu.vector_load_idx %arg18[%broadcast_in_dim3A_104, %get3A_2526] : memref<8x2048xf32, #tpu.memory_space<vmem>>[vector<16xi32>, vector<16xi32>], vector<16xf32>,
          %gather3A_2531 = tpu.vector_load_idx %arg21[%broadcast_in_dim3A_104, %get3A_2528] : memref<8x4096xf32, #tpu.memory_space<vmem>>[vector<16xi32>, vector<16xi32>], vector<16xf32>,
          %mul3A_2532 = arith.mulf %gather3A, %gather3A_2531 : vector<16xf32>
          %add3A_2533 = arith.addf %get3A_2530, %mul3A_2532 : vector<16xf32>
          %gather3A_2534 = tpu.vector_load_idx %arg18[%broadcast_in_dim3A_106, %get3A_2526] : memref<8x2048xf32, #tpu.memory_space<vmem>>[vector<16xi32>, vector<16xi32>], vector<16xf32>,
          %gather3A_2535 = tpu.vector_load_idx %arg21[%broadcast_in_dim3A_106, %get3A_2528] : memref<8x4096xf32, #tpu.memory_space<vmem>>[vector<16xi32>, vector<16xi32>], vector<16xf32>,
          %mul3A_2536 = arith.mulf %gather3A_2534, %gather3A_2535 : vector<16xf32>
          %add3A_2537 = arith.addf %add3A_2533, %mul3A_2536 : vector<16xf32>
          %gather3A_2538 = tpu.vector_load_idx %arg18[%broadcast_in_dim3A_108, %get3A_2526] : memref<8x2048xf32, #tpu.memory_space<vmem>>[vector<16xi32>, vector<16xi32>], vector<16xf32>,
          %gather3A_2539 = tpu.vector_load_idx %arg21[%broadcast_in_dim3A_108, %get3A_2528] : memref<8x4096xf32, #tpu.memory_space<vmem>>[vector<16xi32>, vector<16xi32>], vector<16xf32>,
          %mul3A_2540 = arith.mulf %gather3A_2538, %gather3A_2539 : vector<16xf32>
          %add3A_2541 = arith.addf %add3A_2537, %mul3A_2540 : vector<16xf32>
          %gather3A_2542 = tpu.vector_load_idx %arg18[%broadcast_in_dim3A_110, %get3A_2526] : memref<8x2048xf32, #tpu.memory_space<vmem>>[vector<16xi32>, vector<16xi32>], vector<16xf32>,
          %gather3A_2543 = tpu.vector_load_idx %arg21[%broadcast_in_dim3A_110, %get3A_2528] : memref<8x4096xf32, #tpu.memory_space<vmem>>[vector<16xi32>, vector<16xi32>], vector<16xf32>,
          %mul3A_2544 = arith.mulf %gather3A_2542, %gather3A_2543 : vector<16xf32>
          %add3A_2545 = arith.addf %add3A_2541, %mul3A_2544 : vector<16xf32>
          %gather3A_2546 = tpu.vector_load_idx %arg18[%broadcast_in_dim3A_112, %get3A_2526] : memref<8x2048xf32, #tpu.memory_space<vmem>>[vector<16xi32>, vector<16xi32>], vector<16xf32>,
          %gather3A_2547 = tpu.vector_load_idx %arg21[%broadcast_in_dim3A_112, %get3A_2528] : memref<8x4096xf32, #tpu.memory_space<vmem>>[vector<16xi32>, vector<16xi32>], vector<16xf32>,
          %mul3A_2548 = arith.mulf %gather3A_2546, %gather3A_2547 : vector<16xf32>
          %add3A_2549 = arith.addf %add3A_2545, %mul3A_2548 : vector<16xf32>
          %gather3A_2550 = tpu.vector_load_idx %arg18[%broadcast_in_dim3A_114, %get3A_2526] : memref<8x2048xf32, #tpu.memory_space<vmem>>[vector<16xi32>, vector<16xi32>], vector<16xf32>,
          %gather3A_2551 = tpu.vector_load_idx %arg21[%broadcast_in_dim3A_114, %get3A_2528] : memref<8x4096xf32, #tpu.memory_space<vmem>>[vector<16xi32>, vector<16xi32>], vector<16xf32>,
          %mul3A_2552 = arith.mulf %gather3A_2550, %gather3A_2551 : vector<16xf32>
          %add3A_2553 = arith.addf %add3A_2549, %mul3A_2552 : vector<16xf32>
          %gather3A_2554 = tpu.vector_load_idx %arg18[%broadcast_in_dim3A_116, %get3A_2526] : memref<8x2048xf32, #tpu.memory_space<vmem>>[vector<16xi32>, vector<16xi32>], vector<16xf32>,
          %gather3A_2555 = tpu.vector_load_idx %arg21[%broadcast_in_dim3A_116, %get3A_2528] : memref<8x4096xf32, #tpu.memory_space<vmem>>[vector<16xi32>, vector<16xi32>], vector<16xf32>,
          %mul3A_2556 = arith.mulf %gather3A_2554, %gather3A_2555 : vector<16xf32>
          %add3A_2557 = arith.addf %add3A_2553, %mul3A_2556 : vector<16xf32>
          %gather3A_2558 = tpu.vector_load_idx %arg18[%broadcast_in_dim3A_118, %get3A_2526] : memref<8x2048xf32, #tpu.memory_space<vmem>>[vector<16xi32>, vector<16xi32>], vector<16xf32>,
          %gather3A_2559 = tpu.vector_load_idx %arg21[%broadcast_in_dim3A_118, %get3A_2528] : memref<8x4096xf32, #tpu.memory_space<vmem>>[vector<16xi32>, vector<16xi32>], vector<16xf32>,
          %mul3A_2560 = arith.mulf %gather3A_2558, %gather3A_2559 : vector<16xf32>
          %add3A_2561 = arith.addf %add3A_2557, %mul3A_2560 : vector<16xf32>
          %swap3A_2562 = arith.index_cast %mul3A_2524 : i32 to index
          %swap3A_2563 = tpu.vector_load %arg16[%swap3A_2562] {strides = array<i32>} : memref<2720xf32, #tpu.memory_space<vmem>>, vector<16xf32>,
          tpu.vector_store %arg16[%swap3A_2562], %add3A_2561 {strides = array<i32>} : memref<2720xf32, #tpu.memory_space<vmem>>, vector<16xf32>,
          %while3A_2564 = arith.constant 0 : i32
          scf.yield %while3A_2564 : i32
        }
        %while3A_2427 = arith.constant 1 : i32
        %while3A_2428 = scf.for %while3A_2521 = %while3A_2424 to %while3A_2420 step %while3A_2427 iter_args(%while3A_2522 = %while3A_2426) -> (i32)  : i32 {
          %mul3A_2523 = arith.constant 16 : i32
          %mul3A_2524 = arith.muli %while3A_2521, %mul3A_2523 : i32
          %get3A_2525 = arith.index_cast %mul3A_2524 : i32 to index
          %get3A_2526 = tpu.vector_load %arg11[%get3A_2525] {strides = array<i32>} : memref<2720xi32, #tpu.memory_space<vmem>>, vector<16xi32>,
          %get3A_2527 = arith.index_cast %mul3A_2524 : i32 to index
          %get3A_2528 = tpu.vector_load %arg12[%get3A_2527] {strides = array<i32>} : memref<2720xi32, #tpu.memory_space<vmem>>, vector<16xi32>,
          %get3A_2529 = arith.index_cast %mul3A_2524 : i32 to index
          %get3A_2530 = tpu.vector_load %arg16[%get3A_2529] {strides = array<i32>} : memref<2720xf32, #tpu.memory_space<vmem>>, vector<16xf32>,
          %gather3A = tpu.vector_load_idx %arg18[%broadcast_in_dim3A_104, %get3A_2526] : memref<8x2048xf32, #tpu.memory_space<vmem>>[vector<16xi32>, vector<16xi32>], vector<16xf32>,
          %gather3A_2531 = tpu.vector_load_idx %arg21[%broadcast_in_dim3A_104, %get3A_2528] : memref<8x4096xf32, #tpu.memory_space<vmem>>[vector<16xi32>, vector<16xi32>], vector<16xf32>,
          %mul3A_2532 = arith.mulf %gather3A, %gather3A_2531 : vector<16xf32>
          %add3A_2533 = arith.addf %get3A_2530, %mul3A_2532 : vector<16xf32>
          %gather3A_2534 = tpu.vector_load_idx %arg18[%broadcast_in_dim3A_106, %get3A_2526] : memref<8x2048xf32, #tpu.memory_space<vmem>>[vector<16xi32>, vector<16xi32>], vector<16xf32>,
          %gather3A_2535 = tpu.vector_load_idx %arg21[%broadcast_in_dim3A_106, %get3A_2528] : memref<8x4096xf32, #tpu.memory_space<vmem>>[vector<16xi32>, vector<16xi32>], vector<16xf32>,
          %mul3A_2536 = arith.mulf %gather3A_2534, %gather3A_2535 : vector<16xf32>
          %add3A_2537 = arith.addf %add3A_2533, %mul3A_2536 : vector<16xf32>
          %gather3A_2538 = tpu.vector_load_idx %arg18[%broadcast_in_dim3A_108, %get3A_2526] : memref<8x2048xf32, #tpu.memory_space<vmem>>[vector<16xi32>, vector<16xi32>], vector<16xf32>,
          %gather3A_2539 = tpu.vector_load_idx %arg21[%broadcast_in_dim3A_108, %get3A_2528] : memref<8x4096xf32, #tpu.memory_space<vmem>>[vector<16xi32>, vector<16xi32>], vector<16xf32>,
          %mul3A_2540 = arith.mulf %gather3A_2538, %gather3A_2539 : vector<16xf32>
          %add3A_2541 = arith.addf %add3A_2537, %mul3A_2540 : vector<16xf32>
          %gather3A_2542 = tpu.vector_load_idx %arg18[%broadcast_in_dim3A_110, %get3A_2526] : memref<8x2048xf32, #tpu.memory_space<vmem>>[vector<16xi32>, vector<16xi32>], vector<16xf32>,
          %gather3A_2543 = tpu.vector_load_idx %arg21[%broadcast_in_dim3A_110, %get3A_2528] : memref<8x4096xf32, #tpu.memory_space<vmem>>[vector<16xi32>, vector<16xi32>], vector<16xf32>,
          %mul3A_2544 = arith.mulf %gather3A_2542, %gather3A_2543 : vector<16xf32>
          %add3A_2545 = arith.addf %add3A_2541, %mul3A_2544 : vector<16xf32>
          %gather3A_2546 = tpu.vector_load_idx %arg18[%broadcast_in_dim3A_112, %get3A_2526] : memref<8x2048xf32, #tpu.memory_space<vmem>>[vector<16xi32>, vector<16xi32>], vector<16xf32>,
          %gather3A_2547 = tpu.vector_load_idx %arg21[%broadcast_in_dim3A_112, %get3A_2528] : memref<8x4096xf32, #tpu.memory_space<vmem>>[vector<16xi32>, vector<16xi32>], vector<16xf32>,
          %mul3A_2548 = arith.mulf %gather3A_2546, %gather3A_2547 : vector<16xf32>
          %add3A_2549 = arith.addf %add3A_2545, %mul3A_2548 : vector<16xf32>
          %gather3A_2550 = tpu.vector_load_idx %arg18[%broadcast_in_dim3A_114, %get3A_2526] : memref<8x2048xf32, #tpu.memory_space<vmem>>[vector<16xi32>, vector<16xi32>], vector<16xf32>,
          %gather3A_2551 = tpu.vector_load_idx %arg21[%broadcast_in_dim3A_114, %get3A_2528] : memref<8x4096xf32, #tpu.memory_space<vmem>>[vector<16xi32>, vector<16xi32>], vector<16xf32>,
          %mul3A_2552 = arith.mulf %gather3A_2550, %gather3A_2551 : vector<16xf32>
          %add3A_2553 = arith.addf %add3A_2549, %mul3A_2552 : vector<16xf32>
          %gather3A_2554 = tpu.vector_load_idx %arg18[%broadcast_in_dim3A_116, %get3A_2526] : memref<8x2048xf32, #tpu.memory_space<vmem>>[vector<16xi32>, vector<16xi32>], vector<16xf32>,
          %gather3A_2555 = tpu.vector_load_idx %arg21[%broadcast_in_dim3A_116, %get3A_2528] : memref<8x4096xf32, #tpu.memory_space<vmem>>[vector<16xi32>, vector<16xi32>], vector<16xf32>,
          %mul3A_2556 = arith.mulf %gather3A_2554, %gather3A_2555 : vector<16xf32>
          %add3A_2557 = arith.addf %add3A_2553, %mul3A_2556 : vector<16xf32>
          %gather3A_2558 = tpu.vector_load_idx %arg18[%broadcast_in_dim3A_118, %get3A_2526] : memref<8x2048xf32, #tpu.memory_space<vmem>>[vector<16xi32>, vector<16xi32>], vector<16xf32>,
          %gather3A_2559 = tpu.vector_load_idx %arg21[%broadcast_in_dim3A_118, %get3A_2528] : memref<8x4096xf32, #tpu.memory_space<vmem>>[vector<16xi32>, vector<16xi32>], vector<16xf32>,
          %mul3A_2560 = arith.mulf %gather3A_2558, %gather3A_2559 : vector<16xf32>
          %add3A_2561 = arith.addf %add3A_2557, %mul3A_2560 : vector<16xf32>
          %swap3A_2562 = arith.index_cast %mul3A_2524 : i32 to index
          %swap3A_2563 = tpu.vector_load %arg16[%swap3A_2562] {strides = array<i32>} : memref<2720xf32, #tpu.memory_space<vmem>>, vector<16xf32>,
          tpu.vector_store %arg16[%swap3A_2562], %add3A_2561 {strides = array<i32>} : memref<2720xf32, #tpu.memory_space<vmem>>, vector<16xf32>,
          %while3A_2564 = arith.constant 0 : i32
          scf.yield %while3A_2564 : i32
        }
        %mul3A_2429 = arith.constant 16 : i32
        %mul3A_2430 = arith.muli %add3A_1403, %mul3A_2429 : i32
        %add3A_2431 = arith.addi %mul3A_2430, %add3A_2362 : i32
        %add3A_2432 = arith.constant 2 : i32
        %add3A_2433 = arith.addi %add3A_2431, %add3A_2432 : i32
        %lt3A_2434 = arith.constant 128 : i32
        %lt3A_2435 = arith.cmpi slt, %add3A_2433, %lt3A_2434 : i32
        %convert_element_type3A_2436 = arith.extui %lt3A_2435 : i1 to i32
        %cond3A_2437 = arith.constant 0 : i32
        %cond3A_2438 = arith.cmpi ne, %convert_element_type3A_2436, %cond3A_2437 : i32
        scf.if %cond3A_2438 {
          %jit3A = arith.constant 16 : i32
          %div3A_2521 = arith.divsi %add3A_2433, %jit3A : i32
          %sign3A = arith.constant 0 : i32
          %sign3A_2522 = arith.cmpi sgt, %add3A_2433, %sign3A : i32
          %sign3A_2523 = arith.extui %sign3A_2522 : i1 to i32
          %sign3A_2524 = arith.constant 0 : i32
          %sign3A_2525 = arith.cmpi slt, %add3A_2433, %sign3A_2524 : i32
          %sign3A_2526 = arith.extui %sign3A_2525 : i1 to i32
          %sign3A_2527 = arith.subi %sign3A_2523, %sign3A_2526 : i32
          %sign3A_2528 = arith.constant 0 : i32
          %sign3A_2529 = arith.cmpi sgt, %jit3A, %sign3A_2528 : i32
          %sign3A_2530 = arith.extui %sign3A_2529 : i1 to i32
          %sign3A_2531 = arith.constant 0 : i32
          %sign3A_2532 = arith.cmpi slt, %jit3A, %sign3A_2531 : i32
          %sign3A_2533 = arith.extui %sign3A_2532 : i1 to i32
          %sign3A_2534 = arith.subi %sign3A_2530, %sign3A_2533 : i32
          %ne3A = arith.cmpi ne, %sign3A_2527, %sign3A_2534 : i32
          %rem3A = arith.remsi %add3A_2433, %jit3A : i32
          %ne3A_2535 = arith.constant 0 : i32
          %ne3A_2536 = arith.cmpi ne, %rem3A, %ne3A_2535 : i32
          %and3A = arith.andi %ne3A, %ne3A_2536 : i1
          %sub3A_2537 = arith.constant 1 : i32
          %sub3A_2538 = arith.subi %div3A_2521, %sub3A_2537 : i32
          %select_n3A = arith.select %and3A, %sub3A_2538, %div3A_2521 : i32
          %jit3A_2539 = arith.constant 16 : i32
          %eq3A_2540 = arith.constant 0 : i32
          %eq3A_2541 = arith.cmpi eq, %jit3A_2539, %eq3A_2540 : i32
          %jit3A_2542 = arith.constant 1 : i32
          %select_n3A_2543 = arith.select %eq3A_2541, %jit3A_2542, %jit3A_2539 : i32
          %rem3A_2544 = arith.remsi %add3A_2433, %select_n3A_2543 : i32
          %ne3A_2545 = arith.constant 0 : i32
          %ne3A_2546 = arith.cmpi ne, %rem3A_2544, %ne3A_2545 : i32
          %lt3A_2547 = arith.constant 0 : i32
          %lt3A_2548 = arith.cmpi slt, %rem3A_2544, %lt3A_2547 : i32
          %lt3A_2549 = arith.constant 0 : i32
          %lt3A_2550 = arith.cmpi slt, %select_n3A_2543, %lt3A_2549 : i32
          %ne3A_2551 = arith.xori %lt3A_2548, %lt3A_2550 : i1
          %and3A_2552 = arith.andi %ne3A_2551, %ne3A_2546 : i1
          %add3A_2553 = arith.addi %rem3A_2544, %select_n3A_2543 : i32
          %select_n3A_2554 = arith.select %and3A_2552, %add3A_2553, %rem3A_2544 : i32
          %add3A_2555 = arith.constant 1 : i32
          %add3A_2556 = arith.addi %select_n3A_2554, %add3A_2555 : i32
          %mul3A_2557 = arith.constant 16 : i32
          %mul3A_2558 = arith.muli %add3A_2556, %mul3A_2557 : i32
          %get3A_2559 = arith.index_cast %mul3A_2558 : i32 to index
          %get3A_2560 = tpu.vector_load %arg15[%get3A_2559] {strides = array<i32>} : memref<272xi32, #tpu.memory_space<vmem>>, vector<16xi32>,
          %reduce_max3A_2561 = arith.constant true
          %reduce_max3A_2562 = vector.broadcast %reduce_max3A_2561 : i1 to vector<16xi1>
          %reduce_max3A_2563 = arith.constant -2147483648 : i32
          %reduce_max3A_2564 = vector.broadcast %reduce_max3A_2563 : i32 to vector<16xi32>
          %reduce_max3A_2565 = arith.xori %get3A_2560, %reduce_max3A_2564 : vector<16xi32>
          %reduce_max3A_2566 = tpu.scan <max>, %reduce_max3A_2565 masked %reduce_max3A_2562 : vector<16xi32>, vector<16xi1> -> vector<16xi32>
          %reduce_max3A_2567 = arith.xori %reduce_max3A_2566, %reduce_max3A_2564 : vector<16xi32>
          %reduce_max3A_2568 = vector.extract %reduce_max3A_2567[15] : i32 from vector<16xi32>
          %mul3A_2569 = arith.constant 16 : i32
          %mul3A_2570 = arith.muli %select_n3A_2554, %mul3A_2569 : i32
          %get3A_2571 = arith.index_cast %mul3A_2570 : i32 to index
          %get3A_2572 = tpu.vector_load %arg15[%get3A_2571] {strides = array<i32>} : memref<272xi32, #tpu.memory_space<vmem>>, vector<16xi32>,
          %reduce_max3A_2573 = arith.constant true
          %reduce_max3A_2574 = vector.broadcast %reduce_max3A_2573 : i1 to vector<16xi1>
          %reduce_max3A_2575 = arith.constant -2147483648 : i32
          %reduce_max3A_2576 = vector.broadcast %reduce_max3A_2575 : i32 to vector<16xi32>
          %reduce_max3A_2577 = arith.xori %get3A_2572, %reduce_max3A_2576 : vector<16xi32>
          %reduce_max3A_2578 = tpu.scan <max>, %reduce_max3A_2577 masked %reduce_max3A_2574 : vector<16xi32>, vector<16xi1> -> vector<16xi32>
          %reduce_max3A_2579 = arith.xori %reduce_max3A_2578, %reduce_max3A_2576 : vector<16xi32>
          %reduce_max3A_2580 = vector.extract %reduce_max3A_2579[15] : i32 from vector<16xi32>
          %gt3A_2581 = arith.cmpi sgt, %reduce_max3A_2568, %reduce_max3A_2580 : i32
          %convert_element_type3A_2582 = arith.extui %gt3A_2581 : i1 to i32
          %cond3A_2583 = arith.constant 0 : i32
          %cond3A_2584 = arith.cmpi ne, %convert_element_type3A_2582, %cond3A_2583 : i32
          scf.if %cond3A_2584 {
            %mul3A_2585 = arith.constant 8 : i32
            %mul3A_2586 = arith.muli %select_n3A, %mul3A_2585 : i32
            %mul3A_2587 = arith.constant 16 : i32
            %mul3A_2588 = arith.muli %select_n3A_2554, %mul3A_2587 : i32
            %get3A_2589 = arith.index_cast %mul3A_2588 : i32 to index
            %get3A_2590 = tpu.vector_load %arg14[%get3A_2589] {strides = array<i32>} : memref<256xi32, #tpu.memory_space<vmem>>, vector<16xi32>,
            %reduce_max3A_2591 = arith.constant true
            %reduce_max3A_2592 = vector.broadcast %reduce_max3A_2591 : i1 to vector<16xi1>
            %reduce_max3A_2593 = arith.constant -2147483648 : i32
            %reduce_max3A_2594 = vector.broadcast %reduce_max3A_2593 : i32 to vector<16xi32>
            %reduce_max3A_2595 = arith.xori %get3A_2590, %reduce_max3A_2594 : vector<16xi32>
            %reduce_max3A_2596 = tpu.scan <max>, %reduce_max3A_2595 masked %reduce_max3A_2592 : vector<16xi32>, vector<16xi1> -> vector<16xi32>
            %reduce_max3A_2597 = arith.xori %reduce_max3A_2596, %reduce_max3A_2594 : vector<16xi32>
            %reduce_max3A_2598 = vector.extract %reduce_max3A_2597[15] : i32 from vector<16xi32>
            %multiple_of3A = tpu.assume_multiple %reduce_max3A_2598, 128 : i32
            %dma_start3A_2599 = tpu.memref_slice %arg7[%mul3A_2586, %multiple_of3A] : memref<64x1000000xf32, #tpu.memory_space<hbm>> -> memref<8x2048xf32, #tpu.memory_space<hbm>>
            %dma_start3A_2600 = tpu.memref_slice %arg7[%mul3A_2586, %multiple_of3A] : memref<64x1000000xf32, #tpu.memory_space<hbm>> -> memref<8x2048xf32, #tpu.memory_space<hbm>>
            tpu.enqueue_dma source(%dma_start3A_2600 : memref<8x2048xf32, #tpu.memory_space<hbm>>) target(%arg18 : memref<8x2048xf32, #tpu.memory_space<vmem>>) target_semaphore(%arg25 : memref<!tpu.dma_semaphore, #tpu.memory_space<semaphore_mem>>)
          } else {
          }
        } else {
        }
        %mul3A_2439 = arith.constant 2 : i32
        %mul3A_2440 = arith.muli %scan3A_2357, %mul3A_2439 : i32
        %add3A_2441 = arith.constant 1 : i32
        %add3A_2442 = arith.addi %mul3A_2440, %add3A_2441 : i32
        %add3A_2443 = arith.constant 1 : i32
        %add3A_2444 = arith.addi %add3A_2442, %add3A_2443 : i32
        %mul3A_2445 = arith.constant 16 : i32
        %mul3A_2446 = arith.muli %add3A_2444, %mul3A_2445 : i32
        %get3A_2447 = arith.index_cast %mul3A_2446 : i32 to index
        %get3A_2448 = tpu.vector_load %arg15[%get3A_2447] {strides = array<i32>} : memref<272xi32, #tpu.memory_space<vmem>>, vector<16xi32>,
        %reduce_max3A_2449 = arith.constant true
        %reduce_max3A_2450 = vector.broadcast %reduce_max3A_2449 : i1 to vector<16xi1>
        %reduce_max3A_2451 = arith.constant -2147483648 : i32
        %reduce_max3A_2452 = vector.broadcast %reduce_max3A_2451 : i32 to vector<16xi32>
        %reduce_max3A_2453 = arith.xori %get3A_2448, %reduce_max3A_2452 : vector<16xi32>
        %reduce_max3A_2454 = tpu.scan <max>, %reduce_max3A_2453 masked %reduce_max3A_2450 : vector<16xi32>, vector<16xi1> -> vector<16xi32>
        %reduce_max3A_2455 = arith.xori %reduce_max3A_2454, %reduce_max3A_2452 : vector<16xi32>
        %reduce_max3A_2456 = vector.extract %reduce_max3A_2455[15] : i32 from vector<16xi32>
        %mul3A_2457 = arith.constant 16 : i32
        %mul3A_2458 = arith.muli %add3A_2442, %mul3A_2457 : i32
        %get3A_2459 = arith.index_cast %mul3A_2458 : i32 to index
        %get3A_2460 = tpu.vector_load %arg15[%get3A_2459] {strides = array<i32>} : memref<272xi32, #tpu.memory_space<vmem>>, vector<16xi32>,
        %reduce_max3A_2461 = arith.constant true
        %reduce_max3A_2462 = vector.broadcast %reduce_max3A_2461 : i1 to vector<16xi1>
        %reduce_max3A_2463 = arith.constant -2147483648 : i32
        %reduce_max3A_2464 = vector.broadcast %reduce_max3A_2463 : i32 to vector<16xi32>
        %reduce_max3A_2465 = arith.xori %get3A_2460, %reduce_max3A_2464 : vector<16xi32>
        %reduce_max3A_2466 = tpu.scan <max>, %reduce_max3A_2465 masked %reduce_max3A_2462 : vector<16xi32>, vector<16xi1> -> vector<16xi32>
        %reduce_max3A_2467 = arith.xori %reduce_max3A_2466, %reduce_max3A_2464 : vector<16xi32>
        %reduce_max3A_2468 = vector.extract %reduce_max3A_2467[15] : i32 from vector<16xi32>
        %gt3A_2469 = arith.cmpi sgt, %reduce_max3A_2456, %reduce_max3A_2468 : i32
        %convert_element_type3A_2470 = arith.extui %gt3A_2469 : i1 to i32
        %cond3A_2471 = arith.constant 0 : i32
        %cond3A_2472 = arith.cmpi ne, %convert_element_type3A_2470, %cond3A_2471 : i32
        scf.if %cond3A_2472 {
          %dma_wait3A_2521 = arith.constant 0 : i32
          %dma_wait3A_2522 = arith.constant 0 : i32
          %dma_wait3A_2523 = tpu.memref_slice %arg7[%dma_wait3A_2521, %dma_wait3A_2522] : memref<64x1000000xf32, #tpu.memory_space<hbm>> -> memref<8x2048xf32, #tpu.memory_space<hbm>>
          %dma_wait3A_2524 = arith.constant 0 : i32
          %dma_wait3A_2525 = arith.constant 0 : i32
          %dma_wait3A_2526 = tpu.memref_slice %arg7[%dma_wait3A_2524, %dma_wait3A_2525] : memref<64x1000000xf32, #tpu.memory_space<hbm>> -> memref<8x2048xf32, #tpu.memory_space<hbm>>
          tpu.wait_dma2 semaphore(%arg26 : memref<!tpu.dma_semaphore, #tpu.memory_space<semaphore_mem>>) src(%dma_wait3A_2526 : memref<8x2048xf32, #tpu.memory_space<hbm>>) dst(%arg19 : memref<8x2048xf32, #tpu.memory_space<vmem>>)
        } else {
        }
        %mul3A_2473 = arith.constant 16 : i32
        %mul3A_2474 = arith.muli %add3A_2442, %mul3A_2473 : i32
        %get3A_2475 = arith.index_cast %mul3A_2474 : i32 to index
        %get3A_2476 = tpu.vector_load %arg15[%get3A_2475] {strides = array<i32>} : memref<272xi32, #tpu.memory_space<vmem>>, vector<16xi32>,
        %reduce_max3A_2477 = arith.constant true
        %reduce_max3A_2478 = vector.broadcast %reduce_max3A_2477 : i1 to vector<16xi1>
        %reduce_max3A_2479 = arith.constant -2147483648 : i32
        %reduce_max3A_2480 = vector.broadcast %reduce_max3A_2479 : i32 to vector<16xi32>
        %reduce_max3A_2481 = arith.xori %get3A_2476, %reduce_max3A_2480 : vector<16xi32>
        %reduce_max3A_2482 = tpu.scan <max>, %reduce_max3A_2481 masked %reduce_max3A_2478 : vector<16xi32>, vector<16xi1> -> vector<16xi32>
        %reduce_max3A_2483 = arith.xori %reduce_max3A_2482, %reduce_max3A_2480 : vector<16xi32>
        %reduce_max3A_2484 = vector.extract %reduce_max3A_2483[15] : i32 from vector<16xi32>
        %add3A_2485 = arith.constant 1 : i32
        %add3A_2486 = arith.addi %add3A_2442, %add3A_2485 : i32
        %mul3A_2487 = arith.constant 16 : i32
        %mul3A_2488 = arith.muli %add3A_2486, %mul3A_2487 : i32
        %get3A_2489 = arith.index_cast %mul3A_2488 : i32 to index
        %get3A_2490 = tpu.vector_load %arg15[%get3A_2489] {strides = array<i32>} : memref<272xi32, #tpu.memory_space<vmem>>, vector<16xi32>,
        %reduce_max3A_2491 = arith.constant true
        %reduce_max3A_2492 = vector.broadcast %reduce_max3A_2491 : i1 to vector<16xi1>
        %reduce_max3A_2493 = arith.constant -2147483648 : i32
        %reduce_max3A_2494 = vector.broadcast %reduce_max3A_2493 : i32 to vector<16xi32>
        %reduce_max3A_2495 = arith.xori %get3A_2490, %reduce_max3A_2494 : vector<16xi32>
        %reduce_max3A_2496 = tpu.scan <max>, %reduce_max3A_2495 masked %reduce_max3A_2492 : vector<16xi32>, vector<16xi1> -> vector<16xi32>
        %reduce_max3A_2497 = arith.xori %reduce_max3A_2496, %reduce_max3A_2494 : vector<16xi32>
        %reduce_max3A_2498 = vector.extract %reduce_max3A_2497[15] : i32 from vector<16xi32>
        %while3A_2499 = arith.constant 0 : i32
        %while3A_2500 = arith.subi %reduce_max3A_2498, %reduce_max3A_2484 : i32
        %while3A_2501 = arith.addi %reduce_max3A_2484, %while3A_2500 : i32
        %while3A_2502 = arith.constant 1 : i32
        %while3A_2503 = arith.divsi %while3A_2500, %while3A_2502 : i32
        %while3A_2504 = arith.muli %while3A_2503, %while3A_2502 : i32
        %while3A_2505 = arith.addi %reduce_max3A_2484, %while3A_2504 : i32
        %while3A_2506 = arith.constant 1 : i32
        %while3A_2507 = scf.for %while3A_2521 = %reduce_max3A_2484 to %while3A_2505 step %while3A_2506 iter_args(%while3A_2522 = %while3A_2499) -> (i32)  : i32 {
          %mul3A_2523 = arith.constant 16 : i32
          %mul3A_2524 = arith.muli %while3A_2521, %mul3A_2523 : i32
          %get3A_2525 = arith.index_cast %mul3A_2524 : i32 to index
          %get3A_2526 = tpu.vector_load %arg11[%get3A_2525] {strides = array<i32>} : memref<2720xi32, #tpu.memory_space<vmem>>, vector<16xi32>,
          %get3A_2527 = arith.index_cast %mul3A_2524 : i32 to index
          %get3A_2528 = tpu.vector_load %arg12[%get3A_2527] {strides = array<i32>} : memref<2720xi32, #tpu.memory_space<vmem>>, vector<16xi32>,
          %get3A_2529 = arith.index_cast %mul3A_2524 : i32 to index
          %get3A_2530 = tpu.vector_load %arg16[%get3A_2529] {strides = array<i32>} : memref<2720xf32, #tpu.memory_space<vmem>>, vector<16xf32>,
          %gather3A = tpu.vector_load_idx %arg19[%broadcast_in_dim3A_104, %get3A_2526] : memref<8x2048xf32, #tpu.memory_space<vmem>>[vector<16xi32>, vector<16xi32>], vector<16xf32>,
          %gather3A_2531 = tpu.vector_load_idx %arg21[%broadcast_in_dim3A_104, %get3A_2528] : memref<8x4096xf32, #tpu.memory_space<vmem>>[vector<16xi32>, vector<16xi32>], vector<16xf32>,
          %mul3A_2532 = arith.mulf %gather3A, %gather3A_2531 : vector<16xf32>
          %add3A_2533 = arith.addf %get3A_2530, %mul3A_2532 : vector<16xf32>
          %gather3A_2534 = tpu.vector_load_idx %arg19[%broadcast_in_dim3A_106, %get3A_2526] : memref<8x2048xf32, #tpu.memory_space<vmem>>[vector<16xi32>, vector<16xi32>], vector<16xf32>,
          %gather3A_2535 = tpu.vector_load_idx %arg21[%broadcast_in_dim3A_106, %get3A_2528] : memref<8x4096xf32, #tpu.memory_space<vmem>>[vector<16xi32>, vector<16xi32>], vector<16xf32>,
          %mul3A_2536 = arith.mulf %gather3A_2534, %gather3A_2535 : vector<16xf32>
          %add3A_2537 = arith.addf %add3A_2533, %mul3A_2536 : vector<16xf32>
          %gather3A_2538 = tpu.vector_load_idx %arg19[%broadcast_in_dim3A_108, %get3A_2526] : memref<8x2048xf32, #tpu.memory_space<vmem>>[vector<16xi32>, vector<16xi32>], vector<16xf32>,
          %gather3A_2539 = tpu.vector_load_idx %arg21[%broadcast_in_dim3A_108, %get3A_2528] : memref<8x4096xf32, #tpu.memory_space<vmem>>[vector<16xi32>, vector<16xi32>], vector<16xf32>,
          %mul3A_2540 = arith.mulf %gather3A_2538, %gather3A_2539 : vector<16xf32>
          %add3A_2541 = arith.addf %add3A_2537, %mul3A_2540 : vector<16xf32>
          %gather3A_2542 = tpu.vector_load_idx %arg19[%broadcast_in_dim3A_110, %get3A_2526] : memref<8x2048xf32, #tpu.memory_space<vmem>>[vector<16xi32>, vector<16xi32>], vector<16xf32>,
          %gather3A_2543 = tpu.vector_load_idx %arg21[%broadcast_in_dim3A_110, %get3A_2528] : memref<8x4096xf32, #tpu.memory_space<vmem>>[vector<16xi32>, vector<16xi32>], vector<16xf32>,
          %mul3A_2544 = arith.mulf %gather3A_2542, %gather3A_2543 : vector<16xf32>
          %add3A_2545 = arith.addf %add3A_2541, %mul3A_2544 : vector<16xf32>
          %gather3A_2546 = tpu.vector_load_idx %arg19[%broadcast_in_dim3A_112, %get3A_2526] : memref<8x2048xf32, #tpu.memory_space<vmem>>[vector<16xi32>, vector<16xi32>], vector<16xf32>,
          %gather3A_2547 = tpu.vector_load_idx %arg21[%broadcast_in_dim3A_112, %get3A_2528] : memref<8x4096xf32, #tpu.memory_space<vmem>>[vector<16xi32>, vector<16xi32>], vector<16xf32>,
          %mul3A_2548 = arith.mulf %gather3A_2546, %gather3A_2547 : vector<16xf32>
          %add3A_2549 = arith.addf %add3A_2545, %mul3A_2548 : vector<16xf32>
          %gather3A_2550 = tpu.vector_load_idx %arg19[%broadcast_in_dim3A_114, %get3A_2526] : memref<8x2048xf32, #tpu.memory_space<vmem>>[vector<16xi32>, vector<16xi32>], vector<16xf32>,
          %gather3A_2551 = tpu.vector_load_idx %arg21[%broadcast_in_dim3A_114, %get3A_2528] : memref<8x4096xf32, #tpu.memory_space<vmem>>[vector<16xi32>, vector<16xi32>], vector<16xf32>,
          %mul3A_2552 = arith.mulf %gather3A_2550, %gather3A_2551 : vector<16xf32>
          %add3A_2553 = arith.addf %add3A_2549, %mul3A_2552 : vector<16xf32>
          %gather3A_2554 = tpu.vector_load_idx %arg19[%broadcast_in_dim3A_116, %get3A_2526] : memref<8x2048xf32, #tpu.memory_space<vmem>>[vector<16xi32>, vector<16xi32>], vector<16xf32>,
          %gather3A_2555 = tpu.vector_load_idx %arg21[%broadcast_in_dim3A_116, %get3A_2528] : memref<8x4096xf32, #tpu.memory_space<vmem>>[vector<16xi32>, vector<16xi32>], vector<16xf32>,
          %mul3A_2556 = arith.mulf %gather3A_2554, %gather3A_2555 : vector<16xf32>
          %add3A_2557 = arith.addf %add3A_2553, %mul3A_2556 : vector<16xf32>
          %gather3A_2558 = tpu.vector_load_idx %arg19[%broadcast_in_dim3A_118, %get3A_2526] : memref<8x2048xf32, #tpu.memory_space<vmem>>[vector<16xi32>, vector<16xi32>], vector<16xf32>,
          %gather3A_2559 = tpu.vector_load_idx %arg21[%broadcast_in_dim3A_118, %get3A_2528] : memref<8x4096xf32, #tpu.memory_space<vmem>>[vector<16xi32>, vector<16xi32>], vector<16xf32>,
          %mul3A_2560 = arith.mulf %gather3A_2558, %gather3A_2559 : vector<16xf32>
          %add3A_2561 = arith.addf %add3A_2557, %mul3A_2560 : vector<16xf32>
          %swap3A_2562 = arith.index_cast %mul3A_2524 : i32 to index
          %swap3A_2563 = tpu.vector_load %arg16[%swap3A_2562] {strides = array<i32>} : memref<2720xf32, #tpu.memory_space<vmem>>, vector<16xf32>,
          tpu.vector_store %arg16[%swap3A_2562], %add3A_2561 {strides = array<i32>} : memref<2720xf32, #tpu.memory_space<vmem>>, vector<16xf32>,
          %while3A_2564 = arith.constant 0 : i32
          scf.yield %while3A_2564 : i32
        }
        %while3A_2508 = arith.constant 1 : i32
        %while3A_2509 = scf.for %while3A_2521 = %while3A_2505 to %while3A_2501 step %while3A_2508 iter_args(%while3A_2522 = %while3A_2507) -> (i32)  : i32 {
          %mul3A_2523 = arith.constant 16 : i32
          %mul3A_2524 = arith.muli %while3A_2521, %mul3A_2523 : i32
          %get3A_2525 = arith.index_cast %mul3A_2524 : i32 to index
          %get3A_2526 = tpu.vector_load %arg11[%get3A_2525] {strides = array<i32>} : memref<2720xi32, #tpu.memory_space<vmem>>, vector<16xi32>,
          %get3A_2527 = arith.index_cast %mul3A_2524 : i32 to index
          %get3A_2528 = tpu.vector_load %arg12[%get3A_2527] {strides = array<i32>} : memref<2720xi32, #tpu.memory_space<vmem>>, vector<16xi32>,
          %get3A_2529 = arith.index_cast %mul3A_2524 : i32 to index
          %get3A_2530 = tpu.vector_load %arg16[%get3A_2529] {strides = array<i32>} : memref<2720xf32, #tpu.memory_space<vmem>>, vector<16xf32>,
          %gather3A = tpu.vector_load_idx %arg19[%broadcast_in_dim3A_104, %get3A_2526] : memref<8x2048xf32, #tpu.memory_space<vmem>>[vector<16xi32>, vector<16xi32>], vector<16xf32>,
          %gather3A_2531 = tpu.vector_load_idx %arg21[%broadcast_in_dim3A_104, %get3A_2528] : memref<8x4096xf32, #tpu.memory_space<vmem>>[vector<16xi32>, vector<16xi32>], vector<16xf32>,
          %mul3A_2532 = arith.mulf %gather3A, %gather3A_2531 : vector<16xf32>
          %add3A_2533 = arith.addf %get3A_2530, %mul3A_2532 : vector<16xf32>
          %gather3A_2534 = tpu.vector_load_idx %arg19[%broadcast_in_dim3A_106, %get3A_2526] : memref<8x2048xf32, #tpu.memory_space<vmem>>[vector<16xi32>, vector<16xi32>], vector<16xf32>,
          %gather3A_2535 = tpu.vector_load_idx %arg21[%broadcast_in_dim3A_106, %get3A_2528] : memref<8x4096xf32, #tpu.memory_space<vmem>>[vector<16xi32>, vector<16xi32>], vector<16xf32>,
          %mul3A_2536 = arith.mulf %gather3A_2534, %gather3A_2535 : vector<16xf32>
          %add3A_2537 = arith.addf %add3A_2533, %mul3A_2536 : vector<16xf32>
          %gather3A_2538 = tpu.vector_load_idx %arg19[%broadcast_in_dim3A_108, %get3A_2526] : memref<8x2048xf32, #tpu.memory_space<vmem>>[vector<16xi32>, vector<16xi32>], vector<16xf32>,
          %gather3A_2539 = tpu.vector_load_idx %arg21[%broadcast_in_dim3A_108, %get3A_2528] : memref<8x4096xf32, #tpu.memory_space<vmem>>[vector<16xi32>, vector<16xi32>], vector<16xf32>,
          %mul3A_2540 = arith.mulf %gather3A_2538, %gather3A_2539 : vector<16xf32>
          %add3A_2541 = arith.addf %add3A_2537, %mul3A_2540 : vector<16xf32>
          %gather3A_2542 = tpu.vector_load_idx %arg19[%broadcast_in_dim3A_110, %get3A_2526] : memref<8x2048xf32, #tpu.memory_space<vmem>>[vector<16xi32>, vector<16xi32>], vector<16xf32>,
          %gather3A_2543 = tpu.vector_load_idx %arg21[%broadcast_in_dim3A_110, %get3A_2528] : memref<8x4096xf32, #tpu.memory_space<vmem>>[vector<16xi32>, vector<16xi32>], vector<16xf32>,
          %mul3A_2544 = arith.mulf %gather3A_2542, %gather3A_2543 : vector<16xf32>
          %add3A_2545 = arith.addf %add3A_2541, %mul3A_2544 : vector<16xf32>
          %gather3A_2546 = tpu.vector_load_idx %arg19[%broadcast_in_dim3A_112, %get3A_2526] : memref<8x2048xf32, #tpu.memory_space<vmem>>[vector<16xi32>, vector<16xi32>], vector<16xf32>,
          %gather3A_2547 = tpu.vector_load_idx %arg21[%broadcast_in_dim3A_112, %get3A_2528] : memref<8x4096xf32, #tpu.memory_space<vmem>>[vector<16xi32>, vector<16xi32>], vector<16xf32>,
          %mul3A_2548 = arith.mulf %gather3A_2546, %gather3A_2547 : vector<16xf32>
          %add3A_2549 = arith.addf %add3A_2545, %mul3A_2548 : vector<16xf32>
          %gather3A_2550 = tpu.vector_load_idx %arg19[%broadcast_in_dim3A_114, %get3A_2526] : memref<8x2048xf32, #tpu.memory_space<vmem>>[vector<16xi32>, vector<16xi32>], vector<16xf32>,
          %gather3A_2551 = tpu.vector_load_idx %arg21[%broadcast_in_dim3A_114, %get3A_2528] : memref<8x4096xf32, #tpu.memory_space<vmem>>[vector<16xi32>, vector<16xi32>], vector<16xf32>,
          %mul3A_2552 = arith.mulf %gather3A_2550, %gather3A_2551 : vector<16xf32>
          %add3A_2553 = arith.addf %add3A_2549, %mul3A_2552 : vector<16xf32>
          %gather3A_2554 = tpu.vector_load_idx %arg19[%broadcast_in_dim3A_116, %get3A_2526] : memref<8x2048xf32, #tpu.memory_space<vmem>>[vector<16xi32>, vector<16xi32>], vector<16xf32>,
          %gather3A_2555 = tpu.vector_load_idx %arg21[%broadcast_in_dim3A_116, %get3A_2528] : memref<8x4096xf32, #tpu.memory_space<vmem>>[vector<16xi32>, vector<16xi32>], vector<16xf32>,
          %mul3A_2556 = arith.mulf %gather3A_2554, %gather3A_2555 : vector<16xf32>
          %add3A_2557 = arith.addf %add3A_2553, %mul3A_2556 : vector<16xf32>
          %gather3A_2558 = tpu.vector_load_idx %arg19[%broadcast_in_dim3A_118, %get3A_2526] : memref<8x2048xf32, #tpu.memory_space<vmem>>[vector<16xi32>, vector<16xi32>], vector<16xf32>,
          %gather3A_2559 = tpu.vector_load_idx %arg21[%broadcast_in_dim3A_118, %get3A_2528] : memref<8x4096xf32, #tpu.memory_space<vmem>>[vector<16xi32>, vector<16xi32>], vector<16xf32>,
          %mul3A_2560 = arith.mulf %gather3A_2558, %gather3A_2559 : vector<16xf32>
          %add3A_2561 = arith.addf %add3A_2557, %mul3A_2560 : vector<16xf32>
          %swap3A_2562 = arith.index_cast %mul3A_2524 : i32 to index
          %swap3A_2563 = tpu.vector_load %arg16[%swap3A_2562] {strides = array<i32>} : memref<2720xf32, #tpu.memory_space<vmem>>, vector<16xf32>,
          tpu.vector_store %arg16[%swap3A_2562], %add3A_2561 {strides = array<i32>} : memref<2720xf32, #tpu.memory_space<vmem>>, vector<16xf32>,
          %while3A_2564 = arith.constant 0 : i32
          scf.yield %while3A_2564 : i32
        }
        %mul3A_2510 = arith.constant 16 : i32
        %mul3A_2511 = arith.muli %add3A_1403, %mul3A_2510 : i32
        %add3A_2512 = arith.addi %mul3A_2511, %add3A_2442 : i32
        %add3A_2513 = arith.constant 2 : i32
        %add3A_2514 = arith.addi %add3A_2512, %add3A_2513 : i32
        %lt3A_2515 = arith.constant 128 : i32
        %lt3A_2516 = arith.cmpi slt, %add3A_2514, %lt3A_2515 : i32
        %convert_element_type3A_2517 = arith.extui %lt3A_2516 : i1 to i32
        %cond3A_2518 = arith.constant 0 : i32
        %cond3A_2519 = arith.cmpi ne, %convert_element_type3A_2517, %cond3A_2518 : i32
        scf.if %cond3A_2519 {
          %jit3A = arith.constant 16 : i32
          %div3A_2521 = arith.divsi %add3A_2514, %jit3A : i32
          %sign3A = arith.constant 0 : i32
          %sign3A_2522 = arith.cmpi sgt, %add3A_2514, %sign3A : i32
          %sign3A_2523 = arith.extui %sign3A_2522 : i1 to i32
          %sign3A_2524 = arith.constant 0 : i32
          %sign3A_2525 = arith.cmpi slt, %add3A_2514, %sign3A_2524 : i32
          %sign3A_2526 = arith.extui %sign3A_2525 : i1 to i32
          %sign3A_2527 = arith.subi %sign3A_2523, %sign3A_2526 : i32
          %sign3A_2528 = arith.constant 0 : i32
          %sign3A_2529 = arith.cmpi sgt, %jit3A, %sign3A_2528 : i32
          %sign3A_2530 = arith.extui %sign3A_2529 : i1 to i32
          %sign3A_2531 = arith.constant 0 : i32
          %sign3A_2532 = arith.cmpi slt, %jit3A, %sign3A_2531 : i32
          %sign3A_2533 = arith.extui %sign3A_2532 : i1 to i32
          %sign3A_2534 = arith.subi %sign3A_2530, %sign3A_2533 : i32
          %ne3A = arith.cmpi ne, %sign3A_2527, %sign3A_2534 : i32
          %rem3A = arith.remsi %add3A_2514, %jit3A : i32
          %ne3A_2535 = arith.constant 0 : i32
          %ne3A_2536 = arith.cmpi ne, %rem3A, %ne3A_2535 : i32
          %and3A = arith.andi %ne3A, %ne3A_2536 : i1
          %sub3A_2537 = arith.constant 1 : i32
          %sub3A_2538 = arith.subi %div3A_2521, %sub3A_2537 : i32
          %select_n3A = arith.select %and3A, %sub3A_2538, %div3A_2521 : i32
          %jit3A_2539 = arith.constant 16 : i32
          %eq3A_2540 = arith.constant 0 : i32
          %eq3A_2541 = arith.cmpi eq, %jit3A_2539, %eq3A_2540 : i32
          %jit3A_2542 = arith.constant 1 : i32
          %select_n3A_2543 = arith.select %eq3A_2541, %jit3A_2542, %jit3A_2539 : i32
          %rem3A_2544 = arith.remsi %add3A_2514, %select_n3A_2543 : i32
          %ne3A_2545 = arith.constant 0 : i32
          %ne3A_2546 = arith.cmpi ne, %rem3A_2544, %ne3A_2545 : i32
          %lt3A_2547 = arith.constant 0 : i32
          %lt3A_2548 = arith.cmpi slt, %rem3A_2544, %lt3A_2547 : i32
          %lt3A_2549 = arith.constant 0 : i32
          %lt3A_2550 = arith.cmpi slt, %select_n3A_2543, %lt3A_2549 : i32
          %ne3A_2551 = arith.xori %lt3A_2548, %lt3A_2550 : i1
          %and3A_2552 = arith.andi %ne3A_2551, %ne3A_2546 : i1
          %add3A_2553 = arith.addi %rem3A_2544, %select_n3A_2543 : i32
          %select_n3A_2554 = arith.select %and3A_2552, %add3A_2553, %rem3A_2544 : i32
          %add3A_2555 = arith.constant 1 : i32
          %add3A_2556 = arith.addi %select_n3A_2554, %add3A_2555 : i32
          %mul3A_2557 = arith.constant 16 : i32
          %mul3A_2558 = arith.muli %add3A_2556, %mul3A_2557 : i32
          %get3A_2559 = arith.index_cast %mul3A_2558 : i32 to index
          %get3A_2560 = tpu.vector_load %arg15[%get3A_2559] {strides = array<i32>} : memref<272xi32, #tpu.memory_space<vmem>>, vector<16xi32>,
          %reduce_max3A_2561 = arith.constant true
          %reduce_max3A_2562 = vector.broadcast %reduce_max3A_2561 : i1 to vector<16xi1>
          %reduce_max3A_2563 = arith.constant -2147483648 : i32
          %reduce_max3A_2564 = vector.broadcast %reduce_max3A_2563 : i32 to vector<16xi32>
          %reduce_max3A_2565 = arith.xori %get3A_2560, %reduce_max3A_2564 : vector<16xi32>
          %reduce_max3A_2566 = tpu.scan <max>, %reduce_max3A_2565 masked %reduce_max3A_2562 : vector<16xi32>, vector<16xi1> -> vector<16xi32>
          %reduce_max3A_2567 = arith.xori %reduce_max3A_2566, %reduce_max3A_2564 : vector<16xi32>
          %reduce_max3A_2568 = vector.extract %reduce_max3A_2567[15] : i32 from vector<16xi32>
          %mul3A_2569 = arith.constant 16 : i32
          %mul3A_2570 = arith.muli %select_n3A_2554, %mul3A_2569 : i32
          %get3A_2571 = arith.index_cast %mul3A_2570 : i32 to index
          %get3A_2572 = tpu.vector_load %arg15[%get3A_2571] {strides = array<i32>} : memref<272xi32, #tpu.memory_space<vmem>>, vector<16xi32>,
          %reduce_max3A_2573 = arith.constant true
          %reduce_max3A_2574 = vector.broadcast %reduce_max3A_2573 : i1 to vector<16xi1>
          %reduce_max3A_2575 = arith.constant -2147483648 : i32
          %reduce_max3A_2576 = vector.broadcast %reduce_max3A_2575 : i32 to vector<16xi32>
          %reduce_max3A_2577 = arith.xori %get3A_2572, %reduce_max3A_2576 : vector<16xi32>
          %reduce_max3A_2578 = tpu.scan <max>, %reduce_max3A_2577 masked %reduce_max3A_2574 : vector<16xi32>, vector<16xi1> -> vector<16xi32>
          %reduce_max3A_2579 = arith.xori %reduce_max3A_2578, %reduce_max3A_2576 : vector<16xi32>
          %reduce_max3A_2580 = vector.extract %reduce_max3A_2579[15] : i32 from vector<16xi32>
          %gt3A_2581 = arith.cmpi sgt, %reduce_max3A_2568, %reduce_max3A_2580 : i32
          %convert_element_type3A_2582 = arith.extui %gt3A_2581 : i1 to i32
          %cond3A_2583 = arith.constant 0 : i32
          %cond3A_2584 = arith.cmpi ne, %convert_element_type3A_2582, %cond3A_2583 : i32
          scf.if %cond3A_2584 {
            %mul3A_2585 = arith.constant 8 : i32
            %mul3A_2586 = arith.muli %select_n3A, %mul3A_2585 : i32
            %mul3A_2587 = arith.constant 16 : i32
            %mul3A_2588 = arith.muli %select_n3A_2554, %mul3A_2587 : i32
            %get3A_2589 = arith.index_cast %mul3A_2588 : i32 to index
            %get3A_2590 = tpu.vector_load %arg14[%get3A_2589] {strides = array<i32>} : memref<256xi32, #tpu.memory_space<vmem>>, vector<16xi32>,
            %reduce_max3A_2591 = arith.constant true
            %reduce_max3A_2592 = vector.broadcast %reduce_max3A_2591 : i1 to vector<16xi1>
            %reduce_max3A_2593 = arith.constant -2147483648 : i32
            %reduce_max3A_2594 = vector.broadcast %reduce_max3A_2593 : i32 to vector<16xi32>
            %reduce_max3A_2595 = arith.xori %get3A_2590, %reduce_max3A_2594 : vector<16xi32>
            %reduce_max3A_2596 = tpu.scan <max>, %reduce_max3A_2595 masked %reduce_max3A_2592 : vector<16xi32>, vector<16xi1> -> vector<16xi32>
            %reduce_max3A_2597 = arith.xori %reduce_max3A_2596, %reduce_max3A_2594 : vector<16xi32>
            %reduce_max3A_2598 = vector.extract %reduce_max3A_2597[15] : i32 from vector<16xi32>
            %multiple_of3A = tpu.assume_multiple %reduce_max3A_2598, 128 : i32
            %dma_start3A_2599 = tpu.memref_slice %arg7[%mul3A_2586, %multiple_of3A] : memref<64x1000000xf32, #tpu.memory_space<hbm>> -> memref<8x2048xf32, #tpu.memory_space<hbm>>
            %dma_start3A_2600 = tpu.memref_slice %arg7[%mul3A_2586, %multiple_of3A] : memref<64x1000000xf32, #tpu.memory_space<hbm>> -> memref<8x2048xf32, #tpu.memory_space<hbm>>
            tpu.enqueue_dma source(%dma_start3A_2600 : memref<8x2048xf32, #tpu.memory_space<hbm>>) target(%arg19 : memref<8x2048xf32, #tpu.memory_space<vmem>>) target_semaphore(%arg26 : memref<!tpu.dma_semaphore, #tpu.memory_space<semaphore_mem>>)
          } else {
          }
        } else {
        }
        %scan3A_2520 = arith.constant 0 : i32
        scf.yield %scan3A_2520 : i32
      }
      %scan3A_2355 = arith.constant 8 : i32
      %scan3A_2356 = arith.constant 0 : i32
      scf.yield %scan3A_2356 : i32
    }
    %scan3A_125 = arith.constant 4 : i32
    %broadcast_in_dim3A_126 = arith.constant 0.000000e+00 : f32
    %broadcast_in_dim3A_127 = vector.broadcast %broadcast_in_dim3A_126 : f32 to vector<16xf32>
    %scan3A_128 = arith.constant 0 : i32
    %scan3A_129 = arith.constant 170 : i32
    %scan3A_130 = arith.addi %scan3A_128, %scan3A_129 : i32
    %scan3A_131 = arith.constant 1 : i32
    %scan3A_132 = scf.for %scan3A_444 = %scan3A_128 to %scan3A_130 step %scan3A_131 iter_args(%scan3A_445 = %broadcast_in_dim3A_127) -> (vector<16xf32>)  : i32 {
      %mul3A_446 = arith.constant 16 : i32
      %mul3A_447 = arith.muli %scan3A_444, %mul3A_446 : i32
      %get3A_448 = arith.index_cast %mul3A_447 : i32 to index
      %get3A_449 = tpu.vector_load %arg16[%get3A_448] {strides = array<i32>} : memref<2720xf32, #tpu.memory_space<vmem>>, vector<16xf32>,
      %mul3A_450 = arith.constant 16 : i32
      %mul3A_451 = arith.muli %scan3A_444, %mul3A_450 : i32
      %get3A_452 = arith.index_cast %mul3A_451 : i32 to index
      %get3A_453 = tpu.vector_load %arg13[%get3A_452] {strides = array<i32>} : memref<2720xf32, #tpu.memory_space<vmem>>, vector<16xf32>,
      %neg3A_454 = arith.constant 0.000000e+00 : f32
      %neg3A_455 = vector.broadcast %neg3A_454 : f32 to vector<16xf32>
      %neg3A_456 = arith.subf %neg3A_455, %get3A_449 : vector<16xf32>
      %abs3A_457 = math.absf %neg3A_456 : vector<16xf32>
      %neg3A_458 = arith.constant 0.000000e+00 : f32
      %neg3A_459 = vector.broadcast %neg3A_458 : f32 to vector<16xf32>
      %neg3A_460 = arith.subf %neg3A_459, %abs3A_457 : vector<16xf32>
      %exp3A_461 = math.exp %neg3A_460 : vector<16xf32>
      %add3A_462 = arith.constant 2.000000e+00 : f32
      %add3A_463 = vector.broadcast %add3A_462 : f32 to vector<16xf32>
      %add3A_464 = arith.addf %exp3A_461, %add3A_463 : vector<16xf32>
      %div3A_465 = arith.divf %exp3A_461, %add3A_464 : vector<16xf32>
      %mul3A_466 = arith.mulf %div3A_465, %div3A_465 : vector<16xf32>
      %mul3A_467 = arith.constant 0.111111112 : f32
      %mul3A_468 = vector.broadcast %mul3A_467 : f32 to vector<16xf32>
      %mul3A_469 = arith.mulf %mul3A_466, %mul3A_468 : vector<16xf32>
      %add3A_470 = arith.constant 0.142857149 : f32
      %add3A_471 = vector.broadcast %add3A_470 : f32 to vector<16xf32>
      %add3A_472 = arith.addf %add3A_471, %mul3A_469 : vector<16xf32>
      %mul3A_473 = arith.mulf %mul3A_466, %add3A_472 : vector<16xf32>
      %add3A_474 = arith.constant 2.000000e-01 : f32
      %add3A_475 = vector.broadcast %add3A_474 : f32 to vector<16xf32>
      %add3A_476 = arith.addf %add3A_475, %mul3A_473 : vector<16xf32>
      %mul3A_477 = arith.mulf %mul3A_466, %add3A_476 : vector<16xf32>
      %add3A_478 = arith.constant 0.333333343 : f32
      %add3A_479 = vector.broadcast %add3A_478 : f32 to vector<16xf32>
      %add3A_480 = arith.addf %add3A_479, %mul3A_477 : vector<16xf32>
      %mul3A_481 = arith.mulf %mul3A_466, %add3A_480 : vector<16xf32>
      %add3A_482 = arith.constant 1.000000e+00 : f32
      %add3A_483 = vector.broadcast %add3A_482 : f32 to vector<16xf32>
      %add3A_484 = arith.addf %add3A_483, %mul3A_481 : vector<16xf32>
      %min3A_485 = arith.constant 0.000000e+00 : f32
      %min3A_486 = vector.broadcast %min3A_485 : f32 to vector<16xf32>
      %min3A_487 = arith.minimumf %neg3A_456, %min3A_486 : vector<16xf32>
      %mul3A_488 = arith.constant 2.000000e+00 : f32
      %mul3A_489 = vector.broadcast %mul3A_488 : f32 to vector<16xf32>
      %mul3A_490 = arith.mulf %mul3A_489, %div3A_465 : vector<16xf32>
      %mul3A_491 = arith.mulf %mul3A_490, %add3A_484 : vector<16xf32>
      %sub3A_492 = arith.subf %min3A_487, %mul3A_491 : vector<16xf32>
      %mul3A_493 = arith.mulf %sub3A_492, %get3A_453 : vector<16xf32>
      %add3A_494 = arith.addf %scan3A_445, %mul3A_493 : vector<16xf32>
      scf.yield %add3A_494 : vector<16xf32>
    }
    %scan3A_133 = arith.constant 170 : i32
    %get3A_134 = arith.constant 0 : index
    %get3A_135 = tpu.vector_load %arg17[%get3A_134] {strides = array<i32>} : memref<128xf32, #tpu.memory_space<vmem>>, vector<16xf32>,
    %abs3A = math.absf %get3A_135 : vector<16xf32>
    %neg3A = arith.constant 0.000000e+00 : f32
    %neg3A_136 = vector.broadcast %neg3A : f32 to vector<16xf32>
    %neg3A_137 = arith.subf %neg3A_136, %abs3A : vector<16xf32>
    %exp3A = math.exp %neg3A_137 : vector<16xf32>
    %add3A_138 = arith.constant 2.000000e+00 : f32
    %add3A_139 = vector.broadcast %add3A_138 : f32 to vector<16xf32>
    %add3A_140 = arith.addf %exp3A, %add3A_139 : vector<16xf32>
    %div3A = arith.divf %exp3A, %add3A_140 : vector<16xf32>
    %mul3A_141 = arith.mulf %div3A, %div3A : vector<16xf32>
    %mul3A_142 = arith.constant 0.111111112 : f32
    %mul3A_143 = vector.broadcast %mul3A_142 : f32 to vector<16xf32>
    %mul3A_144 = arith.mulf %mul3A_141, %mul3A_143 : vector<16xf32>
    %add3A_145 = arith.constant 0.142857149 : f32
    %add3A_146 = vector.broadcast %add3A_145 : f32 to vector<16xf32>
    %add3A_147 = arith.addf %add3A_146, %mul3A_144 : vector<16xf32>
    %mul3A_148 = arith.mulf %mul3A_141, %add3A_147 : vector<16xf32>
    %add3A_149 = arith.constant 2.000000e-01 : f32
    %add3A_150 = vector.broadcast %add3A_149 : f32 to vector<16xf32>
    %add3A_151 = arith.addf %add3A_150, %mul3A_148 : vector<16xf32>
    %mul3A_152 = arith.mulf %mul3A_141, %add3A_151 : vector<16xf32>
    %add3A_153 = arith.constant 0.333333343 : f32
    %add3A_154 = vector.broadcast %add3A_153 : f32 to vector<16xf32>
    %add3A_155 = arith.addf %add3A_154, %mul3A_152 : vector<16xf32>
    %mul3A_156 = arith.mulf %mul3A_141, %add3A_155 : vector<16xf32>
    %add3A_157 = arith.constant 1.000000e+00 : f32
    %add3A_158 = vector.broadcast %add3A_157 : f32 to vector<16xf32>
    %add3A_159 = arith.addf %add3A_158, %mul3A_156 : vector<16xf32>
    %min3A = arith.constant 0.000000e+00 : f32
    %min3A_160 = vector.broadcast %min3A : f32 to vector<16xf32>
    %min3A_161 = arith.minimumf %get3A_135, %min3A_160 : vector<16xf32>
    %mul3A_162 = arith.constant 2.000000e+00 : f32
    %mul3A_163 = vector.broadcast %mul3A_162 : f32 to vector<16xf32>
    %mul3A_164 = arith.mulf %mul3A_163, %div3A : vector<16xf32>
    %mul3A_165 = arith.mulf %mul3A_164, %add3A_159 : vector<16xf32>
    %sub3A = arith.subf %min3A_161, %mul3A_165 : vector<16xf32>
    %add3A_166 = arith.addf %scan3A_132, %sub3A : vector<16xf32>
    %get3A_167 = arith.constant 16 : index
    %get3A_168 = tpu.vector_load %arg17[%get3A_167] {strides = array<i32>} : memref<128xf32, #tpu.memory_space<vmem>>, vector<16xf32>,
    %abs3A_169 = math.absf %get3A_168 : vector<16xf32>
    %neg3A_170 = arith.constant 0.000000e+00 : f32
    %neg3A_171 = vector.broadcast %neg3A_170 : f32 to vector<16xf32>
    %neg3A_172 = arith.subf %neg3A_171, %abs3A_169 : vector<16xf32>
    %exp3A_173 = math.exp %neg3A_172 : vector<16xf32>
    %add3A_174 = arith.constant 2.000000e+00 : f32
    %add3A_175 = vector.broadcast %add3A_174 : f32 to vector<16xf32>
    %add3A_176 = arith.addf %exp3A_173, %add3A_175 : vector<16xf32>
    %div3A_177 = arith.divf %exp3A_173, %add3A_176 : vector<16xf32>
    %mul3A_178 = arith.mulf %div3A_177, %div3A_177 : vector<16xf32>
    %mul3A_179 = arith.constant 0.111111112 : f32
    %mul3A_180 = vector.broadcast %mul3A_179 : f32 to vector<16xf32>
    %mul3A_181 = arith.mulf %mul3A_178, %mul3A_180 : vector<16xf32>
    %add3A_182 = arith.constant 0.142857149 : f32
    %add3A_183 = vector.broadcast %add3A_182 : f32 to vector<16xf32>
    %add3A_184 = arith.addf %add3A_183, %mul3A_181 : vector<16xf32>
    %mul3A_185 = arith.mulf %mul3A_178, %add3A_184 : vector<16xf32>
    %add3A_186 = arith.constant 2.000000e-01 : f32
    %add3A_187 = vector.broadcast %add3A_186 : f32 to vector<16xf32>
    %add3A_188 = arith.addf %add3A_187, %mul3A_185 : vector<16xf32>
    %mul3A_189 = arith.mulf %mul3A_178, %add3A_188 : vector<16xf32>
    %add3A_190 = arith.constant 0.333333343 : f32
    %add3A_191 = vector.broadcast %add3A_190 : f32 to vector<16xf32>
    %add3A_192 = arith.addf %add3A_191, %mul3A_189 : vector<16xf32>
    %mul3A_193 = arith.mulf %mul3A_178, %add3A_192 : vector<16xf32>
    %add3A_194 = arith.constant 1.000000e+00 : f32
    %add3A_195 = vector.broadcast %add3A_194 : f32 to vector<16xf32>
    %add3A_196 = arith.addf %add3A_195, %mul3A_193 : vector<16xf32>
    %min3A_197 = arith.constant 0.000000e+00 : f32
    %min3A_198 = vector.broadcast %min3A_197 : f32 to vector<16xf32>
    %min3A_199 = arith.minimumf %get3A_168, %min3A_198 : vector<16xf32>
    %mul3A_200 = arith.constant 2.000000e+00 : f32
    %mul3A_201 = vector.broadcast %mul3A_200 : f32 to vector<16xf32>
    %mul3A_202 = arith.mulf %mul3A_201, %div3A_177 : vector<16xf32>
    %mul3A_203 = arith.mulf %mul3A_202, %add3A_196 : vector<16xf32>
    %sub3A_204 = arith.subf %min3A_199, %mul3A_203 : vector<16xf32>
    %add3A_205 = arith.addf %add3A_166, %sub3A_204 : vector<16xf32>
    %get3A_206 = arith.constant 32 : index
    %get3A_207 = tpu.vector_load %arg17[%get3A_206] {strides = array<i32>} : memref<128xf32, #tpu.memory_space<vmem>>, vector<16xf32>,
    %abs3A_208 = math.absf %get3A_207 : vector<16xf32>
    %neg3A_209 = arith.constant 0.000000e+00 : f32
    %neg3A_210 = vector.broadcast %neg3A_209 : f32 to vector<16xf32>
    %neg3A_211 = arith.subf %neg3A_210, %abs3A_208 : vector<16xf32>
    %exp3A_212 = math.exp %neg3A_211 : vector<16xf32>
    %add3A_213 = arith.constant 2.000000e+00 : f32
    %add3A_214 = vector.broadcast %add3A_213 : f32 to vector<16xf32>
    %add3A_215 = arith.addf %exp3A_212, %add3A_214 : vector<16xf32>
    %div3A_216 = arith.divf %exp3A_212, %add3A_215 : vector<16xf32>
    %mul3A_217 = arith.mulf %div3A_216, %div3A_216 : vector<16xf32>
    %mul3A_218 = arith.constant 0.111111112 : f32
    %mul3A_219 = vector.broadcast %mul3A_218 : f32 to vector<16xf32>
    %mul3A_220 = arith.mulf %mul3A_217, %mul3A_219 : vector<16xf32>
    %add3A_221 = arith.constant 0.142857149 : f32
    %add3A_222 = vector.broadcast %add3A_221 : f32 to vector<16xf32>
    %add3A_223 = arith.addf %add3A_222, %mul3A_220 : vector<16xf32>
    %mul3A_224 = arith.mulf %mul3A_217, %add3A_223 : vector<16xf32>
    %add3A_225 = arith.constant 2.000000e-01 : f32
    %add3A_226 = vector.broadcast %add3A_225 : f32 to vector<16xf32>
    %add3A_227 = arith.addf %add3A_226, %mul3A_224 : vector<16xf32>
    %mul3A_228 = arith.mulf %mul3A_217, %add3A_227 : vector<16xf32>
    %add3A_229 = arith.constant 0.333333343 : f32
    %add3A_230 = vector.broadcast %add3A_229 : f32 to vector<16xf32>
    %add3A_231 = arith.addf %add3A_230, %mul3A_228 : vector<16xf32>
    %mul3A_232 = arith.mulf %mul3A_217, %add3A_231 : vector<16xf32>
    %add3A_233 = arith.constant 1.000000e+00 : f32
    %add3A_234 = vector.broadcast %add3A_233 : f32 to vector<16xf32>
    %add3A_235 = arith.addf %add3A_234, %mul3A_232 : vector<16xf32>
    %min3A_236 = arith.constant 0.000000e+00 : f32
    %min3A_237 = vector.broadcast %min3A_236 : f32 to vector<16xf32>
    %min3A_238 = arith.minimumf %get3A_207, %min3A_237 : vector<16xf32>
    %mul3A_239 = arith.constant 2.000000e+00 : f32
    %mul3A_240 = vector.broadcast %mul3A_239 : f32 to vector<16xf32>
    %mul3A_241 = arith.mulf %mul3A_240, %div3A_216 : vector<16xf32>
    %mul3A_242 = arith.mulf %mul3A_241, %add3A_235 : vector<16xf32>
    %sub3A_243 = arith.subf %min3A_238, %mul3A_242 : vector<16xf32>
    %add3A_244 = arith.addf %add3A_205, %sub3A_243 : vector<16xf32>
    %get3A_245 = arith.constant 48 : index
    %get3A_246 = tpu.vector_load %arg17[%get3A_245] {strides = array<i32>} : memref<128xf32, #tpu.memory_space<vmem>>, vector<16xf32>,
    %abs3A_247 = math.absf %get3A_246 : vector<16xf32>
    %neg3A_248 = arith.constant 0.000000e+00 : f32
    %neg3A_249 = vector.broadcast %neg3A_248 : f32 to vector<16xf32>
    %neg3A_250 = arith.subf %neg3A_249, %abs3A_247 : vector<16xf32>
    %exp3A_251 = math.exp %neg3A_250 : vector<16xf32>
    %add3A_252 = arith.constant 2.000000e+00 : f32
    %add3A_253 = vector.broadcast %add3A_252 : f32 to vector<16xf32>
    %add3A_254 = arith.addf %exp3A_251, %add3A_253 : vector<16xf32>
    %div3A_255 = arith.divf %exp3A_251, %add3A_254 : vector<16xf32>
    %mul3A_256 = arith.mulf %div3A_255, %div3A_255 : vector<16xf32>
    %mul3A_257 = arith.constant 0.111111112 : f32
    %mul3A_258 = vector.broadcast %mul3A_257 : f32 to vector<16xf32>
    %mul3A_259 = arith.mulf %mul3A_256, %mul3A_258 : vector<16xf32>
    %add3A_260 = arith.constant 0.142857149 : f32
    %add3A_261 = vector.broadcast %add3A_260 : f32 to vector<16xf32>
    %add3A_262 = arith.addf %add3A_261, %mul3A_259 : vector<16xf32>
    %mul3A_263 = arith.mulf %mul3A_256, %add3A_262 : vector<16xf32>
    %add3A_264 = arith.constant 2.000000e-01 : f32
    %add3A_265 = vector.broadcast %add3A_264 : f32 to vector<16xf32>
    %add3A_266 = arith.addf %add3A_265, %mul3A_263 : vector<16xf32>
    %mul3A_267 = arith.mulf %mul3A_256, %add3A_266 : vector<16xf32>
    %add3A_268 = arith.constant 0.333333343 : f32
    %add3A_269 = vector.broadcast %add3A_268 : f32 to vector<16xf32>
    %add3A_270 = arith.addf %add3A_269, %mul3A_267 : vector<16xf32>
    %mul3A_271 = arith.mulf %mul3A_256, %add3A_270 : vector<16xf32>
    %add3A_272 = arith.constant 1.000000e+00 : f32
    %add3A_273 = vector.broadcast %add3A_272 : f32 to vector<16xf32>
    %add3A_274 = arith.addf %add3A_273, %mul3A_271 : vector<16xf32>
    %min3A_275 = arith.constant 0.000000e+00 : f32
    %min3A_276 = vector.broadcast %min3A_275 : f32 to vector<16xf32>
    %min3A_277 = arith.minimumf %get3A_246, %min3A_276 : vector<16xf32>
    %mul3A_278 = arith.constant 2.000000e+00 : f32
    %mul3A_279 = vector.broadcast %mul3A_278 : f32 to vector<16xf32>
    %mul3A_280 = arith.mulf %mul3A_279, %div3A_255 : vector<16xf32>
    %mul3A_281 = arith.mulf %mul3A_280, %add3A_274 : vector<16xf32>
    %sub3A_282 = arith.subf %min3A_277, %mul3A_281 : vector<16xf32>
    %add3A_283 = arith.addf %add3A_244, %sub3A_282 : vector<16xf32>
    %get3A_284 = arith.constant 64 : index
    %get3A_285 = tpu.vector_load %arg17[%get3A_284] {strides = array<i32>} : memref<128xf32, #tpu.memory_space<vmem>>, vector<16xf32>,
    %abs3A_286 = math.absf %get3A_285 : vector<16xf32>
    %neg3A_287 = arith.constant 0.000000e+00 : f32
    %neg3A_288 = vector.broadcast %neg3A_287 : f32 to vector<16xf32>
    %neg3A_289 = arith.subf %neg3A_288, %abs3A_286 : vector<16xf32>
    %exp3A_290 = math.exp %neg3A_289 : vector<16xf32>
    %add3A_291 = arith.constant 2.000000e+00 : f32
    %add3A_292 = vector.broadcast %add3A_291 : f32 to vector<16xf32>
    %add3A_293 = arith.addf %exp3A_290, %add3A_292 : vector<16xf32>
    %div3A_294 = arith.divf %exp3A_290, %add3A_293 : vector<16xf32>
    %mul3A_295 = arith.mulf %div3A_294, %div3A_294 : vector<16xf32>
    %mul3A_296 = arith.constant 0.111111112 : f32
    %mul3A_297 = vector.broadcast %mul3A_296 : f32 to vector<16xf32>
    %mul3A_298 = arith.mulf %mul3A_295, %mul3A_297 : vector<16xf32>
    %add3A_299 = arith.constant 0.142857149 : f32
    %add3A_300 = vector.broadcast %add3A_299 : f32 to vector<16xf32>
    %add3A_301 = arith.addf %add3A_300, %mul3A_298 : vector<16xf32>
    %mul3A_302 = arith.mulf %mul3A_295, %add3A_301 : vector<16xf32>
    %add3A_303 = arith.constant 2.000000e-01 : f32
    %add3A_304 = vector.broadcast %add3A_303 : f32 to vector<16xf32>
    %add3A_305 = arith.addf %add3A_304, %mul3A_302 : vector<16xf32>
    %mul3A_306 = arith.mulf %mul3A_295, %add3A_305 : vector<16xf32>
    %add3A_307 = arith.constant 0.333333343 : f32
    %add3A_308 = vector.broadcast %add3A_307 : f32 to vector<16xf32>
    %add3A_309 = arith.addf %add3A_308, %mul3A_306 : vector<16xf32>
    %mul3A_310 = arith.mulf %mul3A_295, %add3A_309 : vector<16xf32>
    %add3A_311 = arith.constant 1.000000e+00 : f32
    %add3A_312 = vector.broadcast %add3A_311 : f32 to vector<16xf32>
    %add3A_313 = arith.addf %add3A_312, %mul3A_310 : vector<16xf32>
    %min3A_314 = arith.constant 0.000000e+00 : f32
    %min3A_315 = vector.broadcast %min3A_314 : f32 to vector<16xf32>
    %min3A_316 = arith.minimumf %get3A_285, %min3A_315 : vector<16xf32>
    %mul3A_317 = arith.constant 2.000000e+00 : f32
    %mul3A_318 = vector.broadcast %mul3A_317 : f32 to vector<16xf32>
    %mul3A_319 = arith.mulf %mul3A_318, %div3A_294 : vector<16xf32>
    %mul3A_320 = arith.mulf %mul3A_319, %add3A_313 : vector<16xf32>
    %sub3A_321 = arith.subf %min3A_316, %mul3A_320 : vector<16xf32>
    %add3A_322 = arith.addf %add3A_283, %sub3A_321 : vector<16xf32>
    %get3A_323 = arith.constant 80 : index
    %get3A_324 = tpu.vector_load %arg17[%get3A_323] {strides = array<i32>} : memref<128xf32, #tpu.memory_space<vmem>>, vector<16xf32>,
    %abs3A_325 = math.absf %get3A_324 : vector<16xf32>
    %neg3A_326 = arith.constant 0.000000e+00 : f32
    %neg3A_327 = vector.broadcast %neg3A_326 : f32 to vector<16xf32>
    %neg3A_328 = arith.subf %neg3A_327, %abs3A_325 : vector<16xf32>
    %exp3A_329 = math.exp %neg3A_328 : vector<16xf32>
    %add3A_330 = arith.constant 2.000000e+00 : f32
    %add3A_331 = vector.broadcast %add3A_330 : f32 to vector<16xf32>
    %add3A_332 = arith.addf %exp3A_329, %add3A_331 : vector<16xf32>
    %div3A_333 = arith.divf %exp3A_329, %add3A_332 : vector<16xf32>
    %mul3A_334 = arith.mulf %div3A_333, %div3A_333 : vector<16xf32>
    %mul3A_335 = arith.constant 0.111111112 : f32
    %mul3A_336 = vector.broadcast %mul3A_335 : f32 to vector<16xf32>
    %mul3A_337 = arith.mulf %mul3A_334, %mul3A_336 : vector<16xf32>
    %add3A_338 = arith.constant 0.142857149 : f32
    %add3A_339 = vector.broadcast %add3A_338 : f32 to vector<16xf32>
    %add3A_340 = arith.addf %add3A_339, %mul3A_337 : vector<16xf32>
    %mul3A_341 = arith.mulf %mul3A_334, %add3A_340 : vector<16xf32>
    %add3A_342 = arith.constant 2.000000e-01 : f32
    %add3A_343 = vector.broadcast %add3A_342 : f32 to vector<16xf32>
    %add3A_344 = arith.addf %add3A_343, %mul3A_341 : vector<16xf32>
    %mul3A_345 = arith.mulf %mul3A_334, %add3A_344 : vector<16xf32>
    %add3A_346 = arith.constant 0.333333343 : f32
    %add3A_347 = vector.broadcast %add3A_346 : f32 to vector<16xf32>
    %add3A_348 = arith.addf %add3A_347, %mul3A_345 : vector<16xf32>
    %mul3A_349 = arith.mulf %mul3A_334, %add3A_348 : vector<16xf32>
    %add3A_350 = arith.constant 1.000000e+00 : f32
    %add3A_351 = vector.broadcast %add3A_350 : f32 to vector<16xf32>
    %add3A_352 = arith.addf %add3A_351, %mul3A_349 : vector<16xf32>
    %min3A_353 = arith.constant 0.000000e+00 : f32
    %min3A_354 = vector.broadcast %min3A_353 : f32 to vector<16xf32>
    %min3A_355 = arith.minimumf %get3A_324, %min3A_354 : vector<16xf32>
    %mul3A_356 = arith.constant 2.000000e+00 : f32
    %mul3A_357 = vector.broadcast %mul3A_356 : f32 to vector<16xf32>
    %mul3A_358 = arith.mulf %mul3A_357, %div3A_333 : vector<16xf32>
    %mul3A_359 = arith.mulf %mul3A_358, %add3A_352 : vector<16xf32>
    %sub3A_360 = arith.subf %min3A_355, %mul3A_359 : vector<16xf32>
    %add3A_361 = arith.addf %add3A_322, %sub3A_360 : vector<16xf32>
    %get3A_362 = arith.constant 96 : index
    %get3A_363 = tpu.vector_load %arg17[%get3A_362] {strides = array<i32>} : memref<128xf32, #tpu.memory_space<vmem>>, vector<16xf32>,
    %abs3A_364 = math.absf %get3A_363 : vector<16xf32>
    %neg3A_365 = arith.constant 0.000000e+00 : f32
    %neg3A_366 = vector.broadcast %neg3A_365 : f32 to vector<16xf32>
    %neg3A_367 = arith.subf %neg3A_366, %abs3A_364 : vector<16xf32>
    %exp3A_368 = math.exp %neg3A_367 : vector<16xf32>
    %add3A_369 = arith.constant 2.000000e+00 : f32
    %add3A_370 = vector.broadcast %add3A_369 : f32 to vector<16xf32>
    %add3A_371 = arith.addf %exp3A_368, %add3A_370 : vector<16xf32>
    %div3A_372 = arith.divf %exp3A_368, %add3A_371 : vector<16xf32>
    %mul3A_373 = arith.mulf %div3A_372, %div3A_372 : vector<16xf32>
    %mul3A_374 = arith.constant 0.111111112 : f32
    %mul3A_375 = vector.broadcast %mul3A_374 : f32 to vector<16xf32>
    %mul3A_376 = arith.mulf %mul3A_373, %mul3A_375 : vector<16xf32>
    %add3A_377 = arith.constant 0.142857149 : f32
    %add3A_378 = vector.broadcast %add3A_377 : f32 to vector<16xf32>
    %add3A_379 = arith.addf %add3A_378, %mul3A_376 : vector<16xf32>
    %mul3A_380 = arith.mulf %mul3A_373, %add3A_379 : vector<16xf32>
    %add3A_381 = arith.constant 2.000000e-01 : f32
    %add3A_382 = vector.broadcast %add3A_381 : f32 to vector<16xf32>
    %add3A_383 = arith.addf %add3A_382, %mul3A_380 : vector<16xf32>
    %mul3A_384 = arith.mulf %mul3A_373, %add3A_383 : vector<16xf32>
    %add3A_385 = arith.constant 0.333333343 : f32
    %add3A_386 = vector.broadcast %add3A_385 : f32 to vector<16xf32>
    %add3A_387 = arith.addf %add3A_386, %mul3A_384 : vector<16xf32>
    %mul3A_388 = arith.mulf %mul3A_373, %add3A_387 : vector<16xf32>
    %add3A_389 = arith.constant 1.000000e+00 : f32
    %add3A_390 = vector.broadcast %add3A_389 : f32 to vector<16xf32>
    %add3A_391 = arith.addf %add3A_390, %mul3A_388 : vector<16xf32>
    %min3A_392 = arith.constant 0.000000e+00 : f32
    %min3A_393 = vector.broadcast %min3A_392 : f32 to vector<16xf32>
    %min3A_394 = arith.minimumf %get3A_363, %min3A_393 : vector<16xf32>
    %mul3A_395 = arith.constant 2.000000e+00 : f32
    %mul3A_396 = vector.broadcast %mul3A_395 : f32 to vector<16xf32>
    %mul3A_397 = arith.mulf %mul3A_396, %div3A_372 : vector<16xf32>
    %mul3A_398 = arith.mulf %mul3A_397, %add3A_391 : vector<16xf32>
    %sub3A_399 = arith.subf %min3A_394, %mul3A_398 : vector<16xf32>
    %add3A_400 = arith.addf %add3A_361, %sub3A_399 : vector<16xf32>
    %get3A_401 = arith.constant 112 : index
    %get3A_402 = tpu.vector_load %arg17[%get3A_401] {strides = array<i32>} : memref<128xf32, #tpu.memory_space<vmem>>, vector<16xf32>,
    %abs3A_403 = math.absf %get3A_402 : vector<16xf32>
    %neg3A_404 = arith.constant 0.000000e+00 : f32
    %neg3A_405 = vector.broadcast %neg3A_404 : f32 to vector<16xf32>
    %neg3A_406 = arith.subf %neg3A_405, %abs3A_403 : vector<16xf32>
    %exp3A_407 = math.exp %neg3A_406 : vector<16xf32>
    %add3A_408 = arith.constant 2.000000e+00 : f32
    %add3A_409 = vector.broadcast %add3A_408 : f32 to vector<16xf32>
    %add3A_410 = arith.addf %exp3A_407, %add3A_409 : vector<16xf32>
    %div3A_411 = arith.divf %exp3A_407, %add3A_410 : vector<16xf32>
    %mul3A_412 = arith.mulf %div3A_411, %div3A_411 : vector<16xf32>
    %mul3A_413 = arith.constant 0.111111112 : f32
    %mul3A_414 = vector.broadcast %mul3A_413 : f32 to vector<16xf32>
    %mul3A_415 = arith.mulf %mul3A_412, %mul3A_414 : vector<16xf32>
    %add3A_416 = arith.constant 0.142857149 : f32
    %add3A_417 = vector.broadcast %add3A_416 : f32 to vector<16xf32>
    %add3A_418 = arith.addf %add3A_417, %mul3A_415 : vector<16xf32>
    %mul3A_419 = arith.mulf %mul3A_412, %add3A_418 : vector<16xf32>
    %add3A_420 = arith.constant 2.000000e-01 : f32
    %add3A_421 = vector.broadcast %add3A_420 : f32 to vector<16xf32>
    %add3A_422 = arith.addf %add3A_421, %mul3A_419 : vector<16xf32>
    %mul3A_423 = arith.mulf %mul3A_412, %add3A_422 : vector<16xf32>
    %add3A_424 = arith.constant 0.333333343 : f32
    %add3A_425 = vector.broadcast %add3A_424 : f32 to vector<16xf32>
    %add3A_426 = arith.addf %add3A_425, %mul3A_423 : vector<16xf32>
    %mul3A_427 = arith.mulf %mul3A_412, %add3A_426 : vector<16xf32>
    %add3A_428 = arith.constant 1.000000e+00 : f32
    %add3A_429 = vector.broadcast %add3A_428 : f32 to vector<16xf32>
    %add3A_430 = arith.addf %add3A_429, %mul3A_427 : vector<16xf32>
    %min3A_431 = arith.constant 0.000000e+00 : f32
    %min3A_432 = vector.broadcast %min3A_431 : f32 to vector<16xf32>
    %min3A_433 = arith.minimumf %get3A_402, %min3A_432 : vector<16xf32>
    %mul3A_434 = arith.constant 2.000000e+00 : f32
    %mul3A_435 = vector.broadcast %mul3A_434 : f32 to vector<16xf32>
    %mul3A_436 = arith.mulf %mul3A_435, %div3A_411 : vector<16xf32>
    %mul3A_437 = arith.mulf %mul3A_436, %add3A_430 : vector<16xf32>
    %sub3A_438 = arith.subf %min3A_433, %mul3A_437 : vector<16xf32>
    %add3A_439 = arith.addf %add3A_400, %sub3A_438 : vector<16xf32>
    %swap3A_440 = arith.constant 0 : index
    %swap3A_441 = tpu.vector_load %arg24[%swap3A_440] {strides = array<i32>} : memref<16xf32, #tpu.memory_space<vmem>>, vector<16xf32>,
    tpu.vector_store %arg24[%swap3A_440], %add3A_439 {strides = array<i32>} : memref<16xf32, #tpu.memory_space<vmem>>, vector<16xf32>,
    %mul3A_442 = arith.constant 16 : i32
    %mul3A_443 = arith.muli %add3A, %mul3A_442 : i32
    "tpu.region"() ({
      %run_scoped3A = tpu.sem_alloc : memref<!tpu.dma_semaphore, #tpu.memory_space<semaphore_mem>>
      %dma_start3A_444 = tpu.memref_slice %arg10[%mul3A_443] : memref<512xf32, #tpu.memory_space<hbm>> -> memref<16xf32, #tpu.memory_space<hbm>>
      %dma_start3A_445 = tpu.memref_slice %arg10[%mul3A_443] : memref<512xf32, #tpu.memory_space<hbm>> -> memref<16xf32, #tpu.memory_space<hbm>>
      tpu.enqueue_dma source(%arg24 : memref<16xf32, #tpu.memory_space<vmem>>) target(%dma_start3A_445 : memref<16xf32, #tpu.memory_space<hbm>>) target_semaphore(%run_scoped3A : memref<!tpu.dma_semaphore, #tpu.memory_space<semaphore_mem>>)
      %dma_wait3A = tpu.memref_slice %arg10[%mul3A_443] : memref<512xf32, #tpu.memory_space<hbm>> -> memref<16xf32, #tpu.memory_space<hbm>>
      %dma_wait3A_446 = tpu.memref_slice %arg10[%mul3A_443] : memref<512xf32, #tpu.memory_space<hbm>> -> memref<16xf32, #tpu.memory_space<hbm>>
      tpu.wait_dma2 semaphore(%run_scoped3A : memref<!tpu.dma_semaphore, #tpu.memory_space<semaphore_mem>>) src(%arg24 : memref<16xf32, #tpu.memory_space<vmem>>) dst(%dma_wait3A_446 : memref<16xf32, #tpu.memory_space<hbm>>)
      tpu.yield
    }) : () -> ()
    return
  }
}

</mosaic_0001>

<sc_bundles>
// kernel: kernel.3.cloned.1.call-start
scs
__scs_entry_jumppad:
0x0: {  	(pc) =	sbr.rel $0x88, $3  }
0x1: {  	(tag) =	ssettag $0x0;
	lr =	simm.s32 $0x1  }
0x2: {  	[smem:$0x3F9E] =	sst lr;
	_ =	strace $0xD0000000  }
0x3: {  	_ = 	snop  }
0x4: {  	_ = 	snop  }
0x5: {  	_ = 	snop  }
0x6: {  	_ = 	snop  }
0x7: {  	_ = 	snop  }
__scs_overlays_trampoline_lowered:
0x8: {  	[smem:$0x3FAD] =	sst s0  }
0x9: {  	[smem:$0x3FAE] =	sst s1  }
0xa: {  	[smem:$0x3FAF] =	sst s2  }
0xb: {  	[smem:$0x3FB0] =	sst s3  }
0xc: {  	[smem:$0x3FB1] =	sst s4  }
0xd: {  	[smem:$0x3FB2] =	sst s5  }
0xe: {  	[smem:$0x3FB3] =	sst s6  }
0xf: {  	[smem:$0x3FB4] =	sst s7  }
0x10: {  	[smem:$0x3FB5] =	sst s8  }
0x11: {  	[smem:$0x3FB6] =	sst s9;
	s0 =	simm.s32 @!p0 $0x0  }
0x12: {  	s1 =	sld [smem:$0x3F9C];
	s0 =	simm.s32 @p0 $0x1  }
0x13: {  	[smem:$0x3FB7] =	sst s0;
	s0 =	simm.s32 @!p1 $0x0  }
0x14: {  	s2 =	sld [smem:$0x3F9B];
	s0 =	simm.s32 @p1 $0x1  }
0x15: {  	[smem:$0x3FB8] =	sst s0;
	s0 =	simm.s32 @!p2 $0x0  }
0x16: {  	s3 =	sld [smem:$0x3FDB];
	s0 =	simm.s32 @p2 $0x1  }
0x17: {  	s4 =	simm.s32 $0x1BF5;
	[smem:$0x3FBA] =	sst s0  }
0x18: {  	s0 =	sld [smem:$0x3F9D];
	_ =	swait.ge [sflag:s4], $0x0  }
0x19: {  	s7 =	sld [smem:$0x3F9E]  }
0x1a: {  	s8 =	sadd.s32 $0xFFFFE003, lr  }
0x1b: {  	s9 =	sadd.s32 $0xFFFFFEF7, lr;
	s5 =	simm.s32 $0xFFFFFFFF;
	p2 =	slt.u32 s8, $0xFFFFF086  }
0x1c: {  	p1 =	slt.u32 s9, $0xF7A;
	s5 =	simm.s32 @!p2 $0x0  }
0x1d: {  	s5 =	simm.s32 @p1 $0x1;
	p0 =	seq.s32 s7, s2  }
0x1e: {  	s7 =	smul.u32 @!p0 $0xF7A, s2;
	p2 =	seq.s32 @!p0 s5, $0x0  }
0x1f: {  	s9 =	smul.u32 $0xF7A, s1;
	s8 =	simm.s32 @!p0 $0x1BF5;
	p2 =	por !p2, p0  }
0x20: {  	[sflag:s8] =	ssyncset.s32 @!p0 $0xFFFFF086;
	s6 =	sadd.s32 @!p0 s3, s7;
	s7 =	simm.s32 @!p0 $0x108  }
0x21: {  	s3 =	sadd.s32 s3, s9;
	s6 =	sadd.s32 @!p0 $0x88, s6;
	s7 =	simm.s32 @p2 $0x1082  }
0x22: {  	[simem:s7], [sflag:s8] =	dma.local @!p0 [hbm:s6], $0xF7A  }
0x23: {  	s9 =	sor.u32 $0xD0000000, s2;
	s6 =	simm.s32 $0x108;
	_ =	swait.ge @!p0 [sflag:s8], $0x0  }
0x24: {  	s3 =	sadd.s32 $0x88, s3;
	s6 =	simm.s32 @!p1 $0x1082;
	[sflag:s4] =	ssyncset.s32 $0xFFFFF086  }
0x25: {  	[simem:s6], [sflag:s4] =	dma.local [hbm:s3], $0xF7A  }
0x26: {  	[smem:$0x3F9E] =	sst s1;
	(tag) =	ssettag s2;
	_ =	strace s9  }
0x27: {  	s1 =	sld [smem:$0x3FAE]  }
0x28: {  	s2 =	sld [smem:$0x3FAF]  }
0x29: {  	s4 =	sld [smem:$0x3FB1]  }
0x2a: {  	p0 =	seq.s32 s5, $0x0;
	s5 =	sld [smem:$0x3FB2]  }
0x2b: {  	s6 =	sld [smem:$0x3FB3]  }
0x2c: {  	s7 =	sld [smem:$0x3FB4]  }
0x2d: {  	s3 =	simm.s32 $0x108;
	s8 =	sld [smem:$0x3FB5]  }
0x2e: {  	s3 =	simm.s32 @!p0 $0x1082;
	s9 =	sld [smem:$0x3FB6]  }
0x2f: {  	lr =	sadd.s32 s0, s3;
	s0 =	sld [smem:$0x3FAD]  }
0x30: {  	s3 =	sld [smem:$0x3FB0]  }
0x31: {  	[smem:$0x3FB9] =	sst s10  }
0x32: {  	s10 =	sld [smem:$0x3FB7];
	_ =	sdelay $0x3  }
0x33: {  	p0 =	seq.s32 s10, $0x1;
	s10 =	sld [smem:$0x3FB9];
	_ =	sdelay $0x3  }
0x34: {  	[smem:$0x3FB9] =	sst s10  }
0x35: {  	s10 =	sld [smem:$0x3FB8];
	_ =	sdelay $0x3  }
0x36: {  	p1 =	seq.s32 s10, $0x1;
	s10 =	sld [smem:$0x3FB9];
	_ =	sdelay $0x3  }
0x37: {  	[smem:$0x3FB9] =	sst s10  }
0x38: {  	s10 =	sld [smem:$0x3FBA]  }
0x39: {  	_ = 	snop;
	(pc) =	sbr.ind lr, $3  }
0x3a: {  	_ = 	snop  }
0x3b: {  	_ = 	snop  }
0x3c: {  	p2 =	seq.s32 s10, $0x1;
	s10 =	sld [smem:$0x3FB9]  }
0x3d: {  	_ =	shalt  }
0x3e: {  	_ =	shalt  }
0x3f: {  	_ =	shalt  }
0x40: {  	_ =	shalt  }
0x41: {  	_ =	shalt  }
0x42: {  	_ =	shalt  }
0x43: {  	_ =	shalt  }
0x44: {  	_ =	shalt  }
0x45: {  	_ =	shalt  }
0x46: {  	_ =	shalt  }
0x47: {  	_ =	shalt  }
0x48: {  	_ =	shalt  }
0x49: {  	_ =	shalt  }
0x4a: {  	_ =	shalt  }
0x4b: {  	_ =	shalt  }
0x4c: {  	_ =	shalt  }
0x4d: {  	_ =	shalt  }
0x4e: {  	_ =	shalt  }
0x4f: {  	_ =	shalt  }
0x50: {  	_ =	shalt  }
0x51: {  	_ =	shalt  }
0x52: {  	_ =	shalt  }
0x53: {  	_ =	shalt  }
0x54: {  	_ =	shalt  }
0x55: {  	_ =	shalt  }
0x56: {  	_ =	shalt  }
0x57: {  	_ =	shalt  }
0x58: {  	_ =	shalt  }
0x59: {  	_ =	shalt  }
0x5a: {  	_ =	shalt  }
0x5b: {  	_ =	shalt  }
0x5c: {  	_ =	shalt  }
0x5d: {  	_ =	shalt  }
0x5e: {  	_ =	shalt  }
0x5f: {  	_ =	shalt  }
0x60: {  	_ =	shalt  }
0x61: {  	_ =	shalt  }
0x62: {  	_ =	shalt  }
0x63: {  	_ =	shalt  }
0x64: {  	_ =	shalt  }
0x65: {  	_ =	shalt  }
0x66: {  	_ =	shalt  }
0x67: {  	_ =	shalt  }
0x68: {  	_ =	shalt  }
0x69: {  	_ =	shalt  }
0x6a: {  	_ =	shalt  }
0x6b: {  	_ =	shalt  }
0x6c: {  	_ =	shalt  }
0x6d: {  	_ =	shalt  }
0x6e: {  	_ =	shalt  }
0x6f: {  	_ =	shalt  }
0x70: {  	_ =	shalt  }
0x71: {  	_ =	shalt  }
0x72: {  	_ =	shalt  }
0x73: {  	_ =	shalt  }
0x74: {  	_ =	shalt  }
0x75: {  	_ =	shalt  }
0x76: {  	_ =	shalt  }
0x77: {  	_ =	shalt  }
0x78: {  	_ =	shalt  }
0x79: {  	_ =	shalt  }
0x7a: {  	_ =	shalt  }
0x7b: {  	_ =	shalt  }
0x7c: {  	_ =	shalt  }
0x7d: {  	_ =	shalt  }
0x7e: {  	_ =	shalt  }
0x7f: {  	_ =	shalt  }
0x80: {  	_ =	shalt  }
0x81: {  	_ =	shalt  }
0x82: {  	_ =	shalt  }
0x83: {  	_ =	shalt  }
0x84: {  	_ =	shalt  }
0x85: {  	_ =	shalt  }
0x86: {  	_ =	shalt  }
0x87: {  	_ =	shalt  }
.Lfunc_end0:
.L_simem_size_0:
called_computation_lowered:
.L_overlay_start_0:
0x88: {  	s2 =	sld [smem:$0x3FD9]  }
0x89: {  	s3 =	sld [smem:$0x3FFE];
	_ =	sdelay $0x1  }
0x8a: {  	s1 =	srdreg.scid  }
0x8b: {  	s0 =	sand.u32 $0x1, s1  }
0x8c: {  	s17 =	sshll.u32 s0, $0xA;
	s2 =	sadd.s32 s3, s2  }
0x8d: {  	s2 =	sadd.s32 s2, s17  }
0x8e: {  	[smem:$0x3FC5] =	sst s2  }
0x8f: {  	_ = 	snop  }
0x90: {  	s2 =	sld [smem:$0x3FC9]  }
0x91: {  	s18 =	sld [smem:$0x3FC8]  }
0x92: {  	s4 =	sld [smem:$0x3FC7];
	(tm) =	ssettm $0x1  }
0x93: {  	s5 =	sld [smem:$0x3FFB];
	_ =	sdelay $0x3  }
0x94: {  	_ =	strace s5  }
0x95: {  	s5 =	sld [smem:$0x3FFC];
	_ =	sdelay $0x3  }
0x96: {  	_ =	strace s5  }
0x97: {  	s5 =	sld [smem:$0x3FFD];
	_ =	sdelay $0x3  }
0x98: {  	_ =	strace s5  }
0x99: {  	_ =	strace $0x8FFFFFFF  }
0x9a: {  	s19 =	sld [smem:$0x3FDB];
	_ =	sdelay $0x1  }
0x9b: {  	s6 =	simm.s32 $_scs_section_size  }
0x9c: {  	s7 =	simm.s32 $_size__tile_overlayer_lowered;
	s8 =	simm.s32 $_tile_overlayer_lowered  }
0x9d: {  	s22 =	simm.s32 $0x1BFF;
	s21 =	sshll.u32 s8, $0x1;
	s5 =	sadd.s32 s6, s19  }
0x9e: {  	s9 =	simm.s32 $0x0;
	s20 =	sshll.u32 s7, $0x1;
	s7 =	sadd.s32 s21, s5  }
0x9f: {  	[timem:s9], [sflag:s22] =	dma.local [hbm:s7], s20  }
0xa0: {  	_ =	swait.ge [sflag:s22], s20  }
0xa1: {  	s6 =	ssub.s32 $0x0, s20;
	[sflag:s22] =	ssyncset.done $0x0  }
0xa2: {  	[sflag:s22] =	ssyncadd.s32 s6;
	_ =	sdelay $0x1  }
0xa3: {  	s23 =	simm.s32 $0x1B8B  }
0xa4: {  	_ =	swait.ge [sflag:s23], $0x1  }
0xa5: {  	[sflag:s23] =	ssyncset.done $0x0  }
0xa6: {  	s25 =	simm.s32 $0x1B8E;
	s24 =	sld [smem:$0x3FFE];
	[sflag:s23] =	ssyncadd.s32 $0xFFFFFFFF  }
0xa7: {  	s26 =	simm.s32 $execute0_lowered;
	[smem:$0x3FD2] =	sst s25  }
0xa8: {  	s7 =	sshll.u32 s26, $0x1;
	_ =	strace $0x80000046;
	[dreg:$0x1] =	wrdreg $0xFFFFFFFF  }
0xa9: {  	s28 =	simm.s32 $_size_execute0_lowered;
	s5 =	sadd.s32 s5, s7;
	[dreg:$0x0] =	wrdreg $0x0  }
0xaa: {  	s7 =	sshll.u32 s28, $0x1;
	[dreg:$0x2] =	wrdreg s5  }
0xab: {  	[dreg:$0x3] =	wrdreg s7  }
0xac: {  	[dreg:$0x4] =	wrdreg $0xC0  }
0xad: {  	_ =	task [dreg:s9], $0x5FFFF  }
0xae: {  	[dreg:$0x1] =	wrdreg $0xFFFFFFFF  }
0xaf: {  	[dreg:$0x0] =	wrdreg $0x60  }
0xb0: {  	[dreg:$0x2] =	wrdreg s24  }
0xb1: {  	[dreg:$0x3] =	wrdreg s4  }
0xb2: {  	[dreg:$0x4] =	wrdreg s2  }
0xb3: {  	[dreg:$0x5] =	wrdreg s18  }
0xb4: {  	[dreg:$0x6] =	wrdreg $0x1AF000  }
0xb5: {  	[dreg:$0x7] =	wrdreg $0x9  }
0xb6: {  	_ =	task.clear_ibuf [dreg:s9], $0x8FFFF;
	_ =	strace $0x90000046  }
0xb7: {  	s29 =	simm.s32 $0x9;
	_ =	strace $0x80000048  }
0xb8: {  	_ =	swait.ge [sflag:s29], $0x1  }
0xb9: {  	[sflag:s29] =	ssyncadd.s32 $0xFFFFFFFF  }
0xba: {  	_ =	strace $0x90000048  }
0xbb: {  	_ =	sfence  }
0xbc: {  	s30 =	sld [smem:$0x0];
	_ =	sdelay $0x2  }
0xbd: {  	s31 =	sshll.u32 s1, $0xD;
	s1 =	sshrl.u32 s1, $0x2  }
0xbe: {  	s3 =	sand.u32 $0x4000, s31;
	s1 =	sadd.s32 s1, s30  }
0xbf: {  	s0 =	sor.u32 s3, s0;
	s1 =	sshll.u32 s1, $0x11  }
0xc0: {  	s0 =	sor.u32 s1, s0  }
0xc1: {  	s0 =	sadd.s32 $0x8F2B, s0  }
0xc2: {  	[sflag:s0] =	ssyncadd.remote.s32 $0x1  }
0xc3: {  	_ =	sfence.sel $0xFFFF  }
0xc4: {  	[dreg:$0x0] =	wrdreg $0xFFFFFFFF;
	(pc) =	sbr.abs _section_cstart, $3  }
0xc5: {  	[dreg:$0x1] =	wrdreg $0xFFFFFFFF  }
0xc6: {  	_ =	task.clear_ibuf [dreg:s9], $0x2FFFF;
	_ =	strace $0x9FFFFFFF  }
0xc7: {  	(tm) =	ssettm $0x7FFFFFFF  }
tec
execute0_lowered:
.L_overlay_start_1:
0x0: {  	(tag) =	ssettag $0x1  }
0x1: {  	s1 =	rddreg [dreg:$0x0]  }
0x2: {  	s0 =	rddreg [dreg:$0x1]  }
0x3: {  	s2 =	srdreg.scid;
	s3 =	stileid.u32  }
0x4: {  	s9 =	simm.s32 $0x0;
	s2 =	sand.u32 $0x1, s2;
	s4 =	sshll.u32 s3, $0x1  }
0x5: {  	[smem:$0x7FF] =	sst s9;
	s4 =	sor.u32 s2, s4  }
0x6: {  	_ =	strace $0x80000047;
	s2 =	ssub.s32 $0x2, s2;
	s10 =	sshll.u32 s4, $0xA  }
0x7: {  	s5 =	smul.u32 $0x154, s4;
	s6 =	sshll.u32 s4, $0x5;
	s29 =	sor.u32 $0x80, s10  }
0x8: {  	s7 =	sshll.u32 s4, $0x1;
	s30 =	sor.u32 $0x100, s10;
	[dreg:$0xb] =	wrdreg s29  }
0x9: {  	s8 =	sshrl.u32 s2, $0x1;
	s31 =	sor.u32 $0x180, s10;
	[dreg:$0xc] =	wrdreg s30  }
0xa: {  	s26 =	smul.u32 $0x22, s4;
	s4 =	sor.u32 $0x200, s10;
	[dreg:$0xd] =	wrdreg s31  }
0xb: {  	s2 =	ssub.s32 s2, s8;
	s8 =	sor.u32 $0x380, s10;
	[dreg:$0xe] =	wrdreg s4  }
0xc: {  	s11 =	sor.u32 $0x10, s10;
	[dreg:$0x11] =	wrdreg s8  }
0xd: {  	s12 =	sor.u32 $0x90, s10;
	[dreg:$0x12] =	wrdreg s11  }
0xe: {  	s13 =	sor.u32 $0x110, s10;
	[dreg:$0x13] =	wrdreg s12  }
0xf: {  	s14 =	sor.u32 $0x190, s10;
	[dreg:$0x14] =	wrdreg s13  }
0x10: {  	s15 =	sor.u32 $0x210, s10;
	[dreg:$0x15] =	wrdreg s14  }
0x11: {  	s18 =	sor.u32 $0x290, s10;
	[dreg:$0x16] =	wrdreg s15  }
0x12: {  	s19 =	sor.u32 $0x310, s10;
	[dreg:$0x19] =	wrdreg s18  }
0x13: {  	s20 =	sor.u32 $0x390, s10;
	[dreg:$0x1a] =	wrdreg s19  }
0x14: {  	s21 =	sor.u32 $0x20, s10;
	[dreg:$0x1b] =	wrdreg s20  }
0x15: {  	s22 =	sor.u32 $0xA0, s10;
	[dreg:$0x1c] =	wrdreg s21  }
0x16: {  	p0 =	sne.s32 s3, $0x0;
	s23 =	sor.u32 $0x120, s10;
	[dreg:$0x1d] =	wrdreg s22  }
0x17: {  	s6 =	sadd.s32 s6, s1;
	s3 =	sor.u32 $0x1B0, s10;
	[dreg:$0x1e] =	wrdreg s23  }
0x18: {  	s7 =	sadd.s32 s7, s1;
	s28 =	sadd.s32 $0x600, s6;
	[smem:$0x7E4] =	sst s3  }
0x19: {  	s5 =	sadd.s32 s5, s1;
	s1 =	sadd.s32 s1, s26;
	[dreg:$0x9] =	wrdreg s28  }
0x1a: {  	s6 =	sor.u32 $0x300, s10;
	[dreg:$0xa] =	wrdreg s1  }
0x1b: {  	s16 =	sadd.s32 $0x8E00, s7;
	[dreg:$0x10] =	wrdreg s6  }
0x1c: {  	s17 =	smax.u32 s2, $0x1;
	[dreg:$0x17] =	wrdreg s16  }
0x1d: {  	s26 =	sor.u32 $0x2A0, s10;
	[dreg:$0x18] =	wrdreg s17  }
0x1e: {  	s29 =	sor.u32 $0x3A0, s10;
	[smem:$0x7DE] =	sst s26  }
0x1f: {  	s30 =	sor.u32 $0x30, s10;
	[smem:$0x7E0] =	sst s29  }
0x20: {  	s31 =	sor.u32 $0xB0, s10;
	[smem:$0x7E1] =	sst s30  }
0x21: {  	s2 =	sor.u32 $0x130, s10;
	[smem:$0x7E2] =	sst s31  }
0x22: {  	s4 =	sor.u32 $0x230, s10;
	[smem:$0x7E3] =	sst s2  }
0x23: {  	s7 =	sor.u32 $0x3B0, s10;
	[smem:$0x7E5] =	sst s4  }
0x24: {  	s8 =	sor.u32 $0x40, s10;
	[smem:$0x7E8] =	sst s7  }
0x25: {  	s11 =	sor.u32 $0xC0, s10;
	[smem:$0x7E9] =	sst s8  }
0x26: {  	s12 =	sor.u32 $0x140, s10;
	[smem:$0x7EA] =	sst s11  }
0x27: {  	s13 =	sor.u32 $0x1C0, s10;
	[smem:$0x7EB] =	sst s12  }
0x28: {  	s14 =	sor.u32 $0x240, s10;
	[smem:$0x7EC] =	sst s13  }
0x29: {  	s15 =	sor.u32 $0x2C0, s10;
	[smem:$0x7ED] =	sst s14  }
0x2a: {  	s18 =	sor.u32 $0x50, s10;
	[smem:$0x7EE] =	sst s15  }
0x2b: {  	s19 =	sor.u32 $0xD0, s10;
	[smem:$0x7F1] =	sst s18  }
0x2c: {  	s20 =	sor.u32 $0x150, s10;
	[smem:$0x7F2] =	sst s19  }
0x2d: {  	s21 =	sor.u32 $0x1D0, s10;
	[smem:$0x7F3] =	sst s20  }
0x2e: {  	s22 =	sor.u32 $0x250, s10;
	[smem:$0x7F4] =	sst s21  }
0x2f: {  	s23 =	sor.u32 $0x2D0, s10;
	[smem:$0x7F5] =	sst s22  }
0x30: {  	s24 =	sadd.s32 $0x6200, s5;
	[smem:$0x7F6] =	sst s23  }
0x31: {  	s25 =	sadd.s32 $0x3600, s5;
	[dreg:$0x6] =	wrdreg s24  }
0x32: {  	s5 =	sadd.s32 $0xA00, s5;
	[dreg:$0x7] =	wrdreg s25  }
0x33: {  	s28 =	sor.u32 $0x320, s10;
	[dreg:$0x8] =	wrdreg s5  }
0x34: {  	s6 =	sor.u32 $0x330, s10;
	[smem:$0x7DF] =	sst s28  }
0x35: {  	s16 =	sor.u32 $0x340, s10;
	[smem:$0x7E7] =	sst s6  }
0x36: {  	s3 =	sor.u32 $0xF0, s10;
	s17 =	sor.u32 $0x3C0, s10;
	[smem:$0x7EF] =	sst s16  }
0x37: {  	s26 =	sor.u32 $0x60, s10;
	s29 =	sor.u32 $0x160, s10;
	[smem:$0x7F0] =	sst s17  }
0x38: {  	s30 =	sor.u32 $0x1E0, s10;
	s31 =	sor.u32 $0x260, s10;
	[smem:$0x7F9] =	sst s26  }
0x39: {  	s11 =	sor.u32 $0x2E0, s10;
	s4 =	sor.u32 $0x170, s10;
	[smem:$0x7FB] =	sst s29  }
0x3a: {  	s12 =	sor.u32 $0x1F0, s10;
	s13 =	sor.u32 $0x270, s10;
	[smem:$0x7FC] =	sst s30  }
0x3b: {  	s14 =	sor.u32 $0x2F0, s10;
	s5 =	sor.u32 $0x280, s10;
	[smem:$0x7FD] =	sst s31  }
0x3c: {  	s15 =	sor.u32 $0x370, s10;
	s24 =	sor.u32 $0x1A0, s10;
	[dreg:$0xf] =	wrdreg s5  }
0x3d: {  	s18 =	simm.s32 $0xAF00;
	s25 =	sor.u32 $0x220, s10;
	[dreg:$0x1f] =	wrdreg s24  }
0x3e: {  	s19 =	simm.s32 $0x12F00;
	s28 =	sor.u32 $0xE0, s10;
	[smem:$0x7DD] =	sst s25  }
0x3f: {  	s20 =	simm.s32 $0x2F00;
	s5 =	sor.u32 $0x2B0, s10;
	[smem:$0x7FA] =	sst s28  }
0x40: {  	s21 =	simm.s32 $0x6F00;
	s24 =	sor.u32 $0x350, s10;
	[smem:$0x7E6] =	sst s5  }
0x41: {  	s2 =	simm.s32 $0x0;
	s25 =	sor.u32 $0x3D0, s10;
	[smem:$0x7F7] =	sst s24  }
0x42: {  	s16 =	sor.u32 $0x3F0, s10;
	s17 =	simm.s32 $0x5;
	[smem:$0x7F8] =	sst s25  }
0x43: {  	v0 =	vimm.f32 $0.0e+00;
	s24 =	sor.u32 $0x360, s10;
	s25 =	sor.u32 $0x3E0, s10;
	s5 =	sor.u32 $0x70, s10  }
.LBB2_1:
0x44: {  	[smem:$0x7DC] =	sst s2  }
0x45: {  	s1 =	rddreg [dreg:$0x6]  }
0x46: {  	[tilespmem:s9], [sflag:$0x5] =	stream.linear.gather [hbm4b:s1+s9], $0xAA0, $0x38;
	[tilespmem:$0x1F380] =	vst v63  }
0x47: {  	_ =	swait.ge [sflag:s17], $0xAA0  }
0x48: {  	[sflag:s17] =	ssyncset.done $0x0  }
0x49: {  	s22 =	simm.s32 $0xB00;
	s8 =	rddreg [dreg:$0x7];
	[sflag:s17] =	ssyncadd.s32 $0xFFFFF560  }
0x4a: {  	[tilespmem:s22], [sflag:$0x5] =	stream.linear.gather [hbm4b:s8+s9], $0xAA0, $0x38;
	[tilespmem:$0x1F380] =	vst v63  }
0x4b: {  	_ =	swait.ge [sflag:s17], $0xAA0  }
0x4c: {  	[sflag:s17] =	ssyncset.done $0x0  }
0x4d: {  	s26 =	simm.s32 $0x1600;
	s23 =	rddreg [dreg:$0x8];
	[sflag:s17] =	ssyncadd.s32 $0xFFFFF560  }
0x4e: {  	[tilespmem:s26], [sflag:$0x5] =	stream.linear.gather [hbm4b:s23+s9], $0xAA0, $0x38;
	[tilespmem:$0x1F380] =	vst v63  }
0x4f: {  	_ =	swait.ge [sflag:s17], $0xAA0  }
0x50: {  	[sflag:s17] =	ssyncset.done $0x0  }
0x51: {  	s29 =	simm.s32 $0x2100;
	s28 =	rddreg [dreg:$0x9];
	[sflag:s17] =	ssyncadd.s32 $0xFFFFF560  }
0x52: {  	[tilespmem:s29], [sflag:$0x5] =	stream.linear.gather [hbm4b:s28+s9], $0x100, $0x38;
	[tilespmem:$0x1F380] =	vst v63  }
0x53: {  	_ =	swait.ge [sflag:s17], $0x100  }
0x54: {  	[sflag:s17] =	ssyncset.done $0x0  }
0x55: {  	s31 =	simm.s32 $0x2200;
	s30 =	rddreg [dreg:$0xa];
	[sflag:s17] =	ssyncadd.s32 $0xFFFFFF00  }
0x56: {  	[tilespmem:s31], [sflag:$0x5] =	stream.linear.gather [hbm4b:s30+s9], $0x110, $0x38;
	[tilespmem:$0x1F380] =	vst v63  }
0x57: {  	_ =	swait.ge [sflag:s17], $0x110  }
0x58: {  	[sflag:s17] =	ssyncset.done $0x0  }
0x59: {  	s2 =	simm.s32 $0x0;
	s1 =	simm.s32 $0x40;
	[sflag:s17] =	ssyncadd.s32 $0xFFFFFEF0  }
.LBB2_2:
0x5a: {  	p1 =	sne.s32 s1, $0x2A40;
	[tilespmem:s2+$0x2380] =	vst v0;
	s2 =	smov.u32 s1;
	s1 =	sadd.s32 $0x40, s1  }
.Ltmp0:
0x5b: {  	(pc) =	sbr.rel @p1 .LBB2_2-.Ltmp0, $2  }
0x5c: {  	_ =	sdelay $0x2  }
0x5d: {  	s2 =	sshra.s32 s2, $0x2  }
0x5e: {  	[tilespmem:s2+$0x2380] =	vst v0  }
0x5f: {  	[tilespmem:$0x2E80] =	vst v0  }
0x60: {  	[tilespmem:$0x2E90] =	vst v0  }
0x61: {  	[tilespmem:$0x2EA0] =	vst v0  }
0x62: {  	[tilespmem:$0x2EB0] =	vst v0  }
0x63: {  	[tilespmem:$0x2EC0] =	vst v0  }
0x64: {  	[tilespmem:$0x2ED0] =	vst v0  }
0x65: {  	s7 =	rddreg [dreg:$0x4];
	[tilespmem:$0x2EE0] =	vst v0  }
0x66: {  	s2 =	simm.s32 @!p0 $0x1C05;
	s6 =	rddreg [dreg:$0x2];
	[tilespmem:$0x2EF0] =	vst v0;
	s1 =	sshrl.u32 @!p0 s7, $0x3  }
0x67: {  	[spmem:s1], [sflag:s2] =	dma.local @!p0 [hbm:s6], $0x8000  }
0x68: {  	s1 =	simm.s32 @!p0 $0x5  }
0x69: {  	_ =	swait.ge @!p0 [sflag:s1], $0x8000  }
0x6a: {  	[sflag:s1] =	ssyncset.done @!p0 $0x0  }
0x6b: {  	[sflag:s1] =	ssyncadd.s32 @!p0 $0xFFFF8000  }
0x6c: {  	[bflag:$0x0] =	sbarrier.arrive $0xFFFF  }
0x6d: {  	v1 =	vld [tilespmem:$0x2210]  }
0x6e: {  	v2 =	vld [tilespmem:$0x2200];
	_ =	sdelay $0x3  }
0x6f: {  	v1 =	vxor.u32 $0x80000000, v1  }
0x70: {  	(xrf0) =	vmax.scan.msk.u32 $0xffff, v1;
	v1 =	vxor.u32 $0x80000000, v2  }
0x71: {  	(xrf0) =	vmax.scan.msk.u32 $0xffff, v1;
	_ =	sdelay $0x4  }
0x72: {  	v1, _, _ =	vpop (xrf0)  }
0x73: {  	(v2sf) =	vpush v1, $0xF;
	v1, _, _ =	vpop (xrf0)  }
0x74: {  	(v2sf) =	vpush v1, $0xF;
	_ =	sdelay $0xd  }
0x75: {  	s28 =	spop (v2sf)  }
0x76: {  	s29 =	spop (v2sf)  }
0x77: {  	p1 =	sle.u32 s28, s29  }
0x78: {  	v1 =	vld @!p1 [tilespmem:$0x2100];
	_ =	sdelay $0x4  }
0x79: {  	v1 =	vxor.u32 @!p1 $0x80000000, v1  }
0x7a: {  	(xrf0) =	vmax.scan.msk.u32 @!p1 $0xffff, v1;
	_ =	sdelay $0x5  }
0x7b: {  	v1, _, _ =	vpop @!p1 (xrf0)  }
0x7c: {  	(v2sf) =	vpush @!p1 v1, $0xF;
	_ =	sdelay $0xe  }
0x7d: {  	s1 =	spop @!p1 (v2sf)  }
0x7e: {  	s1 =	sand.u32 @!p1 $0x1FFFFF80, s1  }
0x7f: {  	s2 =	simm.s32 @!p1 $0x0;
	s6 =	simm.s32 @!p1 $0x2F00;
	s1 =	sadd.s32 @!p1 s0, s1  }
0x80: {  	[tilespmem:s6], [sflag:$0x1] =	stream.linear.gather @!p1 [hbm4b:s1+s2], $0x4000, $0x38;
	[tilespmem:$0x1F380] =	vst v63  }
0x81: {  	v1 =	vld [tilespmem:$0x2220]  }
0x82: {  	v2 =	vld [tilespmem:$0x2210];
	_ =	sdelay $0x3  }
0x83: {  	v1 =	vxor.u32 $0x80000000, v1  }
0x84: {  	(xrf0) =	vmax.scan.msk.u32 $0xffff, v1;
	v1 =	vxor.u32 $0x80000000, v2  }
0x85: {  	(xrf0) =	vmax.scan.msk.u32 $0xffff, v1;
	_ =	sdelay $0x4  }
0x86: {  	v1, _, _ =	vpop (xrf0)  }
0x87: {  	(v2sf) =	vpush v1, $0xF;
	v1, _, _ =	vpop (xrf0)  }
0x88: {  	(v2sf) =	vpush v1, $0xF;
	_ =	sdelay $0xd  }
0x89: {  	s30 =	spop (v2sf)  }
0x8a: {  	s31 =	spop (v2sf)  }
0x8b: {  	p1 =	sle.u32 s30, s31  }
0x8c: {  	v1 =	vld @!p1 [tilespmem:$0x2110];
	_ =	sdelay $0x4  }
0x8d: {  	v1 =	vxor.u32 @!p1 $0x80000000, v1  }
0x8e: {  	(xrf0) =	vmax.scan.msk.u32 @!p1 $0xffff, v1;
	_ =	sdelay $0x5  }
0x8f: {  	v1, _, _ =	vpop @!p1 (xrf0)  }
0x90: {  	(v2sf) =	vpush @!p1 v1, $0xF;
	_ =	sdelay $0xe  }
0x91: {  	s1 =	spop @!p1 (v2sf)  }
.Ltmp1:
0x92: {  	s1 =	sand.u32 @!p1 $0x1FFFFF80, s1;
	(pc) =	sbr.rel .LBB2_4-.Ltmp1, $4  }
0x93: {  	s2 =	simm.s32 @!p1 $0x0;
	s6 =	simm.s32 @!p1 $0x6F00;
	s1 =	sadd.s32 @!p1 s0, s1  }
0x94: {  	[tilespmem:s6], [sflag:$0x2] =	stream.linear.gather @!p1 [hbm4b:s1+s2], $0x4000, $0x38;
	[tilespmem:$0x1F380] =	vst v63  }
0x95: {  	s22 =	simm.s32 $0x0  }
0x96: {  	[tilespmem:s18], [sflag:$0x3] =	stream.linear.gather [spmem:s7], $0x8000, $0x38;
	[tilespmem:$0x1F380] =	vst v63  }
.LBB2_36:
0x97: {  	s22 =	sadd.s32 $0x1, s22  }
0x98: {  	p1 =	sne.s32 s22, $0x4  }
.Ltmp2:
0x99: {  	_ = 	snop;
	(pc) =	sbr.rel @!p1 .LBB2_37-.Ltmp2, $1  }
0x9a: {  	_ =	sdelay $0x3  }
.LBB2_4:
0x9b: {  	s2 =	simm.s32 $0x3  }
0x9c: {  	_ =	swait.ge [sflag:s2], $0x8000  }
0x9d: {  	s23 =	sshllo.u32 s22, $0x1;
	[sflag:s2] =	ssyncset.done $0x0  }
0x9e: {  	s26 =	sshll.u32 s23, $0xF;
	[sflag:s2] =	ssyncadd.s32 $0xFFFF8000  }
0x9f: {  	s1 =	sand.u32 $0x3FFF8000, s26;
	s2 =	rddreg [dreg:$0x4]  }
0xa0: {  	s6 =	sshll.u32 s22, $0x10;
	s1 =	sadd.s32 s1, s2  }
0xa1: {  	[tilespmem:s19], [sflag:$0x4] =	stream.linear.gather [spmem:s1], $0x8000, $0x38;
	[tilespmem:$0x1F380] =	vst v63  }
0xa2: {  	s1 =	sor.u32 s10, s6  }
0xa3: {  	s7 =	rddreg [dreg:$0x3];
	s1 =	sshrl.u32 s1, $0x3  }
0xa4: {  	s8 =	simm.s32 $0x1EF00;
	s6 =	simm.s32 $0x0;
	s1 =	sadd.s32 s7, s1  }
0xa5: {  	[tilespmem:s8], [sflag:$0x5] =	stream.linear.gather [hbm4b:s1+s6], $0x400, $0x38;
	[tilespmem:$0x1F380] =	vst v63  }
0xa6: {  	_ =	swait.ge [sflag:s17], $0x400  }
0xa7: {  	[sflag:s17] =	ssyncset.done $0x0  }
0xa8: {  	[sflag:s17] =	ssyncadd.s32 $0xFFFFFC00  }
0xa9: {  	v1 =	vld [tilespmem:$0x2E80]  }
0xaa: {  	v2 =	vld [tilespmem:s10+$0xAF00]  }
0xab: {  	s9 =	rddreg [dreg:$0xb];
	v3 =	vld [tilespmem:$0x1EF00]  }
0xac: {  	v4 =	vld [tilespmem:s9+$0xAF00]  }
0xad: {  	s30 =	rddreg [dreg:$0xc];
	v5 =	vld [tilespmem:$0x1EF80]  }
0xae: {  	v6 =	vld [tilespmem:s30+$0xAF00]  }
0xaf: {  	v7 =	vld [tilespmem:$0x1F000]  }
0xb0: {  	s31 =	rddreg [dreg:$0xd];
	v8 =	vld [tilespmem:$0x1F080];
	v2 =	vmul.f32 v3, v2  }
0xb1: {  	s2 =	rddreg [dreg:$0xe];
	v3 =	vld [tilespmem:s31+$0xAF00]  }
0xb2: {  	v25 =	vld [tilespmem:s2+$0xAF00];
	v1 =	vadd.f32 v2, v1;
	v2 =	vmul.f32 v5, v4  }
0xb3: {  	s6 =	rddreg [dreg:$0xf];
	v26 =	vld [tilespmem:$0x1F100]  }
0xb4: {  	v27 =	vld [tilespmem:s6+$0xAF00];
	v1 =	vadd.f32 v2, v1;
	v2 =	vmul.f32 v7, v6  }
0xb5: {  	v28 =	vld [tilespmem:$0x1F180]  }
0xb6: {  	s7 =	rddreg [dreg:$0x10];
	v29 =	vld [tilespmem:$0x1F200];
	v1 =	vadd.f32 v2, v1;
	v2 =	vmul.f32 v8, v3  }
0xb7: {  	s8 =	rddreg [dreg:$0x11];
	v3 =	vld [tilespmem:s7+$0xAF00]  }
0xb8: {  	v30 =	vld [tilespmem:s8+$0xAF00];
	v1 =	vadd.f32 v2, v1;
	v2 =	vmul.f32 v26, v25  }
0xb9: {  	v31 =	vld [tilespmem:$0x1F280]  }
0xba: {  	v1 =	vadd.f32 v2, v1;
	v2 =	vmul.f32 v28, v27;
	_ =	sdelay $0x1  }
0xbb: {  	v1 =	vadd.f32 v2, v1;
	v2 =	vmul.f32 v29, v3;
	_ =	sdelay $0x1  }
0xbc: {  	v1 =	vadd.f32 v2, v1;
	v2 =	vmul.f32 v31, v30;
	_ =	sdelay $0x1  }
0xbd: {  	v1 =	vadd.f32 v2, v1  }
0xbe: {  	v33 =	vld [tilespmem:$0x1EF90]  }
0xbf: {  	s9 =	rddreg [dreg:$0x12];
	v3 =	vld [tilespmem:$0x1EF10];
	[tilespmem:$0x2E80] =	vst v1  }
0xc0: {  	v2 =	vld [tilespmem:s9+$0xAF00]  }
0xc1: {  	s30 =	rddreg [dreg:$0x13];
	v1 =	vld [tilespmem:$0x2E90]  }
0xc2: {  	v32 =	vld [tilespmem:s30+$0xAF00]  }
0xc3: {  	v35 =	vld [tilespmem:$0x1F010];
	s31 =	rddreg [dreg:$0x14]  }
0xc4: {  	v34 =	vld [tilespmem:s31+$0xAF00]  }
0xc5: {  	s2 =	rddreg [dreg:$0x15];
	v36 =	vld [tilespmem:$0x1F090];
	v2 =	vmul.f32 v3, v2  }
0xc6: {  	v3 =	vld [tilespmem:s2+$0xAF00]  }
0xc7: {  	s6 =	rddreg [dreg:$0x16];
	v38 =	vld [tilespmem:$0x1F110];
	v1 =	vadd.f32 v2, v1;
	v2 =	vmul.f32 v33, v32  }
0xc8: {  	v37 =	vld [tilespmem:s6+$0xAF00]  }
0xc9: {  	v40 =	vld [tilespmem:$0x1F190];
	s7 =	rddreg [dreg:$0x19];
	v1 =	vadd.f32 v2, v1;
	v2 =	vmul.f32 v35, v34  }
0xca: {  	v39 =	vld [tilespmem:s7+$0xAF00]  }
0xcb: {  	s8 =	rddreg [dreg:$0x1a];
	v41 =	vld [tilespmem:$0x1F210];
	v1 =	vadd.f32 v2, v1;
	v2 =	vmul.f32 v36, v3  }
0xcc: {  	v3 =	vld [tilespmem:s8+$0xAF00]  }
0xcd: {  	v43 =	vld [tilespmem:$0x1F290];
	s9 =	rddreg [dreg:$0x1b];
	v1 =	vadd.f32 v2, v1;
	v2 =	vmul.f32 v38, v37  }
0xce: {  	v42 =	vld [tilespmem:s9+$0xAF00]  }
0xcf: {  	v1 =	vadd.f32 v2, v1;
	v2 =	vmul.f32 v40, v39;
	_ =	sdelay $0x1  }
0xd0: {  	v1 =	vadd.f32 v2, v1;
	v2 =	vmul.f32 v41, v3;
	_ =	sdelay $0x1  }
0xd1: {  	v1 =	vadd.f32 v2, v1;
	v2 =	vmul.f32 v43, v42;
	_ =	sdelay $0x1  }
0xd2: {  	v1 =	vadd.f32 v2, v1  }
0xd3: {  	v45 =	vld [tilespmem:$0x1EFA0]  }
0xd4: {  	s30 =	rddreg [dreg:$0x1c];
	v3 =	vld [tilespmem:$0x1EF20];
	[tilespmem:$0x2E90] =	vst v1  }
0xd5: {  	v2 =	vld [tilespmem:s30+$0xAF00]  }
0xd6: {  	s31 =	rddreg [dreg:$0x1d];
	v1 =	vld [tilespmem:$0x2EA0]  }
0xd7: {  	v44 =	vld [tilespmem:s31+$0xAF00]  }
0xd8: {  	v47 =	vld [tilespmem:$0x1F020];
	s2 =	rddreg [dreg:$0x1e]  }
0xd9: {  	s6 =	rddreg [dreg:$0x1f];
	v46 =	vld [tilespmem:s2+$0xAF00]  }
0xda: {  	v48 =	vld [tilespmem:$0x1F0A0];
	s7 =	sld [smem:$0x7DD];
	v2 =	vmul.f32 v3, v2  }
0xdb: {  	v3 =	vld [tilespmem:s6+$0xAF00]  }
0xdc: {  	v50 =	vld [tilespmem:$0x1F120];
	s8 =	sld [smem:$0x7DE];
	v1 =	vadd.f32 v2, v1;
	v2 =	vmul.f32 v45, v44  }
0xdd: {  	v49 =	vld [tilespmem:s7+$0xAF00]  }
0xde: {  	v52 =	vld [tilespmem:$0x1F1A0];
	s9 =	sld [smem:$0x7DF];
	v1 =	vadd.f32 v2, v1;
	v2 =	vmul.f32 v47, v46  }
0xdf: {  	v51 =	vld [tilespmem:s8+$0xAF00]  }
0xe0: {  	v53 =	vld [tilespmem:$0x1F220];
	s30 =	sld [smem:$0x7E0];
	v1 =	vadd.f32 v2, v1;
	v2 =	vmul.f32 v48, v3  }
0xe1: {  	v3 =	vld [tilespmem:s9+$0xAF00]  }
0xe2: {  	v55 =	vld [tilespmem:$0x1F2A0];
	v1 =	vadd.f32 v2, v1;
	v2 =	vmul.f32 v50, v49  }
0xe3: {  	v54 =	vld [tilespmem:s30+$0xAF00]  }
0xe4: {  	v1 =	vadd.f32 v2, v1;
	v2 =	vmul.f32 v52, v51;
	_ =	sdelay $0x1  }
0xe5: {  	v1 =	vadd.f32 v2, v1;
	v2 =	vmul.f32 v53, v3;
	_ =	sdelay $0x1  }
0xe6: {  	v1 =	vadd.f32 v2, v1;
	v2 =	vmul.f32 v55, v54;
	_ =	sdelay $0x1  }
0xe7: {  	s31 =	sld [smem:$0x7E1];
	v1 =	vadd.f32 v2, v1  }
0xe8: {  	v57 =	vld [tilespmem:$0x1EFB0]  }
0xe9: {  	s2 =	sld [smem:$0x7E2];
	v3 =	vld [tilespmem:$0x1EF30];
	[tilespmem:$0x2EA0] =	vst v1  }
0xea: {  	v2 =	vld [tilespmem:s31+$0xAF00]  }
0xeb: {  	s6 =	sld [smem:$0x7E3];
	v1 =	vld [tilespmem:$0x2EB0]  }
0xec: {  	v56 =	vld [tilespmem:s2+$0xAF00]  }
0xed: {  	v59 =	vld [tilespmem:$0x1F030];
	s7 =	sld [smem:$0x7E4]  }
0xee: {  	v58 =	vld [tilespmem:s6+$0xAF00]  }
0xef: {  	v60 =	vld [tilespmem:$0x1F0B0];
	s8 =	sld [smem:$0x7E5];
	v2 =	vmul.f32 v3, v2  }
0xf0: {  	v3 =	vld [tilespmem:s7+$0xAF00]  }
0xf1: {  	v62 =	vld [tilespmem:$0x1F130];
	s9 =	sld [smem:$0x7E6];
	v1 =	vadd.f32 v2, v1;
	v2 =	vmul.f32 v57, v56  }
0xf2: {  	v61 =	vld [tilespmem:s8+$0xAF00]  }
0xf3: {  	v12 =	vld [tilespmem:$0x1F1B0];
	s30 =	sld [smem:$0x7E7];
	v1 =	vadd.f32 v2, v1;
	v2 =	vmul.f32 v59, v58  }
0xf4: {  	v63 =	vld [tilespmem:s9+$0xAF00]  }
0xf5: {  	v13 =	vld [tilespmem:$0x1F230];
	s31 =	sld [smem:$0x7E8];
	v1 =	vadd.f32 v2, v1;
	v2 =	vmul.f32 v60, v3  }
0xf6: {  	v3 =	vld [tilespmem:s30+$0xAF00]  }
0xf7: {  	v15 =	vld [tilespmem:$0x1F2B0];
	v1 =	vadd.f32 v2, v1;
	v2 =	vmul.f32 v62, v61  }
0xf8: {  	v14 =	vld [tilespmem:s31+$0xAF00]  }
0xf9: {  	v1 =	vadd.f32 v2, v1;
	v2 =	vmul.f32 v12, v63;
	_ =	sdelay $0x1  }
0xfa: {  	v1 =	vadd.f32 v2, v1;
	v2 =	vmul.f32 v13, v3;
	_ =	sdelay $0x1  }
0xfb: {  	v1 =	vadd.f32 v2, v1;
	v2 =	vmul.f32 v15, v14;
	_ =	sdelay $0x1  }
0xfc: {  	s2 =	sld [smem:$0x7E9];
	v1 =	vadd.f32 v2, v1  }
0xfd: {  	v17 =	vld [tilespmem:$0x1EFC0]  }
0xfe: {  	s6 =	sld [smem:$0x7EA];
	v3 =	vld [tilespmem:$0x1EF40];
	[tilespmem:$0x2EB0] =	vst v1  }
0xff: {  	v2 =	vld [tilespmem:s2+$0xAF00]  }
0x100: {  	s7 =	sld [smem:$0x7EB];
	v1 =	vld [tilespmem:$0x2EC0]  }
0x101: {  	v16 =	vld [tilespmem:s6+$0xAF00]  }
0x102: {  	v19 =	vld [tilespmem:$0x1F040];
	s8 =	sld [smem:$0x7EC]  }
0x103: {  	v18 =	vld [tilespmem:s7+$0xAF00]  }
0x104: {  	v20 =	vld [tilespmem:$0x1F0C0];
	s9 =	sld [smem:$0x7ED];
	v2 =	vmul.f32 v3, v2  }
0x105: {  	v3 =	vld [tilespmem:s8+$0xAF00]  }
0x106: {  	v22 =	vld [tilespmem:$0x1F140];
	s30 =	sld [smem:$0x7EE];
	v1 =	vadd.f32 v2, v1;
	v2 =	vmul.f32 v17, v16  }
0x107: {  	v21 =	vld [tilespmem:s9+$0xAF00]  }
0x108: {  	v24 =	vld [tilespmem:$0x1F1C0];
	s31 =	sld [smem:$0x7EF];
	v1 =	vadd.f32 v2, v1;
	v2 =	vmul.f32 v19, v18  }
0x109: {  	v23 =	vld [tilespmem:s30+$0xAF00]  }
0x10a: {  	v25 =	vld [tilespmem:$0x1F240];
	s2 =	sld [smem:$0x7F0];
	v1 =	vadd.f32 v2, v1;
	v2 =	vmul.f32 v20, v3  }
0x10b: {  	v3 =	vld [tilespmem:s31+$0xAF00]  }
0x10c: {  	v27 =	vld [tilespmem:$0x1F2C0];
	v1 =	vadd.f32 v2, v1;
	v2 =	vmul.f32 v22, v21  }
0x10d: {  	v26 =	vld [tilespmem:s2+$0xAF00]  }
0x10e: {  	v1 =	vadd.f32 v2, v1;
	v2 =	vmul.f32 v24, v23;
	_ =	sdelay $0x1  }
0x10f: {  	v1 =	vadd.f32 v2, v1;
	v2 =	vmul.f32 v25, v3;
	_ =	sdelay $0x1  }
0x110: {  	v1 =	vadd.f32 v2, v1;
	v2 =	vmul.f32 v27, v26;
	_ =	sdelay $0x1  }
0x111: {  	s6 =	sld [smem:$0x7F1];
	v1 =	vadd.f32 v2, v1  }
0x112: {  	v29 =	vld [tilespmem:$0x1EFD0]  }
0x113: {  	s7 =	sld [smem:$0x7F2];
	v3 =	vld [tilespmem:$0x1EF50];
	[tilespmem:$0x2EC0] =	vst v1  }
0x114: {  	v2 =	vld [tilespmem:s6+$0xAF00]  }
0x115: {  	s8 =	sld [smem:$0x7F3];
	v1 =	vld [tilespmem:$0x2ED0]  }
0x116: {  	v28 =	vld [tilespmem:s7+$0xAF00]  }
0x117: {  	v31 =	vld [tilespmem:$0x1F050];
	s9 =	sld [smem:$0x7F4]  }
0x118: {  	v30 =	vld [tilespmem:s8+$0xAF00]  }
0x119: {  	v32 =	vld [tilespmem:$0x1F0D0];
	s30 =	sld [smem:$0x7F5];
	v2 =	vmul.f32 v3, v2  }
0x11a: {  	v3 =	vld [tilespmem:s9+$0xAF00]  }
0x11b: {  	v34 =	vld [tilespmem:$0x1F150];
	s31 =	sld [smem:$0x7F6];
	v1 =	vadd.f32 v2, v1;
	v2 =	vmul.f32 v29, v28  }
0x11c: {  	v33 =	vld [tilespmem:s30+$0xAF00]  }
0x11d: {  	v36 =	vld [tilespmem:$0x1F1D0];
	s2 =	sld [smem:$0x7F7];
	v1 =	vadd.f32 v2, v1;
	v2 =	vmul.f32 v31, v30  }
0x11e: {  	v35 =	vld [tilespmem:s31+$0xAF00]  }
0x11f: {  	v37 =	vld [tilespmem:$0x1F250];
	s6 =	sld [smem:$0x7F8];
	v1 =	vadd.f32 v2, v1;
	v2 =	vmul.f32 v32, v3  }
0x120: {  	v3 =	vld [tilespmem:s2+$0xAF00]  }
0x121: {  	v39 =	vld [tilespmem:$0x1F2D0];
	v1 =	vadd.f32 v2, v1;
	v2 =	vmul.f32 v34, v33  }
0x122: {  	v38 =	vld [tilespmem:s6+$0xAF00]  }
0x123: {  	v1 =	vadd.f32 v2, v1;
	v2 =	vmul.f32 v36, v35;
	_ =	sdelay $0x1  }
0x124: {  	v1 =	vadd.f32 v2, v1;
	v2 =	vmul.f32 v37, v3;
	_ =	sdelay $0x1  }
0x125: {  	v1 =	vadd.f32 v2, v1;
	v2 =	vmul.f32 v39, v38;
	_ =	sdelay $0x1  }
0x126: {  	s7 =	sld [smem:$0x7F9];
	v1 =	vadd.f32 v2, v1  }
0x127: {  	v41 =	vld [tilespmem:$0x1EFE0]  }
0x128: {  	s8 =	sld [smem:$0x7FA];
	v3 =	vld [tilespmem:$0x1EF60];
	[tilespmem:$0x2ED0] =	vst v1  }
0x129: {  	v2 =	vld [tilespmem:s7+$0xAF00]  }
0x12a: {  	s9 =	sld [smem:$0x7FB];
	v1 =	vld [tilespmem:$0x2EE0]  }
0x12b: {  	v40 =	vld [tilespmem:s8+$0xAF00]  }
0x12c: {  	v43 =	vld [tilespmem:$0x1F060];
	s30 =	sld [smem:$0x7FC]  }
0x12d: {  	v42 =	vld [tilespmem:s9+$0xAF00]  }
0x12e: {  	v44 =	vld [tilespmem:$0x1F0E0];
	s31 =	sld [smem:$0x7FD];
	v2 =	vmul.f32 v3, v2  }
0x12f: {  	v3 =	vld [tilespmem:s30+$0xAF00]  }
0x130: {  	v46 =	vld [tilespmem:$0x1F160];
	v1 =	vadd.f32 v2, v1;
	v2 =	vmul.f32 v41, v40  }
0x131: {  	v45 =	vld [tilespmem:s31+$0xAF00]  }
0x132: {  	v48 =	vld [tilespmem:$0x1F1E0];
	v1 =	vadd.f32 v2, v1;
	v2 =	vmul.f32 v43, v42  }
0x133: {  	v47 =	vld [tilespmem:s11+$0xAF00]  }
0x134: {  	v49 =	vld [tilespmem:$0x1F260];
	v1 =	vadd.f32 v2, v1;
	v2 =	vmul.f32 v44, v3  }
0x135: {  	v3 =	vld [tilespmem:s24+$0xAF00]  }
0x136: {  	v51 =	vld [tilespmem:$0x1F2E0];
	v1 =	vadd.f32 v2, v1;
	v2 =	vmul.f32 v46, v45  }
0x137: {  	v50 =	vld [tilespmem:s25+$0xAF00]  }
0x138: {  	v1 =	vadd.f32 v2, v1;
	v2 =	vmul.f32 v48, v47;
	_ =	sdelay $0x1  }
0x139: {  	v1 =	vadd.f32 v2, v1;
	v2 =	vmul.f32 v49, v3;
	_ =	sdelay $0x1  }
0x13a: {  	v1 =	vadd.f32 v2, v1;
	v2 =	vmul.f32 v51, v50;
	_ =	sdelay $0x1  }
0x13b: {  	v1 =	vadd.f32 v2, v1  }
0x13c: {  	v53 =	vld [tilespmem:$0x1EFF0]  }
0x13d: {  	v3 =	vld [tilespmem:$0x1EF70];
	[tilespmem:$0x2EE0] =	vst v1  }
0x13e: {  	v2 =	vld [tilespmem:s5+$0xAF00]  }
0x13f: {  	v1 =	vld [tilespmem:$0x2EF0]  }
0x140: {  	v52 =	vld [tilespmem:s3+$0xAF00]  }
0x141: {  	v55 =	vld [tilespmem:$0x1F070]  }
0x142: {  	v54 =	vld [tilespmem:s4+$0xAF00]  }
0x143: {  	v56 =	vld [tilespmem:$0x1F0F0];
	v2 =	vmul.f32 v3, v2  }
0x144: {  	v3 =	vld [tilespmem:s12+$0xAF00]  }
0x145: {  	v58 =	vld [tilespmem:$0x1F170];
	v1 =	vadd.f32 v2, v1;
	v2 =	vmul.f32 v53, v52  }
0x146: {  	v57 =	vld [tilespmem:s13+$0xAF00]  }
0x147: {  	v60 =	vld [tilespmem:$0x1F1F0];
	v1 =	vadd.f32 v2, v1;
	v2 =	vmul.f32 v55, v54  }
0x148: {  	v59 =	vld [tilespmem:s14+$0xAF00]  }
0x149: {  	v61 =	vld [tilespmem:$0x1F270];
	v1 =	vadd.f32 v2, v1;
	v2 =	vmul.f32 v56, v3  }
0x14a: {  	v3 =	vld [tilespmem:s15+$0xAF00]  }
0x14b: {  	v63 =	vld [tilespmem:$0x1F2F0];
	v1 =	vadd.f32 v2, v1;
	v2 =	vmul.f32 v58, v57  }
0x14c: {  	v62 =	vld [tilespmem:s16+$0xAF00]  }
0x14d: {  	v1 =	vadd.f32 v2, v1;
	v2 =	vmul.f32 v60, v59;
	_ =	sdelay $0x1  }
0x14e: {  	v1 =	vadd.f32 v2, v1;
	v2 =	vmul.f32 v61, v3;
	_ =	sdelay $0x1  }
.Ltmp3:
0x14f: {  	v1 =	vadd.f32 v2, v1;
	v2 =	vmul.f32 v63, v62;
	(pc) =	sbr.rel .LBB2_5-.Ltmp3, $3  }
0x150: {  	_ = 	snop  }
0x151: {  	v1 =	vadd.f32 v2, v1;
	_ =	sdelay $0x1  }
0x152: {  	s28 =	sshll.u32 s22, $0x5;
	s29 =	simm.s32 $0x0;
	[tilespmem:$0x2EF0] =	vst v1  }
.LBB2_14:
0x153: {  	s2 =	smov.u32 s1  }
.LBB2_18:
0x154: {  	v3 =	vshll.u32 v2, $0x3  }
0x155: {  	v2 =	vand.u32 $0x7F, v2;
	v4 =	vshll.u32 v1, $0x3;
	v3 =	vand.u32 $0xFFFFFC00, v3  }
0x156: {  	v1 =	vand.u32 $0x7F, v1;
	v2 =	vor.u32 v2, v3;
	v3 =	vand.u32 $0xFFFFFC00, v4  }
0x157: {  	v1 =	vor.u32 v1, v3  }
0x158: {  	s2 =	sadd.s32 @p1 $0x10, s2;
	v3 =	vor.u32 $0x80, v2  }
0x159: {  	s1 =	smov.u32 @p1 s2;
	v52 =	vor.u32 $0x80, v1  }
0x15a: {  	v5 =	vld [tilespmem:s1+$0x0];
	v6 =	vor.u32 $0x100, v2  }
0x15b: {  	v8 =	vor.u32 $0x100, v1;
	v7 =	vld.idx.msk [tilespmem:v2+s21+$0x0], $0xffff  }
0x15c: {  	v10 =	vor.u32 $0x180, v2;
	v9 =	vld.idx.msk [tilespmem:v1+s18+$0x0], $0xffff  }
0x15d: {  	v11 =	vor.u32 $0x180, v1;
	v3 =	vld.idx.msk [tilespmem:v3+s21+$0x0], $0xffff  }
0x15e: {  	v12 =	vor.u32 $0x200, v2;
	v4 =	vld.idx.msk [tilespmem:v52+s18+$0x0], $0xffff  }
0x15f: {  	v13 =	vor.u32 $0x200, v1;
	v6 =	vld.idx.msk [tilespmem:v6+s21+$0x0], $0xffff  }
0x160: {  	v14 =	vor.u32 $0x280, v2;
	v8 =	vld.idx.msk [tilespmem:v8+s18+$0x0], $0xffff  }
0x161: {  	v15 =	vor.u32 $0x280, v1;
	v10 =	vld.idx.msk [tilespmem:v10+s21+$0x0], $0xffff;
	v7 =	vmul.f32 v9, v7  }
0x162: {  	v54 =	vor.u32 $0x300, v2;
	v53 =	vld.idx.msk [tilespmem:v11+s18+$0x0], $0xffff  }
0x163: {  	v16 =	vor.u32 $0x300, v1;
	v12 =	vld.idx.msk [tilespmem:v12+s21+$0x0], $0xffff;
	v3 =	vmul.f32 v4, v3;
	v5 =	vadd.f32 v7, v5  }
0x164: {  	v2 =	vor.u32 $0x380, v2;
	v55 =	vld.idx.msk [tilespmem:v13+s18+$0x0], $0xffff  }
0x165: {  	v56 =	vld.idx.msk [tilespmem:v14+s21+$0x0], $0xffff;
	v1 =	vor.u32 $0x380, v1;
	v57 =	vmul.f32 v8, v6;
	v3 =	vadd.f32 v3, v5  }
0x166: {  	v58 =	vld.idx.msk [tilespmem:v15+s18+$0x0], $0xffff  }
0x167: {  	v59 =	vld.idx.msk [tilespmem:v54+s21+$0x0], $0xffff;
	v60 =	vmul.f32 v53, v10;
	v3 =	vadd.f32 v57, v3  }
0x168: {  	v61 =	vld.idx.msk [tilespmem:v16+s18+$0x0], $0xffff  }
0x169: {  	v2 =	vld.idx.msk [tilespmem:v2+s21+$0x0], $0xffff;
	v4 =	vmul.f32 v55, v12;
	v3 =	vadd.f32 v60, v3  }
0x16a: {  	v1 =	vld.idx.msk [tilespmem:v1+s18+$0x0], $0xffff  }
0x16b: {  	v62 =	vmul.f32 v58, v56;
	v3 =	vadd.f32 v4, v3;
	_ =	sdelay $0x1  }
0x16c: {  	v63 =	vmul.f32 v61, v59;
	v3 =	vadd.f32 v62, v3;
	_ =	sdelay $0x1  }
0x16d: {  	v1 =	vmul.f32 v1, v2;
	v3 =	vadd.f32 v63, v3;
	_ =	sdelay $0x1  }
0x16e: {  	v1 =	vadd.f32 v1, v3;
	_ =	sdelay $0x1  }
0x16f: {  	[tilespmem:s1+$0x0] =	vst v1  }
.LBB2_19:
0x170: {  	s1 =	sor.u32 s28, s30  }
0x171: {  	s1 =	sadd.s32 $0x2, s1  }
0x172: {  	s2 =	sshll.u32 s1, $0x4  }
0x173: {  	s2 =	sand.u32 $0xF0, s2  }
0x174: {  	v1 =	vld [tilespmem:s2+$0x2210]  }
0x175: {  	v2 =	vld [tilespmem:s2+$0x2200];
	_ =	sdelay $0x3  }
0x176: {  	v1 =	vxor.u32 $0x80000000, v1  }
0x177: {  	(xrf0) =	vmax.scan.msk.u32 $0xffff, v1;
	v1 =	vxor.u32 $0x80000000, v2  }
0x178: {  	(xrf0) =	vmax.scan.msk.u32 $0xffff, v1;
	_ =	sdelay $0x4  }
0x179: {  	v1, _, _ =	vpop (xrf0)  }
0x17a: {  	(v2sf) =	vpush v1, $0xF;
	v1, _, _ =	vpop (xrf0)  }
0x17b: {  	(v2sf) =	vpush v1, $0xF;
	_ =	sdelay $0xd  }
0x17c: {  	s6 =	spop (v2sf)  }
0x17d: {  	s7 =	spop (v2sf)  }
0x17e: {  	p1 =	sle.u32 s6, s7  }
0x17f: {  	v1 =	vld @!p1 [tilespmem:s2+$0x2100];
	_ =	sdelay $0x4  }
0x180: {  	v1 =	vxor.u32 @!p1 $0x80000000, v1  }
0x181: {  	(xrf0) =	vmax.scan.msk.u32 @!p1 $0xffff, v1;
	_ =	sdelay $0x5  }
0x182: {  	v1, _, _ =	vpop @!p1 (xrf0)  }
0x183: {  	(v2sf) =	vpush @!p1 v1, $0xF;
	_ =	sdelay $0xe  }
0x184: {  	s1 =	sshrl.u32 @!p1 s1, $0x4;
	s2 =	spop @!p1 (v2sf)  }
0x185: {  	s1 =	smul.u32 @!p1 $0x7A1400, s1;
	s2 =	sshll.u32 @!p1 s2, $0x3  }
0x186: {  	s2 =	sand.u32 @!p1 $0xFFFFFC00, s2  }
0x187: {  	s1 =	sadd.s32 @!p1 s1, s2  }
0x188: {  	s29 =	sadd.s32 $0x1, s29;
	s1 =	sshrl.u32 @!p1 s1, $0x3  }
0x189: {  	s6 =	simm.s32 @!p1 $0x6F00;
	s2 =	simm.s32 @!p1 $0x0;
	s1 =	sadd.s32 @!p1 s0, s1  }
0x18a: {  	[tilespmem:s6], [sflag:$0x2] =	stream.linear.gather @!p1 [hbm4b:s1+s2], $0x4000, $0x38;
	[tilespmem:$0x1F380] =	vst v63  }
0x18b: {  	p1 =	sne.s32 s29, $0x8  }
.Ltmp4:
0x18c: {  	_ = 	snop;
	(pc) =	sbr.rel @!p1 .LBB2_20-.Ltmp4, $1  }
0x18d: {  	_ =	sdelay $0x3  }
.LBB2_5:
0x18e: {  	s30 =	sshllo.u32 s29, $0x1  }
0x18f: {  	s1 =	sshll.u32 s30, $0x6  }
0x190: {  	s9 =	sshll.u32 s29, $0x5;
	s31 =	sshrl.u32 s1, $0x2  }
0x191: {  	s2 =	sand.u32 $0x3FFFFFE0, s9;
	v1 =	vld [tilespmem:s31+$0x2200]  }
0x192: {  	v2 =	vld [tilespmem:s2+$0x2200];
	_ =	sdelay $0x3  }
0x193: {  	v1 =	vxor.u32 $0x80000000, v1  }
0x194: {  	(xrf0) =	vmax.scan.msk.u32 $0xffff, v1;
	v1 =	vxor.u32 $0x80000000, v2  }
0x195: {  	(xrf0) =	vmax.scan.msk.u32 $0xffff, v1;
	_ =	sdelay $0x4  }
0x196: {  	v1, _, _ =	vpop (xrf0)  }
0x197: {  	(v2sf) =	vpush v1, $0xF;
	v1, _, _ =	vpop (xrf0)  }
0x198: {  	(v2sf) =	vpush v1, $0xF;
	_ =	sdelay $0xd  }
0x199: {  	s1 =	spop (v2sf)  }
0x19a: {  	s6 =	spop (v2sf)  }
0x19b: {  	s9 =	sxor.u32 $0x80000000, s1;
	s8 =	sxor.u32 $0x80000000, s6  }
0x19c: {  	p2 =	sge.s32 s8, s9  }
.Ltmp5:
0x19d: {  	p1 =	sle.u32 s1, s6;
	(pc) =	sbr.rel @p2 .LBB2_12-.Ltmp5, $4  }
0x19e: {  	s7 =	simm.s32 @!p1 $0x1  }
0x19f: {  	_ =	swait.ge @!p1 [sflag:s7], $0x4000  }
0x1a0: {  	[sflag:s7] =	ssyncset.done @!p1 $0x0  }
0x1a1: {  	[sflag:s7] =	ssyncadd.s32 @!p1 $0xFFFFC000  }
0x1a2: {  	s8 =	ssub.s32 s1, s6  }
0x1a3: {  	p2 =	sne.s32 s8, $0x1  }
.Ltmp6:
0x1a4: {  	_ = 	snop;
	(pc) =	sbr.rel @!p2 .LBB2_7-.Ltmp6, $4  }
0x1a5: {  	s7 =	sshll.u32 s6, $0x6  }
0x1a6: {  	s7 =	sshra.s32 s7, $0x2  }
0x1a7: {  	s1 =	sadd.s32 $0xB00, s7;
	v2 =	vld [tilespmem:s7+$0x0]  }
0x1a8: {  	p1 =	por $0x0, $0x0;
	s9 =	sadd.s32 $0xFFFFFFFF, s8;
	s6 =	sadd.s32 $0x2380, s7;
	v1 =	vld [tilespmem:s1+$0x0]  }
0x1a9: {  	_ =	sdelay $0x2  }
0x1aa: {  	v3 =	vshll.u32 v2, $0x3  }
0x1ab: {  	v2 =	vand.u32 $0x7F, v2;
	v3 =	vand.u32 $0xFFFFFC00, v3;
	v4 =	vshll.u32 v1, $0x3  }
0x1ac: {  	v1 =	vand.u32 $0x7F, v1;
	v2 =	vor.u32 v2, v3;
	v3 =	vand.u32 $0xFFFFFC00, v4  }
0x1ad: {  	v1 =	vor.u32 v1, v3  }
0x1ae: {  	v3 =	vor.u32 $0x80, v2  }
0x1af: {  	v52 =	vor.u32 $0x80, v1  }
0x1b0: {  	v5 =	vld [tilespmem:s6+$0x0];
	v6 =	vor.u32 $0x100, v2  }
0x1b1: {  	v8 =	vor.u32 $0x100, v1;
	v7 =	vld.idx.msk [tilespmem:v2+s20+$0x0], $0xffff  }
0x1b2: {  	v10 =	vor.u32 $0x180, v2;
	v9 =	vld.idx.msk [tilespmem:v1+s18+$0x0], $0xffff  }
0x1b3: {  	v11 =	vor.u32 $0x180, v1;
	v3 =	vld.idx.msk [tilespmem:v3+s20+$0x0], $0xffff  }
0x1b4: {  	v12 =	vor.u32 $0x200, v2;
	v4 =	vld.idx.msk [tilespmem:v52+s18+$0x0], $0xffff  }
0x1b5: {  	v13 =	vor.u32 $0x200, v1;
	v6 =	vld.idx.msk [tilespmem:v6+s20+$0x0], $0xffff  }
0x1b6: {  	v14 =	vor.u32 $0x280, v2;
	v8 =	vld.idx.msk [tilespmem:v8+s18+$0x0], $0xffff  }
0x1b7: {  	v15 =	vor.u32 $0x280, v1;
	v10 =	vld.idx.msk [tilespmem:v10+s20+$0x0], $0xffff;
	v7 =	vmul.f32 v9, v7  }
0x1b8: {  	v54 =	vor.u32 $0x300, v2;
	v53 =	vld.idx.msk [tilespmem:v11+s18+$0x0], $0xffff  }
0x1b9: {  	v16 =	vor.u32 $0x300, v1;
	v12 =	vld.idx.msk [tilespmem:v12+s20+$0x0], $0xffff;
	v3 =	vmul.f32 v4, v3;
	v5 =	vadd.f32 v7, v5  }
0x1ba: {  	v2 =	vor.u32 $0x380, v2;
	v55 =	vld.idx.msk [tilespmem:v13+s18+$0x0], $0xffff  }
0x1bb: {  	v56 =	vld.idx.msk [tilespmem:v14+s20+$0x0], $0xffff;
	v1 =	vor.u32 $0x380, v1;
	v57 =	vmul.f32 v8, v6;
	v3 =	vadd.f32 v3, v5  }
0x1bc: {  	v58 =	vld.idx.msk [tilespmem:v15+s18+$0x0], $0xffff  }
0x1bd: {  	v59 =	vld.idx.msk [tilespmem:v54+s20+$0x0], $0xffff;
	v60 =	vmul.f32 v53, v10;
	v3 =	vadd.f32 v57, v3  }
0x1be: {  	v61 =	vld.idx.msk [tilespmem:v16+s18+$0x0], $0xffff  }
0x1bf: {  	v2 =	vld.idx.msk [tilespmem:v2+s20+$0x0], $0xffff;
	v4 =	vmul.f32 v55, v12;
	v3 =	vadd.f32 v60, v3  }
0x1c0: {  	v1 =	vld.idx.msk [tilespmem:v1+s18+$0x0], $0xffff  }
0x1c1: {  	v62 =	vmul.f32 v58, v56;
	v3 =	vadd.f32 v4, v3;
	_ =	sdelay $0x1  }
0x1c2: {  	v63 =	vmul.f32 v61, v59;
	v3 =	vadd.f32 v62, v3;
	_ =	sdelay $0x1  }
0x1c3: {  	v1 =	vmul.f32 v1, v2;
	v3 =	vadd.f32 v63, v3  }
0x1c4: {  	p2 =	sne.s32 s9, $0x1  }
.Ltmp7:
0x1c5: {  	v1 =	vadd.f32 v1, v3;
	(pc) =	sbr.rel @!p2 .LBB2_9-.Ltmp7, $4  }
0x1c6: {  	_ = 	snop  }
0x1c7: {  	s7 =	sadd.s32 $0x10, s7;
	[tilespmem:s6+$0x0] =	vst v1  }
0x1c8: {  	s8 =	sadd.s32 $0x10, s1;
	v2 =	vld [tilespmem:s7+$0x0]  }
0x1c9: {  	s9 =	sadd.s32 $0xFFFFFFFF, s9;
	p1 =	por $0x1, $0x1;
	s1 =	smov.u32 s6;
	v1 =	vld [tilespmem:s8+$0x0]  }
.LBB2_10:
0x1ca: {  	p2 =	sne.s32 s9, $0x1;
	_ =	sdelay $0x2  }
0x1cb: {  	v3 =	vshll.u32 v2, $0x3  }
0x1cc: {  	v2 =	vand.u32 $0x7F, v2;
	v3 =	vand.u32 $0xFFFFFC00, v3;
	v4 =	vshll.u32 v1, $0x3  }
0x1cd: {  	v1 =	vand.u32 $0x7F, v1;
	v2 =	vor.u32 v2, v3;
	v3 =	vand.u32 $0xFFFFFC00, v4  }
0x1ce: {  	v1 =	vor.u32 v1, v3  }
0x1cf: {  	v3 =	vor.u32 $0x80, v2  }
0x1d0: {  	s1 =	sadd.s32 $0x10, s1;
	v4 =	vor.u32 $0x80, v1  }
0x1d1: {  	v6 =	vor.u32 $0x100, v2;
	v5 =	vld [tilespmem:s1+$0x0]  }
0x1d2: {  	v8 =	vor.u32 $0x100, v1;
	v7 =	vld.idx.msk [tilespmem:v2+s20+$0x0], $0xffff  }
0x1d3: {  	v10 =	vor.u32 $0x180, v2;
	v9 =	vld.idx.msk [tilespmem:v1+s18+$0x0], $0xffff  }
0x1d4: {  	v11 =	vor.u32 $0x180, v1;
	v3 =	vld.idx.msk [tilespmem:v3+s20+$0x0], $0xffff  }
0x1d5: {  	v12 =	vor.u32 $0x200, v2;
	v4 =	vld.idx.msk [tilespmem:v4+s18+$0x0], $0xffff  }
0x1d6: {  	v13 =	vor.u32 $0x200, v1;
	v6 =	vld.idx.msk [tilespmem:v6+s20+$0x0], $0xffff  }
0x1d7: {  	v14 =	vor.u32 $0x280, v2;
	v8 =	vld.idx.msk [tilespmem:v8+s18+$0x0], $0xffff  }
0x1d8: {  	v15 =	vor.u32 $0x280, v1;
	v10 =	vld.idx.msk [tilespmem:v10+s20+$0x0], $0xffff  }
0x1d9: {  	v7 =	vmul.f32 v9, v7;
	v9 =	vld.idx.msk [tilespmem:v11+s18+$0x0], $0xffff;
	v11 =	vor.u32 $0x300, v2  }
0x1da: {  	v16 =	vor.u32 $0x300, v1;
	v12 =	vld.idx.msk [tilespmem:v12+s20+$0x0], $0xffff  }
0x1db: {  	v2 =	vor.u32 $0x380, v2;
	v5 =	vadd.f32 v7, v5;
	v3 =	vmul.f32 v4, v3;
	v4 =	vld.idx.msk [tilespmem:v13+s18+$0x0], $0xffff  }
0x1dc: {  	v1 =	vor.u32 $0x380, v1;
	v7 =	vld.idx.msk [tilespmem:v14+s20+$0x0], $0xffff  }
0x1dd: {  	v3 =	vadd.f32 v3, v5;
	v5 =	vmul.f32 v8, v6;
	v6 =	vld.idx.msk [tilespmem:v15+s18+$0x0], $0xffff  }
0x1de: {  	v8 =	vld.idx.msk [tilespmem:v11+s20+$0x0], $0xffff  }
0x1df: {  	v3 =	vadd.f32 v5, v3;
	v5 =	vmul.f32 v9, v10;
	v9 =	vld.idx.msk [tilespmem:v16+s18+$0x0], $0xffff  }
0x1e0: {  	v2 =	vld.idx.msk [tilespmem:v2+s20+$0x0], $0xffff  }
0x1e1: {  	v3 =	vadd.f32 v5, v3;
	v4 =	vmul.f32 v4, v12;
	v1 =	vld.idx.msk [tilespmem:v1+s18+$0x0], $0xffff;
	_ =	sdelay $0x1  }
0x1e2: {  	v3 =	vadd.f32 v4, v3;
	v4 =	vmul.f32 v6, v7;
	_ =	sdelay $0x1  }
0x1e3: {  	v3 =	vadd.f32 v4, v3;
	v4 =	vmul.f32 v9, v8;
	_ =	sdelay $0x1  }
0x1e4: {  	v3 =	vadd.f32 v4, v3;
	v1 =	vmul.f32 v1, v2;
	_ =	sdelay $0x1  }
.Ltmp8:
0x1e5: {  	v1 =	vadd.f32 v1, v3;
	(pc) =	sbr.rel @p2 .LBB2_10-.Ltmp8, $4  }
0x1e6: {  	_ = 	snop  }
0x1e7: {  	s7 =	sadd.s32 $0x10, s7;
	[tilespmem:s1+$0x0] =	vst v1  }
0x1e8: {  	s8 =	sadd.s32 $0x10, s8;
	v2 =	vld [tilespmem:s7+$0x0]  }
0x1e9: {  	s9 =	sadd.s32 $0xFFFFFFFF, s9;
	v1 =	vld [tilespmem:s8+$0x0]  }
.LBB2_11:
0x1ea: {  	_ =	sdelay $0x2  }
0x1eb: {  	v3 =	vshll.u32 v2, $0x3  }
0x1ec: {  	v2 =	vand.u32 $0x7F, v2;
	v3 =	vand.u32 $0xFFFFFC00, v3;
	v4 =	vshll.u32 v1, $0x3  }
0x1ed: {  	v1 =	vand.u32 $0x7F, v1;
	v2 =	vor.u32 v2, v3;
	v3 =	vand.u32 $0xFFFFFC00, v4  }
0x1ee: {  	v1 =	vor.u32 v1, v3  }
0x1ef: {  	s1 =	sadd.s32 @p1 $0x10, s1;
	v3 =	vor.u32 $0x80, v2  }
0x1f0: {  	s6 =	smov.u32 @p1 s1;
	v52 =	vor.u32 $0x80, v1  }
0x1f1: {  	v5 =	vld [tilespmem:s6+$0x0];
	v6 =	vor.u32 $0x100, v2  }
0x1f2: {  	v8 =	vor.u32 $0x100, v1;
	v7 =	vld.idx.msk [tilespmem:v2+s20+$0x0], $0xffff  }
0x1f3: {  	v10 =	vor.u32 $0x180, v2;
	v9 =	vld.idx.msk [tilespmem:v1+s18+$0x0], $0xffff  }
0x1f4: {  	v11 =	vor.u32 $0x180, v1;
	v3 =	vld.idx.msk [tilespmem:v3+s20+$0x0], $0xffff  }
0x1f5: {  	v12 =	vor.u32 $0x200, v2;
	v4 =	vld.idx.msk [tilespmem:v52+s18+$0x0], $0xffff  }
0x1f6: {  	v13 =	vor.u32 $0x200, v1;
	v6 =	vld.idx.msk [tilespmem:v6+s20+$0x0], $0xffff  }
0x1f7: {  	v14 =	vor.u32 $0x280, v2;
	v8 =	vld.idx.msk [tilespmem:v8+s18+$0x0], $0xffff  }
0x1f8: {  	v15 =	vor.u32 $0x280, v1;
	v10 =	vld.idx.msk [tilespmem:v10+s20+$0x0], $0xffff;
	v7 =	vmul.f32 v9, v7  }
0x1f9: {  	v54 =	vor.u32 $0x300, v2;
	v53 =	vld.idx.msk [tilespmem:v11+s18+$0x0], $0xffff  }
0x1fa: {  	v16 =	vor.u32 $0x300, v1;
	v12 =	vld.idx.msk [tilespmem:v12+s20+$0x0], $0xffff;
	v3 =	vmul.f32 v4, v3;
	v5 =	vadd.f32 v7, v5  }
0x1fb: {  	v2 =	vor.u32 $0x380, v2;
	v55 =	vld.idx.msk [tilespmem:v13+s18+$0x0], $0xffff  }
0x1fc: {  	v56 =	vld.idx.msk [tilespmem:v14+s20+$0x0], $0xffff;
	v1 =	vor.u32 $0x380, v1;
	v57 =	vmul.f32 v8, v6;
	v3 =	vadd.f32 v3, v5  }
0x1fd: {  	v58 =	vld.idx.msk [tilespmem:v15+s18+$0x0], $0xffff  }
0x1fe: {  	v59 =	vld.idx.msk [tilespmem:v54+s20+$0x0], $0xffff;
	v60 =	vmul.f32 v53, v10;
	v3 =	vadd.f32 v57, v3  }
0x1ff: {  	v61 =	vld.idx.msk [tilespmem:v16+s18+$0x0], $0xffff  }
0x200: {  	v2 =	vld.idx.msk [tilespmem:v2+s20+$0x0], $0xffff;
	v4 =	vmul.f32 v55, v12;
	v3 =	vadd.f32 v60, v3  }
0x201: {  	v1 =	vld.idx.msk [tilespmem:v1+s18+$0x0], $0xffff  }
0x202: {  	v62 =	vmul.f32 v58, v56;
	v3 =	vadd.f32 v4, v3;
	_ =	sdelay $0x1  }
0x203: {  	v63 =	vmul.f32 v61, v59;
	v3 =	vadd.f32 v62, v3;
	_ =	sdelay $0x1  }
0x204: {  	v1 =	vmul.f32 v1, v2;
	v3 =	vadd.f32 v63, v3;
	_ =	sdelay $0x1  }
0x205: {  	v1 =	vadd.f32 v1, v3;
	_ =	sdelay $0x1  }
0x206: {  	[tilespmem:s6+$0x0] =	vst v1  }
.LBB2_12:
0x207: {  	s1 =	sshll.u32 s29, $0x1  }
0x208: {  	s1 =	sor.u32 s28, s1  }
0x209: {  	s1 =	sadd.s32 $0x2, s1  }
0x20a: {  	s6 =	sshll.u32 s1, $0x4  }
0x20b: {  	s6 =	sand.u32 $0xE0, s6  }
0x20c: {  	v1 =	vld [tilespmem:s6+$0x2210]  }
0x20d: {  	v2 =	vld [tilespmem:s6+$0x2200];
	_ =	sdelay $0x3  }
0x20e: {  	v1 =	vxor.u32 $0x80000000, v1  }
0x20f: {  	(xrf0) =	vmax.scan.msk.u32 $0xffff, v1;
	v1 =	vxor.u32 $0x80000000, v2  }
0x210: {  	(xrf0) =	vmax.scan.msk.u32 $0xffff, v1;
	_ =	sdelay $0x4  }
0x211: {  	v1, _, _ =	vpop (xrf0)  }
0x212: {  	(v2sf) =	vpush v1, $0xF;
	v1, _, _ =	vpop (xrf0)  }
0x213: {  	(v2sf) =	vpush v1, $0xF;
	_ =	sdelay $0xd  }
0x214: {  	s7 =	spop (v2sf)  }
0x215: {  	s8 =	spop (v2sf)  }
0x216: {  	p1 =	sle.u32 s7, s8  }
0x217: {  	v1 =	vld @!p1 [tilespmem:s6+$0x2100];
	_ =	sdelay $0x4  }
0x218: {  	v1 =	vxor.u32 @!p1 $0x80000000, v1  }
0x219: {  	(xrf0) =	vmax.scan.msk.u32 @!p1 $0xffff, v1;
	_ =	sdelay $0x5  }
0x21a: {  	v1, _, _ =	vpop @!p1 (xrf0)  }
0x21b: {  	(v2sf) =	vpush @!p1 v1, $0xF;
	_ =	sdelay $0xe  }
0x21c: {  	s1 =	sshrl.u32 @!p1 s1, $0x4;
	s6 =	spop @!p1 (v2sf)  }
0x21d: {  	s1 =	smul.u32 @!p1 $0x7A1400, s1;
	s6 =	sshll.u32 @!p1 s6, $0x3  }
0x21e: {  	s6 =	sand.u32 @!p1 $0xFFFFFC00, s6  }
0x21f: {  	s1 =	sadd.s32 @!p1 s1, s6  }
0x220: {  	s1 =	sshrl.u32 @!p1 s1, $0x3  }
0x221: {  	s7 =	simm.s32 @!p1 $0x2F00;
	s6 =	simm.s32 @!p1 $0x0;
	s1 =	sadd.s32 @!p1 s0, s1  }
0x222: {  	[tilespmem:s7], [sflag:$0x1] =	stream.linear.gather @!p1 [hbm4b:s1+s6], $0x4000, $0x38;
	[tilespmem:$0x1F380] =	vst v63  }
0x223: {  	v1 =	vld [tilespmem:s2+$0x2220]  }
0x224: {  	v2 =	vld [tilespmem:s31+$0x2200];
	_ =	sdelay $0x3  }
0x225: {  	v1 =	vxor.u32 $0x80000000, v1  }
0x226: {  	(xrf0) =	vmax.scan.msk.u32 $0xffff, v1;
	v1 =	vxor.u32 $0x80000000, v2  }
0x227: {  	(xrf0) =	vmax.scan.msk.u32 $0xffff, v1;
	_ =	sdelay $0x4  }
0x228: {  	v1, _, _ =	vpop (xrf0)  }
0x229: {  	(v2sf) =	vpush v1, $0xF;
	v1, _, _ =	vpop (xrf0)  }
0x22a: {  	(v2sf) =	vpush v1, $0xF;
	_ =	sdelay $0xd  }
0x22b: {  	s1 =	spop (v2sf)  }
0x22c: {  	s2 =	spop (v2sf)  }
0x22d: {  	s31 =	sxor.u32 $0x80000000, s1;
	s9 =	sxor.u32 $0x80000000, s2  }
0x22e: {  	p2 =	sge.s32 s9, s31  }
.Ltmp9:
0x22f: {  	p1 =	sle.u32 s1, s2;
	(pc) =	sbr.rel @p2 .LBB2_19-.Ltmp9, $4  }
0x230: {  	s6 =	simm.s32 @!p1 $0x2  }
0x231: {  	_ =	swait.ge @!p1 [sflag:s6], $0x4000  }
0x232: {  	[sflag:s6] =	ssyncset.done @!p1 $0x0  }
0x233: {  	[sflag:s6] =	ssyncadd.s32 @!p1 $0xFFFFC000  }
0x234: {  	s6 =	sshll.u32 s2, $0x6;
	s7 =	ssub.s32 s1, s2  }
0x235: {  	s6 =	sshra.s32 s6, $0x2;
	p2 =	sne.s32 s7, $0x1  }
.Ltmp10:
0x236: {  	s2 =	sadd.s32 $0xB00, s6;
	v2 =	vld [tilespmem:s6+$0x0];
	(pc) =	sbr.rel @!p2 .LBB2_14-.Ltmp10, $2  }
0x237: {  	v1 =	vld [tilespmem:s2+$0x0];
	_ =	sdelay $0x2  }
0x238: {  	p1 =	por $0x0, $0x0;
	s8 =	sadd.s32 $0xFFFFFFFF, s7;
	s1 =	sadd.s32 $0x2380, s6  }
0x239: {  	v3 =	vshll.u32 v2, $0x3  }
0x23a: {  	v2 =	vand.u32 $0x7F, v2;
	v3 =	vand.u32 $0xFFFFFC00, v3;
	v4 =	vshll.u32 v1, $0x3  }
0x23b: {  	v1 =	vand.u32 $0x7F, v1;
	v2 =	vor.u32 v2, v3;
	v3 =	vand.u32 $0xFFFFFC00, v4  }
0x23c: {  	v1 =	vor.u32 v1, v3  }
0x23d: {  	v3 =	vor.u32 $0x80, v2  }
0x23e: {  	v52 =	vor.u32 $0x80, v1  }
0x23f: {  	v5 =	vld [tilespmem:s1+$0x0];
	v6 =	vor.u32 $0x100, v2  }
0x240: {  	v8 =	vor.u32 $0x100, v1;
	v7 =	vld.idx.msk [tilespmem:v2+s21+$0x0], $0xffff  }
0x241: {  	v10 =	vor.u32 $0x180, v2;
	v9 =	vld.idx.msk [tilespmem:v1+s18+$0x0], $0xffff  }
0x242: {  	v11 =	vor.u32 $0x180, v1;
	v3 =	vld.idx.msk [tilespmem:v3+s21+$0x0], $0xffff  }
0x243: {  	v12 =	vor.u32 $0x200, v2;
	v4 =	vld.idx.msk [tilespmem:v52+s18+$0x0], $0xffff  }
0x244: {  	v13 =	vor.u32 $0x200, v1;
	v6 =	vld.idx.msk [tilespmem:v6+s21+$0x0], $0xffff  }
0x245: {  	v14 =	vor.u32 $0x280, v2;
	v8 =	vld.idx.msk [tilespmem:v8+s18+$0x0], $0xffff  }
0x246: {  	v15 =	vor.u32 $0x280, v1;
	v10 =	vld.idx.msk [tilespmem:v10+s21+$0x0], $0xffff;
	v7 =	vmul.f32 v9, v7  }
0x247: {  	v54 =	vor.u32 $0x300, v2;
	v53 =	vld.idx.msk [tilespmem:v11+s18+$0x0], $0xffff  }
0x248: {  	v16 =	vor.u32 $0x300, v1;
	v12 =	vld.idx.msk [tilespmem:v12+s21+$0x0], $0xffff;
	v3 =	vmul.f32 v4, v3;
	v5 =	vadd.f32 v7, v5  }
0x249: {  	v2 =	vor.u32 $0x380, v2;
	v55 =	vld.idx.msk [tilespmem:v13+s18+$0x0], $0xffff  }
0x24a: {  	v56 =	vld.idx.msk [tilespmem:v14+s21+$0x0], $0xffff;
	v1 =	vor.u32 $0x380, v1;
	v57 =	vmul.f32 v8, v6;
	v3 =	vadd.f32 v3, v5  }
0x24b: {  	v58 =	vld.idx.msk [tilespmem:v15+s18+$0x0], $0xffff  }
0x24c: {  	v59 =	vld.idx.msk [tilespmem:v54+s21+$0x0], $0xffff;
	v60 =	vmul.f32 v53, v10;
	v3 =	vadd.f32 v57, v3  }
0x24d: {  	v61 =	vld.idx.msk [tilespmem:v16+s18+$0x0], $0xffff  }
0x24e: {  	v2 =	vld.idx.msk [tilespmem:v2+s21+$0x0], $0xffff;
	v4 =	vmul.f32 v55, v12;
	v3 =	vadd.f32 v60, v3  }
0x24f: {  	v1 =	vld.idx.msk [tilespmem:v1+s18+$0x0], $0xffff  }
0x250: {  	v62 =	vmul.f32 v58, v56;
	v3 =	vadd.f32 v4, v3;
	_ =	sdelay $0x1  }
0x251: {  	v63 =	vmul.f32 v61, v59;
	v3 =	vadd.f32 v62, v3;
	_ =	sdelay $0x1  }
0x252: {  	v1 =	vmul.f32 v1, v2;
	v3 =	vadd.f32 v63, v3;
	_ =	sdelay $0x1  }
0x253: {  	v1 =	vadd.f32 v1, v3;
	_ =	sdelay $0x1  }
0x254: {  	s6 =	sadd.s32 $0x10, s6;
	p2 =	sne.s32 s8, $0x1;
	[tilespmem:s1+$0x0] =	vst v1  }
.Ltmp11:
0x255: {  	s7 =	sadd.s32 $0x10, s2;
	v2 =	vld [tilespmem:s6+$0x0];
	(pc) =	sbr.rel @!p2 .LBB2_16-.Ltmp11, $2  }
0x256: {  	v1 =	vld [tilespmem:s7+$0x0];
	_ =	sdelay $0x2  }
0x257: {  	s8 =	sadd.s32 $0xFFFFFFFF, s8;
	p1 =	por $0x1, $0x1;
	s2 =	smov.u32 s1  }
.LBB2_17:
0x258: {  	p2 =	sne.s32 s8, $0x1;
	_ =	sdelay $0x2  }
0x259: {  	v3 =	vshll.u32 v2, $0x3  }
0x25a: {  	v2 =	vand.u32 $0x7F, v2;
	v4 =	vshll.u32 v1, $0x3;
	v3 =	vand.u32 $0xFFFFFC00, v3  }
0x25b: {  	v1 =	vand.u32 $0x7F, v1;
	v2 =	vor.u32 v2, v3;
	v3 =	vand.u32 $0xFFFFFC00, v4  }
0x25c: {  	v1 =	vor.u32 v1, v3  }
0x25d: {  	v3 =	vor.u32 $0x80, v2  }
0x25e: {  	s2 =	sadd.s32 $0x10, s2;
	v4 =	vor.u32 $0x80, v1  }
0x25f: {  	v6 =	vor.u32 $0x100, v2;
	v5 =	vld [tilespmem:s2+$0x0]  }
0x260: {  	v8 =	vor.u32 $0x100, v1;
	v7 =	vld.idx.msk [tilespmem:v2+s21+$0x0], $0xffff  }
0x261: {  	v10 =	vor.u32 $0x180, v2;
	v9 =	vld.idx.msk [tilespmem:v1+s18+$0x0], $0xffff  }
0x262: {  	v11 =	vor.u32 $0x180, v1;
	v3 =	vld.idx.msk [tilespmem:v3+s21+$0x0], $0xffff  }
0x263: {  	v12 =	vor.u32 $0x200, v2;
	v4 =	vld.idx.msk [tilespmem:v4+s18+$0x0], $0xffff  }
0x264: {  	v13 =	vor.u32 $0x200, v1;
	v6 =	vld.idx.msk [tilespmem:v6+s21+$0x0], $0xffff  }
0x265: {  	v14 =	vor.u32 $0x280, v2;
	v8 =	vld.idx.msk [tilespmem:v8+s18+$0x0], $0xffff  }
0x266: {  	v15 =	vor.u32 $0x280, v1;
	v10 =	vld.idx.msk [tilespmem:v10+s21+$0x0], $0xffff  }
0x267: {  	v7 =	vmul.f32 v9, v7;
	v9 =	vld.idx.msk [tilespmem:v11+s18+$0x0], $0xffff;
	v11 =	vor.u32 $0x300, v2  }
0x268: {  	v16 =	vor.u32 $0x300, v1;
	v12 =	vld.idx.msk [tilespmem:v12+s21+$0x0], $0xffff  }
0x269: {  	v2 =	vor.u32 $0x380, v2;
	v5 =	vadd.f32 v7, v5;
	v3 =	vmul.f32 v4, v3;
	v4 =	vld.idx.msk [tilespmem:v13+s18+$0x0], $0xffff  }
0x26a: {  	v1 =	vor.u32 $0x380, v1;
	v7 =	vld.idx.msk [tilespmem:v14+s21+$0x0], $0xffff  }
0x26b: {  	v3 =	vadd.f32 v3, v5;
	v5 =	vmul.f32 v8, v6;
	v6 =	vld.idx.msk [tilespmem:v15+s18+$0x0], $0xffff  }
0x26c: {  	v8 =	vld.idx.msk [tilespmem:v11+s21+$0x0], $0xffff  }
0x26d: {  	v3 =	vadd.f32 v5, v3;
	v5 =	vmul.f32 v9, v10;
	v9 =	vld.idx.msk [tilespmem:v16+s18+$0x0], $0xffff  }
0x26e: {  	v2 =	vld.idx.msk [tilespmem:v2+s21+$0x0], $0xffff  }
0x26f: {  	v3 =	vadd.f32 v5, v3;
	v4 =	vmul.f32 v4, v12;
	v1 =	vld.idx.msk [tilespmem:v1+s18+$0x0], $0xffff;
	_ =	sdelay $0x1  }
0x270: {  	v3 =	vadd.f32 v4, v3;
	v4 =	vmul.f32 v6, v7;
	_ =	sdelay $0x1  }
0x271: {  	v3 =	vadd.f32 v4, v3;
	v4 =	vmul.f32 v9, v8;
	_ =	sdelay $0x1  }
0x272: {  	v3 =	vadd.f32 v4, v3;
	v1 =	vmul.f32 v1, v2;
	_ =	sdelay $0x1  }
.Ltmp12:
0x273: {  	v1 =	vadd.f32 v1, v3;
	(pc) =	sbr.rel @p2 .LBB2_17-.Ltmp12, $4  }
0x274: {  	_ = 	snop  }
0x275: {  	s6 =	sadd.s32 $0x10, s6;
	[tilespmem:s2+$0x0] =	vst v1  }
0x276: {  	s7 =	sadd.s32 $0x10, s7;
	v2 =	vld [tilespmem:s6+$0x0]  }
0x277: {  	s8 =	sadd.s32 $0xFFFFFFFF, s8;
	v1 =	vld [tilespmem:s7+$0x0]  }
.Ltmp13:
0x278: {  	_ = 	snop;
	(pc) =	sbr.rel .LBB2_18-.Ltmp13, $1  }
0x279: {  	_ =	sdelay $0x3  }
.LBB2_7:
.Ltmp14:
0x27a: {  	(pc) =	sbr.rel .LBB2_11-.Ltmp14, $2  }
0x27b: {  	_ =	sdelay $0x2  }
0x27c: {  	s1 =	smov.u32 s6  }
.LBB2_9:
.Ltmp15:
0x27d: {  	(pc) =	sbr.rel .LBB2_11-.Ltmp15, $2  }
0x27e: {  	_ =	sdelay $0x2  }
0x27f: {  	s1 =	smov.u32 s6  }
.LBB2_16:
.Ltmp16:
0x280: {  	(pc) =	sbr.rel .LBB2_18-.Ltmp16, $2  }
0x281: {  	_ =	sdelay $0x2  }
0x282: {  	s2 =	smov.u32 s1  }
.LBB2_20:
0x283: {  	s6 =	simm.s32 $0x4  }
0x284: {  	p1 =	seq.s32 s22, $0x3;
	_ =	swait.ge [sflag:s6], $0x8000  }
0x285: {  	s1 =	sshll.u32 @!p1 s22, $0x10;
	[sflag:s6] =	ssyncset.done $0x0  }
0x286: {  	s1 =	sand.u32 @!p1 $0x3FFF0000, s1;
	s2 =	rddreg [dreg:$0x4]  }
0x287: {  	s30 =	sor.u32 s10, s26;
	s1 =	sadd.s32 @!p1 s1, s2  }
0x288: {  	[sflag:s6] =	ssyncadd.s32 $0xFFFF8000;
	s2 =	simm.s32 @!p1 $0xAF00;
	s1 =	sadd.s32 @!p1 $0x10000, s1  }
0x289: {  	[tilespmem:s2], [sflag:$0x3] =	stream.linear.gather @!p1 [spmem:s1], $0x8000, $0x38;
	[tilespmem:$0x1F380] =	vst v63  }
0x28a: {  	s31 =	rddreg [dreg:$0x3];
	s1 =	sshrl.u32 s30, $0x3  }
0x28b: {  	s26 =	simm.s32 $0x0;
	s6 =	simm.s32 $0x1EF00;
	s1 =	sadd.s32 s31, s1  }
0x28c: {  	[tilespmem:s6], [sflag:$0x5] =	stream.linear.gather [hbm4b:s1+s26], $0x400, $0x38;
	[tilespmem:$0x1F380] =	vst v63  }
0x28d: {  	_ =	swait.ge [sflag:s17], $0x400  }
0x28e: {  	[sflag:s17] =	ssyncset.done $0x0  }
0x28f: {  	[sflag:s17] =	ssyncadd.s32 $0xFFFFFC00  }
0x290: {  	v1 =	vld [tilespmem:$0x2E80]  }
0x291: {  	v2 =	vld [tilespmem:s10+$0x12F00]  }
0x292: {  	s7 =	rddreg [dreg:$0xb];
	v3 =	vld [tilespmem:$0x1EF00]  }
0x293: {  	v4 =	vld [tilespmem:s7+$0x12F00]  }
0x294: {  	s8 =	rddreg [dreg:$0xc];
	v5 =	vld [tilespmem:$0x1EF80]  }
0x295: {  	v6 =	vld [tilespmem:s8+$0x12F00]  }
0x296: {  	v7 =	vld [tilespmem:$0x1F000]  }
0x297: {  	s9 =	rddreg [dreg:$0xd];
	v8 =	vld [tilespmem:$0x1F080];
	v2 =	vmul.f32 v3, v2  }
0x298: {  	s28 =	rddreg [dreg:$0xe];
	v3 =	vld [tilespmem:s9+$0x12F00]  }
0x299: {  	v25 =	vld [tilespmem:s28+$0x12F00];
	v1 =	vadd.f32 v2, v1;
	v2 =	vmul.f32 v5, v4  }
0x29a: {  	s29 =	rddreg [dreg:$0xf];
	v26 =	vld [tilespmem:$0x1F100]  }
0x29b: {  	v27 =	vld [tilespmem:s29+$0x12F00];
	v1 =	vadd.f32 v2, v1;
	v2 =	vmul.f32 v7, v6  }
0x29c: {  	v28 =	vld [tilespmem:$0x1F180]  }
0x29d: {  	s30 =	rddreg [dreg:$0x10];
	v29 =	vld [tilespmem:$0x1F200];
	v1 =	vadd.f32 v2, v1;
	v2 =	vmul.f32 v8, v3  }
0x29e: {  	s31 =	rddreg [dreg:$0x11];
	v3 =	vld [tilespmem:s30+$0x12F00]  }
0x29f: {  	v30 =	vld [tilespmem:s31+$0x12F00];
	v1 =	vadd.f32 v2, v1;
	v2 =	vmul.f32 v26, v25  }
0x2a0: {  	v31 =	vld [tilespmem:$0x1F280]  }
0x2a1: {  	v1 =	vadd.f32 v2, v1;
	v2 =	vmul.f32 v28, v27;
	_ =	sdelay $0x1  }
0x2a2: {  	v1 =	vadd.f32 v2, v1;
	v2 =	vmul.f32 v29, v3;
	_ =	sdelay $0x1  }
0x2a3: {  	v1 =	vadd.f32 v2, v1;
	v2 =	vmul.f32 v31, v30;
	_ =	sdelay $0x1  }
0x2a4: {  	v1 =	vadd.f32 v2, v1  }
0x2a5: {  	v33 =	vld [tilespmem:$0x1EF90]  }
0x2a6: {  	s2 =	rddreg [dreg:$0x12];
	v3 =	vld [tilespmem:$0x1EF10];
	[tilespmem:$0x2E80] =	vst v1  }
0x2a7: {  	v2 =	vld [tilespmem:s2+$0x12F00]  }
0x2a8: {  	s6 =	rddreg [dreg:$0x13];
	v1 =	vld [tilespmem:$0x2E90]  }
0x2a9: {  	v32 =	vld [tilespmem:s6+$0x12F00]  }
0x2aa: {  	s7 =	rddreg [dreg:$0x14];
	v35 =	vld [tilespmem:$0x1F010]  }
0x2ab: {  	v34 =	vld [tilespmem:s7+$0x12F00]  }
0x2ac: {  	s8 =	rddreg [dreg:$0x15];
	v36 =	vld [tilespmem:$0x1F090];
	v2 =	vmul.f32 v3, v2  }
0x2ad: {  	v3 =	vld [tilespmem:s8+$0x12F00]  }
0x2ae: {  	v38 =	vld [tilespmem:$0x1F110];
	s9 =	rddreg [dreg:$0x16];
	v1 =	vadd.f32 v2, v1;
	v2 =	vmul.f32 v33, v32  }
0x2af: {  	v37 =	vld [tilespmem:s9+$0x12F00]  }
0x2b0: {  	s28 =	rddreg [dreg:$0x19];
	v40 =	vld [tilespmem:$0x1F190];
	v1 =	vadd.f32 v2, v1;
	v2 =	vmul.f32 v35, v34  }
0x2b1: {  	v39 =	vld [tilespmem:s28+$0x12F00]  }
0x2b2: {  	s29 =	rddreg [dreg:$0x1a];
	v41 =	vld [tilespmem:$0x1F210];
	v1 =	vadd.f32 v2, v1;
	v2 =	vmul.f32 v36, v3  }
0x2b3: {  	v3 =	vld [tilespmem:s29+$0x12F00]  }
0x2b4: {  	v43 =	vld [tilespmem:$0x1F290];
	s30 =	rddreg [dreg:$0x1b];
	v1 =	vadd.f32 v2, v1;
	v2 =	vmul.f32 v38, v37  }
0x2b5: {  	v42 =	vld [tilespmem:s30+$0x12F00]  }
0x2b6: {  	v1 =	vadd.f32 v2, v1;
	v2 =	vmul.f32 v40, v39;
	_ =	sdelay $0x1  }
0x2b7: {  	v1 =	vadd.f32 v2, v1;
	v2 =	vmul.f32 v41, v3;
	_ =	sdelay $0x1  }
0x2b8: {  	v1 =	vadd.f32 v2, v1;
	v2 =	vmul.f32 v43, v42;
	_ =	sdelay $0x1  }
0x2b9: {  	v1 =	vadd.f32 v2, v1  }
0x2ba: {  	v45 =	vld [tilespmem:$0x1EFA0]  }
0x2bb: {  	s31 =	rddreg [dreg:$0x1c];
	v3 =	vld [tilespmem:$0x1EF20];
	[tilespmem:$0x2E90] =	vst v1  }
0x2bc: {  	v2 =	vld [tilespmem:s31+$0x12F00]  }
0x2bd: {  	s2 =	rddreg [dreg:$0x1d];
	v1 =	vld [tilespmem:$0x2EA0]  }
0x2be: {  	v44 =	vld [tilespmem:s2+$0x12F00]  }
0x2bf: {  	v47 =	vld [tilespmem:$0x1F020];
	s6 =	rddreg [dreg:$0x1e]  }
0x2c0: {  	s7 =	rddreg [dreg:$0x1f];
	v46 =	vld [tilespmem:s6+$0x12F00]  }
0x2c1: {  	v48 =	vld [tilespmem:$0x1F0A0];
	s8 =	sld [smem:$0x7DD];
	v2 =	vmul.f32 v3, v2  }
0x2c2: {  	v3 =	vld [tilespmem:s7+$0x12F00]  }
0x2c3: {  	v50 =	vld [tilespmem:$0x1F120];
	s9 =	sld [smem:$0x7DE];
	v1 =	vadd.f32 v2, v1;
	v2 =	vmul.f32 v45, v44  }
0x2c4: {  	v49 =	vld [tilespmem:s8+$0x12F00]  }
0x2c5: {  	v52 =	vld [tilespmem:$0x1F1A0];
	s28 =	sld [smem:$0x7DF];
	v1 =	vadd.f32 v2, v1;
	v2 =	vmul.f32 v47, v46  }
0x2c6: {  	v51 =	vld [tilespmem:s9+$0x12F00]  }
0x2c7: {  	v53 =	vld [tilespmem:$0x1F220];
	s29 =	sld [smem:$0x7E0];
	v1 =	vadd.f32 v2, v1;
	v2 =	vmul.f32 v48, v3  }
0x2c8: {  	v3 =	vld [tilespmem:s28+$0x12F00]  }
0x2c9: {  	v55 =	vld [tilespmem:$0x1F2A0];
	v1 =	vadd.f32 v2, v1;
	v2 =	vmul.f32 v50, v49  }
0x2ca: {  	v54 =	vld [tilespmem:s29+$0x12F00]  }
0x2cb: {  	v1 =	vadd.f32 v2, v1;
	v2 =	vmul.f32 v52, v51;
	_ =	sdelay $0x1  }
0x2cc: {  	v1 =	vadd.f32 v2, v1;
	v2 =	vmul.f32 v53, v3;
	_ =	sdelay $0x1  }
0x2cd: {  	v1 =	vadd.f32 v2, v1;
	v2 =	vmul.f32 v55, v54;
	_ =	sdelay $0x1  }
0x2ce: {  	s30 =	sld [smem:$0x7E1];
	v1 =	vadd.f32 v2, v1  }
0x2cf: {  	v57 =	vld [tilespmem:$0x1EFB0]  }
0x2d0: {  	s31 =	sld [smem:$0x7E2];
	v3 =	vld [tilespmem:$0x1EF30];
	[tilespmem:$0x2EA0] =	vst v1  }
0x2d1: {  	v2 =	vld [tilespmem:s30+$0x12F00]  }
0x2d2: {  	s2 =	sld [smem:$0x7E3];
	v1 =	vld [tilespmem:$0x2EB0]  }
0x2d3: {  	v56 =	vld [tilespmem:s31+$0x12F00]  }
0x2d4: {  	v59 =	vld [tilespmem:$0x1F030];
	s6 =	sld [smem:$0x7E4]  }
0x2d5: {  	v58 =	vld [tilespmem:s2+$0x12F00]  }
0x2d6: {  	v60 =	vld [tilespmem:$0x1F0B0];
	s7 =	sld [smem:$0x7E5];
	v2 =	vmul.f32 v3, v2  }
0x2d7: {  	v3 =	vld [tilespmem:s6+$0x12F00]  }
0x2d8: {  	v62 =	vld [tilespmem:$0x1F130];
	s8 =	sld [smem:$0x7E6];
	v1 =	vadd.f32 v2, v1;
	v2 =	vmul.f32 v57, v56  }
0x2d9: {  	v61 =	vld [tilespmem:s7+$0x12F00]  }
0x2da: {  	v12 =	vld [tilespmem:$0x1F1B0];
	s9 =	sld [smem:$0x7E7];
	v1 =	vadd.f32 v2, v1;
	v2 =	vmul.f32 v59, v58  }
0x2db: {  	v63 =	vld [tilespmem:s8+$0x12F00]  }
0x2dc: {  	v13 =	vld [tilespmem:$0x1F230];
	s28 =	sld [smem:$0x7E8];
	v1 =	vadd.f32 v2, v1;
	v2 =	vmul.f32 v60, v3  }
0x2dd: {  	v3 =	vld [tilespmem:s9+$0x12F00]  }
0x2de: {  	v15 =	vld [tilespmem:$0x1F2B0];
	v1 =	vadd.f32 v2, v1;
	v2 =	vmul.f32 v62, v61  }
0x2df: {  	v14 =	vld [tilespmem:s28+$0x12F00]  }
0x2e0: {  	v1 =	vadd.f32 v2, v1;
	v2 =	vmul.f32 v12, v63;
	_ =	sdelay $0x1  }
0x2e1: {  	v1 =	vadd.f32 v2, v1;
	v2 =	vmul.f32 v13, v3;
	_ =	sdelay $0x1  }
0x2e2: {  	v1 =	vadd.f32 v2, v1;
	v2 =	vmul.f32 v15, v14;
	_ =	sdelay $0x1  }
0x2e3: {  	s29 =	sld [smem:$0x7E9];
	v1 =	vadd.f32 v2, v1  }
0x2e4: {  	v17 =	vld [tilespmem:$0x1EFC0]  }
0x2e5: {  	s30 =	sld [smem:$0x7EA];
	v3 =	vld [tilespmem:$0x1EF40];
	[tilespmem:$0x2EB0] =	vst v1  }
0x2e6: {  	v2 =	vld [tilespmem:s29+$0x12F00]  }
0x2e7: {  	s31 =	sld [smem:$0x7EB];
	v1 =	vld [tilespmem:$0x2EC0]  }
0x2e8: {  	v16 =	vld [tilespmem:s30+$0x12F00]  }
0x2e9: {  	v19 =	vld [tilespmem:$0x1F040];
	s2 =	sld [smem:$0x7EC]  }
0x2ea: {  	v18 =	vld [tilespmem:s31+$0x12F00]  }
0x2eb: {  	v20 =	vld [tilespmem:$0x1F0C0];
	s6 =	sld [smem:$0x7ED];
	v2 =	vmul.f32 v3, v2  }
0x2ec: {  	v3 =	vld [tilespmem:s2+$0x12F00]  }
0x2ed: {  	v22 =	vld [tilespmem:$0x1F140];
	s7 =	sld [smem:$0x7EE];
	v1 =	vadd.f32 v2, v1;
	v2 =	vmul.f32 v17, v16  }
0x2ee: {  	v21 =	vld [tilespmem:s6+$0x12F00]  }
0x2ef: {  	v24 =	vld [tilespmem:$0x1F1C0];
	s8 =	sld [smem:$0x7EF];
	v1 =	vadd.f32 v2, v1;
	v2 =	vmul.f32 v19, v18  }
0x2f0: {  	v23 =	vld [tilespmem:s7+$0x12F00]  }
0x2f1: {  	v25 =	vld [tilespmem:$0x1F240];
	s9 =	sld [smem:$0x7F0];
	v1 =	vadd.f32 v2, v1;
	v2 =	vmul.f32 v20, v3  }
0x2f2: {  	v3 =	vld [tilespmem:s8+$0x12F00]  }
0x2f3: {  	v27 =	vld [tilespmem:$0x1F2C0];
	v1 =	vadd.f32 v2, v1;
	v2 =	vmul.f32 v22, v21  }
0x2f4: {  	v26 =	vld [tilespmem:s9+$0x12F00]  }
0x2f5: {  	v1 =	vadd.f32 v2, v1;
	v2 =	vmul.f32 v24, v23;
	_ =	sdelay $0x1  }
0x2f6: {  	v1 =	vadd.f32 v2, v1;
	v2 =	vmul.f32 v25, v3;
	_ =	sdelay $0x1  }
0x2f7: {  	v1 =	vadd.f32 v2, v1;
	v2 =	vmul.f32 v27, v26;
	_ =	sdelay $0x1  }
0x2f8: {  	s28 =	sld [smem:$0x7F1];
	v1 =	vadd.f32 v2, v1  }
0x2f9: {  	v29 =	vld [tilespmem:$0x1EFD0]  }
0x2fa: {  	s29 =	sld [smem:$0x7F2];
	v3 =	vld [tilespmem:$0x1EF50];
	[tilespmem:$0x2EC0] =	vst v1  }
0x2fb: {  	v2 =	vld [tilespmem:s28+$0x12F00]  }
0x2fc: {  	s30 =	sld [smem:$0x7F3];
	v1 =	vld [tilespmem:$0x2ED0]  }
0x2fd: {  	v28 =	vld [tilespmem:s29+$0x12F00]  }
0x2fe: {  	v31 =	vld [tilespmem:$0x1F050];
	s31 =	sld [smem:$0x7F4]  }
0x2ff: {  	v30 =	vld [tilespmem:s30+$0x12F00]  }
0x300: {  	v32 =	vld [tilespmem:$0x1F0D0];
	s2 =	sld [smem:$0x7F5];
	v2 =	vmul.f32 v3, v2  }
0x301: {  	v3 =	vld [tilespmem:s31+$0x12F00]  }
0x302: {  	v34 =	vld [tilespmem:$0x1F150];
	s6 =	sld [smem:$0x7F6];
	v1 =	vadd.f32 v2, v1;
	v2 =	vmul.f32 v29, v28  }
0x303: {  	v33 =	vld [tilespmem:s2+$0x12F00]  }
0x304: {  	v36 =	vld [tilespmem:$0x1F1D0];
	s7 =	sld [smem:$0x7F7];
	v1 =	vadd.f32 v2, v1;
	v2 =	vmul.f32 v31, v30  }
0x305: {  	v35 =	vld [tilespmem:s6+$0x12F00]  }
0x306: {  	v37 =	vld [tilespmem:$0x1F250];
	s8 =	sld [smem:$0x7F8];
	v1 =	vadd.f32 v2, v1;
	v2 =	vmul.f32 v32, v3  }
0x307: {  	v3 =	vld [tilespmem:s7+$0x12F00]  }
0x308: {  	v39 =	vld [tilespmem:$0x1F2D0];
	v1 =	vadd.f32 v2, v1;
	v2 =	vmul.f32 v34, v33  }
0x309: {  	v38 =	vld [tilespmem:s8+$0x12F00]  }
0x30a: {  	v1 =	vadd.f32 v2, v1;
	v2 =	vmul.f32 v36, v35;
	_ =	sdelay $0x1  }
0x30b: {  	v1 =	vadd.f32 v2, v1;
	v2 =	vmul.f32 v37, v3;
	_ =	sdelay $0x1  }
0x30c: {  	v1 =	vadd.f32 v2, v1;
	v2 =	vmul.f32 v39, v38;
	_ =	sdelay $0x1  }
0x30d: {  	s9 =	sld [smem:$0x7F9];
	v1 =	vadd.f32 v2, v1  }
0x30e: {  	v41 =	vld [tilespmem:$0x1EFE0]  }
0x30f: {  	s28 =	sld [smem:$0x7FA];
	v3 =	vld [tilespmem:$0x1EF60];
	[tilespmem:$0x2ED0] =	vst v1  }
0x310: {  	v2 =	vld [tilespmem:s9+$0x12F00]  }
0x311: {  	s29 =	sld [smem:$0x7FB];
	v1 =	vld [tilespmem:$0x2EE0]  }
0x312: {  	v40 =	vld [tilespmem:s28+$0x12F00]  }
0x313: {  	v43 =	vld [tilespmem:$0x1F060];
	s30 =	sld [smem:$0x7FC]  }
0x314: {  	v42 =	vld [tilespmem:s29+$0x12F00]  }
0x315: {  	v44 =	vld [tilespmem:$0x1F0E0];
	s31 =	sld [smem:$0x7FD];
	v2 =	vmul.f32 v3, v2  }
0x316: {  	v3 =	vld [tilespmem:s30+$0x12F00]  }
0x317: {  	v46 =	vld [tilespmem:$0x1F160];
	v1 =	vadd.f32 v2, v1;
	v2 =	vmul.f32 v41, v40  }
0x318: {  	v45 =	vld [tilespmem:s31+$0x12F00]  }
0x319: {  	v48 =	vld [tilespmem:$0x1F1E0];
	v1 =	vadd.f32 v2, v1;
	v2 =	vmul.f32 v43, v42  }
0x31a: {  	v47 =	vld [tilespmem:s11+$0x12F00]  }
0x31b: {  	v49 =	vld [tilespmem:$0x1F260];
	v1 =	vadd.f32 v2, v1;
	v2 =	vmul.f32 v44, v3  }
0x31c: {  	v3 =	vld [tilespmem:s24+$0x12F00]  }
0x31d: {  	v51 =	vld [tilespmem:$0x1F2E0];
	v1 =	vadd.f32 v2, v1;
	v2 =	vmul.f32 v46, v45  }
0x31e: {  	v50 =	vld [tilespmem:s25+$0x12F00]  }
0x31f: {  	v1 =	vadd.f32 v2, v1;
	v2 =	vmul.f32 v48, v47;
	_ =	sdelay $0x1  }
0x320: {  	v1 =	vadd.f32 v2, v1;
	v2 =	vmul.f32 v49, v3;
	_ =	sdelay $0x1  }
0x321: {  	v1 =	vadd.f32 v2, v1;
	v2 =	vmul.f32 v51, v50;
	_ =	sdelay $0x1  }
0x322: {  	v1 =	vadd.f32 v2, v1  }
0x323: {  	v53 =	vld [tilespmem:$0x1EFF0]  }
0x324: {  	v3 =	vld [tilespmem:$0x1EF70];
	[tilespmem:$0x2EE0] =	vst v1  }
0x325: {  	v2 =	vld [tilespmem:s5+$0x12F00]  }
0x326: {  	v1 =	vld [tilespmem:$0x2EF0]  }
0x327: {  	v52 =	vld [tilespmem:s3+$0x12F00]  }
0x328: {  	v55 =	vld [tilespmem:$0x1F070]  }
0x329: {  	v54 =	vld [tilespmem:s4+$0x12F00]  }
0x32a: {  	v56 =	vld [tilespmem:$0x1F0F0];
	v2 =	vmul.f32 v3, v2  }
0x32b: {  	v3 =	vld [tilespmem:s12+$0x12F00]  }
0x32c: {  	v58 =	vld [tilespmem:$0x1F170];
	v1 =	vadd.f32 v2, v1;
	v2 =	vmul.f32 v53, v52  }
0x32d: {  	v57 =	vld [tilespmem:s13+$0x12F00]  }
0x32e: {  	v60 =	vld [tilespmem:$0x1F1F0];
	v1 =	vadd.f32 v2, v1;
	v2 =	vmul.f32 v55, v54  }
0x32f: {  	v59 =	vld [tilespmem:s14+$0x12F00]  }
0x330: {  	v61 =	vld [tilespmem:$0x1F270];
	v1 =	vadd.f32 v2, v1;
	v2 =	vmul.f32 v56, v3  }
0x331: {  	v3 =	vld [tilespmem:s15+$0x12F00]  }
0x332: {  	v63 =	vld [tilespmem:$0x1F2F0];
	v1 =	vadd.f32 v2, v1;
	v2 =	vmul.f32 v58, v57  }
0x333: {  	v62 =	vld [tilespmem:s16+$0x12F00]  }
0x334: {  	v1 =	vadd.f32 v2, v1;
	v2 =	vmul.f32 v60, v59;
	_ =	sdelay $0x1  }
0x335: {  	v1 =	vadd.f32 v2, v1;
	v2 =	vmul.f32 v61, v3;
	_ =	sdelay $0x1  }
.Ltmp17:
0x336: {  	v1 =	vadd.f32 v2, v1;
	v2 =	vmul.f32 v63, v62;
	(pc) =	sbr.rel .LBB2_21-.Ltmp17, $3  }
0x337: {  	_ = 	snop  }
0x338: {  	v1 =	vadd.f32 v2, v1;
	_ =	sdelay $0x1  }
0x339: {  	s23 =	sshll.u32 s23, $0x4;
	[tilespmem:$0x2EF0] =	vst v1  }
.LBB2_30:
0x33a: {  	s2 =	smov.u32 s1  }
.LBB2_34:
0x33b: {  	v3 =	vshll.u32 v2, $0x3  }
0x33c: {  	v2 =	vand.u32 $0x7F, v2;
	v4 =	vshll.u32 v1, $0x3;
	v3 =	vand.u32 $0xFFFFFC00, v3  }
0x33d: {  	v1 =	vand.u32 $0x7F, v1;
	v2 =	vor.u32 v2, v3;
	v3 =	vand.u32 $0xFFFFFC00, v4  }
0x33e: {  	v1 =	vor.u32 v1, v3  }
0x33f: {  	s2 =	sadd.s32 @p1 $0x10, s2;
	v3 =	vor.u32 $0x80, v2  }
0x340: {  	s1 =	smov.u32 @p1 s2;
	v52 =	vor.u32 $0x80, v1  }
0x341: {  	v5 =	vld [tilespmem:s1+$0x0];
	v6 =	vor.u32 $0x100, v2  }
0x342: {  	v8 =	vor.u32 $0x100, v1;
	v7 =	vld.idx.msk [tilespmem:v2+s21+$0x0], $0xffff  }
0x343: {  	v10 =	vor.u32 $0x180, v2;
	v9 =	vld.idx.msk [tilespmem:v1+s19+$0x0], $0xffff  }
0x344: {  	v11 =	vor.u32 $0x180, v1;
	v3 =	vld.idx.msk [tilespmem:v3+s21+$0x0], $0xffff  }
0x345: {  	v12 =	vor.u32 $0x200, v2;
	v4 =	vld.idx.msk [tilespmem:v52+s19+$0x0], $0xffff  }
0x346: {  	v13 =	vor.u32 $0x200, v1;
	v6 =	vld.idx.msk [tilespmem:v6+s21+$0x0], $0xffff  }
0x347: {  	v14 =	vor.u32 $0x280, v2;
	v8 =	vld.idx.msk [tilespmem:v8+s19+$0x0], $0xffff  }
0x348: {  	v15 =	vor.u32 $0x280, v1;
	v10 =	vld.idx.msk [tilespmem:v10+s21+$0x0], $0xffff;
	v7 =	vmul.f32 v9, v7  }
0x349: {  	v54 =	vor.u32 $0x300, v2;
	v53 =	vld.idx.msk [tilespmem:v11+s19+$0x0], $0xffff  }
0x34a: {  	v16 =	vor.u32 $0x300, v1;
	v12 =	vld.idx.msk [tilespmem:v12+s21+$0x0], $0xffff;
	v3 =	vmul.f32 v4, v3;
	v5 =	vadd.f32 v7, v5  }
0x34b: {  	v2 =	vor.u32 $0x380, v2;
	v55 =	vld.idx.msk [tilespmem:v13+s19+$0x0], $0xffff  }
0x34c: {  	v56 =	vld.idx.msk [tilespmem:v14+s21+$0x0], $0xffff;
	v1 =	vor.u32 $0x380, v1;
	v57 =	vmul.f32 v8, v6;
	v3 =	vadd.f32 v3, v5  }
0x34d: {  	v58 =	vld.idx.msk [tilespmem:v15+s19+$0x0], $0xffff  }
0x34e: {  	v59 =	vld.idx.msk [tilespmem:v54+s21+$0x0], $0xffff;
	v60 =	vmul.f32 v53, v10;
	v3 =	vadd.f32 v57, v3  }
0x34f: {  	v61 =	vld.idx.msk [tilespmem:v16+s19+$0x0], $0xffff  }
0x350: {  	v2 =	vld.idx.msk [tilespmem:v2+s21+$0x0], $0xffff;
	v4 =	vmul.f32 v55, v12;
	v3 =	vadd.f32 v60, v3  }
0x351: {  	v1 =	vld.idx.msk [tilespmem:v1+s19+$0x0], $0xffff  }
0x352: {  	v62 =	vmul.f32 v58, v56;
	v3 =	vadd.f32 v4, v3;
	_ =	sdelay $0x1  }
0x353: {  	v63 =	vmul.f32 v61, v59;
	v3 =	vadd.f32 v62, v3;
	_ =	sdelay $0x1  }
0x354: {  	v1 =	vmul.f32 v1, v2;
	v3 =	vadd.f32 v63, v3;
	_ =	sdelay $0x1  }
0x355: {  	v1 =	vadd.f32 v1, v3;
	_ =	sdelay $0x1  }
0x356: {  	[tilespmem:s1+$0x0] =	vst v1  }
.LBB2_35:
0x357: {  	s1 =	sor.u32 s23, s28  }
0x358: {  	s2 =	sadd.s32 $0x2, s1;
	p1 =	sgt.u32 s1, $0x7D  }
0x359: {  	s1 =	sshll.u32 @!p1 s2, $0x4  }
0x35a: {  	s1 =	sand.u32 @!p1 $0xF0, s1  }
0x35b: {  	v1 =	vld @!p1 [tilespmem:s1+$0x2210]  }
0x35c: {  	v2 =	vld @!p1 [tilespmem:s1+$0x2200];
	_ =	sdelay $0x3  }
0x35d: {  	v1 =	vxor.u32 @!p1 $0x80000000, v1  }
0x35e: {  	(xrf0) =	vmax.scan.msk.u32 @!p1 $0xffff, v1;
	v1 =	vxor.u32 @!p1 $0x80000000, v2  }
0x35f: {  	(xrf0) =	vmax.scan.msk.u32 @!p1 $0xffff, v1;
	_ =	sdelay $0x4  }
0x360: {  	v1, _, _ =	vpop @!p1 (xrf0)  }
0x361: {  	(v2sf) =	vpush @!p1 v1, $0xF;
	v1, _, _ =	vpop @!p1 (xrf0)  }
0x362: {  	(v2sf) =	vpush @!p1 v1, $0xF;
	_ =	sdelay $0xd  }
0x363: {  	s6 =	spop @!p1 (v2sf)  }
0x364: {  	s7 =	spop @!p1 (v2sf)  }
0x365: {  	p2 =	sle.u32 @!p1 s6, s7  }
0x366: {  	p1 =	por p2, p1  }
0x367: {  	v1 =	vld @!p1 [tilespmem:s1+$0x2100];
	_ =	sdelay $0x4  }
0x368: {  	v1 =	vxor.u32 @!p1 $0x80000000, v1  }
0x369: {  	(xrf0) =	vmax.scan.msk.u32 @!p1 $0xffff, v1;
	_ =	sdelay $0x5  }
0x36a: {  	v1, _, _ =	vpop @!p1 (xrf0)  }
0x36b: {  	(v2sf) =	vpush @!p1 v1, $0xF;
	_ =	sdelay $0xe  }
0x36c: {  	s1 =	sshrl.u32 @!p1 s2, $0x4;
	s2 =	spop @!p1 (v2sf)  }
0x36d: {  	s1 =	smul.u32 @!p1 $0x7A1400, s1;
	s2 =	sshll.u32 @!p1 s2, $0x3  }
0x36e: {  	s2 =	sand.u32 @!p1 $0xFFFFFC00, s2  }
0x36f: {  	s1 =	sadd.s32 @!p1 s1, s2  }
0x370: {  	s26 =	sadd.s32 $0x1, s26;
	s1 =	sshrl.u32 @!p1 s1, $0x3  }
0x371: {  	s6 =	simm.s32 @!p1 $0x6F00;
	s2 =	simm.s32 @!p1 $0x0;
	s1 =	sadd.s32 @!p1 s0, s1  }
0x372: {  	[tilespmem:s6], [sflag:$0x2] =	stream.linear.gather @!p1 [hbm4b:s1+s2], $0x4000, $0x38;
	[tilespmem:$0x1F380] =	vst v63  }
0x373: {  	p1 =	sne.s32 s26, $0x8  }
.Ltmp18:
0x374: {  	_ = 	snop;
	(pc) =	sbr.rel @!p1 .LBB2_36-.Ltmp18, $1  }
0x375: {  	_ =	sdelay $0x3  }
.LBB2_21:
0x376: {  	s28 =	sshllo.u32 s26, $0x1  }
0x377: {  	s1 =	sshll.u32 s28, $0x6  }
0x378: {  	s31 =	sshll.u32 s26, $0x5;
	s29 =	sshrl.u32 s1, $0x2  }
0x379: {  	s30 =	sand.u32 $0x3FFFFFE0, s31;
	v1 =	vld [tilespmem:s29+$0x2200]  }
0x37a: {  	v2 =	vld [tilespmem:s30+$0x2200];
	_ =	sdelay $0x3  }
0x37b: {  	v1 =	vxor.u32 $0x80000000, v1  }
0x37c: {  	(xrf0) =	vmax.scan.msk.u32 $0xffff, v1;
	v1 =	vxor.u32 $0x80000000, v2  }
0x37d: {  	(xrf0) =	vmax.scan.msk.u32 $0xffff, v1;
	_ =	sdelay $0x4  }
0x37e: {  	v1, _, _ =	vpop (xrf0)  }
0x37f: {  	(v2sf) =	vpush v1, $0xF;
	v1, _, _ =	vpop (xrf0)  }
0x380: {  	(v2sf) =	vpush v1, $0xF;
	_ =	sdelay $0xd  }
0x381: {  	s1 =	spop (v2sf)  }
0x382: {  	s2 =	spop (v2sf)  }
0x383: {  	s8 =	sxor.u32 $0x80000000, s1;
	s7 =	sxor.u32 $0x80000000, s2  }
0x384: {  	p2 =	sge.s32 s7, s8  }
.Ltmp19:
0x385: {  	p1 =	sle.u32 s1, s2;
	(pc) =	sbr.rel @p2 .LBB2_28-.Ltmp19, $4  }
0x386: {  	s6 =	simm.s32 @!p1 $0x1  }
0x387: {  	_ =	swait.ge @!p1 [sflag:s6], $0x4000  }
0x388: {  	[sflag:s6] =	ssyncset.done @!p1 $0x0  }
0x389: {  	[sflag:s6] =	ssyncadd.s32 @!p1 $0xFFFFC000  }
0x38a: {  	s7 =	ssub.s32 s1, s2  }
0x38b: {  	p2 =	sne.s32 s7, $0x1  }
.Ltmp20:
0x38c: {  	_ = 	snop;
	(pc) =	sbr.rel @!p2 .LBB2_23-.Ltmp20, $4  }
0x38d: {  	s6 =	sshll.u32 s2, $0x6  }
0x38e: {  	s6 =	sshra.s32 s6, $0x2  }
0x38f: {  	s2 =	sadd.s32 $0xB00, s6;
	v2 =	vld [tilespmem:s6+$0x0]  }
0x390: {  	p1 =	por $0x0, $0x0;
	s8 =	sadd.s32 $0xFFFFFFFF, s7;
	s1 =	sadd.s32 $0x2380, s6;
	v1 =	vld [tilespmem:s2+$0x0]  }
0x391: {  	_ =	sdelay $0x2  }
0x392: {  	v3 =	vshll.u32 v2, $0x3  }
0x393: {  	v2 =	vand.u32 $0x7F, v2;
	v3 =	vand.u32 $0xFFFFFC00, v3;
	v4 =	vshll.u32 v1, $0x3  }
0x394: {  	v1 =	vand.u32 $0x7F, v1;
	v2 =	vor.u32 v2, v3;
	v3 =	vand.u32 $0xFFFFFC00, v4  }
0x395: {  	v1 =	vor.u32 v1, v3  }
0x396: {  	v3 =	vor.u32 $0x80, v2  }
0x397: {  	v52 =	vor.u32 $0x80, v1  }
0x398: {  	v5 =	vld [tilespmem:s1+$0x0];
	v6 =	vor.u32 $0x100, v2  }
0x399: {  	v8 =	vor.u32 $0x100, v1;
	v7 =	vld.idx.msk [tilespmem:v2+s20+$0x0], $0xffff  }
0x39a: {  	v10 =	vor.u32 $0x180, v2;
	v9 =	vld.idx.msk [tilespmem:v1+s19+$0x0], $0xffff  }
0x39b: {  	v11 =	vor.u32 $0x180, v1;
	v3 =	vld.idx.msk [tilespmem:v3+s20+$0x0], $0xffff  }
0x39c: {  	v12 =	vor.u32 $0x200, v2;
	v4 =	vld.idx.msk [tilespmem:v52+s19+$0x0], $0xffff  }
0x39d: {  	v13 =	vor.u32 $0x200, v1;
	v6 =	vld.idx.msk [tilespmem:v6+s20+$0x0], $0xffff  }
0x39e: {  	v14 =	vor.u32 $0x280, v2;
	v8 =	vld.idx.msk [tilespmem:v8+s19+$0x0], $0xffff  }
0x39f: {  	v15 =	vor.u32 $0x280, v1;
	v10 =	vld.idx.msk [tilespmem:v10+s20+$0x0], $0xffff;
	v7 =	vmul.f32 v9, v7  }
0x3a0: {  	v54 =	vor.u32 $0x300, v2;
	v53 =	vld.idx.msk [tilespmem:v11+s19+$0x0], $0xffff  }
0x3a1: {  	v16 =	vor.u32 $0x300, v1;
	v12 =	vld.idx.msk [tilespmem:v12+s20+$0x0], $0xffff;
	v3 =	vmul.f32 v4, v3;
	v5 =	vadd.f32 v7, v5  }
0x3a2: {  	v2 =	vor.u32 $0x380, v2;
	v55 =	vld.idx.msk [tilespmem:v13+s19+$0x0], $0xffff  }
0x3a3: {  	v56 =	vld.idx.msk [tilespmem:v14+s20+$0x0], $0xffff;
	v1 =	vor.u32 $0x380, v1;
	v57 =	vmul.f32 v8, v6;
	v3 =	vadd.f32 v3, v5  }
0x3a4: {  	v58 =	vld.idx.msk [tilespmem:v15+s19+$0x0], $0xffff  }
0x3a5: {  	v59 =	vld.idx.msk [tilespmem:v54+s20+$0x0], $0xffff;
	v60 =	vmul.f32 v53, v10;
	v3 =	vadd.f32 v57, v3  }
0x3a6: {  	v61 =	vld.idx.msk [tilespmem:v16+s19+$0x0], $0xffff  }
0x3a7: {  	v2 =	vld.idx.msk [tilespmem:v2+s20+$0x0], $0xffff;
	v4 =	vmul.f32 v55, v12;
	v3 =	vadd.f32 v60, v3  }
0x3a8: {  	v1 =	vld.idx.msk [tilespmem:v1+s19+$0x0], $0xffff  }
0x3a9: {  	v62 =	vmul.f32 v58, v56;
	v3 =	vadd.f32 v4, v3;
	_ =	sdelay $0x1  }
0x3aa: {  	v63 =	vmul.f32 v61, v59;
	v3 =	vadd.f32 v62, v3;
	_ =	sdelay $0x1  }
0x3ab: {  	v1 =	vmul.f32 v1, v2;
	v3 =	vadd.f32 v63, v3  }
0x3ac: {  	p2 =	sne.s32 s8, $0x1  }
.Ltmp21:
0x3ad: {  	v1 =	vadd.f32 v1, v3;
	(pc) =	sbr.rel @!p2 .LBB2_25-.Ltmp21, $4  }
0x3ae: {  	_ = 	snop  }
0x3af: {  	s6 =	sadd.s32 $0x10, s6;
	[tilespmem:s1+$0x0] =	vst v1  }
0x3b0: {  	s7 =	sadd.s32 $0x10, s2;
	v2 =	vld [tilespmem:s6+$0x0]  }
0x3b1: {  	s8 =	sadd.s32 $0xFFFFFFFF, s8;
	p1 =	por $0x1, $0x1;
	s2 =	smov.u32 s1;
	v1 =	vld [tilespmem:s7+$0x0]  }
.LBB2_26:
0x3b2: {  	p2 =	sne.s32 s8, $0x1;
	_ =	sdelay $0x2  }
0x3b3: {  	v3 =	vshll.u32 v2, $0x3  }
0x3b4: {  	v2 =	vand.u32 $0x7F, v2;
	v3 =	vand.u32 $0xFFFFFC00, v3;
	v4 =	vshll.u32 v1, $0x3  }
0x3b5: {  	v1 =	vand.u32 $0x7F, v1;
	v2 =	vor.u32 v2, v3;
	v3 =	vand.u32 $0xFFFFFC00, v4  }
0x3b6: {  	v1 =	vor.u32 v1, v3  }
0x3b7: {  	v3 =	vor.u32 $0x80, v2  }
0x3b8: {  	s2 =	sadd.s32 $0x10, s2;
	v4 =	vor.u32 $0x80, v1  }
0x3b9: {  	v6 =	vor.u32 $0x100, v2;
	v5 =	vld [tilespmem:s2+$0x0]  }
0x3ba: {  	v8 =	vor.u32 $0x100, v1;
	v7 =	vld.idx.msk [tilespmem:v2+s20+$0x0], $0xffff  }
0x3bb: {  	v10 =	vor.u32 $0x180, v2;
	v9 =	vld.idx.msk [tilespmem:v1+s19+$0x0], $0xffff  }
0x3bc: {  	v11 =	vor.u32 $0x180, v1;
	v3 =	vld.idx.msk [tilespmem:v3+s20+$0x0], $0xffff  }
0x3bd: {  	v12 =	vor.u32 $0x200, v2;
	v4 =	vld.idx.msk [tilespmem:v4+s19+$0x0], $0xffff  }
0x3be: {  	v13 =	vor.u32 $0x200, v1;
	v6 =	vld.idx.msk [tilespmem:v6+s20+$0x0], $0xffff  }
0x3bf: {  	v14 =	vor.u32 $0x280, v2;
	v8 =	vld.idx.msk [tilespmem:v8+s19+$0x0], $0xffff  }
0x3c0: {  	v15 =	vor.u32 $0x280, v1;
	v10 =	vld.idx.msk [tilespmem:v10+s20+$0x0], $0xffff  }
0x3c1: {  	v7 =	vmul.f32 v9, v7;
	v9 =	vld.idx.msk [tilespmem:v11+s19+$0x0], $0xffff;
	v11 =	vor.u32 $0x300, v2  }
0x3c2: {  	v16 =	vor.u32 $0x300, v1;
	v12 =	vld.idx.msk [tilespmem:v12+s20+$0x0], $0xffff  }
0x3c3: {  	v2 =	vor.u32 $0x380, v2;
	v5 =	vadd.f32 v7, v5;
	v3 =	vmul.f32 v4, v3;
	v4 =	vld.idx.msk [tilespmem:v13+s19+$0x0], $0xffff  }
0x3c4: {  	v1 =	vor.u32 $0x380, v1;
	v7 =	vld.idx.msk [tilespmem:v14+s20+$0x0], $0xffff  }
0x3c5: {  	v3 =	vadd.f32 v3, v5;
	v5 =	vmul.f32 v8, v6;
	v6 =	vld.idx.msk [tilespmem:v15+s19+$0x0], $0xffff  }
0x3c6: {  	v8 =	vld.idx.msk [tilespmem:v11+s20+$0x0], $0xffff  }
0x3c7: {  	v3 =	vadd.f32 v5, v3;
	v5 =	vmul.f32 v9, v10;
	v9 =	vld.idx.msk [tilespmem:v16+s19+$0x0], $0xffff  }
0x3c8: {  	v2 =	vld.idx.msk [tilespmem:v2+s20+$0x0], $0xffff  }
0x3c9: {  	v3 =	vadd.f32 v5, v3;
	v4 =	vmul.f32 v4, v12;
	v1 =	vld.idx.msk [tilespmem:v1+s19+$0x0], $0xffff;
	_ =	sdelay $0x1  }
0x3ca: {  	v3 =	vadd.f32 v4, v3;
	v4 =	vmul.f32 v6, v7;
	_ =	sdelay $0x1  }
0x3cb: {  	v3 =	vadd.f32 v4, v3;
	v4 =	vmul.f32 v9, v8;
	_ =	sdelay $0x1  }
0x3cc: {  	v3 =	vadd.f32 v4, v3;
	v1 =	vmul.f32 v1, v2;
	_ =	sdelay $0x1  }
.Ltmp22:
0x3cd: {  	v1 =	vadd.f32 v1, v3;
	(pc) =	sbr.rel @p2 .LBB2_26-.Ltmp22, $4  }
0x3ce: {  	_ = 	snop  }
0x3cf: {  	s6 =	sadd.s32 $0x10, s6;
	[tilespmem:s2+$0x0] =	vst v1  }
0x3d0: {  	s7 =	sadd.s32 $0x10, s7;
	v2 =	vld [tilespmem:s6+$0x0]  }
0x3d1: {  	s8 =	sadd.s32 $0xFFFFFFFF, s8;
	v1 =	vld [tilespmem:s7+$0x0]  }
.LBB2_27:
0x3d2: {  	_ =	sdelay $0x2  }
0x3d3: {  	v3 =	vshll.u32 v2, $0x3  }
0x3d4: {  	v2 =	vand.u32 $0x7F, v2;
	v3 =	vand.u32 $0xFFFFFC00, v3;
	v4 =	vshll.u32 v1, $0x3  }
0x3d5: {  	v1 =	vand.u32 $0x7F, v1;
	v2 =	vor.u32 v2, v3;
	v3 =	vand.u32 $0xFFFFFC00, v4  }
0x3d6: {  	v1 =	vor.u32 v1, v3  }
0x3d7: {  	s2 =	sadd.s32 @p1 $0x10, s2;
	v3 =	vor.u32 $0x80, v2  }
0x3d8: {  	s1 =	smov.u32 @p1 s2;
	v52 =	vor.u32 $0x80, v1  }
0x3d9: {  	v5 =	vld [tilespmem:s1+$0x0];
	v6 =	vor.u32 $0x100, v2  }
0x3da: {  	v8 =	vor.u32 $0x100, v1;
	v7 =	vld.idx.msk [tilespmem:v2+s20+$0x0], $0xffff  }
0x3db: {  	v10 =	vor.u32 $0x180, v2;
	v9 =	vld.idx.msk [tilespmem:v1+s19+$0x0], $0xffff  }
0x3dc: {  	v11 =	vor.u32 $0x180, v1;
	v3 =	vld.idx.msk [tilespmem:v3+s20+$0x0], $0xffff  }
0x3dd: {  	v12 =	vor.u32 $0x200, v2;
	v4 =	vld.idx.msk [tilespmem:v52+s19+$0x0], $0xffff  }
0x3de: {  	v13 =	vor.u32 $0x200, v1;
	v6 =	vld.idx.msk [tilespmem:v6+s20+$0x0], $0xffff  }
0x3df: {  	v14 =	vor.u32 $0x280, v2;
	v8 =	vld.idx.msk [tilespmem:v8+s19+$0x0], $0xffff  }
0x3e0: {  	v15 =	vor.u32 $0x280, v1;
	v10 =	vld.idx.msk [tilespmem:v10+s20+$0x0], $0xffff;
	v7 =	vmul.f32 v9, v7  }
0x3e1: {  	v54 =	vor.u32 $0x300, v2;
	v53 =	vld.idx.msk [tilespmem:v11+s19+$0x0], $0xffff  }
0x3e2: {  	v16 =	vor.u32 $0x300, v1;
	v12 =	vld.idx.msk [tilespmem:v12+s20+$0x0], $0xffff;
	v3 =	vmul.f32 v4, v3;
	v5 =	vadd.f32 v7, v5  }
0x3e3: {  	v2 =	vor.u32 $0x380, v2;
	v55 =	vld.idx.msk [tilespmem:v13+s19+$0x0], $0xffff  }
0x3e4: {  	v56 =	vld.idx.msk [tilespmem:v14+s20+$0x0], $0xffff;
	v1 =	vor.u32 $0x380, v1;
	v57 =	vmul.f32 v8, v6;
	v3 =	vadd.f32 v3, v5  }
0x3e5: {  	v58 =	vld.idx.msk [tilespmem:v15+s19+$0x0], $0xffff  }
0x3e6: {  	v59 =	vld.idx.msk [tilespmem:v54+s20+$0x0], $0xffff;
	v60 =	vmul.f32 v53, v10;
	v3 =	vadd.f32 v57, v3  }
0x3e7: {  	v61 =	vld.idx.msk [tilespmem:v16+s19+$0x0], $0xffff  }
0x3e8: {  	v2 =	vld.idx.msk [tilespmem:v2+s20+$0x0], $0xffff;
	v4 =	vmul.f32 v55, v12;
	v3 =	vadd.f32 v60, v3  }
0x3e9: {  	v1 =	vld.idx.msk [tilespmem:v1+s19+$0x0], $0xffff  }
0x3ea: {  	v62 =	vmul.f32 v58, v56;
	v3 =	vadd.f32 v4, v3;
	_ =	sdelay $0x1  }
0x3eb: {  	v63 =	vmul.f32 v61, v59;
	v3 =	vadd.f32 v62, v3;
	_ =	sdelay $0x1  }
0x3ec: {  	v1 =	vmul.f32 v1, v2;
	v3 =	vadd.f32 v63, v3;
	_ =	sdelay $0x1  }
0x3ed: {  	v1 =	vadd.f32 v1, v3;
	_ =	sdelay $0x1  }
0x3ee: {  	[tilespmem:s1+$0x0] =	vst v1  }
.LBB2_28:
0x3ef: {  	s1 =	sshll.u32 s26, $0x1  }
0x3f0: {  	s1 =	sor.u32 s23, s1  }
0x3f1: {  	s2 =	sadd.s32 $0x2, s1;
	p1 =	sgt.u32 s1, $0x7D  }
0x3f2: {  	s1 =	sshll.u32 @!p1 s2, $0x4  }
0x3f3: {  	s1 =	sand.u32 @!p1 $0xE0, s1  }
0x3f4: {  	v1 =	vld @!p1 [tilespmem:s1+$0x2210]  }
0x3f5: {  	v2 =	vld @!p1 [tilespmem:s1+$0x2200];
	_ =	sdelay $0x3  }
0x3f6: {  	v1 =	vxor.u32 @!p1 $0x80000000, v1  }
0x3f7: {  	(xrf0) =	vmax.scan.msk.u32 @!p1 $0xffff, v1;
	v1 =	vxor.u32 @!p1 $0x80000000, v2  }
0x3f8: {  	(xrf0) =	vmax.scan.msk.u32 @!p1 $0xffff, v1;
	_ =	sdelay $0x4  }
0x3f9: {  	v1, _, _ =	vpop @!p1 (xrf0)  }
0x3fa: {  	(v2sf) =	vpush @!p1 v1, $0xF;
	v1, _, _ =	vpop @!p1 (xrf0)  }
0x3fb: {  	(v2sf) =	vpush @!p1 v1, $0xF;
	_ =	sdelay $0xd  }
0x3fc: {  	s6 =	spop @!p1 (v2sf)  }
0x3fd: {  	s7 =	spop @!p1 (v2sf)  }
0x3fe: {  	p2 =	sle.u32 @!p1 s6, s7  }
0x3ff: {  	p1 =	por p2, p1  }
0x400: {  	v1 =	vld @!p1 [tilespmem:s1+$0x2100];
	_ =	sdelay $0x4  }
0x401: {  	v1 =	vxor.u32 @!p1 $0x80000000, v1  }
0x402: {  	(xrf0) =	vmax.scan.msk.u32 @!p1 $0xffff, v1;
	_ =	sdelay $0x5  }
0x403: {  	v1, _, _ =	vpop @!p1 (xrf0)  }
0x404: {  	(v2sf) =	vpush @!p1 v1, $0xF;
	_ =	sdelay $0xe  }
0x405: {  	s1 =	sshrl.u32 @!p1 s2, $0x4;
	s2 =	spop @!p1 (v2sf)  }
0x406: {  	s1 =	smul.u32 @!p1 $0x7A1400, s1;
	s2 =	sshll.u32 @!p1 s2, $0x3  }
0x407: {  	s2 =	sand.u32 @!p1 $0xFFFFFC00, s2  }
0x408: {  	s1 =	sadd.s32 @!p1 s1, s2  }
0x409: {  	s1 =	sshrl.u32 @!p1 s1, $0x3  }
0x40a: {  	s6 =	simm.s32 @!p1 $0x2F00;
	s2 =	simm.s32 @!p1 $0x0;
	s1 =	sadd.s32 @!p1 s0, s1  }
0x40b: {  	[tilespmem:s6], [sflag:$0x1] =	stream.linear.gather @!p1 [hbm4b:s1+s2], $0x4000, $0x38;
	[tilespmem:$0x1F380] =	vst v63  }
0x40c: {  	v1 =	vld [tilespmem:s30+$0x2220]  }
0x40d: {  	v2 =	vld [tilespmem:s29+$0x2200];
	_ =	sdelay $0x3  }
0x40e: {  	v1 =	vxor.u32 $0x80000000, v1  }
0x40f: {  	(xrf0) =	vmax.scan.msk.u32 $0xffff, v1;
	v1 =	vxor.u32 $0x80000000, v2  }
0x410: {  	(xrf0) =	vmax.scan.msk.u32 $0xffff, v1;
	_ =	sdelay $0x4  }
0x411: {  	v1, _, _ =	vpop (xrf0)  }
0x412: {  	(v2sf) =	vpush v1, $0xF;
	v1, _, _ =	vpop (xrf0)  }
0x413: {  	(v2sf) =	vpush v1, $0xF;
	_ =	sdelay $0xd  }
0x414: {  	s1 =	spop (v2sf)  }
0x415: {  	s2 =	spop (v2sf)  }
0x416: {  	s8 =	sxor.u32 $0x80000000, s1;
	s31 =	sxor.u32 $0x80000000, s2  }
0x417: {  	p2 =	sge.s32 s31, s8  }
.Ltmp23:
0x418: {  	p1 =	sle.u32 s1, s2;
	(pc) =	sbr.rel @p2 .LBB2_35-.Ltmp23, $4  }
0x419: {  	s6 =	simm.s32 @!p1 $0x2  }
0x41a: {  	_ =	swait.ge @!p1 [sflag:s6], $0x4000  }
0x41b: {  	[sflag:s6] =	ssyncset.done @!p1 $0x0  }
0x41c: {  	[sflag:s6] =	ssyncadd.s32 @!p1 $0xFFFFC000  }
0x41d: {  	s6 =	sshll.u32 s2, $0x6;
	s7 =	ssub.s32 s1, s2  }
0x41e: {  	s6 =	sshra.s32 s6, $0x2;
	p2 =	sne.s32 s7, $0x1  }
.Ltmp24:
0x41f: {  	s2 =	sadd.s32 $0xB00, s6;
	v2 =	vld [tilespmem:s6+$0x0];
	(pc) =	sbr.rel @!p2 .LBB2_30-.Ltmp24, $2  }
0x420: {  	v1 =	vld [tilespmem:s2+$0x0];
	_ =	sdelay $0x2  }
0x421: {  	p1 =	por $0x0, $0x0;
	s8 =	sadd.s32 $0xFFFFFFFF, s7;
	s1 =	sadd.s32 $0x2380, s6  }
0x422: {  	v3 =	vshll.u32 v2, $0x3  }
0x423: {  	v2 =	vand.u32 $0x7F, v2;
	v3 =	vand.u32 $0xFFFFFC00, v3;
	v4 =	vshll.u32 v1, $0x3  }
0x424: {  	v1 =	vand.u32 $0x7F, v1;
	v2 =	vor.u32 v2, v3;
	v3 =	vand.u32 $0xFFFFFC00, v4  }
0x425: {  	v1 =	vor.u32 v1, v3  }
0x426: {  	v3 =	vor.u32 $0x80, v2  }
0x427: {  	v52 =	vor.u32 $0x80, v1  }
0x428: {  	v5 =	vld [tilespmem:s1+$0x0];
	v6 =	vor.u32 $0x100, v2  }
0x429: {  	v8 =	vor.u32 $0x100, v1;
	v7 =	vld.idx.msk [tilespmem:v2+s21+$0x0], $0xffff  }
0x42a: {  	v10 =	vor.u32 $0x180, v2;
	v9 =	vld.idx.msk [tilespmem:v1+s19+$0x0], $0xffff  }
0x42b: {  	v11 =	vor.u32 $0x180, v1;
	v3 =	vld.idx.msk [tilespmem:v3+s21+$0x0], $0xffff  }
0x42c: {  	v12 =	vor.u32 $0x200, v2;
	v4 =	vld.idx.msk [tilespmem:v52+s19+$0x0], $0xffff  }
0x42d: {  	v13 =	vor.u32 $0x200, v1;
	v6 =	vld.idx.msk [tilespmem:v6+s21+$0x0], $0xffff  }
0x42e: {  	v14 =	vor.u32 $0x280, v2;
	v8 =	vld.idx.msk [tilespmem:v8+s19+$0x0], $0xffff  }
0x42f: {  	v15 =	vor.u32 $0x280, v1;
	v10 =	vld.idx.msk [tilespmem:v10+s21+$0x0], $0xffff;
	v7 =	vmul.f32 v9, v7  }
0x430: {  	v54 =	vor.u32 $0x300, v2;
	v53 =	vld.idx.msk [tilespmem:v11+s19+$0x0], $0xffff  }
0x431: {  	v16 =	vor.u32 $0x300, v1;
	v12 =	vld.idx.msk [tilespmem:v12+s21+$0x0], $0xffff;
	v3 =	vmul.f32 v4, v3;
	v5 =	vadd.f32 v7, v5  }
0x432: {  	v2 =	vor.u32 $0x380, v2;
	v55 =	vld.idx.msk [tilespmem:v13+s19+$0x0], $0xffff  }
0x433: {  	v56 =	vld.idx.msk [tilespmem:v14+s21+$0x0], $0xffff;
	v1 =	vor.u32 $0x380, v1;
	v57 =	vmul.f32 v8, v6;
	v3 =	vadd.f32 v3, v5  }
0x434: {  	v58 =	vld.idx.msk [tilespmem:v15+s19+$0x0], $0xffff  }
0x435: {  	v59 =	vld.idx.msk [tilespmem:v54+s21+$0x0], $0xffff;
	v60 =	vmul.f32 v53, v10;
	v3 =	vadd.f32 v57, v3  }
0x436: {  	v61 =	vld.idx.msk [tilespmem:v16+s19+$0x0], $0xffff  }
0x437: {  	v2 =	vld.idx.msk [tilespmem:v2+s21+$0x0], $0xffff;
	v4 =	vmul.f32 v55, v12;
	v3 =	vadd.f32 v60, v3  }
0x438: {  	v1 =	vld.idx.msk [tilespmem:v1+s19+$0x0], $0xffff  }
0x439: {  	v62 =	vmul.f32 v58, v56;
	v3 =	vadd.f32 v4, v3;
	_ =	sdelay $0x1  }
0x43a: {  	v63 =	vmul.f32 v61, v59;
	v3 =	vadd.f32 v62, v3;
	_ =	sdelay $0x1  }
0x43b: {  	v1 =	vmul.f32 v1, v2;
	v3 =	vadd.f32 v63, v3;
	_ =	sdelay $0x1  }
0x43c: {  	v1 =	vadd.f32 v1, v3;
	_ =	sdelay $0x1  }
0x43d: {  	s6 =	sadd.s32 $0x10, s6;
	p2 =	sne.s32 s8, $0x1;
	[tilespmem:s1+$0x0] =	vst v1  }
.Ltmp25:
0x43e: {  	s7 =	sadd.s32 $0x10, s2;
	v2 =	vld [tilespmem:s6+$0x0];
	(pc) =	sbr.rel @!p2 .LBB2_32-.Ltmp25, $2  }
0x43f: {  	v1 =	vld [tilespmem:s7+$0x0];
	_ =	sdelay $0x2  }
0x440: {  	s8 =	sadd.s32 $0xFFFFFFFF, s8;
	p1 =	por $0x1, $0x1;
	s2 =	smov.u32 s1  }
.LBB2_33:
0x441: {  	p2 =	sne.s32 s8, $0x1;
	_ =	sdelay $0x2  }
0x442: {  	v3 =	vshll.u32 v2, $0x3  }
0x443: {  	v2 =	vand.u32 $0x7F, v2;
	v4 =	vshll.u32 v1, $0x3;
	v3 =	vand.u32 $0xFFFFFC00, v3  }
0x444: {  	v1 =	vand.u32 $0x7F, v1;
	v2 =	vor.u32 v2, v3;
	v3 =	vand.u32 $0xFFFFFC00, v4  }
0x445: {  	v1 =	vor.u32 v1, v3  }
0x446: {  	v3 =	vor.u32 $0x80, v2  }
0x447: {  	s2 =	sadd.s32 $0x10, s2;
	v4 =	vor.u32 $0x80, v1  }
0x448: {  	v6 =	vor.u32 $0x100, v2;
	v5 =	vld [tilespmem:s2+$0x0]  }
0x449: {  	v8 =	vor.u32 $0x100, v1;
	v7 =	vld.idx.msk [tilespmem:v2+s21+$0x0], $0xffff  }
0x44a: {  	v10 =	vor.u32 $0x180, v2;
	v9 =	vld.idx.msk [tilespmem:v1+s19+$0x0], $0xffff  }
0x44b: {  	v11 =	vor.u32 $0x180, v1;
	v3 =	vld.idx.msk [tilespmem:v3+s21+$0x0], $0xffff  }
0x44c: {  	v12 =	vor.u32 $0x200, v2;
	v4 =	vld.idx.msk [tilespmem:v4+s19+$0x0], $0xffff  }
0x44d: {  	v13 =	vor.u32 $0x200, v1;
	v6 =	vld.idx.msk [tilespmem:v6+s21+$0x0], $0xffff  }
0x44e: {  	v14 =	vor.u32 $0x280, v2;
	v8 =	vld.idx.msk [tilespmem:v8+s19+$0x0], $0xffff  }
0x44f: {  	v15 =	vor.u32 $0x280, v1;
	v10 =	vld.idx.msk [tilespmem:v10+s21+$0x0], $0xffff  }
0x450: {  	v7 =	vmul.f32 v9, v7;
	v9 =	vld.idx.msk [tilespmem:v11+s19+$0x0], $0xffff;
	v11 =	vor.u32 $0x300, v2  }
0x451: {  	v16 =	vor.u32 $0x300, v1;
	v12 =	vld.idx.msk [tilespmem:v12+s21+$0x0], $0xffff  }
0x452: {  	v2 =	vor.u32 $0x380, v2;
	v5 =	vadd.f32 v7, v5;
	v3 =	vmul.f32 v4, v3;
	v4 =	vld.idx.msk [tilespmem:v13+s19+$0x0], $0xffff  }
0x453: {  	v1 =	vor.u32 $0x380, v1;
	v7 =	vld.idx.msk [tilespmem:v14+s21+$0x0], $0xffff  }
0x454: {  	v3 =	vadd.f32 v3, v5;
	v5 =	vmul.f32 v8, v6;
	v6 =	vld.idx.msk [tilespmem:v15+s19+$0x0], $0xffff  }
0x455: {  	v8 =	vld.idx.msk [tilespmem:v11+s21+$0x0], $0xffff  }
0x456: {  	v3 =	vadd.f32 v5, v3;
	v5 =	vmul.f32 v9, v10;
	v9 =	vld.idx.msk [tilespmem:v16+s19+$0x0], $0xffff  }
0x457: {  	v2 =	vld.idx.msk [tilespmem:v2+s21+$0x0], $0xffff  }
0x458: {  	v3 =	vadd.f32 v5, v3;
	v4 =	vmul.f32 v4, v12;
	v1 =	vld.idx.msk [tilespmem:v1+s19+$0x0], $0xffff;
	_ =	sdelay $0x1  }
0x459: {  	v3 =	vadd.f32 v4, v3;
	v4 =	vmul.f32 v6, v7;
	_ =	sdelay $0x1  }
0x45a: {  	v3 =	vadd.f32 v4, v3;
	v4 =	vmul.f32 v9, v8;
	_ =	sdelay $0x1  }
0x45b: {  	v3 =	vadd.f32 v4, v3;
	v1 =	vmul.f32 v1, v2;
	_ =	sdelay $0x1  }
.Ltmp26:
0x45c: {  	v1 =	vadd.f32 v1, v3;
	(pc) =	sbr.rel @p2 .LBB2_33-.Ltmp26, $4  }
0x45d: {  	_ = 	snop  }
0x45e: {  	s6 =	sadd.s32 $0x10, s6;
	[tilespmem:s2+$0x0] =	vst v1  }
0x45f: {  	s7 =	sadd.s32 $0x10, s7;
	v2 =	vld [tilespmem:s6+$0x0]  }
0x460: {  	s8 =	sadd.s32 $0xFFFFFFFF, s8;
	v1 =	vld [tilespmem:s7+$0x0]  }
.Ltmp27:
0x461: {  	_ = 	snop;
	(pc) =	sbr.rel .LBB2_34-.Ltmp27, $1  }
0x462: {  	_ =	sdelay $0x3  }
.LBB2_23:
.Ltmp28:
0x463: {  	(pc) =	sbr.rel .LBB2_27-.Ltmp28, $2  }
0x464: {  	_ =	sdelay $0x2  }
0x465: {  	s2 =	smov.u32 s1  }
.LBB2_25:
.Ltmp29:
0x466: {  	(pc) =	sbr.rel .LBB2_27-.Ltmp29, $2  }
0x467: {  	_ =	sdelay $0x2  }
0x468: {  	s2 =	smov.u32 s1  }
.LBB2_32:
.Ltmp30:
0x469: {  	(pc) =	sbr.rel .LBB2_34-.Ltmp30, $2  }
0x46a: {  	_ =	sdelay $0x2  }
0x46b: {  	s2 =	smov.u32 s1  }
.LBB2_37:
0x46c: {  	s6 =	simm.s32 $0x0  }
0x46d: {  	v1 =	vld [tilespmem:s6+$0x2380];
	_ =	sdelay $0x4  }
0x46e: {  	v5 =	vxor.u32 $0x80000000, v1  }
0x46f: {  	s1 =	simm.s32 $0x10;
	v1 =	vand.u32 $0x7FFFFFFF, v5  }
0x470: {  	v2 =	vld [tilespmem:s1+$0x2380];
	v1 =	vsub.f32 $0.0e+00, v1;
	_ =	sdelay $0x1  }
0x471: {  	v1 =	vmul.f32 $1.442695020e+00, v1;
	_ =	sdelay $0x1  }
0x472: {  	(erf) = vpow2.f32 v1  }
0x473: {  	v10 =	vxor.u32 $0x80000000, v2  }
0x474: {  	v1 =	vand.u32 $0x7FFFFFFF, v10  }
0x475: {  	v1 =	vsub.f32 $0.0e+00, v1;
	_ =	sdelay $0x1  }
0x476: {  	v1 =	vmul.f32 $1.442695020e+00, v1  }
0x477: {  	s28 =	simm.s32 $0x20  }
0x478: {  	v2 =	vld [tilespmem:s28+$0x2380];
	(erf) = vpow2.f32 v1;
	_ =	sdelay $0x1  }
0x479: {  	v1 =	vpop (erf)  }
0x47a: {  	v4 =	vadd.f32 $2.000000000e+00, v1  }
0x47b: {  	s29 =	simm.s32 $0x30  }
0x47c: {  	v6 =	vld [tilespmem:s29+$0x2380];
	v3 =	vxor.u32 $0x80000000, v2;
	(erf) = vrcp.f32 v4  }
0x47d: {  	v2 =	vand.u32 $0x7FFFFFFF, v3  }
0x47e: {  	v2 =	vsub.f32 $0.0e+00, v2;
	_ =	sdelay $0x1  }
0x47f: {  	v2 =	vmul.f32 $1.442695020e+00, v2;
	v4 =	vpop (erf)  }
0x480: {  	v7 =	vxor.u32 $0x80000000, v6;
	v6 =	vadd.f32 $2.000000000e+00, v4  }
0x481: {  	(erf) = vpow2.f32 v2;
	_ =	sdelay $0x1  }
0x482: {  	v2 =	vand.u32 $0x7FFFFFFF, v7  }
0x483: {  	s23 =	simm.s32 $0x40;
	v2 =	vsub.f32 $0.0e+00, v2;
	(erf) = vrcp.f32 v6;
	v6 =	vpop (erf)  }
0x484: {  	v8 =	vld [tilespmem:s23+$0x2380];
	v1 =	vmul.f32 v6, v1  }
0x485: {  	v2 =	vmul.f32 $1.442695020e+00, v2  }
0x486: {  	v6 =	vmul.f32 v1, v1  }
0x487: {  	(erf) = vpow2.f32 v2  }
0x488: {  	v12 =	vmul.f32 $1.111111120e-01, v6  }
0x489: {  	v2 =	vxor.u32 $0x80000000, v8;
	v9 =	vpop (erf)  }
0x48a: {  	v11 =	vand.u32 $0x7FFFFFFF, v2;
	v8 =	vadd.f32 $2.000000000e+00, v9  }
0x48b: {  	v11 =	vsub.f32 $0.0e+00, v11  }
0x48c: {  	s26 =	simm.s32 $0x50;
	(erf) = vrcp.f32 v8;
	v8 =	vadd.f32 $1.428571490e-01, v12;
	v12 =	vpop (erf)  }
0x48d: {  	v13 =	vld [tilespmem:s26+$0x2380];
	v11 =	vmul.f32 $1.442695020e+00, v11;
	v12 =	vmul.f32 v12, v4  }
0x48e: {  	v4 =	vmul.f32 v8, v6  }
0x48f: {  	(erf) = vpow2.f32 v11;
	v11 =	vmul.f32 v12, v12  }
0x490: {  	v18 =	vpop (erf);
	v4 =	vadd.f32 $2.000000030e-01, v4  }
0x491: {  	s2 =	simm.s32 $0x60;
	v8 =	vadd.f32 $2.000000000e+00, v18;
	v16 =	vmul.f32 $1.111111120e-01, v11  }
0x492: {  	v15 =	vld [tilespmem:s2+$0x2380];
	v17 =	vmul.f32 v4, v6;
	v4 =	vxor.u32 $0x80000000, v13  }
0x493: {  	(erf) = vrcp.f32 v8;
	v8 =	vand.u32 $0x7FFFFFFF, v4;
	v13 =	vadd.f32 $1.428571490e-01, v16  }
0x494: {  	v19 =	vadd.f32 $3.333333430e-01, v17;
	v8 =	vsub.f32 $0.0e+00, v8  }
0x495: {  	v17 =	vadd.f32 v12, v12;
	v12 =	vmul.f32 v13, v11  }
0x496: {  	v16 =	vpop (erf);
	v6 =	vmul.f32 v19, v6;
	v8 =	vmul.f32 $1.442695020e+00, v8  }
0x497: {  	v20 =	vadd.f32 v1, v1;
	v1 =	vxor.u32 $0x80000000, v15;
	v9 =	vmul.f32 v16, v9  }
0x498: {  	s22 =	simm.s32 $0x70;
	v12 =	vadd.f32 $2.000000030e-01, v12;
	v6 =	vadd.f32 $1.000000000e+00, v6;
	(erf) = vpow2.f32 v8;
	v19 =	vpop (erf)  }
0x499: {  	v21 =	vld [tilespmem:s22+$0x2380];
	v16 =	vmul.f32 v9, v9;
	v15 =	vadd.f32 v9, v9;
	v9 =	vadd.f32 $2.000000000e+00, v19  }
0x49a: {  	v5 =	vmin.f32 v5, $0.0e+00;
	v12 =	vmul.f32 v12, v11  }
0x49b: {  	v13 =	vand.u32 $0x7FFFFFFF, v1;
	v6 =	vmul.f32 v6, v20;
	v8 =	vmul.f32 $1.111111120e-01, v16  }
0x49c: {  	v23 =	vld [tilespmem:s6+$0x1600];
	v13 =	vsub.f32 $0.0e+00, v13;
	(erf) = vrcp.f32 v9;
	v12 =	vadd.f32 $3.333333430e-01, v12  }
0x49d: {  	v14 =	vimm.f32 $0.0e+00;
	v25 =	vsub.f32 v5, v6;
	v20 =	vadd.f32 $1.428571490e-01, v8;
	v9 =	vpop (erf)  }
0x49e: {  	v6 =	vmul.f32 $1.442695020e+00, v13;
	v8 =	vxor.u32 $0x80000000, v21;
	v24 =	vmul.f32 v9, v18  }
0x49f: {  	s7 =	simm.s32 $0x200;
	v5 =	vand.u32 $0x7FFFFFFF, v8;
	v9 =	vmul.f32 v12, v11;
	v26 =	vmul.f32 v20, v16  }
.LBB2_38:
0x4a0: {  	s6 =	sshra.s32 s7, $0x2;
	p1 =	sne.s32 s7, $0x2A40;
	s7 =	sadd.s32 $0x40, s7;
	(erf) = vpow2.f32 v6;
	v11 =	vmul.f32 v24, v24;
	v6 =	vadd.f32 v24, v24;
	v12 =	vmovc v8  }
0x4a1: {  	v20 =	vmul.f32 v25, v23;
	v8 =	vld [tilespmem:s6+$0x2380];
	v13 =	vpop (erf);
	v18 =	vadd.f32 $2.000000030e-01, v26;
	v9 =	vadd.f32 $1.000000000e+00, v9  }
0x4a2: {  	v24 =	vmin.f32 v10, $0.0e+00;
	v10 =	vmovc v3;
	v3 =	vmovc v7;
	v25 =	vadd.f32 $2.000000000e+00, v13;
	v22 =	vmul.f32 $1.111111120e-01, v11  }
.Ltmp31:
0x4a3: {  	v14 =	vadd.f32 v20, v14;
	v18 =	vmul.f32 v18, v16;
	v23 =	vld [tilespmem:s1+$0x1600];
	v9 =	vmul.f32 v9, v17;
	v17 =	vmovc v15;
	s1 =	smov.u32 s28;
	s28 =	smov.u32 s29;
	(pc) =	sbr.rel @p1 .LBB2_38-.Ltmp31, $4  }
0x4a4: {  	v5 =	vsub.f32 $0.0e+00, v5;
	v7 =	vmovc v2;
	v15 =	vmovc v6;
	s29 =	smov.u32 s23;
	s23 =	smov.u32 s26;
	s26 =	smov.u32 s2;
	(erf) = vrcp.f32 v25;
	v20 =	vadd.f32 $1.428571490e-01, v22  }
0x4a5: {  	v2 =	vmov v4;
	s2 =	smov.u32 s22;
	s22 =	smov.u32 s6;
	v21 =	vpop (erf);
	v18 =	vadd.f32 $3.333333430e-01, v18;
	v25 =	vsub.f32 v24, v9  }
0x4a6: {  	v4 =	vmovc v1;
	v6 =	vmul.f32 $1.442695020e+00, v5;
	v8 =	vxor.u32 $0x80000000, v8;
	v24 =	vmul.f32 v21, v19;
	v19 =	vmovc v13  }
0x4a7: {  	v1 =	vmovc v12;
	v26 =	vmul.f32 v20, v11;
	v5 =	vand.u32 $0x7FFFFFFF, v8;
	v9 =	vmul.f32 v18, v16;
	v16 =	vmovc v11  }
0x4a8: {  	_ = 	snop  }
0x4a9: {  	v5 =	vsub.f32 $0.0e+00, v5;
	v27 =	vpop (erf)  }
0x4aa: {  	v11 =	vadd.f32 $2.000000000e+00, v27  }
0x4ab: {  	(erf) = vpow2.f32 v6;
	v5 =	vmul.f32 $1.442695020e+00, v5  }
0x4ac: {  	(erf) = vrcp.f32 v11  }
0x4ad: {  	(erf) = vpow2.f32 v5;
	_ =	sdelay $0x2  }
0x4ae: {  	v13 =	vld [tilespmem:$0x2E80];
	_ =	sdelay $0x2  }
0x4af: {  	v28 =	vpop (erf)  }
0x4b0: {  	v29 =	vpop (erf)  }
0x4b1: {  	v48 =	vand.u32 $0x7FFFFFFF, v13;
	v30 =	vpop (erf)  }
0x4b2: {  	v5 =	vsub.f32 $0.0e+00, v48;
	v49 =	vadd.f32 $2.000000000e+00, v29;
	v31 =	vpop (erf)  }
0x4b3: {  	v50 =	vadd.f32 $2.000000000e+00, v31  }
0x4b4: {  	v5 =	vmul.f32 $1.442695020e+00, v5;
	(erf) = vrcp.f32 v49  }
0x4b5: {  	(erf) = vrcp.f32 v50  }
0x4b6: {  	(erf) = vpow2.f32 v5;
	_ =	sdelay $0x2  }
0x4b7: {  	v12 =	vld [tilespmem:$0x2E90];
	_ =	sdelay $0x3  }
0x4b8: {  	v32 =	vpop (erf)  }
0x4b9: {  	v51 =	vand.u32 $0x7FFFFFFF, v12;
	v33 =	vpop (erf)  }
0x4ba: {  	v5 =	vsub.f32 $0.0e+00, v51;
	v34 =	vpop (erf)  }
0x4bb: {  	v52 =	vadd.f32 $2.000000000e+00, v34  }
0x4bc: {  	v5 =	vmul.f32 $1.442695020e+00, v5  }
0x4bd: {  	(erf) = vrcp.f32 v52  }
0x4be: {  	(erf) = vpow2.f32 v5;
	_ =	sdelay $0x2  }
0x4bf: {  	v11 =	vld [tilespmem:$0x2EA0];
	_ =	sdelay $0x4  }
0x4c0: {  	v53 =	vand.u32 $0x7FFFFFFF, v11;
	v35 =	vpop (erf)  }
0x4c1: {  	v5 =	vsub.f32 $0.0e+00, v53;
	v20 =	vpop (erf)  }
0x4c2: {  	v54 =	vadd.f32 $2.000000000e+00, v20  }
0x4c3: {  	v5 =	vmul.f32 $1.442695020e+00, v5  }
0x4c4: {  	(erf) = vrcp.f32 v54  }
0x4c5: {  	(erf) = vpow2.f32 v5;
	_ =	sdelay $0x2  }
0x4c6: {  	v6 =	vld [tilespmem:$0x2EB0];
	_ =	sdelay $0x4  }
0x4c7: {  	v55 =	vand.u32 $0x7FFFFFFF, v6;
	v21 =	vpop (erf)  }
0x4c8: {  	v5 =	vsub.f32 $0.0e+00, v55;
	v22 =	vpop (erf)  }
0x4c9: {  	v18 =	vadd.f32 $2.000000000e+00, v22  }
0x4ca: {  	v5 =	vmul.f32 $1.442695020e+00, v5  }
0x4cb: {  	(erf) = vrcp.f32 v18  }
0x4cc: {  	(erf) = vpow2.f32 v5;
	_ =	sdelay $0x2  }
0x4cd: {  	v5 =	vld [tilespmem:$0x2EC0];
	_ =	sdelay $0x4  }
0x4ce: {  	v37 =	vand.u32 $0x7FFFFFFF, v5;
	v36 =	vpop (erf)  }
0x4cf: {  	v37 =	vsub.f32 $0.0e+00, v37;
	v18 =	vpop (erf)  }
0x4d0: {  	v38 =	vmul.f32 v24, v24;
	v39 =	vadd.f32 $2.000000000e+00, v18  }
0x4d1: {  	v37 =	vmul.f32 $1.442695020e+00, v37  }
0x4d2: {  	v40 =	vmul.f32 $1.111111120e-01, v38;
	(erf) = vrcp.f32 v39  }
0x4d3: {  	(erf) = vpow2.f32 v37  }
0x4d4: {  	v58 =	vadd.f32 $1.000000000e+00, v9;
	v56 =	vadd.f32 $1.428571490e-01, v40  }
0x4d5: {  	v26 =	vadd.f32 $2.000000030e-01, v26;
	v9 =	vld [tilespmem:$0x2ED0];
	v19 =	vmul.f32 v28, v19  }
0x4d6: {  	v17 =	vmul.f32 v58, v17;
	v57 =	vmul.f32 v56, v38  }
0x4d7: {  	v59 =	vld [tilespmem:s1+$0x1600];
	v10 =	vmin.f32 v10, $0.0e+00;
	v26 =	vmul.f32 v26, v16;
	v61 =	vmul.f32 v19, v19  }
0x4d8: {  	v10 =	vsub.f32 v10, v17;
	v37 =	vadd.f32 $2.000000030e-01, v57  }
0x4d9: {  	v60 =	vadd.f32 $3.333333430e-01, v26;
	v42 =	vmul.f32 $1.111111120e-01, v61  }
0x4da: {  	v23 =	vmul.f32 v25, v23;
	v44 =	vand.u32 $0x7FFFFFFF, v9;
	v37 =	vmul.f32 v37, v38  }
0x4db: {  	v62 =	vmul.f32 v60, v16;
	v25 =	vadd.f32 $1.428571490e-01, v42;
	v63 =	vmul.f32 v30, v27;
	v30 =	vpop (erf)  }
0x4dc: {  	v28 =	vmul.f32 v10, v59;
	v43 =	vadd.f32 $3.333333430e-01, v37;
	v37 =	vsub.f32 $0.0e+00, v44;
	v10 =	vpop (erf)  }
0x4dd: {  	v16 =	vadd.f32 $1.000000000e+00, v62;
	v25 =	vmul.f32 v25, v61;
	v46 =	vadd.f32 $2.000000000e+00, v10  }
0x4de: {  	v45 =	vmul.f32 v63, v63;
	v37 =	vmul.f32 $1.442695020e+00, v37  }
0x4df: {  	v3 =	vmin.f32 v3, $0.0e+00;
	v15 =	vmul.f32 v16, v15;
	(erf) = vrcp.f32 v46  }
0x4e0: {  	v50 =	vadd.f32 $2.000000030e-01, v25;
	v47 =	vmul.f32 $1.111111120e-01, v45;
	(erf) = vpow2.f32 v37  }
0x4e1: {  	v15 =	vsub.f32 v3, v15;
	v3 =	vld [tilespmem:$0x2EE0]  }
0x4e2: {  	v14 =	vadd.f32 v23, v14;
	v16 =	vmul.f32 v50, v61;
	v23 =	vadd.f32 $1.428571490e-01, v47  }
0x4e3: {  	v7 =	vmin.f32 v7, $0.0e+00;
	v2 =	vmin.f32 v2, $0.0e+00  }
0x4e4: {  	v4 =	vmin.f32 v4, $0.0e+00;
	v16 =	vadd.f32 $3.333333430e-01, v16;
	v23 =	vmul.f32 v23, v45  }
0x4e5: {  	v1 =	vmin.f32 v1, $0.0e+00;
	v8 =	vmin.f32 v8, $0.0e+00;
	v13 =	vmin.f32 v13, $0.0e+00  }
0x4e6: {  	v56 =	vand.u32 $0x7FFFFFFF, v3;
	v16 =	vmul.f32 v16, v61;
	v23 =	vadd.f32 $2.000000030e-01, v23  }
0x4e7: {  	v12 =	vmin.f32 v12, $0.0e+00;
	v14 =	vadd.f32 v28, v14;
	v28 =	vsub.f32 $0.0e+00, v56  }
0x4e8: {  	v19 =	vadd.f32 v19, v19;
	v16 =	vadd.f32 $1.000000000e+00, v16;
	v23 =	vmul.f32 v23, v45;
	v26 =	vpop (erf)  }
0x4e9: {  	v48 =	vadd.f32 v24, v24;
	v49 =	vld [tilespmem:s28+$0x1600];
	v28 =	vmul.f32 $1.442695020e+00, v28;
	v57 =	vmul.f32 v33, v31;
	v31 =	vpop (erf)  }
0x4ea: {  	v16 =	vmul.f32 v16, v19;
	v23 =	vadd.f32 $3.333333430e-01, v23;
	v58 =	vadd.f32 $2.000000000e+00, v31  }
0x4eb: {  	v6 =	vmin.f32 v6, $0.0e+00;
	v61 =	vld [tilespmem:s23+$0x1600];
	v52 =	vmul.f32 v32, v29;
	v27 =	vmul.f32 v43, v38  }
0x4ec: {  	v17 =	vadd.f32 v63, v63;
	v23 =	vmul.f32 v23, v45;
	(erf) = vrcp.f32 v58  }
0x4ed: {  	v54 =	vmul.f32 v52, v52;
	v51 =	vadd.f32 $1.000000000e+00, v27;
	(erf) = vpow2.f32 v28  }
0x4ee: {  	v15 =	vmul.f32 v15, v49;
	v16 =	vsub.f32 v2, v16;
	v2 =	vld [tilespmem:$0x2EF0];
	v23 =	vadd.f32 $1.000000000e+00, v23  }
0x4ef: {  	v11 =	vmin.f32 v11, $0.0e+00;
	v63 =	vld [tilespmem:s26+$0x1600];
	v55 =	vmul.f32 $1.111111120e-01, v54;
	v24 =	vmul.f32 v51, v48  }
0x4f0: {  	v14 =	vadd.f32 v15, v14;
	v16 =	vmul.f32 v16, v61;
	v17 =	vmul.f32 v23, v17  }
0x4f1: {  	v53 =	vld [tilespmem:s29+$0x1600];
	v7 =	vsub.f32 v7, v24;
	v24 =	vadd.f32 $1.428571490e-01, v55;
	v37 =	vmul.f32 v35, v34  }
0x4f2: {  	v4 =	vsub.f32 v4, v17;
	v20 =	vmul.f32 v21, v20;
	v59 =	vmul.f32 v57, v57  }
0x4f3: {  	v44 =	vand.u32 $0x7FFFFFFF, v2;
	v24 =	vmul.f32 v24, v54;
	v40 =	vmul.f32 v37, v37  }
0x4f4: {  	v4 =	vmul.f32 v4, v63;
	v33 =	vadd.f32 v20, v20;
	v27 =	vsub.f32 $0.0e+00, v44  }
0x4f5: {  	v60 =	vmul.f32 $1.111111120e-01, v59;
	v24 =	vadd.f32 $2.000000030e-01, v24;
	v42 =	vmul.f32 $1.111111120e-01, v40;
	v43 =	vpop (erf)  }
0x4f6: {  	v38 =	vadd.f32 v52, v52;
	v27 =	vmul.f32 $1.442695020e+00, v27;
	v7 =	vmul.f32 v7, v53;
	v45 =	vpop (erf)  }
0x4f7: {  	v62 =	vmul.f32 v24, v54;
	v19 =	vadd.f32 $1.428571490e-01, v42;
	v47 =	vadd.f32 $2.000000000e+00, v45  }
0x4f8: {  	v48 =	vmul.f32 v20, v20;
	v7 =	vadd.f32 v7, v14;
	v28 =	vadd.f32 $1.428571490e-01, v60  }
0x4f9: {  	v14 =	vadd.f32 $3.333333430e-01, v62;
	v19 =	vmul.f32 v19, v40;
	(erf) = vrcp.f32 v47  }
0x4fa: {  	v52 =	vadd.f32 v57, v57;
	v39 =	vmul.f32 v28, v59;
	(erf) = vpow2.f32 v27  }
0x4fb: {  	v46 =	vmul.f32 v36, v22;
	v7 =	vadd.f32 v16, v7;
	v14 =	vmul.f32 v14, v54  }
0x4fc: {  	v5 =	vmin.f32 v5, $0.0e+00;
	v19 =	vadd.f32 $2.000000030e-01, v19;
	v41 =	vadd.f32 $2.000000030e-01, v39  }
0x4fd: {  	v50 =	vmul.f32 $1.111111120e-01, v48;
	v51 =	vmul.f32 v46, v46;
	v14 =	vadd.f32 $1.000000000e+00, v14  }
0x4fe: {  	v4 =	vadd.f32 v4, v7;
	v19 =	vmul.f32 v19, v40;
	v17 =	vmul.f32 v41, v59  }
0x4ff: {  	v7 =	vadd.f32 $1.428571490e-01, v50;
	v58 =	vmul.f32 v30, v18;
	v14 =	vmul.f32 v14, v38  }
0x500: {  	v49 =	vld [tilespmem:s2+$0x1600];
	v53 =	vmul.f32 $1.111111120e-01, v51;
	v19 =	vadd.f32 $3.333333430e-01, v19;
	v17 =	vadd.f32 $3.333333430e-01, v17  }
0x501: {  	v7 =	vmul.f32 v7, v48;
	v62 =	vmul.f32 v58, v58;
	v1 =	vsub.f32 v1, v14  }
0x502: {  	v14 =	vadd.f32 $1.428571490e-01, v53;
	v19 =	vmul.f32 v19, v40;
	v15 =	vmul.f32 v17, v59;
	v59 =	vpop (erf)  }
0x503: {  	v32 =	vmul.f32 v26, v10;
	v60 =	vadd.f32 v37, v37;
	v28 =	vmul.f32 $1.111111120e-01, v62;
	v61 =	vpop (erf)  }
0x504: {  	v56 =	vmul.f32 v14, v51;
	v57 =	vadd.f32 $1.000000000e+00, v19;
	v63 =	vadd.f32 $2.000000000e+00, v61  }
0x505: {  	v55 =	vadd.f32 $2.000000030e-01, v7;
	v1 =	vmul.f32 v1, v49;
	v30 =	vadd.f32 $1.428571490e-01, v28  }
0x506: {  	v7 =	vadd.f32 $2.000000030e-01, v56;
	v14 =	vmul.f32 v57, v60;
	(erf) = vrcp.f32 v63  }
0x507: {  	v34 =	vmul.f32 v32, v32;
	v1 =	vadd.f32 v1, v4;
	v4 =	vmul.f32 v55, v48  }
0x508: {  	v7 =	vmul.f32 v7, v51;
	v29 =	vsub.f32 v13, v14;
	v13 =	vmul.f32 v30, v62  }
0x509: {  	v36 =	vadd.f32 v46, v46;
	v4 =	vadd.f32 $3.333333430e-01, v4;
	v35 =	vmul.f32 v43, v31  }
0x50a: {  	v37 =	vmul.f32 $1.111111120e-01, v34;
	v7 =	vadd.f32 $3.333333430e-01, v7;
	v13 =	vadd.f32 $2.000000030e-01, v13  }
0x50b: {  	v4 =	vmul.f32 v4, v48;
	v38 =	vmul.f32 v35, v35;
	v15 =	vadd.f32 $1.000000000e+00, v15  }
0x50c: {  	v54 =	vld [tilespmem:s22+$0x1600];
	v41 =	vadd.f32 $1.428571490e-01, v37;
	v7 =	vmul.f32 v7, v51;
	v40 =	vmul.f32 v13, v62  }
0x50d: {  	v4 =	vadd.f32 $1.000000000e+00, v4;
	v42 =	vmul.f32 $1.111111120e-01, v38;
	v15 =	vmul.f32 v15, v52  }
0x50e: {  	v13 =	vmul.f32 v41, v34;
	v7 =	vadd.f32 $1.000000000e+00, v7;
	v39 =	vmul.f32 v59, v45  }
0x50f: {  	v4 =	vmul.f32 v4, v33;
	v18 =	vadd.f32 $1.428571490e-01, v42;
	v8 =	vsub.f32 v8, v15;
	v43 =	vpop (erf)  }
0x510: {  	v13 =	vadd.f32 $2.000000030e-01, v13;
	v44 =	vmul.f32 v39, v39;
	v19 =	vmul.f32 v43, v61  }
0x511: {  	v4 =	vsub.f32 v12, v4;
	v7 =	vmul.f32 v7, v36;
	v8 =	vmul.f32 v8, v54  }
0x512: {  	v12 =	vadd.f32 $3.333333430e-01, v40;
	v45 =	vmul.f32 $1.111111120e-01, v44;
	v46 =	vmul.f32 v19, v19  }
0x513: {  	v15 =	vadd.f32 v58, v58;
	v47 =	vmul.f32 v18, v38;
	v1 =	vadd.f32 v8, v1  }
0x514: {  	v13 =	vmul.f32 v13, v34;
	v48 =	vadd.f32 $1.428571490e-01, v45;
	v49 =	vmul.f32 $1.111111120e-01, v46  }
0x515: {  	v12 =	vmul.f32 v12, v62;
	v17 =	vadd.f32 $2.000000030e-01, v47;
	v1 =	vadd.f32 v29, v1  }
0x516: {  	v7 =	vsub.f32 v11, v7;
	v11 =	vmul.f32 v48, v44;
	v18 =	vadd.f32 $1.428571490e-01, v49  }
0x517: {  	v50 =	vadd.f32 $3.333333430e-01, v13;
	v51 =	vmul.f32 v17, v38;
	v1 =	vadd.f32 v4, v1  }
0x518: {  	v12 =	vadd.f32 $1.000000000e+00, v12;
	v11 =	vadd.f32 $2.000000030e-01, v11;
	v52 =	vmul.f32 v18, v46  }
0x519: {  	v13 =	vadd.f32 $3.333333430e-01, v51;
	v1 =	vadd.f32 v7, v1;
	v7 =	vmul.f32 v50, v34  }
0x51a: {  	v8 =	vadd.f32 v32, v32;
	v11 =	vmul.f32 v11, v44;
	v53 =	vadd.f32 $2.000000030e-01, v52  }
0x51b: {  	v12 =	vmul.f32 v12, v15;
	v13 =	vmul.f32 v13, v38;
	v7 =	vadd.f32 $1.000000000e+00, v7  }
0x51c: {  	v57 =	vadd.f32 v35, v35;
	v54 =	vadd.f32 $3.333333430e-01, v11;
	v55 =	vmul.f32 v53, v46  }
0x51d: {  	v6 =	vsub.f32 v6, v12;
	v56 =	vadd.f32 $1.000000000e+00, v13;
	v7 =	vmul.f32 v7, v8  }
0x51e: {  	v59 =	vmin.f32 v9, $0.0e+00;
	v4 =	vmul.f32 v54, v44;
	v58 =	vadd.f32 $3.333333430e-01, v55  }
0x51f: {  	v1 =	vadd.f32 v6, v1;
	v8 =	vmul.f32 v56, v57;
	v5 =	vsub.f32 v5, v7  }
0x520: {  	v60 =	vadd.f32 v39, v39;
	v4 =	vadd.f32 $1.000000000e+00, v4;
	v6 =	vmul.f32 v58, v46  }
0x521: {  	v1 =	vadd.f32 v5, v1;
	v61 =	vsub.f32 v59, v8  }
0x522: {  	v62 =	vadd.f32 v19, v19;
	v4 =	vmul.f32 v4, v60;
	v6 =	vadd.f32 $1.000000000e+00, v6  }
0x523: {  	v3 =	vmin.f32 v3, $0.0e+00  }
0x524: {  	v1 =	vadd.f32 v61, v1;
	v3 =	vsub.f32 v3, v4;
	v63 =	vmul.f32 v6, v62  }
0x525: {  	v2 =	vmin.f32 v2, $0.0e+00  }
0x526: {  	v1 =	vadd.f32 v3, v1;
	v2 =	vsub.f32 v2, v63;
	_ =	sdelay $0x1  }
0x527: {  	v1 =	vadd.f32 v2, v1;
	_ =	sdelay $0x1  }
0x528: {  	s9 =	simm.s32 $0x0;
	s28 =	rddreg [dreg:$0x17];
	s29 =	simm.s32 $0x1F300;
	[tilespmem:$0x1F300] =	vst v1  }
0x529: {  	[hbm4b:s28+s9] =	stream.linear.scatter [tilespmem:s29], [sflag:$0x5], $0x10, $0x38;
	[tilespmem:$0x1F380] =	vst v63  }
0x52a: {  	_ =	swait.ge [sflag:s17], $0x10  }
0x52b: {  	s30 =	sld [smem:$0x7DC];
	_ =	sdelay $0x2  }
0x52c: {  	s31 =	rddreg [dreg:$0x18];
	s2 =	sadd.s32 $0x1, s30  }
0x52d: {  	p1 =	sne.s32 s2, s31  }
.Ltmp32:
0x52e: {  	_ = 	snop;
	(pc) =	sbr.rel @p1 .LBB2_1-.Ltmp32, $3  }
0x52f: {  	_ =	sdelay $0x1  }
0x530: {  	[sflag:s17] =	ssyncset.done $0x0  }
0x531: {  	[sflag:s17] =	ssyncadd.s32 $0xFFFFFFF0  }
0x532: {  	_ =	sfence.sel $0x180000  }
0x533: {  	[bflag:$0x0] =	sbarrier.arrive $0xFFFF  }
0x534: {  	_ =	strace $0x90000047  }
0x535: {  	[bflag:$0x2] =	sbarrier.arrive $0xFFFF  }
0x536: {  	s0 =	rddreg [dreg:$0x5]  }
0x537: {  	s0 =	sadd.s32 @!p0 $0x100000, s0  }
0x538: {  	[sflag:s0] =	ssyncadd.tile.s32 @!p0 $0x1;
	_ =	shalt  }
.Lfunc_end2:
_tile_overlayer_lowered:
.L_overlay_start_2:
0x539: {  	(tag) =	ssettag $0x2  }
0x53a: {  	s0 =	rddreg [dreg:$0x0];
	s2 =	stileid.u32  }
0x53b: {  	s1 =	rddreg [dreg:$0x1];
	p0 =	sne.s32 s2, $0x0  }
0x53c: {  	s3 =	rddreg [dreg:$0x2];
	[bflag:$0x3] =	sbarrier.arrive $0xFFFF;
	s2 =	simm.s32 @!p0 $0x1C05  }
0x53d: {  	[timem:s3], [sflag:s2] =	dma.local @!p0 [hbm:s0], s1  }
0x53e: {  	s0 =	simm.s32 @!p0 $0x5  }
0x53f: {  	_ =	swait.ge @!p0 [sflag:s0], s1  }
0x540: {  	s1 =	ssub.s32 @!p0 $0x0, s1;
	[sflag:s0] =	ssyncset.done @!p0 $0x0  }
0x541: {  	[sflag:s0] =	ssyncadd.s32 @!p0 s1  }
0x542: {  	[bflag:$0x3] =	sbarrier.arrive $0xFFFF  }
0x543: {  	_ =	shalt  }

</sc_bundles>
